<compile_context>
chip_gen: v7x
topology: tpu7x:2x2x1
jax: 0.10.2.dev20260603
libtpu: 0.0.44.dev20260713+nightly
codegen_flags: <defaults>
</compile_context>

<pallas_src>
import jax
import jax.numpy as jnp
from jax import lax
from jax.experimental import pallas as pl
from jax.experimental.pallas import tpu as pltpu
from jax.experimental.pallas import tpu_sc as plsc

ALPHA = 0.1
K = 5
N = 10000
NPAD = 10240
E = 320000
D = 128
DH = 64
NS = 16
LANES = 16
EROW = 128
NEROWS = E // EROW
ROWS_PER_TILE = NEROWS // NS
NODE_ROWS = NPAD // NS
RB = 128
NRB = NODE_ROWS // RB


_GATHER_DNUMS = lax.GatherDimensionNumbers(
    offset_dims=(), collapsed_slice_dims=(0,), start_index_map=(0,))


def _lane_broadcast(vec, e):
  idx = jnp.full((LANES, 1), e, jnp.int32)
  return lax.gather(vec, idx, _GATHER_DNUMS, (1,),
                    mode=lax.GatherScatterMode.PROMISE_IN_BOUNDS)


def _scale_group(msg, wrow, g):
  wv = wrow[pl.ds(g * LANES, LANES)]
  for e in range(16):
    lin = g * 16 + e
    wb = _lane_broadcast(wv, e)
    for q in range(DH // LANES):
      sl = pl.ds(q * LANES, LANES)
      msg[lin, sl] = msg[lin, sl] * wb


def _body(h0f, srcc, dstc, wc, svec, out, hwork, idx_s, idx_d, wrow, msg,
          rbuf_a, rbuf_h, zbuf, svec_v, acc_sh, sem):
  c = lax.axis_index("c")
  s = lax.axis_index("s")
  node0 = pl.multiple_of(s * NODE_ROWS, RB)
  cbase = pl.multiple_of(c * NPAD, RB)
  ebase = pl.multiple_of(c * E, EROW)

  def zinit(r, _):
    for q in range(DH // LANES):
      zbuf[r, pl.ds(q * LANES, LANES)] = jnp.zeros((LANES,), jnp.float32)
    return 0
  lax.fori_loop(0, RB, zinit, 0)

  for b in range(NRB):
    r0 = node0 + b * RB
    pltpu.sync_copy(zbuf, acc_sh.at[pl.ds(r0, RB)])
    pltpu.sync_copy(h0f.at[pl.ds(cbase + r0, RB)], rbuf_h)
    pltpu.sync_copy(rbuf_h, hwork.at[pl.ds(cbase + r0, RB)])

  pltpu.sync_copy(svec, svec_v)
  sv = svec_v[...]
  tv = 1.0 - 2.0 / (jnp.exp(2.0 * sv) + 1.0)

  plsc.subcore_barrier()

  def do_edge_row(r):
    e0 = pl.multiple_of(r * EROW, EROW)
    pltpu.sync_copy(srcc.at[pl.ds(ebase + e0, EROW)], idx_s)
    pltpu.sync_copy(dstc.at[pl.ds(e0, EROW)], idx_d)
    pltpu.sync_copy(wc.at[pl.ds(e0, EROW)], wrow)
    pltpu.async_copy(hwork.at[idx_s], msg, sem).wait()
    def grp(g, _):
      _scale_group(msg, wrow, g)
      return 0
    lax.fori_loop(0, EROW // 16, grp, 0)
    pltpu.sync_copy(msg, acc_sh.at[idx_d], add=True)

  def step(k, _):
    def edge_iter(i, _):
      do_edge_row(s * ROWS_PER_TILE + i)
      return 0
    lax.fori_loop(0, ROWS_PER_TILE, edge_iter, 0)

    @pl.when(s < NEROWS - NS * ROWS_PER_TILE)
    def _extra():
      do_edge_row(NS * ROWS_PER_TILE + s)

    plsc.subcore_barrier()

    for b in range(NRB):
      r0 = node0 + b * RB
      pltpu.sync_copy(acc_sh.at[pl.ds(r0, RB)], rbuf_a)
      pltpu.sync_copy(h0f.at[pl.ds(cbase + r0, RB)], rbuf_h)
      pltpu.sync_copy(zbuf, acc_sh.at[pl.ds(r0, RB)])
      def blend(r, _):
        for q in range(DH // LANES):
          sl = pl.ds(q * LANES, LANES)
          rbuf_a[r, sl] = (1.0 - ALPHA) * rbuf_a[r, sl] + ALPHA * rbuf_h[r, sl]
        return 0
      lax.fori_loop(0, RB, blend, 0)
      pltpu.sync_copy(rbuf_a, hwork.at[pl.ds(cbase + r0, RB)])

    plsc.subcore_barrier()
    return 0

  lax.fori_loop(0, K, step, 0)

  for b in range(NRB):
    r0 = node0 + b * RB
    pltpu.sync_copy(hwork.at[pl.ds(cbase + r0, RB)], rbuf_a)
    pltpu.sync_copy(h0f.at[pl.ds(cbase + r0, RB)], rbuf_h)
    def final(r, _):
      for q in range(DH // LANES):
        sl = pl.ds(q * LANES, LANES)
        rbuf_a[r, sl] = rbuf_h[r, sl] + tv * rbuf_a[r, sl]
      return 0
    lax.fori_loop(0, RB, final, 0)
    pltpu.sync_copy(rbuf_a, out.at[pl.ds(cbase + r0, RB)])


@jax.jit
def _run(h0f, srcc, dstc, wc, svec):
  mesh = plsc.VectorSubcoreMesh(core_axis_name="c", subcore_axis_name="s")
  f = pl.kernel(
      _body,
      out_type=(
          jax.ShapeDtypeStruct((2 * NPAD, DH), jnp.float32),
          jax.ShapeDtypeStruct((2 * NPAD, DH), jnp.float32),
      ),
      mesh=mesh,
      compiler_params=pltpu.CompilerParams(use_tc_tiling_on_sc=False),
      scratch_types=[
          pltpu.VMEM((EROW,), jnp.int32),
          pltpu.VMEM((EROW,), jnp.int32),
          pltpu.VMEM((EROW,), jnp.float32),
          pltpu.VMEM((EROW, DH), jnp.float32),
          pltpu.VMEM((RB, DH), jnp.float32),
          pltpu.VMEM((RB, DH), jnp.float32),
          pltpu.VMEM((RB, DH), jnp.float32),
          pltpu.VMEM((LANES,), jnp.float32),
          pltpu.VMEM_SHARED((NPAD, DH), jnp.float32),
          pltpu.SemaphoreType.DMA,
      ],
  )
  return f(h0f, srcc, dstc, wc, svec)


def kernel(h0, edge_index, edge_weight_norm, scale):
  src = edge_index[0].astype(jnp.int32)
  dst = edge_index[1].astype(jnp.int32)
  srcc = jnp.concatenate([src, src + NPAD])
  wc = edge_weight_norm.astype(jnp.float32)
  h0r = jnp.transpose(h0.reshape(N, 2, DH), (1, 0, 2))
  h0f = jnp.pad(h0r, ((0, 0), (0, NPAD - N), (0, 0))).reshape(2 * NPAD, DH)
  svec = jnp.full((LANES,), scale, jnp.float32)
  outf, _ = _run(h0f, srcc, dst, wc, svec)
  outr = outf.reshape(2, NPAD, DH)[:, :N]
  return jnp.transpose(outr, (1, 0, 2)).reshape(N, D)

# --- scband reference (transcript-rebuilt; emitter-appended) ---
"""Pipeline reference for scband-pprdiffuse-38371237822904 (READ-ONLY COPY).

The authoritative reference and input builder live on the scoring server;
editing this copy changes nothing except your own understanding.
"""

import jax, jax.numpy as jnp
import numpy as np

ALPHA = 0.1
K = 5
N_NODES = 10000
N_EDGES = 320000
D_FEAT = 128

def setup_inputs(seed: int = 0) -> dict:
    key = jax.random.key(seed)
    k1, k2, k3 = jax.random.split(key, 3)
    h0 = jax.random.normal(k1, (N_NODES, D_FEAT), dtype=jnp.float32)
    edge_index = jax.random.randint(k2, (2, N_EDGES), 0, N_NODES, dtype=jnp.int64)
    edge_weight_norm = jax.random.uniform(k3, (N_EDGES,), dtype=jnp.float32)
    scale = jnp.asarray(0.5, dtype=jnp.float32)
    return {"h0": h0, "edge_index": edge_index, "edge_weight_norm": edge_weight_norm, "scale": scale}

def reference(h0, edge_index, edge_weight_norm, scale):
    src = edge_index[0]
    dst = edge_index[1]
    h = h0
    for _ in range(K):
        msg = jnp.take(h, src, axis=0) * edge_weight_norm[:, None]
        h = jnp.zeros((h0.shape[0], h0.shape[1]), dtype=h0.dtype).at[dst].add(msg)
        h = (1.0 - ALPHA) * h + ALPHA * h0
    return h0 + jnp.tanh(scale) * h

if __name__ == "__main__":
    import jax
    _d = setup_inputs()
    print(jax.jit(kernel)(*tuple(_d.values())))

</pallas_src>

<mosaic_0001>
#map = affine_map<(d0, d1) -> (0, 0)>
#map1 = affine_map<(d0, d1) -> (0)>
module attributes {stable_mosaic.version = 14 : i64} {
  func.func @_body(%arg0: i32, %arg1: i32, %arg2: memref<20480x64xf32, #tpu.memory_space<hbm>>, %arg3: memref<640000xi32, #tpu.memory_space<hbm>>, %arg4: memref<320000xi32, #tpu.memory_space<hbm>>, %arg5: memref<320000xf32, #tpu.memory_space<hbm>>, %arg6: memref<16xf32, #tpu.memory_space<hbm>>, %arg7: memref<20480x64xf32, #tpu.memory_space<hbm>>, %arg8: memref<20480x64xf32, #tpu.memory_space<hbm>>, %arg9: memref<128xi32, #tpu.memory_space<vmem>>, %arg10: memref<128xi32, #tpu.memory_space<vmem>>, %arg11: memref<128xf32, #tpu.memory_space<vmem>>, %arg12: memref<128x64xf32, #tpu.memory_space<vmem>>, %arg13: memref<128x64xf32, #tpu.memory_space<vmem>>, %arg14: memref<128x64xf32, #tpu.memory_space<vmem>>, %arg15: memref<128x64xf32, #tpu.memory_space<vmem>>, %arg16: memref<16xf32, #tpu.memory_space<vmem>>, %arg17: memref<10240x64xf32, #tpu.memory_space<vmem_shared>>, %arg18: memref<!tpu.dma_semaphore, #tpu.memory_space<semaphore_mem>>) attributes {dimension_semantics = [#tpu.dimension_semantics<core_parallel>, #tpu.dimension_semantics<subcore_parallel>], iteration_bounds = array<i64: 2, 16>, scalar_prefetch = 0 : i64, scratch_operands = 10 : i64, tpu.core_type = #tpu.core_type<sc_vector_subcore>, window_params = [{transform_indices = #map}, {transform_indices = #map1}, {transform_indices = #map1}, {transform_indices = #map1}, {transform_indices = #map1}, {transform_indices = #map}, {transform_indices = #map}]} {
    %mul3A = arith.constant 640 : i32
    %mul3A_0 = arith.muli %arg1, %mul3A : i32
    %multiple_of3A = tpu.assume_multiple %mul3A_0, 128 : i32
    %mul3A_1 = arith.constant 10240 : i32
    %mul3A_2 = arith.muli %arg0, %mul3A_1 : i32
    %multiple_of3A_3 = tpu.assume_multiple %mul3A_2, 128 : i32
    %mul3A_4 = arith.constant 320000 : i32
    %mul3A_5 = arith.muli %arg0, %mul3A_4 : i32
    %multiple_of3A_6 = tpu.assume_multiple %mul3A_5, 128 : i32
    %scan3A = arith.constant 0 : i32
    %scan3A_7 = arith.constant 0 : i32
    %scan3A_8 = arith.constant 128 : i32
    %scan3A_9 = arith.addi %scan3A_7, %scan3A_8 : i32
    %scan3A_10 = arith.constant 1 : i32
    %scan3A_11 = scf.for %scan3A_111 = %scan3A_7 to %scan3A_9 step %scan3A_10 iter_args(%scan3A_112 = %scan3A) -> (i32)  : i32 {
      %broadcast_in_dim3A = arith.constant 0.000000e+00 : f32
      %broadcast_in_dim3A_113 = vector.broadcast %broadcast_in_dim3A : f32 to vector<16xf32>
      %swap3A = arith.index_cast %scan3A_111 : i32 to index
      %swap3A_114 = arith.constant 0 : index
      %swap3A_115 = tpu.vector_load %arg15[%swap3A, %swap3A_114] {strides = array<i32>} : memref<128x64xf32, #tpu.memory_space<vmem>>, vector<1x16xf32>,
      %swap3A_116 = vector.shape_cast %swap3A_115 : vector<1x16xf32> to vector<16xf32>
      %swap3A_117 = vector.shape_cast %broadcast_in_dim3A_113 : vector<16xf32> to vector<1x16xf32>
      tpu.vector_store %arg15[%swap3A, %swap3A_114], %swap3A_117 {strides = array<i32>} : memref<128x64xf32, #tpu.memory_space<vmem>>, vector<1x16xf32>,
      %broadcast_in_dim3A_118 = arith.constant 0.000000e+00 : f32
      %broadcast_in_dim3A_119 = vector.broadcast %broadcast_in_dim3A_118 : f32 to vector<16xf32>
      %swap3A_120 = arith.index_cast %scan3A_111 : i32 to index
      %swap3A_121 = arith.constant 16 : index
      %swap3A_122 = tpu.vector_load %arg15[%swap3A_120, %swap3A_121] {strides = array<i32>} : memref<128x64xf32, #tpu.memory_space<vmem>>, vector<1x16xf32>,
      %swap3A_123 = vector.shape_cast %swap3A_122 : vector<1x16xf32> to vector<16xf32>
      %swap3A_124 = vector.shape_cast %broadcast_in_dim3A_119 : vector<16xf32> to vector<1x16xf32>
      tpu.vector_store %arg15[%swap3A_120, %swap3A_121], %swap3A_124 {strides = array<i32>} : memref<128x64xf32, #tpu.memory_space<vmem>>, vector<1x16xf32>,
      %broadcast_in_dim3A_125 = arith.constant 0.000000e+00 : f32
      %broadcast_in_dim3A_126 = vector.broadcast %broadcast_in_dim3A_125 : f32 to vector<16xf32>
      %swap3A_127 = arith.index_cast %scan3A_111 : i32 to index
      %swap3A_128 = arith.constant 32 : index
      %swap3A_129 = tpu.vector_load %arg15[%swap3A_127, %swap3A_128] {strides = array<i32>} : memref<128x64xf32, #tpu.memory_space<vmem>>, vector<1x16xf32>,
      %swap3A_130 = vector.shape_cast %swap3A_129 : vector<1x16xf32> to vector<16xf32>
      %swap3A_131 = vector.shape_cast %broadcast_in_dim3A_126 : vector<16xf32> to vector<1x16xf32>
      tpu.vector_store %arg15[%swap3A_127, %swap3A_128], %swap3A_131 {strides = array<i32>} : memref<128x64xf32, #tpu.memory_space<vmem>>, vector<1x16xf32>,
      %broadcast_in_dim3A_132 = arith.constant 0.000000e+00 : f32
      %broadcast_in_dim3A_133 = vector.broadcast %broadcast_in_dim3A_132 : f32 to vector<16xf32>
      %swap3A_134 = arith.index_cast %scan3A_111 : i32 to index
      %swap3A_135 = arith.constant 48 : index
      %swap3A_136 = tpu.vector_load %arg15[%swap3A_134, %swap3A_135] {strides = array<i32>} : memref<128x64xf32, #tpu.memory_space<vmem>>, vector<1x16xf32>,
      %swap3A_137 = vector.shape_cast %swap3A_136 : vector<1x16xf32> to vector<16xf32>
      %swap3A_138 = vector.shape_cast %broadcast_in_dim3A_133 : vector<16xf32> to vector<1x16xf32>
      tpu.vector_store %arg15[%swap3A_134, %swap3A_135], %swap3A_138 {strides = array<i32>} : memref<128x64xf32, #tpu.memory_space<vmem>>, vector<1x16xf32>,
      %scan3A_139 = arith.constant 0 : i32
      scf.yield %scan3A_139 : i32
    }
    %scan3A_12 = arith.constant 128 : i32
    %add3A = arith.constant 0 : i32
    %add3A_13 = arith.addi %multiple_of3A, %add3A : i32
    "tpu.region"() ({
      %run_scoped3A = tpu.sem_alloc : memref<!tpu.dma_semaphore, #tpu.memory_space<semaphore_mem>>
      %dma_start3A = arith.constant 0 : i32
      %dma_start3A_111 = tpu.memref_slice %arg17[%add3A_13, %dma_start3A] : memref<10240x64xf32, #tpu.memory_space<vmem_shared>> -> memref<128x64xf32, #tpu.memory_space<vmem_shared>>
      %dma_start3A_112 = arith.constant 0 : i32
      %dma_start3A_113 = tpu.memref_slice %arg17[%add3A_13, %dma_start3A_112] : memref<10240x64xf32, #tpu.memory_space<vmem_shared>> -> memref<128x64xf32, #tpu.memory_space<vmem_shared>>
      tpu.enqueue_dma source(%arg15 : memref<128x64xf32, #tpu.memory_space<vmem>>) target(%dma_start3A_113 : memref<128x64xf32, #tpu.memory_space<vmem_shared>>) target_semaphore(%run_scoped3A : memref<!tpu.dma_semaphore, #tpu.memory_space<semaphore_mem>>)
      %dma_wait3A = arith.constant 0 : i32
      %dma_wait3A_114 = tpu.memref_slice %arg17[%add3A_13, %dma_wait3A] : memref<10240x64xf32, #tpu.memory_space<vmem_shared>> -> memref<128x64xf32, #tpu.memory_space<vmem_shared>>
      %dma_wait3A_115 = arith.constant 0 : i32
      %dma_wait3A_116 = tpu.memref_slice %arg17[%add3A_13, %dma_wait3A_115] : memref<10240x64xf32, #tpu.memory_space<vmem_shared>> -> memref<128x64xf32, #tpu.memory_space<vmem_shared>>
      tpu.wait_dma2 semaphore(%run_scoped3A : memref<!tpu.dma_semaphore, #tpu.memory_space<semaphore_mem>>) src(%arg15 : memref<128x64xf32, #tpu.memory_space<vmem>>) dst(%dma_wait3A_116 : memref<128x64xf32, #tpu.memory_space<vmem_shared>>)
      tpu.yield
    }) : () -> ()
    %add3A_14 = arith.addi %multiple_of3A_3, %add3A_13 : i32
    "tpu.region"() ({
      %run_scoped3A = tpu.sem_alloc : memref<!tpu.dma_semaphore, #tpu.memory_space<semaphore_mem>>
      %dma_start3A = arith.constant 0 : i32
      %dma_start3A_111 = tpu.memref_slice %arg2[%add3A_14, %dma_start3A] : memref<20480x64xf32, #tpu.memory_space<hbm>> -> memref<128x64xf32, #tpu.memory_space<hbm>>
      %dma_start3A_112 = arith.constant 0 : i32
      %dma_start3A_113 = tpu.memref_slice %arg2[%add3A_14, %dma_start3A_112] : memref<20480x64xf32, #tpu.memory_space<hbm>> -> memref<128x64xf32, #tpu.memory_space<hbm>>
      tpu.enqueue_dma source(%dma_start3A_113 : memref<128x64xf32, #tpu.memory_space<hbm>>) target(%arg14 : memref<128x64xf32, #tpu.memory_space<vmem>>) target_semaphore(%run_scoped3A : memref<!tpu.dma_semaphore, #tpu.memory_space<semaphore_mem>>)
      %dma_wait3A = arith.constant 0 : i32
      %dma_wait3A_114 = tpu.memref_slice %arg2[%add3A_14, %dma_wait3A] : memref<20480x64xf32, #tpu.memory_space<hbm>> -> memref<128x64xf32, #tpu.memory_space<hbm>>
      %dma_wait3A_115 = arith.constant 0 : i32
      %dma_wait3A_116 = tpu.memref_slice %arg2[%add3A_14, %dma_wait3A_115] : memref<20480x64xf32, #tpu.memory_space<hbm>> -> memref<128x64xf32, #tpu.memory_space<hbm>>
      tpu.wait_dma2 semaphore(%run_scoped3A : memref<!tpu.dma_semaphore, #tpu.memory_space<semaphore_mem>>) src(%dma_wait3A_116 : memref<128x64xf32, #tpu.memory_space<hbm>>) dst(%arg14 : memref<128x64xf32, #tpu.memory_space<vmem>>)
      tpu.yield
    }) : () -> ()
    %add3A_15 = arith.addi %multiple_of3A_3, %add3A_13 : i32
    "tpu.region"() ({
      %run_scoped3A = tpu.sem_alloc : memref<!tpu.dma_semaphore, #tpu.memory_space<semaphore_mem>>
      %dma_start3A = arith.constant 0 : i32
      %dma_start3A_111 = tpu.memref_slice %arg8[%add3A_15, %dma_start3A] : memref<20480x64xf32, #tpu.memory_space<hbm>> -> memref<128x64xf32, #tpu.memory_space<hbm>>
      %dma_start3A_112 = arith.constant 0 : i32
      %dma_start3A_113 = tpu.memref_slice %arg8[%add3A_15, %dma_start3A_112] : memref<20480x64xf32, #tpu.memory_space<hbm>> -> memref<128x64xf32, #tpu.memory_space<hbm>>
      tpu.enqueue_dma source(%arg14 : memref<128x64xf32, #tpu.memory_space<vmem>>) target(%dma_start3A_113 : memref<128x64xf32, #tpu.memory_space<hbm>>) target_semaphore(%run_scoped3A : memref<!tpu.dma_semaphore, #tpu.memory_space<semaphore_mem>>)
      %dma_wait3A = arith.constant 0 : i32
      %dma_wait3A_114 = tpu.memref_slice %arg8[%add3A_15, %dma_wait3A] : memref<20480x64xf32, #tpu.memory_space<hbm>> -> memref<128x64xf32, #tpu.memory_space<hbm>>
      %dma_wait3A_115 = arith.constant 0 : i32
      %dma_wait3A_116 = tpu.memref_slice %arg8[%add3A_15, %dma_wait3A_115] : memref<20480x64xf32, #tpu.memory_space<hbm>> -> memref<128x64xf32, #tpu.memory_space<hbm>>
      tpu.wait_dma2 semaphore(%run_scoped3A : memref<!tpu.dma_semaphore, #tpu.memory_space<semaphore_mem>>) src(%arg14 : memref<128x64xf32, #tpu.memory_space<vmem>>) dst(%dma_wait3A_116 : memref<128x64xf32, #tpu.memory_space<hbm>>)
      tpu.yield
    }) : () -> ()
    %add3A_16 = arith.constant 128 : i32
    %add3A_17 = arith.addi %multiple_of3A, %add3A_16 : i32
    "tpu.region"() ({
      %run_scoped3A = tpu.sem_alloc : memref<!tpu.dma_semaphore, #tpu.memory_space<semaphore_mem>>
      %dma_start3A = arith.constant 0 : i32
      %dma_start3A_111 = tpu.memref_slice %arg17[%add3A_17, %dma_start3A] : memref<10240x64xf32, #tpu.memory_space<vmem_shared>> -> memref<128x64xf32, #tpu.memory_space<vmem_shared>>
      %dma_start3A_112 = arith.constant 0 : i32
      %dma_start3A_113 = tpu.memref_slice %arg17[%add3A_17, %dma_start3A_112] : memref<10240x64xf32, #tpu.memory_space<vmem_shared>> -> memref<128x64xf32, #tpu.memory_space<vmem_shared>>
      tpu.enqueue_dma source(%arg15 : memref<128x64xf32, #tpu.memory_space<vmem>>) target(%dma_start3A_113 : memref<128x64xf32, #tpu.memory_space<vmem_shared>>) target_semaphore(%run_scoped3A : memref<!tpu.dma_semaphore, #tpu.memory_space<semaphore_mem>>)
      %dma_wait3A = arith.constant 0 : i32
      %dma_wait3A_114 = tpu.memref_slice %arg17[%add3A_17, %dma_wait3A] : memref<10240x64xf32, #tpu.memory_space<vmem_shared>> -> memref<128x64xf32, #tpu.memory_space<vmem_shared>>
      %dma_wait3A_115 = arith.constant 0 : i32
      %dma_wait3A_116 = tpu.memref_slice %arg17[%add3A_17, %dma_wait3A_115] : memref<10240x64xf32, #tpu.memory_space<vmem_shared>> -> memref<128x64xf32, #tpu.memory_space<vmem_shared>>
      tpu.wait_dma2 semaphore(%run_scoped3A : memref<!tpu.dma_semaphore, #tpu.memory_space<semaphore_mem>>) src(%arg15 : memref<128x64xf32, #tpu.memory_space<vmem>>) dst(%dma_wait3A_116 : memref<128x64xf32, #tpu.memory_space<vmem_shared>>)
      tpu.yield
    }) : () -> ()
    %add3A_18 = arith.addi %multiple_of3A_3, %add3A_17 : i32
    "tpu.region"() ({
      %run_scoped3A = tpu.sem_alloc : memref<!tpu.dma_semaphore, #tpu.memory_space<semaphore_mem>>
      %dma_start3A = arith.constant 0 : i32
      %dma_start3A_111 = tpu.memref_slice %arg2[%add3A_18, %dma_start3A] : memref<20480x64xf32, #tpu.memory_space<hbm>> -> memref<128x64xf32, #tpu.memory_space<hbm>>
      %dma_start3A_112 = arith.constant 0 : i32
      %dma_start3A_113 = tpu.memref_slice %arg2[%add3A_18, %dma_start3A_112] : memref<20480x64xf32, #tpu.memory_space<hbm>> -> memref<128x64xf32, #tpu.memory_space<hbm>>
      tpu.enqueue_dma source(%dma_start3A_113 : memref<128x64xf32, #tpu.memory_space<hbm>>) target(%arg14 : memref<128x64xf32, #tpu.memory_space<vmem>>) target_semaphore(%run_scoped3A : memref<!tpu.dma_semaphore, #tpu.memory_space<semaphore_mem>>)
      %dma_wait3A = arith.constant 0 : i32
      %dma_wait3A_114 = tpu.memref_slice %arg2[%add3A_18, %dma_wait3A] : memref<20480x64xf32, #tpu.memory_space<hbm>> -> memref<128x64xf32, #tpu.memory_space<hbm>>
      %dma_wait3A_115 = arith.constant 0 : i32
      %dma_wait3A_116 = tpu.memref_slice %arg2[%add3A_18, %dma_wait3A_115] : memref<20480x64xf32, #tpu.memory_space<hbm>> -> memref<128x64xf32, #tpu.memory_space<hbm>>
      tpu.wait_dma2 semaphore(%run_scoped3A : memref<!tpu.dma_semaphore, #tpu.memory_space<semaphore_mem>>) src(%dma_wait3A_116 : memref<128x64xf32, #tpu.memory_space<hbm>>) dst(%arg14 : memref<128x64xf32, #tpu.memory_space<vmem>>)
      tpu.yield
    }) : () -> ()
    %add3A_19 = arith.addi %multiple_of3A_3, %add3A_17 : i32
    "tpu.region"() ({
      %run_scoped3A = tpu.sem_alloc : memref<!tpu.dma_semaphore, #tpu.memory_space<semaphore_mem>>
      %dma_start3A = arith.constant 0 : i32
      %dma_start3A_111 = tpu.memref_slice %arg8[%add3A_19, %dma_start3A] : memref<20480x64xf32, #tpu.memory_space<hbm>> -> memref<128x64xf32, #tpu.memory_space<hbm>>
      %dma_start3A_112 = arith.constant 0 : i32
      %dma_start3A_113 = tpu.memref_slice %arg8[%add3A_19, %dma_start3A_112] : memref<20480x64xf32, #tpu.memory_space<hbm>> -> memref<128x64xf32, #tpu.memory_space<hbm>>
      tpu.enqueue_dma source(%arg14 : memref<128x64xf32, #tpu.memory_space<vmem>>) target(%dma_start3A_113 : memref<128x64xf32, #tpu.memory_space<hbm>>) target_semaphore(%run_scoped3A : memref<!tpu.dma_semaphore, #tpu.memory_space<semaphore_mem>>)
      %dma_wait3A = arith.constant 0 : i32
      %dma_wait3A_114 = tpu.memref_slice %arg8[%add3A_19, %dma_wait3A] : memref<20480x64xf32, #tpu.memory_space<hbm>> -> memref<128x64xf32, #tpu.memory_space<hbm>>
      %dma_wait3A_115 = arith.constant 0 : i32
      %dma_wait3A_116 = tpu.memref_slice %arg8[%add3A_19, %dma_wait3A_115] : memref<20480x64xf32, #tpu.memory_space<hbm>> -> memref<128x64xf32, #tpu.memory_space<hbm>>
      tpu.wait_dma2 semaphore(%run_scoped3A : memref<!tpu.dma_semaphore, #tpu.memory_space<semaphore_mem>>) src(%arg14 : memref<128x64xf32, #tpu.memory_space<vmem>>) dst(%dma_wait3A_116 : memref<128x64xf32, #tpu.memory_space<hbm>>)
      tpu.yield
    }) : () -> ()
    %add3A_20 = arith.constant 256 : i32
    %add3A_21 = arith.addi %multiple_of3A, %add3A_20 : i32
    "tpu.region"() ({
      %run_scoped3A = tpu.sem_alloc : memref<!tpu.dma_semaphore, #tpu.memory_space<semaphore_mem>>
      %dma_start3A = arith.constant 0 : i32
      %dma_start3A_111 = tpu.memref_slice %arg17[%add3A_21, %dma_start3A] : memref<10240x64xf32, #tpu.memory_space<vmem_shared>> -> memref<128x64xf32, #tpu.memory_space<vmem_shared>>
      %dma_start3A_112 = arith.constant 0 : i32
      %dma_start3A_113 = tpu.memref_slice %arg17[%add3A_21, %dma_start3A_112] : memref<10240x64xf32, #tpu.memory_space<vmem_shared>> -> memref<128x64xf32, #tpu.memory_space<vmem_shared>>
      tpu.enqueue_dma source(%arg15 : memref<128x64xf32, #tpu.memory_space<vmem>>) target(%dma_start3A_113 : memref<128x64xf32, #tpu.memory_space<vmem_shared>>) target_semaphore(%run_scoped3A : memref<!tpu.dma_semaphore, #tpu.memory_space<semaphore_mem>>)
      %dma_wait3A = arith.constant 0 : i32
      %dma_wait3A_114 = tpu.memref_slice %arg17[%add3A_21, %dma_wait3A] : memref<10240x64xf32, #tpu.memory_space<vmem_shared>> -> memref<128x64xf32, #tpu.memory_space<vmem_shared>>
      %dma_wait3A_115 = arith.constant 0 : i32
      %dma_wait3A_116 = tpu.memref_slice %arg17[%add3A_21, %dma_wait3A_115] : memref<10240x64xf32, #tpu.memory_space<vmem_shared>> -> memref<128x64xf32, #tpu.memory_space<vmem_shared>>
      tpu.wait_dma2 semaphore(%run_scoped3A : memref<!tpu.dma_semaphore, #tpu.memory_space<semaphore_mem>>) src(%arg15 : memref<128x64xf32, #tpu.memory_space<vmem>>) dst(%dma_wait3A_116 : memref<128x64xf32, #tpu.memory_space<vmem_shared>>)
      tpu.yield
    }) : () -> ()
    %add3A_22 = arith.addi %multiple_of3A_3, %add3A_21 : i32
    "tpu.region"() ({
      %run_scoped3A = tpu.sem_alloc : memref<!tpu.dma_semaphore, #tpu.memory_space<semaphore_mem>>
      %dma_start3A = arith.constant 0 : i32
      %dma_start3A_111 = tpu.memref_slice %arg2[%add3A_22, %dma_start3A] : memref<20480x64xf32, #tpu.memory_space<hbm>> -> memref<128x64xf32, #tpu.memory_space<hbm>>
      %dma_start3A_112 = arith.constant 0 : i32
      %dma_start3A_113 = tpu.memref_slice %arg2[%add3A_22, %dma_start3A_112] : memref<20480x64xf32, #tpu.memory_space<hbm>> -> memref<128x64xf32, #tpu.memory_space<hbm>>
      tpu.enqueue_dma source(%dma_start3A_113 : memref<128x64xf32, #tpu.memory_space<hbm>>) target(%arg14 : memref<128x64xf32, #tpu.memory_space<vmem>>) target_semaphore(%run_scoped3A : memref<!tpu.dma_semaphore, #tpu.memory_space<semaphore_mem>>)
      %dma_wait3A = arith.constant 0 : i32
      %dma_wait3A_114 = tpu.memref_slice %arg2[%add3A_22, %dma_wait3A] : memref<20480x64xf32, #tpu.memory_space<hbm>> -> memref<128x64xf32, #tpu.memory_space<hbm>>
      %dma_wait3A_115 = arith.constant 0 : i32
      %dma_wait3A_116 = tpu.memref_slice %arg2[%add3A_22, %dma_wait3A_115] : memref<20480x64xf32, #tpu.memory_space<hbm>> -> memref<128x64xf32, #tpu.memory_space<hbm>>
      tpu.wait_dma2 semaphore(%run_scoped3A : memref<!tpu.dma_semaphore, #tpu.memory_space<semaphore_mem>>) src(%dma_wait3A_116 : memref<128x64xf32, #tpu.memory_space<hbm>>) dst(%arg14 : memref<128x64xf32, #tpu.memory_space<vmem>>)
      tpu.yield
    }) : () -> ()
    %add3A_23 = arith.addi %multiple_of3A_3, %add3A_21 : i32
    "tpu.region"() ({
      %run_scoped3A = tpu.sem_alloc : memref<!tpu.dma_semaphore, #tpu.memory_space<semaphore_mem>>
      %dma_start3A = arith.constant 0 : i32
      %dma_start3A_111 = tpu.memref_slice %arg8[%add3A_23, %dma_start3A] : memref<20480x64xf32, #tpu.memory_space<hbm>> -> memref<128x64xf32, #tpu.memory_space<hbm>>
      %dma_start3A_112 = arith.constant 0 : i32
      %dma_start3A_113 = tpu.memref_slice %arg8[%add3A_23, %dma_start3A_112] : memref<20480x64xf32, #tpu.memory_space<hbm>> -> memref<128x64xf32, #tpu.memory_space<hbm>>
      tpu.enqueue_dma source(%arg14 : memref<128x64xf32, #tpu.memory_space<vmem>>) target(%dma_start3A_113 : memref<128x64xf32, #tpu.memory_space<hbm>>) target_semaphore(%run_scoped3A : memref<!tpu.dma_semaphore, #tpu.memory_space<semaphore_mem>>)
      %dma_wait3A = arith.constant 0 : i32
      %dma_wait3A_114 = tpu.memref_slice %arg8[%add3A_23, %dma_wait3A] : memref<20480x64xf32, #tpu.memory_space<hbm>> -> memref<128x64xf32, #tpu.memory_space<hbm>>
      %dma_wait3A_115 = arith.constant 0 : i32
      %dma_wait3A_116 = tpu.memref_slice %arg8[%add3A_23, %dma_wait3A_115] : memref<20480x64xf32, #tpu.memory_space<hbm>> -> memref<128x64xf32, #tpu.memory_space<hbm>>
      tpu.wait_dma2 semaphore(%run_scoped3A : memref<!tpu.dma_semaphore, #tpu.memory_space<semaphore_mem>>) src(%arg14 : memref<128x64xf32, #tpu.memory_space<vmem>>) dst(%dma_wait3A_116 : memref<128x64xf32, #tpu.memory_space<hbm>>)
      tpu.yield
    }) : () -> ()
    %add3A_24 = arith.constant 384 : i32
    %add3A_25 = arith.addi %multiple_of3A, %add3A_24 : i32
    "tpu.region"() ({
      %run_scoped3A = tpu.sem_alloc : memref<!tpu.dma_semaphore, #tpu.memory_space<semaphore_mem>>
      %dma_start3A = arith.constant 0 : i32
      %dma_start3A_111 = tpu.memref_slice %arg17[%add3A_25, %dma_start3A] : memref<10240x64xf32, #tpu.memory_space<vmem_shared>> -> memref<128x64xf32, #tpu.memory_space<vmem_shared>>
      %dma_start3A_112 = arith.constant 0 : i32
      %dma_start3A_113 = tpu.memref_slice %arg17[%add3A_25, %dma_start3A_112] : memref<10240x64xf32, #tpu.memory_space<vmem_shared>> -> memref<128x64xf32, #tpu.memory_space<vmem_shared>>
      tpu.enqueue_dma source(%arg15 : memref<128x64xf32, #tpu.memory_space<vmem>>) target(%dma_start3A_113 : memref<128x64xf32, #tpu.memory_space<vmem_shared>>) target_semaphore(%run_scoped3A : memref<!tpu.dma_semaphore, #tpu.memory_space<semaphore_mem>>)
      %dma_wait3A = arith.constant 0 : i32
      %dma_wait3A_114 = tpu.memref_slice %arg17[%add3A_25, %dma_wait3A] : memref<10240x64xf32, #tpu.memory_space<vmem_shared>> -> memref<128x64xf32, #tpu.memory_space<vmem_shared>>
      %dma_wait3A_115 = arith.constant 0 : i32
      %dma_wait3A_116 = tpu.memref_slice %arg17[%add3A_25, %dma_wait3A_115] : memref<10240x64xf32, #tpu.memory_space<vmem_shared>> -> memref<128x64xf32, #tpu.memory_space<vmem_shared>>
      tpu.wait_dma2 semaphore(%run_scoped3A : memref<!tpu.dma_semaphore, #tpu.memory_space<semaphore_mem>>) src(%arg15 : memref<128x64xf32, #tpu.memory_space<vmem>>) dst(%dma_wait3A_116 : memref<128x64xf32, #tpu.memory_space<vmem_shared>>)
      tpu.yield
    }) : () -> ()
    %add3A_26 = arith.addi %multiple_of3A_3, %add3A_25 : i32
    "tpu.region"() ({
      %run_scoped3A = tpu.sem_alloc : memref<!tpu.dma_semaphore, #tpu.memory_space<semaphore_mem>>
      %dma_start3A = arith.constant 0 : i32
      %dma_start3A_111 = tpu.memref_slice %arg2[%add3A_26, %dma_start3A] : memref<20480x64xf32, #tpu.memory_space<hbm>> -> memref<128x64xf32, #tpu.memory_space<hbm>>
      %dma_start3A_112 = arith.constant 0 : i32
      %dma_start3A_113 = tpu.memref_slice %arg2[%add3A_26, %dma_start3A_112] : memref<20480x64xf32, #tpu.memory_space<hbm>> -> memref<128x64xf32, #tpu.memory_space<hbm>>
      tpu.enqueue_dma source(%dma_start3A_113 : memref<128x64xf32, #tpu.memory_space<hbm>>) target(%arg14 : memref<128x64xf32, #tpu.memory_space<vmem>>) target_semaphore(%run_scoped3A : memref<!tpu.dma_semaphore, #tpu.memory_space<semaphore_mem>>)
      %dma_wait3A = arith.constant 0 : i32
      %dma_wait3A_114 = tpu.memref_slice %arg2[%add3A_26, %dma_wait3A] : memref<20480x64xf32, #tpu.memory_space<hbm>> -> memref<128x64xf32, #tpu.memory_space<hbm>>
      %dma_wait3A_115 = arith.constant 0 : i32
      %dma_wait3A_116 = tpu.memref_slice %arg2[%add3A_26, %dma_wait3A_115] : memref<20480x64xf32, #tpu.memory_space<hbm>> -> memref<128x64xf32, #tpu.memory_space<hbm>>
      tpu.wait_dma2 semaphore(%run_scoped3A : memref<!tpu.dma_semaphore, #tpu.memory_space<semaphore_mem>>) src(%dma_wait3A_116 : memref<128x64xf32, #tpu.memory_space<hbm>>) dst(%arg14 : memref<128x64xf32, #tpu.memory_space<vmem>>)
      tpu.yield
    }) : () -> ()
    %add3A_27 = arith.addi %multiple_of3A_3, %add3A_25 : i32
    "tpu.region"() ({
      %run_scoped3A = tpu.sem_alloc : memref<!tpu.dma_semaphore, #tpu.memory_space<semaphore_mem>>
      %dma_start3A = arith.constant 0 : i32
      %dma_start3A_111 = tpu.memref_slice %arg8[%add3A_27, %dma_start3A] : memref<20480x64xf32, #tpu.memory_space<hbm>> -> memref<128x64xf32, #tpu.memory_space<hbm>>
      %dma_start3A_112 = arith.constant 0 : i32
      %dma_start3A_113 = tpu.memref_slice %arg8[%add3A_27, %dma_start3A_112] : memref<20480x64xf32, #tpu.memory_space<hbm>> -> memref<128x64xf32, #tpu.memory_space<hbm>>
      tpu.enqueue_dma source(%arg14 : memref<128x64xf32, #tpu.memory_space<vmem>>) target(%dma_start3A_113 : memref<128x64xf32, #tpu.memory_space<hbm>>) target_semaphore(%run_scoped3A : memref<!tpu.dma_semaphore, #tpu.memory_space<semaphore_mem>>)
      %dma_wait3A = arith.constant 0 : i32
      %dma_wait3A_114 = tpu.memref_slice %arg8[%add3A_27, %dma_wait3A] : memref<20480x64xf32, #tpu.memory_space<hbm>> -> memref<128x64xf32, #tpu.memory_space<hbm>>
      %dma_wait3A_115 = arith.constant 0 : i32
      %dma_wait3A_116 = tpu.memref_slice %arg8[%add3A_27, %dma_wait3A_115] : memref<20480x64xf32, #tpu.memory_space<hbm>> -> memref<128x64xf32, #tpu.memory_space<hbm>>
      tpu.wait_dma2 semaphore(%run_scoped3A : memref<!tpu.dma_semaphore, #tpu.memory_space<semaphore_mem>>) src(%arg14 : memref<128x64xf32, #tpu.memory_space<vmem>>) dst(%dma_wait3A_116 : memref<128x64xf32, #tpu.memory_space<hbm>>)
      tpu.yield
    }) : () -> ()
    %add3A_28 = arith.constant 512 : i32
    %add3A_29 = arith.addi %multiple_of3A, %add3A_28 : i32
    "tpu.region"() ({
      %run_scoped3A = tpu.sem_alloc : memref<!tpu.dma_semaphore, #tpu.memory_space<semaphore_mem>>
      %dma_start3A = arith.constant 0 : i32
      %dma_start3A_111 = tpu.memref_slice %arg17[%add3A_29, %dma_start3A] : memref<10240x64xf32, #tpu.memory_space<vmem_shared>> -> memref<128x64xf32, #tpu.memory_space<vmem_shared>>
      %dma_start3A_112 = arith.constant 0 : i32
      %dma_start3A_113 = tpu.memref_slice %arg17[%add3A_29, %dma_start3A_112] : memref<10240x64xf32, #tpu.memory_space<vmem_shared>> -> memref<128x64xf32, #tpu.memory_space<vmem_shared>>
      tpu.enqueue_dma source(%arg15 : memref<128x64xf32, #tpu.memory_space<vmem>>) target(%dma_start3A_113 : memref<128x64xf32, #tpu.memory_space<vmem_shared>>) target_semaphore(%run_scoped3A : memref<!tpu.dma_semaphore, #tpu.memory_space<semaphore_mem>>)
      %dma_wait3A = arith.constant 0 : i32
      %dma_wait3A_114 = tpu.memref_slice %arg17[%add3A_29, %dma_wait3A] : memref<10240x64xf32, #tpu.memory_space<vmem_shared>> -> memref<128x64xf32, #tpu.memory_space<vmem_shared>>
      %dma_wait3A_115 = arith.constant 0 : i32
      %dma_wait3A_116 = tpu.memref_slice %arg17[%add3A_29, %dma_wait3A_115] : memref<10240x64xf32, #tpu.memory_space<vmem_shared>> -> memref<128x64xf32, #tpu.memory_space<vmem_shared>>
      tpu.wait_dma2 semaphore(%run_scoped3A : memref<!tpu.dma_semaphore, #tpu.memory_space<semaphore_mem>>) src(%arg15 : memref<128x64xf32, #tpu.memory_space<vmem>>) dst(%dma_wait3A_116 : memref<128x64xf32, #tpu.memory_space<vmem_shared>>)
      tpu.yield
    }) : () -> ()
    %add3A_30 = arith.addi %multiple_of3A_3, %add3A_29 : i32
    "tpu.region"() ({
      %run_scoped3A = tpu.sem_alloc : memref<!tpu.dma_semaphore, #tpu.memory_space<semaphore_mem>>
      %dma_start3A = arith.constant 0 : i32
      %dma_start3A_111 = tpu.memref_slice %arg2[%add3A_30, %dma_start3A] : memref<20480x64xf32, #tpu.memory_space<hbm>> -> memref<128x64xf32, #tpu.memory_space<hbm>>
      %dma_start3A_112 = arith.constant 0 : i32
      %dma_start3A_113 = tpu.memref_slice %arg2[%add3A_30, %dma_start3A_112] : memref<20480x64xf32, #tpu.memory_space<hbm>> -> memref<128x64xf32, #tpu.memory_space<hbm>>
      tpu.enqueue_dma source(%dma_start3A_113 : memref<128x64xf32, #tpu.memory_space<hbm>>) target(%arg14 : memref<128x64xf32, #tpu.memory_space<vmem>>) target_semaphore(%run_scoped3A : memref<!tpu.dma_semaphore, #tpu.memory_space<semaphore_mem>>)
      %dma_wait3A = arith.constant 0 : i32
      %dma_wait3A_114 = tpu.memref_slice %arg2[%add3A_30, %dma_wait3A] : memref<20480x64xf32, #tpu.memory_space<hbm>> -> memref<128x64xf32, #tpu.memory_space<hbm>>
      %dma_wait3A_115 = arith.constant 0 : i32
      %dma_wait3A_116 = tpu.memref_slice %arg2[%add3A_30, %dma_wait3A_115] : memref<20480x64xf32, #tpu.memory_space<hbm>> -> memref<128x64xf32, #tpu.memory_space<hbm>>
      tpu.wait_dma2 semaphore(%run_scoped3A : memref<!tpu.dma_semaphore, #tpu.memory_space<semaphore_mem>>) src(%dma_wait3A_116 : memref<128x64xf32, #tpu.memory_space<hbm>>) dst(%arg14 : memref<128x64xf32, #tpu.memory_space<vmem>>)
      tpu.yield
    }) : () -> ()
    %add3A_31 = arith.addi %multiple_of3A_3, %add3A_29 : i32
    "tpu.region"() ({
      %run_scoped3A = tpu.sem_alloc : memref<!tpu.dma_semaphore, #tpu.memory_space<semaphore_mem>>
      %dma_start3A = arith.constant 0 : i32
      %dma_start3A_111 = tpu.memref_slice %arg8[%add3A_31, %dma_start3A] : memref<20480x64xf32, #tpu.memory_space<hbm>> -> memref<128x64xf32, #tpu.memory_space<hbm>>
      %dma_start3A_112 = arith.constant 0 : i32
      %dma_start3A_113 = tpu.memref_slice %arg8[%add3A_31, %dma_start3A_112] : memref<20480x64xf32, #tpu.memory_space<hbm>> -> memref<128x64xf32, #tpu.memory_space<hbm>>
      tpu.enqueue_dma source(%arg14 : memref<128x64xf32, #tpu.memory_space<vmem>>) target(%dma_start3A_113 : memref<128x64xf32, #tpu.memory_space<hbm>>) target_semaphore(%run_scoped3A : memref<!tpu.dma_semaphore, #tpu.memory_space<semaphore_mem>>)
      %dma_wait3A = arith.constant 0 : i32
      %dma_wait3A_114 = tpu.memref_slice %arg8[%add3A_31, %dma_wait3A] : memref<20480x64xf32, #tpu.memory_space<hbm>> -> memref<128x64xf32, #tpu.memory_space<hbm>>
      %dma_wait3A_115 = arith.constant 0 : i32
      %dma_wait3A_116 = tpu.memref_slice %arg8[%add3A_31, %dma_wait3A_115] : memref<20480x64xf32, #tpu.memory_space<hbm>> -> memref<128x64xf32, #tpu.memory_space<hbm>>
      tpu.wait_dma2 semaphore(%run_scoped3A : memref<!tpu.dma_semaphore, #tpu.memory_space<semaphore_mem>>) src(%arg14 : memref<128x64xf32, #tpu.memory_space<vmem>>) dst(%dma_wait3A_116 : memref<128x64xf32, #tpu.memory_space<hbm>>)
      tpu.yield
    }) : () -> ()
    "tpu.region"() ({
      %run_scoped3A = tpu.sem_alloc : memref<!tpu.dma_semaphore, #tpu.memory_space<semaphore_mem>>
      tpu.enqueue_dma source(%arg6 : memref<16xf32, #tpu.memory_space<hbm>>) target(%arg16 : memref<16xf32, #tpu.memory_space<vmem>>) target_semaphore(%run_scoped3A : memref<!tpu.dma_semaphore, #tpu.memory_space<semaphore_mem>>)
      tpu.wait_dma2 semaphore(%run_scoped3A : memref<!tpu.dma_semaphore, #tpu.memory_space<semaphore_mem>>) src(%arg6 : memref<16xf32, #tpu.memory_space<hbm>>) dst(%arg16 : memref<16xf32, #tpu.memory_space<vmem>>)
      tpu.yield
    }) : () -> ()
    %get3A = arith.constant 0 : index
    %get3A_32 = tpu.vector_load %arg16[%get3A] {strides = array<i32>} : memref<16xf32, #tpu.memory_space<vmem>>, vector<16xf32>,
    %get3A_33 = vector.shape_cast %get3A_32 : vector<16xf32> to vector<16xf32>
    %mul3A_34 = arith.constant 2.000000e+00 : f32
    %mul3A_35 = vector.broadcast %mul3A_34 : f32 to vector<16xf32>
    %mul3A_36 = arith.mulf %mul3A_35, %get3A_33 : vector<16xf32>
    %exp3A = math.exp %mul3A_36 : vector<16xf32>
    %add3A_37 = arith.constant 1.000000e+00 : f32
    %add3A_38 = vector.broadcast %add3A_37 : f32 to vector<16xf32>
    %add3A_39 = arith.addf %exp3A, %add3A_38 : vector<16xf32>
    %div3A = arith.constant 2.000000e+00 : f32
    %div3A_40 = vector.broadcast %div3A : f32 to vector<16xf32>
    %div3A_41 = arith.divf %div3A_40, %add3A_39 : vector<16xf32>
    %sub3A = arith.constant 1.000000e+00 : f32
    %sub3A_42 = vector.broadcast %sub3A : f32 to vector<16xf32>
    %sub3A_43 = arith.subf %sub3A_42, %div3A_41 : vector<16xf32>
    %barrier3A = arith.constant 0 : index
    tpu.barrier barrier_id(%barrier3A)
    %scan3A_44 = arith.constant 0 : i32
    %scan3A_45 = arith.constant 0 : i32
    %scan3A_46 = arith.constant 5 : i32
    %scan3A_47 = arith.addi %scan3A_45, %scan3A_46 : i32
    %scan3A_48 = arith.constant 1 : i32
    %scan3A_49 = scf.for %scan3A_111 = %scan3A_45 to %scan3A_47 step %scan3A_48 iter_args(%scan3A_112 = %scan3A_44) -> (i32)  : i32 {
      %scan3A_113 = arith.constant 0 : i32
      %scan3A_114 = arith.constant 0 : i32
      %scan3A_115 = arith.constant 156 : i32
      %scan3A_116 = arith.addi %scan3A_114, %scan3A_115 : i32
      %scan3A_117 = arith.constant 1 : i32
      %scan3A_118 = scf.for %scan3A_180 = %scan3A_114 to %scan3A_116 step %scan3A_117 iter_args(%scan3A_181 = %scan3A_113) -> (i32)  : i32 {
        %mul3A_182 = arith.constant 156 : i32
        %mul3A_183 = arith.muli %arg1, %mul3A_182 : i32
        %add3A_184 = arith.addi %mul3A_183, %scan3A_180 : i32
        %mul3A_185 = arith.constant 128 : i32
        %mul3A_186 = arith.muli %add3A_184, %mul3A_185 : i32
        %multiple_of3A_187 = tpu.assume_multiple %mul3A_186, 128 : i32
        %add3A_188 = arith.addi %multiple_of3A_6, %multiple_of3A_187 : i32
        "tpu.region"() ({
          %run_scoped3A = tpu.sem_alloc : memref<!tpu.dma_semaphore, #tpu.memory_space<semaphore_mem>>
          %dma_start3A_201 = tpu.memref_slice %arg3[%add3A_188] : memref<640000xi32, #tpu.memory_space<hbm>> -> memref<128xi32, #tpu.memory_space<hbm>>
          %dma_start3A_202 = tpu.memref_slice %arg3[%add3A_188] : memref<640000xi32, #tpu.memory_space<hbm>> -> memref<128xi32, #tpu.memory_space<hbm>>
          tpu.enqueue_dma source(%dma_start3A_202 : memref<128xi32, #tpu.memory_space<hbm>>) target(%arg9 : memref<128xi32, #tpu.memory_space<vmem>>) target_semaphore(%run_scoped3A : memref<!tpu.dma_semaphore, #tpu.memory_space<semaphore_mem>>)
          %dma_wait3A_203 = tpu.memref_slice %arg3[%add3A_188] : memref<640000xi32, #tpu.memory_space<hbm>> -> memref<128xi32, #tpu.memory_space<hbm>>
          %dma_wait3A_204 = tpu.memref_slice %arg3[%add3A_188] : memref<640000xi32, #tpu.memory_space<hbm>> -> memref<128xi32, #tpu.memory_space<hbm>>
          tpu.wait_dma2 semaphore(%run_scoped3A : memref<!tpu.dma_semaphore, #tpu.memory_space<semaphore_mem>>) src(%dma_wait3A_204 : memref<128xi32, #tpu.memory_space<hbm>>) dst(%arg9 : memref<128xi32, #tpu.memory_space<vmem>>)
          tpu.yield
        }) : () -> ()
        "tpu.region"() ({
          %run_scoped3A = tpu.sem_alloc : memref<!tpu.dma_semaphore, #tpu.memory_space<semaphore_mem>>
          %dma_start3A_201 = tpu.memref_slice %arg4[%multiple_of3A_187] : memref<320000xi32, #tpu.memory_space<hbm>> -> memref<128xi32, #tpu.memory_space<hbm>>
          %dma_start3A_202 = tpu.memref_slice %arg4[%multiple_of3A_187] : memref<320000xi32, #tpu.memory_space<hbm>> -> memref<128xi32, #tpu.memory_space<hbm>>
          tpu.enqueue_dma source(%dma_start3A_202 : memref<128xi32, #tpu.memory_space<hbm>>) target(%arg10 : memref<128xi32, #tpu.memory_space<vmem>>) target_semaphore(%run_scoped3A : memref<!tpu.dma_semaphore, #tpu.memory_space<semaphore_mem>>)
          %dma_wait3A_203 = tpu.memref_slice %arg4[%multiple_of3A_187] : memref<320000xi32, #tpu.memory_space<hbm>> -> memref<128xi32, #tpu.memory_space<hbm>>
          %dma_wait3A_204 = tpu.memref_slice %arg4[%multiple_of3A_187] : memref<320000xi32, #tpu.memory_space<hbm>> -> memref<128xi32, #tpu.memory_space<hbm>>
          tpu.wait_dma2 semaphore(%run_scoped3A : memref<!tpu.dma_semaphore, #tpu.memory_space<semaphore_mem>>) src(%dma_wait3A_204 : memref<128xi32, #tpu.memory_space<hbm>>) dst(%arg10 : memref<128xi32, #tpu.memory_space<vmem>>)
          tpu.yield
        }) : () -> ()
        "tpu.region"() ({
          %run_scoped3A = tpu.sem_alloc : memref<!tpu.dma_semaphore, #tpu.memory_space<semaphore_mem>>
          %dma_start3A_201 = tpu.memref_slice %arg5[%multiple_of3A_187] : memref<320000xf32, #tpu.memory_space<hbm>> -> memref<128xf32, #tpu.memory_space<hbm>>
          %dma_start3A_202 = tpu.memref_slice %arg5[%multiple_of3A_187] : memref<320000xf32, #tpu.memory_space<hbm>> -> memref<128xf32, #tpu.memory_space<hbm>>
          tpu.enqueue_dma source(%dma_start3A_202 : memref<128xf32, #tpu.memory_space<hbm>>) target(%arg11 : memref<128xf32, #tpu.memory_space<vmem>>) target_semaphore(%run_scoped3A : memref<!tpu.dma_semaphore, #tpu.memory_space<semaphore_mem>>)
          %dma_wait3A_203 = tpu.memref_slice %arg5[%multiple_of3A_187] : memref<320000xf32, #tpu.memory_space<hbm>> -> memref<128xf32, #tpu.memory_space<hbm>>
          %dma_wait3A_204 = tpu.memref_slice %arg5[%multiple_of3A_187] : memref<320000xf32, #tpu.memory_space<hbm>> -> memref<128xf32, #tpu.memory_space<hbm>>
          tpu.wait_dma2 semaphore(%run_scoped3A : memref<!tpu.dma_semaphore, #tpu.memory_space<semaphore_mem>>) src(%dma_wait3A_204 : memref<128xf32, #tpu.memory_space<hbm>>) dst(%arg11 : memref<128xf32, #tpu.memory_space<vmem>>)
          tpu.yield
        }) : () -> ()
        %dma_start3A = arith.constant 0 : i32
        %dma_start3A_189 = arith.constant 0 : i32
        %dma_start3A_190 = tpu.memref_slice %arg8[%dma_start3A, %dma_start3A_189] : memref<20480x64xf32, #tpu.memory_space<hbm>> -> memref<20480x64xf32, #tpu.memory_space<hbm>>
        tpu.enqueue_indirect_dma source(%dma_start3A_190 : memref<20480x64xf32, #tpu.memory_space<hbm>>) target(%arg12 : memref<128x64xf32, #tpu.memory_space<vmem>>) offsets(%arg9 : memref<128xi32, #tpu.memory_space<vmem>>) semaphore(%arg18 : memref<!tpu.dma_semaphore, #tpu.memory_space<semaphore_mem>>)
        %dma_wait3A = arith.constant 0 : i32
        %dma_wait3A_191 = arith.constant 0 : i32
        %dma_wait3A_192 = tpu.memref_slice %arg8[%dma_wait3A, %dma_wait3A_191] : memref<20480x64xf32, #tpu.memory_space<hbm>> -> memref<20480x64xf32, #tpu.memory_space<hbm>>
        tpu.wait_indirect_dma semaphore(%arg18 : memref<!tpu.dma_semaphore, #tpu.memory_space<semaphore_mem>>) src(%dma_wait3A_192 : memref<20480x64xf32, #tpu.memory_space<hbm>>) dst(%arg12 : memref<128x64xf32, #tpu.memory_space<vmem>>)
        %scan3A_193 = arith.constant 0 : i32
        %scan3A_194 = arith.constant 0 : i32
        %scan3A_195 = arith.constant 8 : i32
        %scan3A_196 = arith.addi %scan3A_194, %scan3A_195 : i32
        %scan3A_197 = arith.constant 1 : i32
        %scan3A_198 = scf.for %scan3A_201 = %scan3A_194 to %scan3A_196 step %scan3A_197 iter_args(%scan3A_202 = %scan3A_193) -> (i32)  : i32 {
          %mul3A_203 = arith.constant 16 : i32
          %mul3A_204 = arith.muli %scan3A_201, %mul3A_203 : i32
          %get3A_205 = arith.index_cast %mul3A_204 : i32 to index
          %get3A_206 = tpu.vector_load %arg11[%get3A_205] {strides = array<i32>} : memref<128xf32, #tpu.memory_space<vmem>>, vector<16xf32>,
          %get3A_207 = vector.shape_cast %get3A_206 : vector<16xf32> to vector<16xf32>
          %mul3A_208 = arith.constant 16 : i32
          %mul3A_209 = arith.muli %scan3A_201, %mul3A_208 : i32
          %add3A_210 = arith.constant 0 : i32
          %add3A_211 = arith.addi %mul3A_209, %add3A_210 : i32
          %broadcast_in_dim3A = arith.constant 0 : i32
          %broadcast_in_dim3A_212 = vector.broadcast %broadcast_in_dim3A : i32 to vector<16x1xi32>
          %gather3A = vector.shape_cast %broadcast_in_dim3A_212 : vector<16x1xi32> to vector<16xi32>
          %gather3A_213 = tpu.dynamic_gather %get3A_207[%gather3A] in [0] : vector<16xf32>, vector<16xi32> -> vector<16xf32>
          %get3A_214 = arith.index_cast %add3A_211 : i32 to index
          %get3A_215 = arith.constant 0 : index
          %get3A_216 = tpu.vector_load %arg12[%get3A_214, %get3A_215] {strides = array<i32>} : memref<128x64xf32, #tpu.memory_space<vmem>>, vector<1x16xf32>,
          %get3A_217 = vector.shape_cast %get3A_216 : vector<1x16xf32> to vector<16xf32>
          %mul3A_218 = arith.mulf %get3A_217, %gather3A_213 : vector<16xf32>
          %swap3A = arith.index_cast %add3A_211 : i32 to index
          %swap3A_219 = arith.constant 0 : index
          %swap3A_220 = tpu.vector_load %arg12[%swap3A, %swap3A_219] {strides = array<i32>} : memref<128x64xf32, #tpu.memory_space<vmem>>, vector<1x16xf32>,
          %swap3A_221 = vector.shape_cast %swap3A_220 : vector<1x16xf32> to vector<16xf32>
          %swap3A_222 = vector.shape_cast %mul3A_218 : vector<16xf32> to vector<1x16xf32>
          tpu.vector_store %arg12[%swap3A, %swap3A_219], %swap3A_222 {strides = array<i32>} : memref<128x64xf32, #tpu.memory_space<vmem>>, vector<1x16xf32>,
          %get3A_223 = arith.index_cast %add3A_211 : i32 to index
          %get3A_224 = arith.constant 16 : index
          %get3A_225 = tpu.vector_load %arg12[%get3A_223, %get3A_224] {strides = array<i32>} : memref<128x64xf32, #tpu.memory_space<vmem>>, vector<1x16xf32>,
          %get3A_226 = vector.shape_cast %get3A_225 : vector<1x16xf32> to vector<16xf32>
          %mul3A_227 = arith.mulf %get3A_226, %gather3A_213 : vector<16xf32>
          %swap3A_228 = arith.index_cast %add3A_211 : i32 to index
          %swap3A_229 = arith.constant 16 : index
          %swap3A_230 = tpu.vector_load %arg12[%swap3A_228, %swap3A_229] {strides = array<i32>} : memref<128x64xf32, #tpu.memory_space<vmem>>, vector<1x16xf32>,
          %swap3A_231 = vector.shape_cast %swap3A_230 : vector<1x16xf32> to vector<16xf32>
          %swap3A_232 = vector.shape_cast %mul3A_227 : vector<16xf32> to vector<1x16xf32>
          tpu.vector_store %arg12[%swap3A_228, %swap3A_229], %swap3A_232 {strides = array<i32>} : memref<128x64xf32, #tpu.memory_space<vmem>>, vector<1x16xf32>,
          %get3A_233 = arith.index_cast %add3A_211 : i32 to index
          %get3A_234 = arith.constant 32 : index
          %get3A_235 = tpu.vector_load %arg12[%get3A_233, %get3A_234] {strides = array<i32>} : memref<128x64xf32, #tpu.memory_space<vmem>>, vector<1x16xf32>,
          %get3A_236 = vector.shape_cast %get3A_235 : vector<1x16xf32> to vector<16xf32>
          %mul3A_237 = arith.mulf %get3A_236, %gather3A_213 : vector<16xf32>
          %swap3A_238 = arith.index_cast %add3A_211 : i32 to index
          %swap3A_239 = arith.constant 32 : index
          %swap3A_240 = tpu.vector_load %arg12[%swap3A_238, %swap3A_239] {strides = array<i32>} : memref<128x64xf32, #tpu.memory_space<vmem>>, vector<1x16xf32>,
          %swap3A_241 = vector.shape_cast %swap3A_240 : vector<1x16xf32> to vector<16xf32>
          %swap3A_242 = vector.shape_cast %mul3A_237 : vector<16xf32> to vector<1x16xf32>
          tpu.vector_store %arg12[%swap3A_238, %swap3A_239], %swap3A_242 {strides = array<i32>} : memref<128x64xf32, #tpu.memory_space<vmem>>, vector<1x16xf32>,
          %get3A_243 = arith.index_cast %add3A_211 : i32 to index
          %get3A_244 = arith.constant 48 : index
          %get3A_245 = tpu.vector_load %arg12[%get3A_243, %get3A_244] {strides = array<i32>} : memref<128x64xf32, #tpu.memory_space<vmem>>, vector<1x16xf32>,
          %get3A_246 = vector.shape_cast %get3A_245 : vector<1x16xf32> to vector<16xf32>
          %mul3A_247 = arith.mulf %get3A_246, %gather3A_213 : vector<16xf32>
          %swap3A_248 = arith.index_cast %add3A_211 : i32 to index
          %swap3A_249 = arith.constant 48 : index
          %swap3A_250 = tpu.vector_load %arg12[%swap3A_248, %swap3A_249] {strides = array<i32>} : memref<128x64xf32, #tpu.memory_space<vmem>>, vector<1x16xf32>,
          %swap3A_251 = vector.shape_cast %swap3A_250 : vector<1x16xf32> to vector<16xf32>
          %swap3A_252 = vector.shape_cast %mul3A_247 : vector<16xf32> to vector<1x16xf32>
          tpu.vector_store %arg12[%swap3A_248, %swap3A_249], %swap3A_252 {strides = array<i32>} : memref<128x64xf32, #tpu.memory_space<vmem>>, vector<1x16xf32>,
          %mul3A_253 = arith.constant 16 : i32
          %mul3A_254 = arith.muli %scan3A_201, %mul3A_253 : i32
          %add3A_255 = arith.constant 1 : i32
          %add3A_256 = arith.addi %mul3A_254, %add3A_255 : i32
          %broadcast_in_dim3A_257 = arith.constant 1 : i32
          %broadcast_in_dim3A_258 = vector.broadcast %broadcast_in_dim3A_257 : i32 to vector<16x1xi32>
          %gather3A_259 = vector.shape_cast %broadcast_in_dim3A_258 : vector<16x1xi32> to vector<16xi32>
          %gather3A_260 = tpu.dynamic_gather %get3A_207[%gather3A_259] in [0] : vector<16xf32>, vector<16xi32> -> vector<16xf32>
          %get3A_261 = arith.index_cast %add3A_256 : i32 to index
          %get3A_262 = arith.constant 0 : index
          %get3A_263 = tpu.vector_load %arg12[%get3A_261, %get3A_262] {strides = array<i32>} : memref<128x64xf32, #tpu.memory_space<vmem>>, vector<1x16xf32>,
          %get3A_264 = vector.shape_cast %get3A_263 : vector<1x16xf32> to vector<16xf32>
          %mul3A_265 = arith.mulf %get3A_264, %gather3A_260 : vector<16xf32>
          %swap3A_266 = arith.index_cast %add3A_256 : i32 to index
          %swap3A_267 = arith.constant 0 : index
          %swap3A_268 = tpu.vector_load %arg12[%swap3A_266, %swap3A_267] {strides = array<i32>} : memref<128x64xf32, #tpu.memory_space<vmem>>, vector<1x16xf32>,
          %swap3A_269 = vector.shape_cast %swap3A_268 : vector<1x16xf32> to vector<16xf32>
          %swap3A_270 = vector.shape_cast %mul3A_265 : vector<16xf32> to vector<1x16xf32>
          tpu.vector_store %arg12[%swap3A_266, %swap3A_267], %swap3A_270 {strides = array<i32>} : memref<128x64xf32, #tpu.memory_space<vmem>>, vector<1x16xf32>,
          %get3A_271 = arith.index_cast %add3A_256 : i32 to index
          %get3A_272 = arith.constant 16 : index
          %get3A_273 = tpu.vector_load %arg12[%get3A_271, %get3A_272] {strides = array<i32>} : memref<128x64xf32, #tpu.memory_space<vmem>>, vector<1x16xf32>,
          %get3A_274 = vector.shape_cast %get3A_273 : vector<1x16xf32> to vector<16xf32>
          %mul3A_275 = arith.mulf %get3A_274, %gather3A_260 : vector<16xf32>
          %swap3A_276 = arith.index_cast %add3A_256 : i32 to index
          %swap3A_277 = arith.constant 16 : index
          %swap3A_278 = tpu.vector_load %arg12[%swap3A_276, %swap3A_277] {strides = array<i32>} : memref<128x64xf32, #tpu.memory_space<vmem>>, vector<1x16xf32>,
          %swap3A_279 = vector.shape_cast %swap3A_278 : vector<1x16xf32> to vector<16xf32>
          %swap3A_280 = vector.shape_cast %mul3A_275 : vector<16xf32> to vector<1x16xf32>
          tpu.vector_store %arg12[%swap3A_276, %swap3A_277], %swap3A_280 {strides = array<i32>} : memref<128x64xf32, #tpu.memory_space<vmem>>, vector<1x16xf32>,
          %get3A_281 = arith.index_cast %add3A_256 : i32 to index
          %get3A_282 = arith.constant 32 : index
          %get3A_283 = tpu.vector_load %arg12[%get3A_281, %get3A_282] {strides = array<i32>} : memref<128x64xf32, #tpu.memory_space<vmem>>, vector<1x16xf32>,
          %get3A_284 = vector.shape_cast %get3A_283 : vector<1x16xf32> to vector<16xf32>
          %mul3A_285 = arith.mulf %get3A_284, %gather3A_260 : vector<16xf32>
          %swap3A_286 = arith.index_cast %add3A_256 : i32 to index
          %swap3A_287 = arith.constant 32 : index
          %swap3A_288 = tpu.vector_load %arg12[%swap3A_286, %swap3A_287] {strides = array<i32>} : memref<128x64xf32, #tpu.memory_space<vmem>>, vector<1x16xf32>,
          %swap3A_289 = vector.shape_cast %swap3A_288 : vector<1x16xf32> to vector<16xf32>
          %swap3A_290 = vector.shape_cast %mul3A_285 : vector<16xf32> to vector<1x16xf32>
          tpu.vector_store %arg12[%swap3A_286, %swap3A_287], %swap3A_290 {strides = array<i32>} : memref<128x64xf32, #tpu.memory_space<vmem>>, vector<1x16xf32>,
          %get3A_291 = arith.index_cast %add3A_256 : i32 to index
          %get3A_292 = arith.constant 48 : index
          %get3A_293 = tpu.vector_load %arg12[%get3A_291, %get3A_292] {strides = array<i32>} : memref<128x64xf32, #tpu.memory_space<vmem>>, vector<1x16xf32>,
          %get3A_294 = vector.shape_cast %get3A_293 : vector<1x16xf32> to vector<16xf32>
          %mul3A_295 = arith.mulf %get3A_294, %gather3A_260 : vector<16xf32>
          %swap3A_296 = arith.index_cast %add3A_256 : i32 to index
          %swap3A_297 = arith.constant 48 : index
          %swap3A_298 = tpu.vector_load %arg12[%swap3A_296, %swap3A_297] {strides = array<i32>} : memref<128x64xf32, #tpu.memory_space<vmem>>, vector<1x16xf32>,
          %swap3A_299 = vector.shape_cast %swap3A_298 : vector<1x16xf32> to vector<16xf32>
          %swap3A_300 = vector.shape_cast %mul3A_295 : vector<16xf32> to vector<1x16xf32>
          tpu.vector_store %arg12[%swap3A_296, %swap3A_297], %swap3A_300 {strides = array<i32>} : memref<128x64xf32, #tpu.memory_space<vmem>>, vector<1x16xf32>,
          %mul3A_301 = arith.constant 16 : i32
          %mul3A_302 = arith.muli %scan3A_201, %mul3A_301 : i32
          %add3A_303 = arith.constant 2 : i32
          %add3A_304 = arith.addi %mul3A_302, %add3A_303 : i32
          %broadcast_in_dim3A_305 = arith.constant 2 : i32
          %broadcast_in_dim3A_306 = vector.broadcast %broadcast_in_dim3A_305 : i32 to vector<16x1xi32>
          %gather3A_307 = vector.shape_cast %broadcast_in_dim3A_306 : vector<16x1xi32> to vector<16xi32>
          %gather3A_308 = tpu.dynamic_gather %get3A_207[%gather3A_307] in [0] : vector<16xf32>, vector<16xi32> -> vector<16xf32>
          %get3A_309 = arith.index_cast %add3A_304 : i32 to index
          %get3A_310 = arith.constant 0 : index
          %get3A_311 = tpu.vector_load %arg12[%get3A_309, %get3A_310] {strides = array<i32>} : memref<128x64xf32, #tpu.memory_space<vmem>>, vector<1x16xf32>,
          %get3A_312 = vector.shape_cast %get3A_311 : vector<1x16xf32> to vector<16xf32>
          %mul3A_313 = arith.mulf %get3A_312, %gather3A_308 : vector<16xf32>
          %swap3A_314 = arith.index_cast %add3A_304 : i32 to index
          %swap3A_315 = arith.constant 0 : index
          %swap3A_316 = tpu.vector_load %arg12[%swap3A_314, %swap3A_315] {strides = array<i32>} : memref<128x64xf32, #tpu.memory_space<vmem>>, vector<1x16xf32>,
          %swap3A_317 = vector.shape_cast %swap3A_316 : vector<1x16xf32> to vector<16xf32>
          %swap3A_318 = vector.shape_cast %mul3A_313 : vector<16xf32> to vector<1x16xf32>
          tpu.vector_store %arg12[%swap3A_314, %swap3A_315], %swap3A_318 {strides = array<i32>} : memref<128x64xf32, #tpu.memory_space<vmem>>, vector<1x16xf32>,
          %get3A_319 = arith.index_cast %add3A_304 : i32 to index
          %get3A_320 = arith.constant 16 : index
          %get3A_321 = tpu.vector_load %arg12[%get3A_319, %get3A_320] {strides = array<i32>} : memref<128x64xf32, #tpu.memory_space<vmem>>, vector<1x16xf32>,
          %get3A_322 = vector.shape_cast %get3A_321 : vector<1x16xf32> to vector<16xf32>
          %mul3A_323 = arith.mulf %get3A_322, %gather3A_308 : vector<16xf32>
          %swap3A_324 = arith.index_cast %add3A_304 : i32 to index
          %swap3A_325 = arith.constant 16 : index
          %swap3A_326 = tpu.vector_load %arg12[%swap3A_324, %swap3A_325] {strides = array<i32>} : memref<128x64xf32, #tpu.memory_space<vmem>>, vector<1x16xf32>,
          %swap3A_327 = vector.shape_cast %swap3A_326 : vector<1x16xf32> to vector<16xf32>
          %swap3A_328 = vector.shape_cast %mul3A_323 : vector<16xf32> to vector<1x16xf32>
          tpu.vector_store %arg12[%swap3A_324, %swap3A_325], %swap3A_328 {strides = array<i32>} : memref<128x64xf32, #tpu.memory_space<vmem>>, vector<1x16xf32>,
          %get3A_329 = arith.index_cast %add3A_304 : i32 to index
          %get3A_330 = arith.constant 32 : index
          %get3A_331 = tpu.vector_load %arg12[%get3A_329, %get3A_330] {strides = array<i32>} : memref<128x64xf32, #tpu.memory_space<vmem>>, vector<1x16xf32>,
          %get3A_332 = vector.shape_cast %get3A_331 : vector<1x16xf32> to vector<16xf32>
          %mul3A_333 = arith.mulf %get3A_332, %gather3A_308 : vector<16xf32>
          %swap3A_334 = arith.index_cast %add3A_304 : i32 to index
          %swap3A_335 = arith.constant 32 : index
          %swap3A_336 = tpu.vector_load %arg12[%swap3A_334, %swap3A_335] {strides = array<i32>} : memref<128x64xf32, #tpu.memory_space<vmem>>, vector<1x16xf32>,
          %swap3A_337 = vector.shape_cast %swap3A_336 : vector<1x16xf32> to vector<16xf32>
          %swap3A_338 = vector.shape_cast %mul3A_333 : vector<16xf32> to vector<1x16xf32>
          tpu.vector_store %arg12[%swap3A_334, %swap3A_335], %swap3A_338 {strides = array<i32>} : memref<128x64xf32, #tpu.memory_space<vmem>>, vector<1x16xf32>,
          %get3A_339 = arith.index_cast %add3A_304 : i32 to index
          %get3A_340 = arith.constant 48 : index
          %get3A_341 = tpu.vector_load %arg12[%get3A_339, %get3A_340] {strides = array<i32>} : memref<128x64xf32, #tpu.memory_space<vmem>>, vector<1x16xf32>,
          %get3A_342 = vector.shape_cast %get3A_341 : vector<1x16xf32> to vector<16xf32>
          %mul3A_343 = arith.mulf %get3A_342, %gather3A_308 : vector<16xf32>
          %swap3A_344 = arith.index_cast %add3A_304 : i32 to index
          %swap3A_345 = arith.constant 48 : index
          %swap3A_346 = tpu.vector_load %arg12[%swap3A_344, %swap3A_345] {strides = array<i32>} : memref<128x64xf32, #tpu.memory_space<vmem>>, vector<1x16xf32>,
          %swap3A_347 = vector.shape_cast %swap3A_346 : vector<1x16xf32> to vector<16xf32>
          %swap3A_348 = vector.shape_cast %mul3A_343 : vector<16xf32> to vector<1x16xf32>
          tpu.vector_store %arg12[%swap3A_344, %swap3A_345], %swap3A_348 {strides = array<i32>} : memref<128x64xf32, #tpu.memory_space<vmem>>, vector<1x16xf32>,
          %mul3A_349 = arith.constant 16 : i32
          %mul3A_350 = arith.muli %scan3A_201, %mul3A_349 : i32
          %add3A_351 = arith.constant 3 : i32
          %add3A_352 = arith.addi %mul3A_350, %add3A_351 : i32
          %broadcast_in_dim3A_353 = arith.constant 3 : i32
          %broadcast_in_dim3A_354 = vector.broadcast %broadcast_in_dim3A_353 : i32 to vector<16x1xi32>
          %gather3A_355 = vector.shape_cast %broadcast_in_dim3A_354 : vector<16x1xi32> to vector<16xi32>
          %gather3A_356 = tpu.dynamic_gather %get3A_207[%gather3A_355] in [0] : vector<16xf32>, vector<16xi32> -> vector<16xf32>
          %get3A_357 = arith.index_cast %add3A_352 : i32 to index
          %get3A_358 = arith.constant 0 : index
          %get3A_359 = tpu.vector_load %arg12[%get3A_357, %get3A_358] {strides = array<i32>} : memref<128x64xf32, #tpu.memory_space<vmem>>, vector<1x16xf32>,
          %get3A_360 = vector.shape_cast %get3A_359 : vector<1x16xf32> to vector<16xf32>
          %mul3A_361 = arith.mulf %get3A_360, %gather3A_356 : vector<16xf32>
          %swap3A_362 = arith.index_cast %add3A_352 : i32 to index
          %swap3A_363 = arith.constant 0 : index
          %swap3A_364 = tpu.vector_load %arg12[%swap3A_362, %swap3A_363] {strides = array<i32>} : memref<128x64xf32, #tpu.memory_space<vmem>>, vector<1x16xf32>,
          %swap3A_365 = vector.shape_cast %swap3A_364 : vector<1x16xf32> to vector<16xf32>
          %swap3A_366 = vector.shape_cast %mul3A_361 : vector<16xf32> to vector<1x16xf32>
          tpu.vector_store %arg12[%swap3A_362, %swap3A_363], %swap3A_366 {strides = array<i32>} : memref<128x64xf32, #tpu.memory_space<vmem>>, vector<1x16xf32>,
          %get3A_367 = arith.index_cast %add3A_352 : i32 to index
          %get3A_368 = arith.constant 16 : index
          %get3A_369 = tpu.vector_load %arg12[%get3A_367, %get3A_368] {strides = array<i32>} : memref<128x64xf32, #tpu.memory_space<vmem>>, vector<1x16xf32>,
          %get3A_370 = vector.shape_cast %get3A_369 : vector<1x16xf32> to vector<16xf32>
          %mul3A_371 = arith.mulf %get3A_370, %gather3A_356 : vector<16xf32>
          %swap3A_372 = arith.index_cast %add3A_352 : i32 to index
          %swap3A_373 = arith.constant 16 : index
          %swap3A_374 = tpu.vector_load %arg12[%swap3A_372, %swap3A_373] {strides = array<i32>} : memref<128x64xf32, #tpu.memory_space<vmem>>, vector<1x16xf32>,
          %swap3A_375 = vector.shape_cast %swap3A_374 : vector<1x16xf32> to vector<16xf32>
          %swap3A_376 = vector.shape_cast %mul3A_371 : vector<16xf32> to vector<1x16xf32>
          tpu.vector_store %arg12[%swap3A_372, %swap3A_373], %swap3A_376 {strides = array<i32>} : memref<128x64xf32, #tpu.memory_space<vmem>>, vector<1x16xf32>,
          %get3A_377 = arith.index_cast %add3A_352 : i32 to index
          %get3A_378 = arith.constant 32 : index
          %get3A_379 = tpu.vector_load %arg12[%get3A_377, %get3A_378] {strides = array<i32>} : memref<128x64xf32, #tpu.memory_space<vmem>>, vector<1x16xf32>,
          %get3A_380 = vector.shape_cast %get3A_379 : vector<1x16xf32> to vector<16xf32>
          %mul3A_381 = arith.mulf %get3A_380, %gather3A_356 : vector<16xf32>
          %swap3A_382 = arith.index_cast %add3A_352 : i32 to index
          %swap3A_383 = arith.constant 32 : index
          %swap3A_384 = tpu.vector_load %arg12[%swap3A_382, %swap3A_383] {strides = array<i32>} : memref<128x64xf32, #tpu.memory_space<vmem>>, vector<1x16xf32>,
          %swap3A_385 = vector.shape_cast %swap3A_384 : vector<1x16xf32> to vector<16xf32>
          %swap3A_386 = vector.shape_cast %mul3A_381 : vector<16xf32> to vector<1x16xf32>
          tpu.vector_store %arg12[%swap3A_382, %swap3A_383], %swap3A_386 {strides = array<i32>} : memref<128x64xf32, #tpu.memory_space<vmem>>, vector<1x16xf32>,
          %get3A_387 = arith.index_cast %add3A_352 : i32 to index
          %get3A_388 = arith.constant 48 : index
          %get3A_389 = tpu.vector_load %arg12[%get3A_387, %get3A_388] {strides = array<i32>} : memref<128x64xf32, #tpu.memory_space<vmem>>, vector<1x16xf32>,
          %get3A_390 = vector.shape_cast %get3A_389 : vector<1x16xf32> to vector<16xf32>
          %mul3A_391 = arith.mulf %get3A_390, %gather3A_356 : vector<16xf32>
          %swap3A_392 = arith.index_cast %add3A_352 : i32 to index
          %swap3A_393 = arith.constant 48 : index
          %swap3A_394 = tpu.vector_load %arg12[%swap3A_392, %swap3A_393] {strides = array<i32>} : memref<128x64xf32, #tpu.memory_space<vmem>>, vector<1x16xf32>,
          %swap3A_395 = vector.shape_cast %swap3A_394 : vector<1x16xf32> to vector<16xf32>
          %swap3A_396 = vector.shape_cast %mul3A_391 : vector<16xf32> to vector<1x16xf32>
          tpu.vector_store %arg12[%swap3A_392, %swap3A_393], %swap3A_396 {strides = array<i32>} : memref<128x64xf32, #tpu.memory_space<vmem>>, vector<1x16xf32>,
          %mul3A_397 = arith.constant 16 : i32
          %mul3A_398 = arith.muli %scan3A_201, %mul3A_397 : i32
          %add3A_399 = arith.constant 4 : i32
          %add3A_400 = arith.addi %mul3A_398, %add3A_399 : i32
          %broadcast_in_dim3A_401 = arith.constant 4 : i32
          %broadcast_in_dim3A_402 = vector.broadcast %broadcast_in_dim3A_401 : i32 to vector<16x1xi32>
          %gather3A_403 = vector.shape_cast %broadcast_in_dim3A_402 : vector<16x1xi32> to vector<16xi32>
          %gather3A_404 = tpu.dynamic_gather %get3A_207[%gather3A_403] in [0] : vector<16xf32>, vector<16xi32> -> vector<16xf32>
          %get3A_405 = arith.index_cast %add3A_400 : i32 to index
          %get3A_406 = arith.constant 0 : index
          %get3A_407 = tpu.vector_load %arg12[%get3A_405, %get3A_406] {strides = array<i32>} : memref<128x64xf32, #tpu.memory_space<vmem>>, vector<1x16xf32>,
          %get3A_408 = vector.shape_cast %get3A_407 : vector<1x16xf32> to vector<16xf32>
          %mul3A_409 = arith.mulf %get3A_408, %gather3A_404 : vector<16xf32>
          %swap3A_410 = arith.index_cast %add3A_400 : i32 to index
          %swap3A_411 = arith.constant 0 : index
          %swap3A_412 = tpu.vector_load %arg12[%swap3A_410, %swap3A_411] {strides = array<i32>} : memref<128x64xf32, #tpu.memory_space<vmem>>, vector<1x16xf32>,
          %swap3A_413 = vector.shape_cast %swap3A_412 : vector<1x16xf32> to vector<16xf32>
          %swap3A_414 = vector.shape_cast %mul3A_409 : vector<16xf32> to vector<1x16xf32>
          tpu.vector_store %arg12[%swap3A_410, %swap3A_411], %swap3A_414 {strides = array<i32>} : memref<128x64xf32, #tpu.memory_space<vmem>>, vector<1x16xf32>,
          %get3A_415 = arith.index_cast %add3A_400 : i32 to index
          %get3A_416 = arith.constant 16 : index
          %get3A_417 = tpu.vector_load %arg12[%get3A_415, %get3A_416] {strides = array<i32>} : memref<128x64xf32, #tpu.memory_space<vmem>>, vector<1x16xf32>,
          %get3A_418 = vector.shape_cast %get3A_417 : vector<1x16xf32> to vector<16xf32>
          %mul3A_419 = arith.mulf %get3A_418, %gather3A_404 : vector<16xf32>
          %swap3A_420 = arith.index_cast %add3A_400 : i32 to index
          %swap3A_421 = arith.constant 16 : index
          %swap3A_422 = tpu.vector_load %arg12[%swap3A_420, %swap3A_421] {strides = array<i32>} : memref<128x64xf32, #tpu.memory_space<vmem>>, vector<1x16xf32>,
          %swap3A_423 = vector.shape_cast %swap3A_422 : vector<1x16xf32> to vector<16xf32>
          %swap3A_424 = vector.shape_cast %mul3A_419 : vector<16xf32> to vector<1x16xf32>
          tpu.vector_store %arg12[%swap3A_420, %swap3A_421], %swap3A_424 {strides = array<i32>} : memref<128x64xf32, #tpu.memory_space<vmem>>, vector<1x16xf32>,
          %get3A_425 = arith.index_cast %add3A_400 : i32 to index
          %get3A_426 = arith.constant 32 : index
          %get3A_427 = tpu.vector_load %arg12[%get3A_425, %get3A_426] {strides = array<i32>} : memref<128x64xf32, #tpu.memory_space<vmem>>, vector<1x16xf32>,
          %get3A_428 = vector.shape_cast %get3A_427 : vector<1x16xf32> to vector<16xf32>
          %mul3A_429 = arith.mulf %get3A_428, %gather3A_404 : vector<16xf32>
          %swap3A_430 = arith.index_cast %add3A_400 : i32 to index
          %swap3A_431 = arith.constant 32 : index
          %swap3A_432 = tpu.vector_load %arg12[%swap3A_430, %swap3A_431] {strides = array<i32>} : memref<128x64xf32, #tpu.memory_space<vmem>>, vector<1x16xf32>,
          %swap3A_433 = vector.shape_cast %swap3A_432 : vector<1x16xf32> to vector<16xf32>
          %swap3A_434 = vector.shape_cast %mul3A_429 : vector<16xf32> to vector<1x16xf32>
          tpu.vector_store %arg12[%swap3A_430, %swap3A_431], %swap3A_434 {strides = array<i32>} : memref<128x64xf32, #tpu.memory_space<vmem>>, vector<1x16xf32>,
          %get3A_435 = arith.index_cast %add3A_400 : i32 to index
          %get3A_436 = arith.constant 48 : index
          %get3A_437 = tpu.vector_load %arg12[%get3A_435, %get3A_436] {strides = array<i32>} : memref<128x64xf32, #tpu.memory_space<vmem>>, vector<1x16xf32>,
          %get3A_438 = vector.shape_cast %get3A_437 : vector<1x16xf32> to vector<16xf32>
          %mul3A_439 = arith.mulf %get3A_438, %gather3A_404 : vector<16xf32>
          %swap3A_440 = arith.index_cast %add3A_400 : i32 to index
          %swap3A_441 = arith.constant 48 : index
          %swap3A_442 = tpu.vector_load %arg12[%swap3A_440, %swap3A_441] {strides = array<i32>} : memref<128x64xf32, #tpu.memory_space<vmem>>, vector<1x16xf32>,
          %swap3A_443 = vector.shape_cast %swap3A_442 : vector<1x16xf32> to vector<16xf32>
          %swap3A_444 = vector.shape_cast %mul3A_439 : vector<16xf32> to vector<1x16xf32>
          tpu.vector_store %arg12[%swap3A_440, %swap3A_441], %swap3A_444 {strides = array<i32>} : memref<128x64xf32, #tpu.memory_space<vmem>>, vector<1x16xf32>,
          %mul3A_445 = arith.constant 16 : i32
          %mul3A_446 = arith.muli %scan3A_201, %mul3A_445 : i32
          %add3A_447 = arith.constant 5 : i32
          %add3A_448 = arith.addi %mul3A_446, %add3A_447 : i32
          %broadcast_in_dim3A_449 = arith.constant 5 : i32
          %broadcast_in_dim3A_450 = vector.broadcast %broadcast_in_dim3A_449 : i32 to vector<16x1xi32>
          %gather3A_451 = vector.shape_cast %broadcast_in_dim3A_450 : vector<16x1xi32> to vector<16xi32>
          %gather3A_452 = tpu.dynamic_gather %get3A_207[%gather3A_451] in [0] : vector<16xf32>, vector<16xi32> -> vector<16xf32>
          %get3A_453 = arith.index_cast %add3A_448 : i32 to index
          %get3A_454 = arith.constant 0 : index
          %get3A_455 = tpu.vector_load %arg12[%get3A_453, %get3A_454] {strides = array<i32>} : memref<128x64xf32, #tpu.memory_space<vmem>>, vector<1x16xf32>,
          %get3A_456 = vector.shape_cast %get3A_455 : vector<1x16xf32> to vector<16xf32>
          %mul3A_457 = arith.mulf %get3A_456, %gather3A_452 : vector<16xf32>
          %swap3A_458 = arith.index_cast %add3A_448 : i32 to index
          %swap3A_459 = arith.constant 0 : index
          %swap3A_460 = tpu.vector_load %arg12[%swap3A_458, %swap3A_459] {strides = array<i32>} : memref<128x64xf32, #tpu.memory_space<vmem>>, vector<1x16xf32>,
          %swap3A_461 = vector.shape_cast %swap3A_460 : vector<1x16xf32> to vector<16xf32>
          %swap3A_462 = vector.shape_cast %mul3A_457 : vector<16xf32> to vector<1x16xf32>
          tpu.vector_store %arg12[%swap3A_458, %swap3A_459], %swap3A_462 {strides = array<i32>} : memref<128x64xf32, #tpu.memory_space<vmem>>, vector<1x16xf32>,
          %get3A_463 = arith.index_cast %add3A_448 : i32 to index
          %get3A_464 = arith.constant 16 : index
          %get3A_465 = tpu.vector_load %arg12[%get3A_463, %get3A_464] {strides = array<i32>} : memref<128x64xf32, #tpu.memory_space<vmem>>, vector<1x16xf32>,
          %get3A_466 = vector.shape_cast %get3A_465 : vector<1x16xf32> to vector<16xf32>
          %mul3A_467 = arith.mulf %get3A_466, %gather3A_452 : vector<16xf32>
          %swap3A_468 = arith.index_cast %add3A_448 : i32 to index
          %swap3A_469 = arith.constant 16 : index
          %swap3A_470 = tpu.vector_load %arg12[%swap3A_468, %swap3A_469] {strides = array<i32>} : memref<128x64xf32, #tpu.memory_space<vmem>>, vector<1x16xf32>,
          %swap3A_471 = vector.shape_cast %swap3A_470 : vector<1x16xf32> to vector<16xf32>
          %swap3A_472 = vector.shape_cast %mul3A_467 : vector<16xf32> to vector<1x16xf32>
          tpu.vector_store %arg12[%swap3A_468, %swap3A_469], %swap3A_472 {strides = array<i32>} : memref<128x64xf32, #tpu.memory_space<vmem>>, vector<1x16xf32>,
          %get3A_473 = arith.index_cast %add3A_448 : i32 to index
          %get3A_474 = arith.constant 32 : index
          %get3A_475 = tpu.vector_load %arg12[%get3A_473, %get3A_474] {strides = array<i32>} : memref<128x64xf32, #tpu.memory_space<vmem>>, vector<1x16xf32>,
          %get3A_476 = vector.shape_cast %get3A_475 : vector<1x16xf32> to vector<16xf32>
          %mul3A_477 = arith.mulf %get3A_476, %gather3A_452 : vector<16xf32>
          %swap3A_478 = arith.index_cast %add3A_448 : i32 to index
          %swap3A_479 = arith.constant 32 : index
          %swap3A_480 = tpu.vector_load %arg12[%swap3A_478, %swap3A_479] {strides = array<i32>} : memref<128x64xf32, #tpu.memory_space<vmem>>, vector<1x16xf32>,
          %swap3A_481 = vector.shape_cast %swap3A_480 : vector<1x16xf32> to vector<16xf32>
          %swap3A_482 = vector.shape_cast %mul3A_477 : vector<16xf32> to vector<1x16xf32>
          tpu.vector_store %arg12[%swap3A_478, %swap3A_479], %swap3A_482 {strides = array<i32>} : memref<128x64xf32, #tpu.memory_space<vmem>>, vector<1x16xf32>,
          %get3A_483 = arith.index_cast %add3A_448 : i32 to index
          %get3A_484 = arith.constant 48 : index
          %get3A_485 = tpu.vector_load %arg12[%get3A_483, %get3A_484] {strides = array<i32>} : memref<128x64xf32, #tpu.memory_space<vmem>>, vector<1x16xf32>,
          %get3A_486 = vector.shape_cast %get3A_485 : vector<1x16xf32> to vector<16xf32>
          %mul3A_487 = arith.mulf %get3A_486, %gather3A_452 : vector<16xf32>
          %swap3A_488 = arith.index_cast %add3A_448 : i32 to index
          %swap3A_489 = arith.constant 48 : index
          %swap3A_490 = tpu.vector_load %arg12[%swap3A_488, %swap3A_489] {strides = array<i32>} : memref<128x64xf32, #tpu.memory_space<vmem>>, vector<1x16xf32>,
          %swap3A_491 = vector.shape_cast %swap3A_490 : vector<1x16xf32> to vector<16xf32>
          %swap3A_492 = vector.shape_cast %mul3A_487 : vector<16xf32> to vector<1x16xf32>
          tpu.vector_store %arg12[%swap3A_488, %swap3A_489], %swap3A_492 {strides = array<i32>} : memref<128x64xf32, #tpu.memory_space<vmem>>, vector<1x16xf32>,
          %mul3A_493 = arith.constant 16 : i32
          %mul3A_494 = arith.muli %scan3A_201, %mul3A_493 : i32
          %add3A_495 = arith.constant 6 : i32
          %add3A_496 = arith.addi %mul3A_494, %add3A_495 : i32
          %broadcast_in_dim3A_497 = arith.constant 6 : i32
          %broadcast_in_dim3A_498 = vector.broadcast %broadcast_in_dim3A_497 : i32 to vector<16x1xi32>
          %gather3A_499 = vector.shape_cast %broadcast_in_dim3A_498 : vector<16x1xi32> to vector<16xi32>
          %gather3A_500 = tpu.dynamic_gather %get3A_207[%gather3A_499] in [0] : vector<16xf32>, vector<16xi32> -> vector<16xf32>
          %get3A_501 = arith.index_cast %add3A_496 : i32 to index
          %get3A_502 = arith.constant 0 : index
          %get3A_503 = tpu.vector_load %arg12[%get3A_501, %get3A_502] {strides = array<i32>} : memref<128x64xf32, #tpu.memory_space<vmem>>, vector<1x16xf32>,
          %get3A_504 = vector.shape_cast %get3A_503 : vector<1x16xf32> to vector<16xf32>
          %mul3A_505 = arith.mulf %get3A_504, %gather3A_500 : vector<16xf32>
          %swap3A_506 = arith.index_cast %add3A_496 : i32 to index
          %swap3A_507 = arith.constant 0 : index
          %swap3A_508 = tpu.vector_load %arg12[%swap3A_506, %swap3A_507] {strides = array<i32>} : memref<128x64xf32, #tpu.memory_space<vmem>>, vector<1x16xf32>,
          %swap3A_509 = vector.shape_cast %swap3A_508 : vector<1x16xf32> to vector<16xf32>
          %swap3A_510 = vector.shape_cast %mul3A_505 : vector<16xf32> to vector<1x16xf32>
          tpu.vector_store %arg12[%swap3A_506, %swap3A_507], %swap3A_510 {strides = array<i32>} : memref<128x64xf32, #tpu.memory_space<vmem>>, vector<1x16xf32>,
          %get3A_511 = arith.index_cast %add3A_496 : i32 to index
          %get3A_512 = arith.constant 16 : index
          %get3A_513 = tpu.vector_load %arg12[%get3A_511, %get3A_512] {strides = array<i32>} : memref<128x64xf32, #tpu.memory_space<vmem>>, vector<1x16xf32>,
          %get3A_514 = vector.shape_cast %get3A_513 : vector<1x16xf32> to vector<16xf32>
          %mul3A_515 = arith.mulf %get3A_514, %gather3A_500 : vector<16xf32>
          %swap3A_516 = arith.index_cast %add3A_496 : i32 to index
          %swap3A_517 = arith.constant 16 : index
          %swap3A_518 = tpu.vector_load %arg12[%swap3A_516, %swap3A_517] {strides = array<i32>} : memref<128x64xf32, #tpu.memory_space<vmem>>, vector<1x16xf32>,
          %swap3A_519 = vector.shape_cast %swap3A_518 : vector<1x16xf32> to vector<16xf32>
          %swap3A_520 = vector.shape_cast %mul3A_515 : vector<16xf32> to vector<1x16xf32>
          tpu.vector_store %arg12[%swap3A_516, %swap3A_517], %swap3A_520 {strides = array<i32>} : memref<128x64xf32, #tpu.memory_space<vmem>>, vector<1x16xf32>,
          %get3A_521 = arith.index_cast %add3A_496 : i32 to index
          %get3A_522 = arith.constant 32 : index
          %get3A_523 = tpu.vector_load %arg12[%get3A_521, %get3A_522] {strides = array<i32>} : memref<128x64xf32, #tpu.memory_space<vmem>>, vector<1x16xf32>,
          %get3A_524 = vector.shape_cast %get3A_523 : vector<1x16xf32> to vector<16xf32>
          %mul3A_525 = arith.mulf %get3A_524, %gather3A_500 : vector<16xf32>
          %swap3A_526 = arith.index_cast %add3A_496 : i32 to index
          %swap3A_527 = arith.constant 32 : index
          %swap3A_528 = tpu.vector_load %arg12[%swap3A_526, %swap3A_527] {strides = array<i32>} : memref<128x64xf32, #tpu.memory_space<vmem>>, vector<1x16xf32>,
          %swap3A_529 = vector.shape_cast %swap3A_528 : vector<1x16xf32> to vector<16xf32>
          %swap3A_530 = vector.shape_cast %mul3A_525 : vector<16xf32> to vector<1x16xf32>
          tpu.vector_store %arg12[%swap3A_526, %swap3A_527], %swap3A_530 {strides = array<i32>} : memref<128x64xf32, #tpu.memory_space<vmem>>, vector<1x16xf32>,
          %get3A_531 = arith.index_cast %add3A_496 : i32 to index
          %get3A_532 = arith.constant 48 : index
          %get3A_533 = tpu.vector_load %arg12[%get3A_531, %get3A_532] {strides = array<i32>} : memref<128x64xf32, #tpu.memory_space<vmem>>, vector<1x16xf32>,
          %get3A_534 = vector.shape_cast %get3A_533 : vector<1x16xf32> to vector<16xf32>
          %mul3A_535 = arith.mulf %get3A_534, %gather3A_500 : vector<16xf32>
          %swap3A_536 = arith.index_cast %add3A_496 : i32 to index
          %swap3A_537 = arith.constant 48 : index
          %swap3A_538 = tpu.vector_load %arg12[%swap3A_536, %swap3A_537] {strides = array<i32>} : memref<128x64xf32, #tpu.memory_space<vmem>>, vector<1x16xf32>,
          %swap3A_539 = vector.shape_cast %swap3A_538 : vector<1x16xf32> to vector<16xf32>
          %swap3A_540 = vector.shape_cast %mul3A_535 : vector<16xf32> to vector<1x16xf32>
          tpu.vector_store %arg12[%swap3A_536, %swap3A_537], %swap3A_540 {strides = array<i32>} : memref<128x64xf32, #tpu.memory_space<vmem>>, vector<1x16xf32>,
          %mul3A_541 = arith.constant 16 : i32
          %mul3A_542 = arith.muli %scan3A_201, %mul3A_541 : i32
          %add3A_543 = arith.constant 7 : i32
          %add3A_544 = arith.addi %mul3A_542, %add3A_543 : i32
          %broadcast_in_dim3A_545 = arith.constant 7 : i32
          %broadcast_in_dim3A_546 = vector.broadcast %broadcast_in_dim3A_545 : i32 to vector<16x1xi32>
          %gather3A_547 = vector.shape_cast %broadcast_in_dim3A_546 : vector<16x1xi32> to vector<16xi32>
          %gather3A_548 = tpu.dynamic_gather %get3A_207[%gather3A_547] in [0] : vector<16xf32>, vector<16xi32> -> vector<16xf32>
          %get3A_549 = arith.index_cast %add3A_544 : i32 to index
          %get3A_550 = arith.constant 0 : index
          %get3A_551 = tpu.vector_load %arg12[%get3A_549, %get3A_550] {strides = array<i32>} : memref<128x64xf32, #tpu.memory_space<vmem>>, vector<1x16xf32>,
          %get3A_552 = vector.shape_cast %get3A_551 : vector<1x16xf32> to vector<16xf32>
          %mul3A_553 = arith.mulf %get3A_552, %gather3A_548 : vector<16xf32>
          %swap3A_554 = arith.index_cast %add3A_544 : i32 to index
          %swap3A_555 = arith.constant 0 : index
          %swap3A_556 = tpu.vector_load %arg12[%swap3A_554, %swap3A_555] {strides = array<i32>} : memref<128x64xf32, #tpu.memory_space<vmem>>, vector<1x16xf32>,
          %swap3A_557 = vector.shape_cast %swap3A_556 : vector<1x16xf32> to vector<16xf32>
          %swap3A_558 = vector.shape_cast %mul3A_553 : vector<16xf32> to vector<1x16xf32>
          tpu.vector_store %arg12[%swap3A_554, %swap3A_555], %swap3A_558 {strides = array<i32>} : memref<128x64xf32, #tpu.memory_space<vmem>>, vector<1x16xf32>,
          %get3A_559 = arith.index_cast %add3A_544 : i32 to index
          %get3A_560 = arith.constant 16 : index
          %get3A_561 = tpu.vector_load %arg12[%get3A_559, %get3A_560] {strides = array<i32>} : memref<128x64xf32, #tpu.memory_space<vmem>>, vector<1x16xf32>,
          %get3A_562 = vector.shape_cast %get3A_561 : vector<1x16xf32> to vector<16xf32>
          %mul3A_563 = arith.mulf %get3A_562, %gather3A_548 : vector<16xf32>
          %swap3A_564 = arith.index_cast %add3A_544 : i32 to index
          %swap3A_565 = arith.constant 16 : index
          %swap3A_566 = tpu.vector_load %arg12[%swap3A_564, %swap3A_565] {strides = array<i32>} : memref<128x64xf32, #tpu.memory_space<vmem>>, vector<1x16xf32>,
          %swap3A_567 = vector.shape_cast %swap3A_566 : vector<1x16xf32> to vector<16xf32>
          %swap3A_568 = vector.shape_cast %mul3A_563 : vector<16xf32> to vector<1x16xf32>
          tpu.vector_store %arg12[%swap3A_564, %swap3A_565], %swap3A_568 {strides = array<i32>} : memref<128x64xf32, #tpu.memory_space<vmem>>, vector<1x16xf32>,
          %get3A_569 = arith.index_cast %add3A_544 : i32 to index
          %get3A_570 = arith.constant 32 : index
          %get3A_571 = tpu.vector_load %arg12[%get3A_569, %get3A_570] {strides = array<i32>} : memref<128x64xf32, #tpu.memory_space<vmem>>, vector<1x16xf32>,
          %get3A_572 = vector.shape_cast %get3A_571 : vector<1x16xf32> to vector<16xf32>
          %mul3A_573 = arith.mulf %get3A_572, %gather3A_548 : vector<16xf32>
          %swap3A_574 = arith.index_cast %add3A_544 : i32 to index
          %swap3A_575 = arith.constant 32 : index
          %swap3A_576 = tpu.vector_load %arg12[%swap3A_574, %swap3A_575] {strides = array<i32>} : memref<128x64xf32, #tpu.memory_space<vmem>>, vector<1x16xf32>,
          %swap3A_577 = vector.shape_cast %swap3A_576 : vector<1x16xf32> to vector<16xf32>
          %swap3A_578 = vector.shape_cast %mul3A_573 : vector<16xf32> to vector<1x16xf32>
          tpu.vector_store %arg12[%swap3A_574, %swap3A_575], %swap3A_578 {strides = array<i32>} : memref<128x64xf32, #tpu.memory_space<vmem>>, vector<1x16xf32>,
          %get3A_579 = arith.index_cast %add3A_544 : i32 to index
          %get3A_580 = arith.constant 48 : index
          %get3A_581 = tpu.vector_load %arg12[%get3A_579, %get3A_580] {strides = array<i32>} : memref<128x64xf32, #tpu.memory_space<vmem>>, vector<1x16xf32>,
          %get3A_582 = vector.shape_cast %get3A_581 : vector<1x16xf32> to vector<16xf32>
          %mul3A_583 = arith.mulf %get3A_582, %gather3A_548 : vector<16xf32>
          %swap3A_584 = arith.index_cast %add3A_544 : i32 to index
          %swap3A_585 = arith.constant 48 : index
          %swap3A_586 = tpu.vector_load %arg12[%swap3A_584, %swap3A_585] {strides = array<i32>} : memref<128x64xf32, #tpu.memory_space<vmem>>, vector<1x16xf32>,
          %swap3A_587 = vector.shape_cast %swap3A_586 : vector<1x16xf32> to vector<16xf32>
          %swap3A_588 = vector.shape_cast %mul3A_583 : vector<16xf32> to vector<1x16xf32>
          tpu.vector_store %arg12[%swap3A_584, %swap3A_585], %swap3A_588 {strides = array<i32>} : memref<128x64xf32, #tpu.memory_space<vmem>>, vector<1x16xf32>,
          %mul3A_589 = arith.constant 16 : i32
          %mul3A_590 = arith.muli %scan3A_201, %mul3A_589 : i32
          %add3A_591 = arith.constant 8 : i32
          %add3A_592 = arith.addi %mul3A_590, %add3A_591 : i32
          %broadcast_in_dim3A_593 = arith.constant 8 : i32
          %broadcast_in_dim3A_594 = vector.broadcast %broadcast_in_dim3A_593 : i32 to vector<16x1xi32>
          %gather3A_595 = vector.shape_cast %broadcast_in_dim3A_594 : vector<16x1xi32> to vector<16xi32>
          %gather3A_596 = tpu.dynamic_gather %get3A_207[%gather3A_595] in [0] : vector<16xf32>, vector<16xi32> -> vector<16xf32>
          %get3A_597 = arith.index_cast %add3A_592 : i32 to index
          %get3A_598 = arith.constant 0 : index
          %get3A_599 = tpu.vector_load %arg12[%get3A_597, %get3A_598] {strides = array<i32>} : memref<128x64xf32, #tpu.memory_space<vmem>>, vector<1x16xf32>,
          %get3A_600 = vector.shape_cast %get3A_599 : vector<1x16xf32> to vector<16xf32>
          %mul3A_601 = arith.mulf %get3A_600, %gather3A_596 : vector<16xf32>
          %swap3A_602 = arith.index_cast %add3A_592 : i32 to index
          %swap3A_603 = arith.constant 0 : index
          %swap3A_604 = tpu.vector_load %arg12[%swap3A_602, %swap3A_603] {strides = array<i32>} : memref<128x64xf32, #tpu.memory_space<vmem>>, vector<1x16xf32>,
          %swap3A_605 = vector.shape_cast %swap3A_604 : vector<1x16xf32> to vector<16xf32>
          %swap3A_606 = vector.shape_cast %mul3A_601 : vector<16xf32> to vector<1x16xf32>
          tpu.vector_store %arg12[%swap3A_602, %swap3A_603], %swap3A_606 {strides = array<i32>} : memref<128x64xf32, #tpu.memory_space<vmem>>, vector<1x16xf32>,
          %get3A_607 = arith.index_cast %add3A_592 : i32 to index
          %get3A_608 = arith.constant 16 : index
          %get3A_609 = tpu.vector_load %arg12[%get3A_607, %get3A_608] {strides = array<i32>} : memref<128x64xf32, #tpu.memory_space<vmem>>, vector<1x16xf32>,
          %get3A_610 = vector.shape_cast %get3A_609 : vector<1x16xf32> to vector<16xf32>
          %mul3A_611 = arith.mulf %get3A_610, %gather3A_596 : vector<16xf32>
          %swap3A_612 = arith.index_cast %add3A_592 : i32 to index
          %swap3A_613 = arith.constant 16 : index
          %swap3A_614 = tpu.vector_load %arg12[%swap3A_612, %swap3A_613] {strides = array<i32>} : memref<128x64xf32, #tpu.memory_space<vmem>>, vector<1x16xf32>,
          %swap3A_615 = vector.shape_cast %swap3A_614 : vector<1x16xf32> to vector<16xf32>
          %swap3A_616 = vector.shape_cast %mul3A_611 : vector<16xf32> to vector<1x16xf32>
          tpu.vector_store %arg12[%swap3A_612, %swap3A_613], %swap3A_616 {strides = array<i32>} : memref<128x64xf32, #tpu.memory_space<vmem>>, vector<1x16xf32>,
          %get3A_617 = arith.index_cast %add3A_592 : i32 to index
          %get3A_618 = arith.constant 32 : index
          %get3A_619 = tpu.vector_load %arg12[%get3A_617, %get3A_618] {strides = array<i32>} : memref<128x64xf32, #tpu.memory_space<vmem>>, vector<1x16xf32>,
          %get3A_620 = vector.shape_cast %get3A_619 : vector<1x16xf32> to vector<16xf32>
          %mul3A_621 = arith.mulf %get3A_620, %gather3A_596 : vector<16xf32>
          %swap3A_622 = arith.index_cast %add3A_592 : i32 to index
          %swap3A_623 = arith.constant 32 : index
          %swap3A_624 = tpu.vector_load %arg12[%swap3A_622, %swap3A_623] {strides = array<i32>} : memref<128x64xf32, #tpu.memory_space<vmem>>, vector<1x16xf32>,
          %swap3A_625 = vector.shape_cast %swap3A_624 : vector<1x16xf32> to vector<16xf32>
          %swap3A_626 = vector.shape_cast %mul3A_621 : vector<16xf32> to vector<1x16xf32>
          tpu.vector_store %arg12[%swap3A_622, %swap3A_623], %swap3A_626 {strides = array<i32>} : memref<128x64xf32, #tpu.memory_space<vmem>>, vector<1x16xf32>,
          %get3A_627 = arith.index_cast %add3A_592 : i32 to index
          %get3A_628 = arith.constant 48 : index
          %get3A_629 = tpu.vector_load %arg12[%get3A_627, %get3A_628] {strides = array<i32>} : memref<128x64xf32, #tpu.memory_space<vmem>>, vector<1x16xf32>,
          %get3A_630 = vector.shape_cast %get3A_629 : vector<1x16xf32> to vector<16xf32>
          %mul3A_631 = arith.mulf %get3A_630, %gather3A_596 : vector<16xf32>
          %swap3A_632 = arith.index_cast %add3A_592 : i32 to index
          %swap3A_633 = arith.constant 48 : index
          %swap3A_634 = tpu.vector_load %arg12[%swap3A_632, %swap3A_633] {strides = array<i32>} : memref<128x64xf32, #tpu.memory_space<vmem>>, vector<1x16xf32>,
          %swap3A_635 = vector.shape_cast %swap3A_634 : vector<1x16xf32> to vector<16xf32>
          %swap3A_636 = vector.shape_cast %mul3A_631 : vector<16xf32> to vector<1x16xf32>
          tpu.vector_store %arg12[%swap3A_632, %swap3A_633], %swap3A_636 {strides = array<i32>} : memref<128x64xf32, #tpu.memory_space<vmem>>, vector<1x16xf32>,
          %mul3A_637 = arith.constant 16 : i32
          %mul3A_638 = arith.muli %scan3A_201, %mul3A_637 : i32
          %add3A_639 = arith.constant 9 : i32
          %add3A_640 = arith.addi %mul3A_638, %add3A_639 : i32
          %broadcast_in_dim3A_641 = arith.constant 9 : i32
          %broadcast_in_dim3A_642 = vector.broadcast %broadcast_in_dim3A_641 : i32 to vector<16x1xi32>
          %gather3A_643 = vector.shape_cast %broadcast_in_dim3A_642 : vector<16x1xi32> to vector<16xi32>
          %gather3A_644 = tpu.dynamic_gather %get3A_207[%gather3A_643] in [0] : vector<16xf32>, vector<16xi32> -> vector<16xf32>
          %get3A_645 = arith.index_cast %add3A_640 : i32 to index
          %get3A_646 = arith.constant 0 : index
          %get3A_647 = tpu.vector_load %arg12[%get3A_645, %get3A_646] {strides = array<i32>} : memref<128x64xf32, #tpu.memory_space<vmem>>, vector<1x16xf32>,
          %get3A_648 = vector.shape_cast %get3A_647 : vector<1x16xf32> to vector<16xf32>
          %mul3A_649 = arith.mulf %get3A_648, %gather3A_644 : vector<16xf32>
          %swap3A_650 = arith.index_cast %add3A_640 : i32 to index
          %swap3A_651 = arith.constant 0 : index
          %swap3A_652 = tpu.vector_load %arg12[%swap3A_650, %swap3A_651] {strides = array<i32>} : memref<128x64xf32, #tpu.memory_space<vmem>>, vector<1x16xf32>,
          %swap3A_653 = vector.shape_cast %swap3A_652 : vector<1x16xf32> to vector<16xf32>
          %swap3A_654 = vector.shape_cast %mul3A_649 : vector<16xf32> to vector<1x16xf32>
          tpu.vector_store %arg12[%swap3A_650, %swap3A_651], %swap3A_654 {strides = array<i32>} : memref<128x64xf32, #tpu.memory_space<vmem>>, vector<1x16xf32>,
          %get3A_655 = arith.index_cast %add3A_640 : i32 to index
          %get3A_656 = arith.constant 16 : index
          %get3A_657 = tpu.vector_load %arg12[%get3A_655, %get3A_656] {strides = array<i32>} : memref<128x64xf32, #tpu.memory_space<vmem>>, vector<1x16xf32>,
          %get3A_658 = vector.shape_cast %get3A_657 : vector<1x16xf32> to vector<16xf32>
          %mul3A_659 = arith.mulf %get3A_658, %gather3A_644 : vector<16xf32>
          %swap3A_660 = arith.index_cast %add3A_640 : i32 to index
          %swap3A_661 = arith.constant 16 : index
          %swap3A_662 = tpu.vector_load %arg12[%swap3A_660, %swap3A_661] {strides = array<i32>} : memref<128x64xf32, #tpu.memory_space<vmem>>, vector<1x16xf32>,
          %swap3A_663 = vector.shape_cast %swap3A_662 : vector<1x16xf32> to vector<16xf32>
          %swap3A_664 = vector.shape_cast %mul3A_659 : vector<16xf32> to vector<1x16xf32>
          tpu.vector_store %arg12[%swap3A_660, %swap3A_661], %swap3A_664 {strides = array<i32>} : memref<128x64xf32, #tpu.memory_space<vmem>>, vector<1x16xf32>,
          %get3A_665 = arith.index_cast %add3A_640 : i32 to index
          %get3A_666 = arith.constant 32 : index
          %get3A_667 = tpu.vector_load %arg12[%get3A_665, %get3A_666] {strides = array<i32>} : memref<128x64xf32, #tpu.memory_space<vmem>>, vector<1x16xf32>,
          %get3A_668 = vector.shape_cast %get3A_667 : vector<1x16xf32> to vector<16xf32>
          %mul3A_669 = arith.mulf %get3A_668, %gather3A_644 : vector<16xf32>
          %swap3A_670 = arith.index_cast %add3A_640 : i32 to index
          %swap3A_671 = arith.constant 32 : index
          %swap3A_672 = tpu.vector_load %arg12[%swap3A_670, %swap3A_671] {strides = array<i32>} : memref<128x64xf32, #tpu.memory_space<vmem>>, vector<1x16xf32>,
          %swap3A_673 = vector.shape_cast %swap3A_672 : vector<1x16xf32> to vector<16xf32>
          %swap3A_674 = vector.shape_cast %mul3A_669 : vector<16xf32> to vector<1x16xf32>
          tpu.vector_store %arg12[%swap3A_670, %swap3A_671], %swap3A_674 {strides = array<i32>} : memref<128x64xf32, #tpu.memory_space<vmem>>, vector<1x16xf32>,
          %get3A_675 = arith.index_cast %add3A_640 : i32 to index
          %get3A_676 = arith.constant 48 : index
          %get3A_677 = tpu.vector_load %arg12[%get3A_675, %get3A_676] {strides = array<i32>} : memref<128x64xf32, #tpu.memory_space<vmem>>, vector<1x16xf32>,
          %get3A_678 = vector.shape_cast %get3A_677 : vector<1x16xf32> to vector<16xf32>
          %mul3A_679 = arith.mulf %get3A_678, %gather3A_644 : vector<16xf32>
          %swap3A_680 = arith.index_cast %add3A_640 : i32 to index
          %swap3A_681 = arith.constant 48 : index
          %swap3A_682 = tpu.vector_load %arg12[%swap3A_680, %swap3A_681] {strides = array<i32>} : memref<128x64xf32, #tpu.memory_space<vmem>>, vector<1x16xf32>,
          %swap3A_683 = vector.shape_cast %swap3A_682 : vector<1x16xf32> to vector<16xf32>
          %swap3A_684 = vector.shape_cast %mul3A_679 : vector<16xf32> to vector<1x16xf32>
          tpu.vector_store %arg12[%swap3A_680, %swap3A_681], %swap3A_684 {strides = array<i32>} : memref<128x64xf32, #tpu.memory_space<vmem>>, vector<1x16xf32>,
          %mul3A_685 = arith.constant 16 : i32
          %mul3A_686 = arith.muli %scan3A_201, %mul3A_685 : i32
          %add3A_687 = arith.constant 10 : i32
          %add3A_688 = arith.addi %mul3A_686, %add3A_687 : i32
          %broadcast_in_dim3A_689 = arith.constant 10 : i32
          %broadcast_in_dim3A_690 = vector.broadcast %broadcast_in_dim3A_689 : i32 to vector<16x1xi32>
          %gather3A_691 = vector.shape_cast %broadcast_in_dim3A_690 : vector<16x1xi32> to vector<16xi32>
          %gather3A_692 = tpu.dynamic_gather %get3A_207[%gather3A_691] in [0] : vector<16xf32>, vector<16xi32> -> vector<16xf32>
          %get3A_693 = arith.index_cast %add3A_688 : i32 to index
          %get3A_694 = arith.constant 0 : index
          %get3A_695 = tpu.vector_load %arg12[%get3A_693, %get3A_694] {strides = array<i32>} : memref<128x64xf32, #tpu.memory_space<vmem>>, vector<1x16xf32>,
          %get3A_696 = vector.shape_cast %get3A_695 : vector<1x16xf32> to vector<16xf32>
          %mul3A_697 = arith.mulf %get3A_696, %gather3A_692 : vector<16xf32>
          %swap3A_698 = arith.index_cast %add3A_688 : i32 to index
          %swap3A_699 = arith.constant 0 : index
          %swap3A_700 = tpu.vector_load %arg12[%swap3A_698, %swap3A_699] {strides = array<i32>} : memref<128x64xf32, #tpu.memory_space<vmem>>, vector<1x16xf32>,
          %swap3A_701 = vector.shape_cast %swap3A_700 : vector<1x16xf32> to vector<16xf32>
          %swap3A_702 = vector.shape_cast %mul3A_697 : vector<16xf32> to vector<1x16xf32>
          tpu.vector_store %arg12[%swap3A_698, %swap3A_699], %swap3A_702 {strides = array<i32>} : memref<128x64xf32, #tpu.memory_space<vmem>>, vector<1x16xf32>,
          %get3A_703 = arith.index_cast %add3A_688 : i32 to index
          %get3A_704 = arith.constant 16 : index
          %get3A_705 = tpu.vector_load %arg12[%get3A_703, %get3A_704] {strides = array<i32>} : memref<128x64xf32, #tpu.memory_space<vmem>>, vector<1x16xf32>,
          %get3A_706 = vector.shape_cast %get3A_705 : vector<1x16xf32> to vector<16xf32>
          %mul3A_707 = arith.mulf %get3A_706, %gather3A_692 : vector<16xf32>
          %swap3A_708 = arith.index_cast %add3A_688 : i32 to index
          %swap3A_709 = arith.constant 16 : index
          %swap3A_710 = tpu.vector_load %arg12[%swap3A_708, %swap3A_709] {strides = array<i32>} : memref<128x64xf32, #tpu.memory_space<vmem>>, vector<1x16xf32>,
          %swap3A_711 = vector.shape_cast %swap3A_710 : vector<1x16xf32> to vector<16xf32>
          %swap3A_712 = vector.shape_cast %mul3A_707 : vector<16xf32> to vector<1x16xf32>
          tpu.vector_store %arg12[%swap3A_708, %swap3A_709], %swap3A_712 {strides = array<i32>} : memref<128x64xf32, #tpu.memory_space<vmem>>, vector<1x16xf32>,
          %get3A_713 = arith.index_cast %add3A_688 : i32 to index
          %get3A_714 = arith.constant 32 : index
          %get3A_715 = tpu.vector_load %arg12[%get3A_713, %get3A_714] {strides = array<i32>} : memref<128x64xf32, #tpu.memory_space<vmem>>, vector<1x16xf32>,
          %get3A_716 = vector.shape_cast %get3A_715 : vector<1x16xf32> to vector<16xf32>
          %mul3A_717 = arith.mulf %get3A_716, %gather3A_692 : vector<16xf32>
          %swap3A_718 = arith.index_cast %add3A_688 : i32 to index
          %swap3A_719 = arith.constant 32 : index
          %swap3A_720 = tpu.vector_load %arg12[%swap3A_718, %swap3A_719] {strides = array<i32>} : memref<128x64xf32, #tpu.memory_space<vmem>>, vector<1x16xf32>,
          %swap3A_721 = vector.shape_cast %swap3A_720 : vector<1x16xf32> to vector<16xf32>
          %swap3A_722 = vector.shape_cast %mul3A_717 : vector<16xf32> to vector<1x16xf32>
          tpu.vector_store %arg12[%swap3A_718, %swap3A_719], %swap3A_722 {strides = array<i32>} : memref<128x64xf32, #tpu.memory_space<vmem>>, vector<1x16xf32>,
          %get3A_723 = arith.index_cast %add3A_688 : i32 to index
          %get3A_724 = arith.constant 48 : index
          %get3A_725 = tpu.vector_load %arg12[%get3A_723, %get3A_724] {strides = array<i32>} : memref<128x64xf32, #tpu.memory_space<vmem>>, vector<1x16xf32>,
          %get3A_726 = vector.shape_cast %get3A_725 : vector<1x16xf32> to vector<16xf32>
          %mul3A_727 = arith.mulf %get3A_726, %gather3A_692 : vector<16xf32>
          %swap3A_728 = arith.index_cast %add3A_688 : i32 to index
          %swap3A_729 = arith.constant 48 : index
          %swap3A_730 = tpu.vector_load %arg12[%swap3A_728, %swap3A_729] {strides = array<i32>} : memref<128x64xf32, #tpu.memory_space<vmem>>, vector<1x16xf32>,
          %swap3A_731 = vector.shape_cast %swap3A_730 : vector<1x16xf32> to vector<16xf32>
          %swap3A_732 = vector.shape_cast %mul3A_727 : vector<16xf32> to vector<1x16xf32>
          tpu.vector_store %arg12[%swap3A_728, %swap3A_729], %swap3A_732 {strides = array<i32>} : memref<128x64xf32, #tpu.memory_space<vmem>>, vector<1x16xf32>,
          %mul3A_733 = arith.constant 16 : i32
          %mul3A_734 = arith.muli %scan3A_201, %mul3A_733 : i32
          %add3A_735 = arith.constant 11 : i32
          %add3A_736 = arith.addi %mul3A_734, %add3A_735 : i32
          %broadcast_in_dim3A_737 = arith.constant 11 : i32
          %broadcast_in_dim3A_738 = vector.broadcast %broadcast_in_dim3A_737 : i32 to vector<16x1xi32>
          %gather3A_739 = vector.shape_cast %broadcast_in_dim3A_738 : vector<16x1xi32> to vector<16xi32>
          %gather3A_740 = tpu.dynamic_gather %get3A_207[%gather3A_739] in [0] : vector<16xf32>, vector<16xi32> -> vector<16xf32>
          %get3A_741 = arith.index_cast %add3A_736 : i32 to index
          %get3A_742 = arith.constant 0 : index
          %get3A_743 = tpu.vector_load %arg12[%get3A_741, %get3A_742] {strides = array<i32>} : memref<128x64xf32, #tpu.memory_space<vmem>>, vector<1x16xf32>,
          %get3A_744 = vector.shape_cast %get3A_743 : vector<1x16xf32> to vector<16xf32>
          %mul3A_745 = arith.mulf %get3A_744, %gather3A_740 : vector<16xf32>
          %swap3A_746 = arith.index_cast %add3A_736 : i32 to index
          %swap3A_747 = arith.constant 0 : index
          %swap3A_748 = tpu.vector_load %arg12[%swap3A_746, %swap3A_747] {strides = array<i32>} : memref<128x64xf32, #tpu.memory_space<vmem>>, vector<1x16xf32>,
          %swap3A_749 = vector.shape_cast %swap3A_748 : vector<1x16xf32> to vector<16xf32>
          %swap3A_750 = vector.shape_cast %mul3A_745 : vector<16xf32> to vector<1x16xf32>
          tpu.vector_store %arg12[%swap3A_746, %swap3A_747], %swap3A_750 {strides = array<i32>} : memref<128x64xf32, #tpu.memory_space<vmem>>, vector<1x16xf32>,
          %get3A_751 = arith.index_cast %add3A_736 : i32 to index
          %get3A_752 = arith.constant 16 : index
          %get3A_753 = tpu.vector_load %arg12[%get3A_751, %get3A_752] {strides = array<i32>} : memref<128x64xf32, #tpu.memory_space<vmem>>, vector<1x16xf32>,
          %get3A_754 = vector.shape_cast %get3A_753 : vector<1x16xf32> to vector<16xf32>
          %mul3A_755 = arith.mulf %get3A_754, %gather3A_740 : vector<16xf32>
          %swap3A_756 = arith.index_cast %add3A_736 : i32 to index
          %swap3A_757 = arith.constant 16 : index
          %swap3A_758 = tpu.vector_load %arg12[%swap3A_756, %swap3A_757] {strides = array<i32>} : memref<128x64xf32, #tpu.memory_space<vmem>>, vector<1x16xf32>,
          %swap3A_759 = vector.shape_cast %swap3A_758 : vector<1x16xf32> to vector<16xf32>
          %swap3A_760 = vector.shape_cast %mul3A_755 : vector<16xf32> to vector<1x16xf32>
          tpu.vector_store %arg12[%swap3A_756, %swap3A_757], %swap3A_760 {strides = array<i32>} : memref<128x64xf32, #tpu.memory_space<vmem>>, vector<1x16xf32>,
          %get3A_761 = arith.index_cast %add3A_736 : i32 to index
          %get3A_762 = arith.constant 32 : index
          %get3A_763 = tpu.vector_load %arg12[%get3A_761, %get3A_762] {strides = array<i32>} : memref<128x64xf32, #tpu.memory_space<vmem>>, vector<1x16xf32>,
          %get3A_764 = vector.shape_cast %get3A_763 : vector<1x16xf32> to vector<16xf32>
          %mul3A_765 = arith.mulf %get3A_764, %gather3A_740 : vector<16xf32>
          %swap3A_766 = arith.index_cast %add3A_736 : i32 to index
          %swap3A_767 = arith.constant 32 : index
          %swap3A_768 = tpu.vector_load %arg12[%swap3A_766, %swap3A_767] {strides = array<i32>} : memref<128x64xf32, #tpu.memory_space<vmem>>, vector<1x16xf32>,
          %swap3A_769 = vector.shape_cast %swap3A_768 : vector<1x16xf32> to vector<16xf32>
          %swap3A_770 = vector.shape_cast %mul3A_765 : vector<16xf32> to vector<1x16xf32>
          tpu.vector_store %arg12[%swap3A_766, %swap3A_767], %swap3A_770 {strides = array<i32>} : memref<128x64xf32, #tpu.memory_space<vmem>>, vector<1x16xf32>,
          %get3A_771 = arith.index_cast %add3A_736 : i32 to index
          %get3A_772 = arith.constant 48 : index
          %get3A_773 = tpu.vector_load %arg12[%get3A_771, %get3A_772] {strides = array<i32>} : memref<128x64xf32, #tpu.memory_space<vmem>>, vector<1x16xf32>,
          %get3A_774 = vector.shape_cast %get3A_773 : vector<1x16xf32> to vector<16xf32>
          %mul3A_775 = arith.mulf %get3A_774, %gather3A_740 : vector<16xf32>
          %swap3A_776 = arith.index_cast %add3A_736 : i32 to index
          %swap3A_777 = arith.constant 48 : index
          %swap3A_778 = tpu.vector_load %arg12[%swap3A_776, %swap3A_777] {strides = array<i32>} : memref<128x64xf32, #tpu.memory_space<vmem>>, vector<1x16xf32>,
          %swap3A_779 = vector.shape_cast %swap3A_778 : vector<1x16xf32> to vector<16xf32>
          %swap3A_780 = vector.shape_cast %mul3A_775 : vector<16xf32> to vector<1x16xf32>
          tpu.vector_store %arg12[%swap3A_776, %swap3A_777], %swap3A_780 {strides = array<i32>} : memref<128x64xf32, #tpu.memory_space<vmem>>, vector<1x16xf32>,
          %mul3A_781 = arith.constant 16 : i32
          %mul3A_782 = arith.muli %scan3A_201, %mul3A_781 : i32
          %add3A_783 = arith.constant 12 : i32
          %add3A_784 = arith.addi %mul3A_782, %add3A_783 : i32
          %broadcast_in_dim3A_785 = arith.constant 12 : i32
          %broadcast_in_dim3A_786 = vector.broadcast %broadcast_in_dim3A_785 : i32 to vector<16x1xi32>
          %gather3A_787 = vector.shape_cast %broadcast_in_dim3A_786 : vector<16x1xi32> to vector<16xi32>
          %gather3A_788 = tpu.dynamic_gather %get3A_207[%gather3A_787] in [0] : vector<16xf32>, vector<16xi32> -> vector<16xf32>
          %get3A_789 = arith.index_cast %add3A_784 : i32 to index
          %get3A_790 = arith.constant 0 : index
          %get3A_791 = tpu.vector_load %arg12[%get3A_789, %get3A_790] {strides = array<i32>} : memref<128x64xf32, #tpu.memory_space<vmem>>, vector<1x16xf32>,
          %get3A_792 = vector.shape_cast %get3A_791 : vector<1x16xf32> to vector<16xf32>
          %mul3A_793 = arith.mulf %get3A_792, %gather3A_788 : vector<16xf32>
          %swap3A_794 = arith.index_cast %add3A_784 : i32 to index
          %swap3A_795 = arith.constant 0 : index
          %swap3A_796 = tpu.vector_load %arg12[%swap3A_794, %swap3A_795] {strides = array<i32>} : memref<128x64xf32, #tpu.memory_space<vmem>>, vector<1x16xf32>,
          %swap3A_797 = vector.shape_cast %swap3A_796 : vector<1x16xf32> to vector<16xf32>
          %swap3A_798 = vector.shape_cast %mul3A_793 : vector<16xf32> to vector<1x16xf32>
          tpu.vector_store %arg12[%swap3A_794, %swap3A_795], %swap3A_798 {strides = array<i32>} : memref<128x64xf32, #tpu.memory_space<vmem>>, vector<1x16xf32>,
          %get3A_799 = arith.index_cast %add3A_784 : i32 to index
          %get3A_800 = arith.constant 16 : index
          %get3A_801 = tpu.vector_load %arg12[%get3A_799, %get3A_800] {strides = array<i32>} : memref<128x64xf32, #tpu.memory_space<vmem>>, vector<1x16xf32>,
          %get3A_802 = vector.shape_cast %get3A_801 : vector<1x16xf32> to vector<16xf32>
          %mul3A_803 = arith.mulf %get3A_802, %gather3A_788 : vector<16xf32>
          %swap3A_804 = arith.index_cast %add3A_784 : i32 to index
          %swap3A_805 = arith.constant 16 : index
          %swap3A_806 = tpu.vector_load %arg12[%swap3A_804, %swap3A_805] {strides = array<i32>} : memref<128x64xf32, #tpu.memory_space<vmem>>, vector<1x16xf32>,
          %swap3A_807 = vector.shape_cast %swap3A_806 : vector<1x16xf32> to vector<16xf32>
          %swap3A_808 = vector.shape_cast %mul3A_803 : vector<16xf32> to vector<1x16xf32>
          tpu.vector_store %arg12[%swap3A_804, %swap3A_805], %swap3A_808 {strides = array<i32>} : memref<128x64xf32, #tpu.memory_space<vmem>>, vector<1x16xf32>,
          %get3A_809 = arith.index_cast %add3A_784 : i32 to index
          %get3A_810 = arith.constant 32 : index
          %get3A_811 = tpu.vector_load %arg12[%get3A_809, %get3A_810] {strides = array<i32>} : memref<128x64xf32, #tpu.memory_space<vmem>>, vector<1x16xf32>,
          %get3A_812 = vector.shape_cast %get3A_811 : vector<1x16xf32> to vector<16xf32>
          %mul3A_813 = arith.mulf %get3A_812, %gather3A_788 : vector<16xf32>
          %swap3A_814 = arith.index_cast %add3A_784 : i32 to index
          %swap3A_815 = arith.constant 32 : index
          %swap3A_816 = tpu.vector_load %arg12[%swap3A_814, %swap3A_815] {strides = array<i32>} : memref<128x64xf32, #tpu.memory_space<vmem>>, vector<1x16xf32>,
          %swap3A_817 = vector.shape_cast %swap3A_816 : vector<1x16xf32> to vector<16xf32>
          %swap3A_818 = vector.shape_cast %mul3A_813 : vector<16xf32> to vector<1x16xf32>
          tpu.vector_store %arg12[%swap3A_814, %swap3A_815], %swap3A_818 {strides = array<i32>} : memref<128x64xf32, #tpu.memory_space<vmem>>, vector<1x16xf32>,
          %get3A_819 = arith.index_cast %add3A_784 : i32 to index
          %get3A_820 = arith.constant 48 : index
          %get3A_821 = tpu.vector_load %arg12[%get3A_819, %get3A_820] {strides = array<i32>} : memref<128x64xf32, #tpu.memory_space<vmem>>, vector<1x16xf32>,
          %get3A_822 = vector.shape_cast %get3A_821 : vector<1x16xf32> to vector<16xf32>
          %mul3A_823 = arith.mulf %get3A_822, %gather3A_788 : vector<16xf32>
          %swap3A_824 = arith.index_cast %add3A_784 : i32 to index
          %swap3A_825 = arith.constant 48 : index
          %swap3A_826 = tpu.vector_load %arg12[%swap3A_824, %swap3A_825] {strides = array<i32>} : memref<128x64xf32, #tpu.memory_space<vmem>>, vector<1x16xf32>,
          %swap3A_827 = vector.shape_cast %swap3A_826 : vector<1x16xf32> to vector<16xf32>
          %swap3A_828 = vector.shape_cast %mul3A_823 : vector<16xf32> to vector<1x16xf32>
          tpu.vector_store %arg12[%swap3A_824, %swap3A_825], %swap3A_828 {strides = array<i32>} : memref<128x64xf32, #tpu.memory_space<vmem>>, vector<1x16xf32>,
          %mul3A_829 = arith.constant 16 : i32
          %mul3A_830 = arith.muli %scan3A_201, %mul3A_829 : i32
          %add3A_831 = arith.constant 13 : i32
          %add3A_832 = arith.addi %mul3A_830, %add3A_831 : i32
          %broadcast_in_dim3A_833 = arith.constant 13 : i32
          %broadcast_in_dim3A_834 = vector.broadcast %broadcast_in_dim3A_833 : i32 to vector<16x1xi32>
          %gather3A_835 = vector.shape_cast %broadcast_in_dim3A_834 : vector<16x1xi32> to vector<16xi32>
          %gather3A_836 = tpu.dynamic_gather %get3A_207[%gather3A_835] in [0] : vector<16xf32>, vector<16xi32> -> vector<16xf32>
          %get3A_837 = arith.index_cast %add3A_832 : i32 to index
          %get3A_838 = arith.constant 0 : index
          %get3A_839 = tpu.vector_load %arg12[%get3A_837, %get3A_838] {strides = array<i32>} : memref<128x64xf32, #tpu.memory_space<vmem>>, vector<1x16xf32>,
          %get3A_840 = vector.shape_cast %get3A_839 : vector<1x16xf32> to vector<16xf32>
          %mul3A_841 = arith.mulf %get3A_840, %gather3A_836 : vector<16xf32>
          %swap3A_842 = arith.index_cast %add3A_832 : i32 to index
          %swap3A_843 = arith.constant 0 : index
          %swap3A_844 = tpu.vector_load %arg12[%swap3A_842, %swap3A_843] {strides = array<i32>} : memref<128x64xf32, #tpu.memory_space<vmem>>, vector<1x16xf32>,
          %swap3A_845 = vector.shape_cast %swap3A_844 : vector<1x16xf32> to vector<16xf32>
          %swap3A_846 = vector.shape_cast %mul3A_841 : vector<16xf32> to vector<1x16xf32>
          tpu.vector_store %arg12[%swap3A_842, %swap3A_843], %swap3A_846 {strides = array<i32>} : memref<128x64xf32, #tpu.memory_space<vmem>>, vector<1x16xf32>,
          %get3A_847 = arith.index_cast %add3A_832 : i32 to index
          %get3A_848 = arith.constant 16 : index
          %get3A_849 = tpu.vector_load %arg12[%get3A_847, %get3A_848] {strides = array<i32>} : memref<128x64xf32, #tpu.memory_space<vmem>>, vector<1x16xf32>,
          %get3A_850 = vector.shape_cast %get3A_849 : vector<1x16xf32> to vector<16xf32>
          %mul3A_851 = arith.mulf %get3A_850, %gather3A_836 : vector<16xf32>
          %swap3A_852 = arith.index_cast %add3A_832 : i32 to index
          %swap3A_853 = arith.constant 16 : index
          %swap3A_854 = tpu.vector_load %arg12[%swap3A_852, %swap3A_853] {strides = array<i32>} : memref<128x64xf32, #tpu.memory_space<vmem>>, vector<1x16xf32>,
          %swap3A_855 = vector.shape_cast %swap3A_854 : vector<1x16xf32> to vector<16xf32>
          %swap3A_856 = vector.shape_cast %mul3A_851 : vector<16xf32> to vector<1x16xf32>
          tpu.vector_store %arg12[%swap3A_852, %swap3A_853], %swap3A_856 {strides = array<i32>} : memref<128x64xf32, #tpu.memory_space<vmem>>, vector<1x16xf32>,
          %get3A_857 = arith.index_cast %add3A_832 : i32 to index
          %get3A_858 = arith.constant 32 : index
          %get3A_859 = tpu.vector_load %arg12[%get3A_857, %get3A_858] {strides = array<i32>} : memref<128x64xf32, #tpu.memory_space<vmem>>, vector<1x16xf32>,
          %get3A_860 = vector.shape_cast %get3A_859 : vector<1x16xf32> to vector<16xf32>
          %mul3A_861 = arith.mulf %get3A_860, %gather3A_836 : vector<16xf32>
          %swap3A_862 = arith.index_cast %add3A_832 : i32 to index
          %swap3A_863 = arith.constant 32 : index
          %swap3A_864 = tpu.vector_load %arg12[%swap3A_862, %swap3A_863] {strides = array<i32>} : memref<128x64xf32, #tpu.memory_space<vmem>>, vector<1x16xf32>,
          %swap3A_865 = vector.shape_cast %swap3A_864 : vector<1x16xf32> to vector<16xf32>
          %swap3A_866 = vector.shape_cast %mul3A_861 : vector<16xf32> to vector<1x16xf32>
          tpu.vector_store %arg12[%swap3A_862, %swap3A_863], %swap3A_866 {strides = array<i32>} : memref<128x64xf32, #tpu.memory_space<vmem>>, vector<1x16xf32>,
          %get3A_867 = arith.index_cast %add3A_832 : i32 to index
          %get3A_868 = arith.constant 48 : index
          %get3A_869 = tpu.vector_load %arg12[%get3A_867, %get3A_868] {strides = array<i32>} : memref<128x64xf32, #tpu.memory_space<vmem>>, vector<1x16xf32>,
          %get3A_870 = vector.shape_cast %get3A_869 : vector<1x16xf32> to vector<16xf32>
          %mul3A_871 = arith.mulf %get3A_870, %gather3A_836 : vector<16xf32>
          %swap3A_872 = arith.index_cast %add3A_832 : i32 to index
          %swap3A_873 = arith.constant 48 : index
          %swap3A_874 = tpu.vector_load %arg12[%swap3A_872, %swap3A_873] {strides = array<i32>} : memref<128x64xf32, #tpu.memory_space<vmem>>, vector<1x16xf32>,
          %swap3A_875 = vector.shape_cast %swap3A_874 : vector<1x16xf32> to vector<16xf32>
          %swap3A_876 = vector.shape_cast %mul3A_871 : vector<16xf32> to vector<1x16xf32>
          tpu.vector_store %arg12[%swap3A_872, %swap3A_873], %swap3A_876 {strides = array<i32>} : memref<128x64xf32, #tpu.memory_space<vmem>>, vector<1x16xf32>,
          %mul3A_877 = arith.constant 16 : i32
          %mul3A_878 = arith.muli %scan3A_201, %mul3A_877 : i32
          %add3A_879 = arith.constant 14 : i32
          %add3A_880 = arith.addi %mul3A_878, %add3A_879 : i32
          %broadcast_in_dim3A_881 = arith.constant 14 : i32
          %broadcast_in_dim3A_882 = vector.broadcast %broadcast_in_dim3A_881 : i32 to vector<16x1xi32>
          %gather3A_883 = vector.shape_cast %broadcast_in_dim3A_882 : vector<16x1xi32> to vector<16xi32>
          %gather3A_884 = tpu.dynamic_gather %get3A_207[%gather3A_883] in [0] : vector<16xf32>, vector<16xi32> -> vector<16xf32>
          %get3A_885 = arith.index_cast %add3A_880 : i32 to index
          %get3A_886 = arith.constant 0 : index
          %get3A_887 = tpu.vector_load %arg12[%get3A_885, %get3A_886] {strides = array<i32>} : memref<128x64xf32, #tpu.memory_space<vmem>>, vector<1x16xf32>,
          %get3A_888 = vector.shape_cast %get3A_887 : vector<1x16xf32> to vector<16xf32>
          %mul3A_889 = arith.mulf %get3A_888, %gather3A_884 : vector<16xf32>
          %swap3A_890 = arith.index_cast %add3A_880 : i32 to index
          %swap3A_891 = arith.constant 0 : index
          %swap3A_892 = tpu.vector_load %arg12[%swap3A_890, %swap3A_891] {strides = array<i32>} : memref<128x64xf32, #tpu.memory_space<vmem>>, vector<1x16xf32>,
          %swap3A_893 = vector.shape_cast %swap3A_892 : vector<1x16xf32> to vector<16xf32>
          %swap3A_894 = vector.shape_cast %mul3A_889 : vector<16xf32> to vector<1x16xf32>
          tpu.vector_store %arg12[%swap3A_890, %swap3A_891], %swap3A_894 {strides = array<i32>} : memref<128x64xf32, #tpu.memory_space<vmem>>, vector<1x16xf32>,
          %get3A_895 = arith.index_cast %add3A_880 : i32 to index
          %get3A_896 = arith.constant 16 : index
          %get3A_897 = tpu.vector_load %arg12[%get3A_895, %get3A_896] {strides = array<i32>} : memref<128x64xf32, #tpu.memory_space<vmem>>, vector<1x16xf32>,
          %get3A_898 = vector.shape_cast %get3A_897 : vector<1x16xf32> to vector<16xf32>
          %mul3A_899 = arith.mulf %get3A_898, %gather3A_884 : vector<16xf32>
          %swap3A_900 = arith.index_cast %add3A_880 : i32 to index
          %swap3A_901 = arith.constant 16 : index
          %swap3A_902 = tpu.vector_load %arg12[%swap3A_900, %swap3A_901] {strides = array<i32>} : memref<128x64xf32, #tpu.memory_space<vmem>>, vector<1x16xf32>,
          %swap3A_903 = vector.shape_cast %swap3A_902 : vector<1x16xf32> to vector<16xf32>
          %swap3A_904 = vector.shape_cast %mul3A_899 : vector<16xf32> to vector<1x16xf32>
          tpu.vector_store %arg12[%swap3A_900, %swap3A_901], %swap3A_904 {strides = array<i32>} : memref<128x64xf32, #tpu.memory_space<vmem>>, vector<1x16xf32>,
          %get3A_905 = arith.index_cast %add3A_880 : i32 to index
          %get3A_906 = arith.constant 32 : index
          %get3A_907 = tpu.vector_load %arg12[%get3A_905, %get3A_906] {strides = array<i32>} : memref<128x64xf32, #tpu.memory_space<vmem>>, vector<1x16xf32>,
          %get3A_908 = vector.shape_cast %get3A_907 : vector<1x16xf32> to vector<16xf32>
          %mul3A_909 = arith.mulf %get3A_908, %gather3A_884 : vector<16xf32>
          %swap3A_910 = arith.index_cast %add3A_880 : i32 to index
          %swap3A_911 = arith.constant 32 : index
          %swap3A_912 = tpu.vector_load %arg12[%swap3A_910, %swap3A_911] {strides = array<i32>} : memref<128x64xf32, #tpu.memory_space<vmem>>, vector<1x16xf32>,
          %swap3A_913 = vector.shape_cast %swap3A_912 : vector<1x16xf32> to vector<16xf32>
          %swap3A_914 = vector.shape_cast %mul3A_909 : vector<16xf32> to vector<1x16xf32>
          tpu.vector_store %arg12[%swap3A_910, %swap3A_911], %swap3A_914 {strides = array<i32>} : memref<128x64xf32, #tpu.memory_space<vmem>>, vector<1x16xf32>,
          %get3A_915 = arith.index_cast %add3A_880 : i32 to index
          %get3A_916 = arith.constant 48 : index
          %get3A_917 = tpu.vector_load %arg12[%get3A_915, %get3A_916] {strides = array<i32>} : memref<128x64xf32, #tpu.memory_space<vmem>>, vector<1x16xf32>,
          %get3A_918 = vector.shape_cast %get3A_917 : vector<1x16xf32> to vector<16xf32>
          %mul3A_919 = arith.mulf %get3A_918, %gather3A_884 : vector<16xf32>
          %swap3A_920 = arith.index_cast %add3A_880 : i32 to index
          %swap3A_921 = arith.constant 48 : index
          %swap3A_922 = tpu.vector_load %arg12[%swap3A_920, %swap3A_921] {strides = array<i32>} : memref<128x64xf32, #tpu.memory_space<vmem>>, vector<1x16xf32>,
          %swap3A_923 = vector.shape_cast %swap3A_922 : vector<1x16xf32> to vector<16xf32>
          %swap3A_924 = vector.shape_cast %mul3A_919 : vector<16xf32> to vector<1x16xf32>
          tpu.vector_store %arg12[%swap3A_920, %swap3A_921], %swap3A_924 {strides = array<i32>} : memref<128x64xf32, #tpu.memory_space<vmem>>, vector<1x16xf32>,
          %mul3A_925 = arith.constant 16 : i32
          %mul3A_926 = arith.muli %scan3A_201, %mul3A_925 : i32
          %add3A_927 = arith.constant 15 : i32
          %add3A_928 = arith.addi %mul3A_926, %add3A_927 : i32
          %broadcast_in_dim3A_929 = arith.constant 15 : i32
          %broadcast_in_dim3A_930 = vector.broadcast %broadcast_in_dim3A_929 : i32 to vector<16x1xi32>
          %gather3A_931 = vector.shape_cast %broadcast_in_dim3A_930 : vector<16x1xi32> to vector<16xi32>
          %gather3A_932 = tpu.dynamic_gather %get3A_207[%gather3A_931] in [0] : vector<16xf32>, vector<16xi32> -> vector<16xf32>
          %get3A_933 = arith.index_cast %add3A_928 : i32 to index
          %get3A_934 = arith.constant 0 : index
          %get3A_935 = tpu.vector_load %arg12[%get3A_933, %get3A_934] {strides = array<i32>} : memref<128x64xf32, #tpu.memory_space<vmem>>, vector<1x16xf32>,
          %get3A_936 = vector.shape_cast %get3A_935 : vector<1x16xf32> to vector<16xf32>
          %mul3A_937 = arith.mulf %get3A_936, %gather3A_932 : vector<16xf32>
          %swap3A_938 = arith.index_cast %add3A_928 : i32 to index
          %swap3A_939 = arith.constant 0 : index
          %swap3A_940 = tpu.vector_load %arg12[%swap3A_938, %swap3A_939] {strides = array<i32>} : memref<128x64xf32, #tpu.memory_space<vmem>>, vector<1x16xf32>,
          %swap3A_941 = vector.shape_cast %swap3A_940 : vector<1x16xf32> to vector<16xf32>
          %swap3A_942 = vector.shape_cast %mul3A_937 : vector<16xf32> to vector<1x16xf32>
          tpu.vector_store %arg12[%swap3A_938, %swap3A_939], %swap3A_942 {strides = array<i32>} : memref<128x64xf32, #tpu.memory_space<vmem>>, vector<1x16xf32>,
          %get3A_943 = arith.index_cast %add3A_928 : i32 to index
          %get3A_944 = arith.constant 16 : index
          %get3A_945 = tpu.vector_load %arg12[%get3A_943, %get3A_944] {strides = array<i32>} : memref<128x64xf32, #tpu.memory_space<vmem>>, vector<1x16xf32>,
          %get3A_946 = vector.shape_cast %get3A_945 : vector<1x16xf32> to vector<16xf32>
          %mul3A_947 = arith.mulf %get3A_946, %gather3A_932 : vector<16xf32>
          %swap3A_948 = arith.index_cast %add3A_928 : i32 to index
          %swap3A_949 = arith.constant 16 : index
          %swap3A_950 = tpu.vector_load %arg12[%swap3A_948, %swap3A_949] {strides = array<i32>} : memref<128x64xf32, #tpu.memory_space<vmem>>, vector<1x16xf32>,
          %swap3A_951 = vector.shape_cast %swap3A_950 : vector<1x16xf32> to vector<16xf32>
          %swap3A_952 = vector.shape_cast %mul3A_947 : vector<16xf32> to vector<1x16xf32>
          tpu.vector_store %arg12[%swap3A_948, %swap3A_949], %swap3A_952 {strides = array<i32>} : memref<128x64xf32, #tpu.memory_space<vmem>>, vector<1x16xf32>,
          %get3A_953 = arith.index_cast %add3A_928 : i32 to index
          %get3A_954 = arith.constant 32 : index
          %get3A_955 = tpu.vector_load %arg12[%get3A_953, %get3A_954] {strides = array<i32>} : memref<128x64xf32, #tpu.memory_space<vmem>>, vector<1x16xf32>,
          %get3A_956 = vector.shape_cast %get3A_955 : vector<1x16xf32> to vector<16xf32>
          %mul3A_957 = arith.mulf %get3A_956, %gather3A_932 : vector<16xf32>
          %swap3A_958 = arith.index_cast %add3A_928 : i32 to index
          %swap3A_959 = arith.constant 32 : index
          %swap3A_960 = tpu.vector_load %arg12[%swap3A_958, %swap3A_959] {strides = array<i32>} : memref<128x64xf32, #tpu.memory_space<vmem>>, vector<1x16xf32>,
          %swap3A_961 = vector.shape_cast %swap3A_960 : vector<1x16xf32> to vector<16xf32>
          %swap3A_962 = vector.shape_cast %mul3A_957 : vector<16xf32> to vector<1x16xf32>
          tpu.vector_store %arg12[%swap3A_958, %swap3A_959], %swap3A_962 {strides = array<i32>} : memref<128x64xf32, #tpu.memory_space<vmem>>, vector<1x16xf32>,
          %get3A_963 = arith.index_cast %add3A_928 : i32 to index
          %get3A_964 = arith.constant 48 : index
          %get3A_965 = tpu.vector_load %arg12[%get3A_963, %get3A_964] {strides = array<i32>} : memref<128x64xf32, #tpu.memory_space<vmem>>, vector<1x16xf32>,
          %get3A_966 = vector.shape_cast %get3A_965 : vector<1x16xf32> to vector<16xf32>
          %mul3A_967 = arith.mulf %get3A_966, %gather3A_932 : vector<16xf32>
          %swap3A_968 = arith.index_cast %add3A_928 : i32 to index
          %swap3A_969 = arith.constant 48 : index
          %swap3A_970 = tpu.vector_load %arg12[%swap3A_968, %swap3A_969] {strides = array<i32>} : memref<128x64xf32, #tpu.memory_space<vmem>>, vector<1x16xf32>,
          %swap3A_971 = vector.shape_cast %swap3A_970 : vector<1x16xf32> to vector<16xf32>
          %swap3A_972 = vector.shape_cast %mul3A_967 : vector<16xf32> to vector<1x16xf32>
          tpu.vector_store %arg12[%swap3A_968, %swap3A_969], %swap3A_972 {strides = array<i32>} : memref<128x64xf32, #tpu.memory_space<vmem>>, vector<1x16xf32>,
          %scan3A_973 = arith.constant 0 : i32
          scf.yield %scan3A_973 : i32
        }
        %scan3A_199 = arith.constant 8 : i32
        "tpu.region"() ({
          %run_scoped3A = tpu.sem_alloc : memref<!tpu.dma_semaphore, #tpu.memory_space<semaphore_mem>>
          %dma_start3A_201 = arith.constant 0 : i32
          %dma_start3A_202 = arith.constant 0 : i32
          %dma_start3A_203 = tpu.memref_slice %arg17[%dma_start3A_201, %dma_start3A_202] : memref<10240x64xf32, #tpu.memory_space<vmem_shared>> -> memref<10240x64xf32, #tpu.memory_space<vmem_shared>>
          tpu.enqueue_indirect_dma source(%arg12 : memref<128x64xf32, #tpu.memory_space<vmem>>) target(%dma_start3A_203 : memref<10240x64xf32, #tpu.memory_space<vmem_shared>>) offsets(%arg10 : memref<128xi32, #tpu.memory_space<vmem>>) semaphore(%run_scoped3A : memref<!tpu.dma_semaphore, #tpu.memory_space<semaphore_mem>>) {add = true}
          %dma_wait3A_204 = arith.constant 0 : i32
          %dma_wait3A_205 = arith.constant 0 : i32
          %dma_wait3A_206 = tpu.memref_slice %arg17[%dma_wait3A_204, %dma_wait3A_205] : memref<10240x64xf32, #tpu.memory_space<vmem_shared>> -> memref<10240x64xf32, #tpu.memory_space<vmem_shared>>
          tpu.wait_indirect_dma semaphore(%run_scoped3A : memref<!tpu.dma_semaphore, #tpu.memory_space<semaphore_mem>>) src(%arg12 : memref<128x64xf32, #tpu.memory_space<vmem>>) dst(%dma_wait3A_206 : memref<10240x64xf32, #tpu.memory_space<vmem_shared>>)
          tpu.yield
        }) : () -> ()
        %scan3A_200 = arith.constant 0 : i32
        scf.yield %scan3A_200 : i32
      }
      %scan3A_119 = arith.constant 156 : i32
      %lt3A = arith.constant 4 : i32
      %lt3A_120 = arith.cmpi slt, %arg1, %lt3A : i32
      %convert_element_type3A = arith.extui %lt3A_120 : i1 to i32
      %cond3A = arith.constant 0 : i32
      %cond3A_121 = arith.cmpi ne, %convert_element_type3A, %cond3A : i32
      scf.if %cond3A_121 {
        %add3A_180 = arith.constant 2496 : i32
        %add3A_181 = arith.addi %add3A_180, %arg1 : i32
        %mul3A_182 = arith.constant 128 : i32
        %mul3A_183 = arith.muli %add3A_181, %mul3A_182 : i32
        %multiple_of3A_184 = tpu.assume_multiple %mul3A_183, 128 : i32
        %add3A_185 = arith.addi %multiple_of3A_6, %multiple_of3A_184 : i32
        "tpu.region"() ({
          %run_scoped3A = tpu.sem_alloc : memref<!tpu.dma_semaphore, #tpu.memory_space<semaphore_mem>>
          %dma_start3A_197 = tpu.memref_slice %arg3[%add3A_185] : memref<640000xi32, #tpu.memory_space<hbm>> -> memref<128xi32, #tpu.memory_space<hbm>>
          %dma_start3A_198 = tpu.memref_slice %arg3[%add3A_185] : memref<640000xi32, #tpu.memory_space<hbm>> -> memref<128xi32, #tpu.memory_space<hbm>>
          tpu.enqueue_dma source(%dma_start3A_198 : memref<128xi32, #tpu.memory_space<hbm>>) target(%arg9 : memref<128xi32, #tpu.memory_space<vmem>>) target_semaphore(%run_scoped3A : memref<!tpu.dma_semaphore, #tpu.memory_space<semaphore_mem>>)
          %dma_wait3A_199 = tpu.memref_slice %arg3[%add3A_185] : memref<640000xi32, #tpu.memory_space<hbm>> -> memref<128xi32, #tpu.memory_space<hbm>>
          %dma_wait3A_200 = tpu.memref_slice %arg3[%add3A_185] : memref<640000xi32, #tpu.memory_space<hbm>> -> memref<128xi32, #tpu.memory_space<hbm>>
          tpu.wait_dma2 semaphore(%run_scoped3A : memref<!tpu.dma_semaphore, #tpu.memory_space<semaphore_mem>>) src(%dma_wait3A_200 : memref<128xi32, #tpu.memory_space<hbm>>) dst(%arg9 : memref<128xi32, #tpu.memory_space<vmem>>)
          tpu.yield
        }) : () -> ()
        "tpu.region"() ({
          %run_scoped3A = tpu.sem_alloc : memref<!tpu.dma_semaphore, #tpu.memory_space<semaphore_mem>>
          %dma_start3A_197 = tpu.memref_slice %arg4[%multiple_of3A_184] : memref<320000xi32, #tpu.memory_space<hbm>> -> memref<128xi32, #tpu.memory_space<hbm>>
          %dma_start3A_198 = tpu.memref_slice %arg4[%multiple_of3A_184] : memref<320000xi32, #tpu.memory_space<hbm>> -> memref<128xi32, #tpu.memory_space<hbm>>
          tpu.enqueue_dma source(%dma_start3A_198 : memref<128xi32, #tpu.memory_space<hbm>>) target(%arg10 : memref<128xi32, #tpu.memory_space<vmem>>) target_semaphore(%run_scoped3A : memref<!tpu.dma_semaphore, #tpu.memory_space<semaphore_mem>>)
          %dma_wait3A_199 = tpu.memref_slice %arg4[%multiple_of3A_184] : memref<320000xi32, #tpu.memory_space<hbm>> -> memref<128xi32, #tpu.memory_space<hbm>>
          %dma_wait3A_200 = tpu.memref_slice %arg4[%multiple_of3A_184] : memref<320000xi32, #tpu.memory_space<hbm>> -> memref<128xi32, #tpu.memory_space<hbm>>
          tpu.wait_dma2 semaphore(%run_scoped3A : memref<!tpu.dma_semaphore, #tpu.memory_space<semaphore_mem>>) src(%dma_wait3A_200 : memref<128xi32, #tpu.memory_space<hbm>>) dst(%arg10 : memref<128xi32, #tpu.memory_space<vmem>>)
          tpu.yield
        }) : () -> ()
        "tpu.region"() ({
          %run_scoped3A = tpu.sem_alloc : memref<!tpu.dma_semaphore, #tpu.memory_space<semaphore_mem>>
          %dma_start3A_197 = tpu.memref_slice %arg5[%multiple_of3A_184] : memref<320000xf32, #tpu.memory_space<hbm>> -> memref<128xf32, #tpu.memory_space<hbm>>
          %dma_start3A_198 = tpu.memref_slice %arg5[%multiple_of3A_184] : memref<320000xf32, #tpu.memory_space<hbm>> -> memref<128xf32, #tpu.memory_space<hbm>>
          tpu.enqueue_dma source(%dma_start3A_198 : memref<128xf32, #tpu.memory_space<hbm>>) target(%arg11 : memref<128xf32, #tpu.memory_space<vmem>>) target_semaphore(%run_scoped3A : memref<!tpu.dma_semaphore, #tpu.memory_space<semaphore_mem>>)
          %dma_wait3A_199 = tpu.memref_slice %arg5[%multiple_of3A_184] : memref<320000xf32, #tpu.memory_space<hbm>> -> memref<128xf32, #tpu.memory_space<hbm>>
          %dma_wait3A_200 = tpu.memref_slice %arg5[%multiple_of3A_184] : memref<320000xf32, #tpu.memory_space<hbm>> -> memref<128xf32, #tpu.memory_space<hbm>>
          tpu.wait_dma2 semaphore(%run_scoped3A : memref<!tpu.dma_semaphore, #tpu.memory_space<semaphore_mem>>) src(%dma_wait3A_200 : memref<128xf32, #tpu.memory_space<hbm>>) dst(%arg11 : memref<128xf32, #tpu.memory_space<vmem>>)
          tpu.yield
        }) : () -> ()
        %dma_start3A = arith.constant 0 : i32
        %dma_start3A_186 = arith.constant 0 : i32
        %dma_start3A_187 = tpu.memref_slice %arg8[%dma_start3A, %dma_start3A_186] : memref<20480x64xf32, #tpu.memory_space<hbm>> -> memref<20480x64xf32, #tpu.memory_space<hbm>>
        tpu.enqueue_indirect_dma source(%dma_start3A_187 : memref<20480x64xf32, #tpu.memory_space<hbm>>) target(%arg12 : memref<128x64xf32, #tpu.memory_space<vmem>>) offsets(%arg9 : memref<128xi32, #tpu.memory_space<vmem>>) semaphore(%arg18 : memref<!tpu.dma_semaphore, #tpu.memory_space<semaphore_mem>>)
        %dma_wait3A = arith.constant 0 : i32
        %dma_wait3A_188 = arith.constant 0 : i32
        %dma_wait3A_189 = tpu.memref_slice %arg8[%dma_wait3A, %dma_wait3A_188] : memref<20480x64xf32, #tpu.memory_space<hbm>> -> memref<20480x64xf32, #tpu.memory_space<hbm>>
        tpu.wait_indirect_dma semaphore(%arg18 : memref<!tpu.dma_semaphore, #tpu.memory_space<semaphore_mem>>) src(%dma_wait3A_189 : memref<20480x64xf32, #tpu.memory_space<hbm>>) dst(%arg12 : memref<128x64xf32, #tpu.memory_space<vmem>>)
        %scan3A_190 = arith.constant 0 : i32
        %scan3A_191 = arith.constant 0 : i32
        %scan3A_192 = arith.constant 8 : i32
        %scan3A_193 = arith.addi %scan3A_191, %scan3A_192 : i32
        %scan3A_194 = arith.constant 1 : i32
        %scan3A_195 = scf.for %scan3A_197 = %scan3A_191 to %scan3A_193 step %scan3A_194 iter_args(%scan3A_198 = %scan3A_190) -> (i32)  : i32 {
          %mul3A_199 = arith.constant 16 : i32
          %mul3A_200 = arith.muli %scan3A_197, %mul3A_199 : i32
          %get3A_201 = arith.index_cast %mul3A_200 : i32 to index
          %get3A_202 = tpu.vector_load %arg11[%get3A_201] {strides = array<i32>} : memref<128xf32, #tpu.memory_space<vmem>>, vector<16xf32>,
          %get3A_203 = vector.shape_cast %get3A_202 : vector<16xf32> to vector<16xf32>
          %mul3A_204 = arith.constant 16 : i32
          %mul3A_205 = arith.muli %scan3A_197, %mul3A_204 : i32
          %add3A_206 = arith.constant 0 : i32
          %add3A_207 = arith.addi %mul3A_205, %add3A_206 : i32
          %broadcast_in_dim3A = arith.constant 0 : i32
          %broadcast_in_dim3A_208 = vector.broadcast %broadcast_in_dim3A : i32 to vector<16x1xi32>
          %gather3A = vector.shape_cast %broadcast_in_dim3A_208 : vector<16x1xi32> to vector<16xi32>
          %gather3A_209 = tpu.dynamic_gather %get3A_203[%gather3A] in [0] : vector<16xf32>, vector<16xi32> -> vector<16xf32>
          %get3A_210 = arith.index_cast %add3A_207 : i32 to index
          %get3A_211 = arith.constant 0 : index
          %get3A_212 = tpu.vector_load %arg12[%get3A_210, %get3A_211] {strides = array<i32>} : memref<128x64xf32, #tpu.memory_space<vmem>>, vector<1x16xf32>,
          %get3A_213 = vector.shape_cast %get3A_212 : vector<1x16xf32> to vector<16xf32>
          %mul3A_214 = arith.mulf %get3A_213, %gather3A_209 : vector<16xf32>
          %swap3A = arith.index_cast %add3A_207 : i32 to index
          %swap3A_215 = arith.constant 0 : index
          %swap3A_216 = tpu.vector_load %arg12[%swap3A, %swap3A_215] {strides = array<i32>} : memref<128x64xf32, #tpu.memory_space<vmem>>, vector<1x16xf32>,
          %swap3A_217 = vector.shape_cast %swap3A_216 : vector<1x16xf32> to vector<16xf32>
          %swap3A_218 = vector.shape_cast %mul3A_214 : vector<16xf32> to vector<1x16xf32>
          tpu.vector_store %arg12[%swap3A, %swap3A_215], %swap3A_218 {strides = array<i32>} : memref<128x64xf32, #tpu.memory_space<vmem>>, vector<1x16xf32>,
          %get3A_219 = arith.index_cast %add3A_207 : i32 to index
          %get3A_220 = arith.constant 16 : index
          %get3A_221 = tpu.vector_load %arg12[%get3A_219, %get3A_220] {strides = array<i32>} : memref<128x64xf32, #tpu.memory_space<vmem>>, vector<1x16xf32>,
          %get3A_222 = vector.shape_cast %get3A_221 : vector<1x16xf32> to vector<16xf32>
          %mul3A_223 = arith.mulf %get3A_222, %gather3A_209 : vector<16xf32>
          %swap3A_224 = arith.index_cast %add3A_207 : i32 to index
          %swap3A_225 = arith.constant 16 : index
          %swap3A_226 = tpu.vector_load %arg12[%swap3A_224, %swap3A_225] {strides = array<i32>} : memref<128x64xf32, #tpu.memory_space<vmem>>, vector<1x16xf32>,
          %swap3A_227 = vector.shape_cast %swap3A_226 : vector<1x16xf32> to vector<16xf32>
          %swap3A_228 = vector.shape_cast %mul3A_223 : vector<16xf32> to vector<1x16xf32>
          tpu.vector_store %arg12[%swap3A_224, %swap3A_225], %swap3A_228 {strides = array<i32>} : memref<128x64xf32, #tpu.memory_space<vmem>>, vector<1x16xf32>,
          %get3A_229 = arith.index_cast %add3A_207 : i32 to index
          %get3A_230 = arith.constant 32 : index
          %get3A_231 = tpu.vector_load %arg12[%get3A_229, %get3A_230] {strides = array<i32>} : memref<128x64xf32, #tpu.memory_space<vmem>>, vector<1x16xf32>,
          %get3A_232 = vector.shape_cast %get3A_231 : vector<1x16xf32> to vector<16xf32>
          %mul3A_233 = arith.mulf %get3A_232, %gather3A_209 : vector<16xf32>
          %swap3A_234 = arith.index_cast %add3A_207 : i32 to index
          %swap3A_235 = arith.constant 32 : index
          %swap3A_236 = tpu.vector_load %arg12[%swap3A_234, %swap3A_235] {strides = array<i32>} : memref<128x64xf32, #tpu.memory_space<vmem>>, vector<1x16xf32>,
          %swap3A_237 = vector.shape_cast %swap3A_236 : vector<1x16xf32> to vector<16xf32>
          %swap3A_238 = vector.shape_cast %mul3A_233 : vector<16xf32> to vector<1x16xf32>
          tpu.vector_store %arg12[%swap3A_234, %swap3A_235], %swap3A_238 {strides = array<i32>} : memref<128x64xf32, #tpu.memory_space<vmem>>, vector<1x16xf32>,
          %get3A_239 = arith.index_cast %add3A_207 : i32 to index
          %get3A_240 = arith.constant 48 : index
          %get3A_241 = tpu.vector_load %arg12[%get3A_239, %get3A_240] {strides = array<i32>} : memref<128x64xf32, #tpu.memory_space<vmem>>, vector<1x16xf32>,
          %get3A_242 = vector.shape_cast %get3A_241 : vector<1x16xf32> to vector<16xf32>
          %mul3A_243 = arith.mulf %get3A_242, %gather3A_209 : vector<16xf32>
          %swap3A_244 = arith.index_cast %add3A_207 : i32 to index
          %swap3A_245 = arith.constant 48 : index
          %swap3A_246 = tpu.vector_load %arg12[%swap3A_244, %swap3A_245] {strides = array<i32>} : memref<128x64xf32, #tpu.memory_space<vmem>>, vector<1x16xf32>,
          %swap3A_247 = vector.shape_cast %swap3A_246 : vector<1x16xf32> to vector<16xf32>
          %swap3A_248 = vector.shape_cast %mul3A_243 : vector<16xf32> to vector<1x16xf32>
          tpu.vector_store %arg12[%swap3A_244, %swap3A_245], %swap3A_248 {strides = array<i32>} : memref<128x64xf32, #tpu.memory_space<vmem>>, vector<1x16xf32>,
          %mul3A_249 = arith.constant 16 : i32
          %mul3A_250 = arith.muli %scan3A_197, %mul3A_249 : i32
          %add3A_251 = arith.constant 1 : i32
          %add3A_252 = arith.addi %mul3A_250, %add3A_251 : i32
          %broadcast_in_dim3A_253 = arith.constant 1 : i32
          %broadcast_in_dim3A_254 = vector.broadcast %broadcast_in_dim3A_253 : i32 to vector<16x1xi32>
          %gather3A_255 = vector.shape_cast %broadcast_in_dim3A_254 : vector<16x1xi32> to vector<16xi32>
          %gather3A_256 = tpu.dynamic_gather %get3A_203[%gather3A_255] in [0] : vector<16xf32>, vector<16xi32> -> vector<16xf32>
          %get3A_257 = arith.index_cast %add3A_252 : i32 to index
          %get3A_258 = arith.constant 0 : index
          %get3A_259 = tpu.vector_load %arg12[%get3A_257, %get3A_258] {strides = array<i32>} : memref<128x64xf32, #tpu.memory_space<vmem>>, vector<1x16xf32>,
          %get3A_260 = vector.shape_cast %get3A_259 : vector<1x16xf32> to vector<16xf32>
          %mul3A_261 = arith.mulf %get3A_260, %gather3A_256 : vector<16xf32>
          %swap3A_262 = arith.index_cast %add3A_252 : i32 to index
          %swap3A_263 = arith.constant 0 : index
          %swap3A_264 = tpu.vector_load %arg12[%swap3A_262, %swap3A_263] {strides = array<i32>} : memref<128x64xf32, #tpu.memory_space<vmem>>, vector<1x16xf32>,
          %swap3A_265 = vector.shape_cast %swap3A_264 : vector<1x16xf32> to vector<16xf32>
          %swap3A_266 = vector.shape_cast %mul3A_261 : vector<16xf32> to vector<1x16xf32>
          tpu.vector_store %arg12[%swap3A_262, %swap3A_263], %swap3A_266 {strides = array<i32>} : memref<128x64xf32, #tpu.memory_space<vmem>>, vector<1x16xf32>,
          %get3A_267 = arith.index_cast %add3A_252 : i32 to index
          %get3A_268 = arith.constant 16 : index
          %get3A_269 = tpu.vector_load %arg12[%get3A_267, %get3A_268] {strides = array<i32>} : memref<128x64xf32, #tpu.memory_space<vmem>>, vector<1x16xf32>,
          %get3A_270 = vector.shape_cast %get3A_269 : vector<1x16xf32> to vector<16xf32>
          %mul3A_271 = arith.mulf %get3A_270, %gather3A_256 : vector<16xf32>
          %swap3A_272 = arith.index_cast %add3A_252 : i32 to index
          %swap3A_273 = arith.constant 16 : index
          %swap3A_274 = tpu.vector_load %arg12[%swap3A_272, %swap3A_273] {strides = array<i32>} : memref<128x64xf32, #tpu.memory_space<vmem>>, vector<1x16xf32>,
          %swap3A_275 = vector.shape_cast %swap3A_274 : vector<1x16xf32> to vector<16xf32>
          %swap3A_276 = vector.shape_cast %mul3A_271 : vector<16xf32> to vector<1x16xf32>
          tpu.vector_store %arg12[%swap3A_272, %swap3A_273], %swap3A_276 {strides = array<i32>} : memref<128x64xf32, #tpu.memory_space<vmem>>, vector<1x16xf32>,
          %get3A_277 = arith.index_cast %add3A_252 : i32 to index
          %get3A_278 = arith.constant 32 : index
          %get3A_279 = tpu.vector_load %arg12[%get3A_277, %get3A_278] {strides = array<i32>} : memref<128x64xf32, #tpu.memory_space<vmem>>, vector<1x16xf32>,
          %get3A_280 = vector.shape_cast %get3A_279 : vector<1x16xf32> to vector<16xf32>
          %mul3A_281 = arith.mulf %get3A_280, %gather3A_256 : vector<16xf32>
          %swap3A_282 = arith.index_cast %add3A_252 : i32 to index
          %swap3A_283 = arith.constant 32 : index
          %swap3A_284 = tpu.vector_load %arg12[%swap3A_282, %swap3A_283] {strides = array<i32>} : memref<128x64xf32, #tpu.memory_space<vmem>>, vector<1x16xf32>,
          %swap3A_285 = vector.shape_cast %swap3A_284 : vector<1x16xf32> to vector<16xf32>
          %swap3A_286 = vector.shape_cast %mul3A_281 : vector<16xf32> to vector<1x16xf32>
          tpu.vector_store %arg12[%swap3A_282, %swap3A_283], %swap3A_286 {strides = array<i32>} : memref<128x64xf32, #tpu.memory_space<vmem>>, vector<1x16xf32>,
          %get3A_287 = arith.index_cast %add3A_252 : i32 to index
          %get3A_288 = arith.constant 48 : index
          %get3A_289 = tpu.vector_load %arg12[%get3A_287, %get3A_288] {strides = array<i32>} : memref<128x64xf32, #tpu.memory_space<vmem>>, vector<1x16xf32>,
          %get3A_290 = vector.shape_cast %get3A_289 : vector<1x16xf32> to vector<16xf32>
          %mul3A_291 = arith.mulf %get3A_290, %gather3A_256 : vector<16xf32>
          %swap3A_292 = arith.index_cast %add3A_252 : i32 to index
          %swap3A_293 = arith.constant 48 : index
          %swap3A_294 = tpu.vector_load %arg12[%swap3A_292, %swap3A_293] {strides = array<i32>} : memref<128x64xf32, #tpu.memory_space<vmem>>, vector<1x16xf32>,
          %swap3A_295 = vector.shape_cast %swap3A_294 : vector<1x16xf32> to vector<16xf32>
          %swap3A_296 = vector.shape_cast %mul3A_291 : vector<16xf32> to vector<1x16xf32>
          tpu.vector_store %arg12[%swap3A_292, %swap3A_293], %swap3A_296 {strides = array<i32>} : memref<128x64xf32, #tpu.memory_space<vmem>>, vector<1x16xf32>,
          %mul3A_297 = arith.constant 16 : i32
          %mul3A_298 = arith.muli %scan3A_197, %mul3A_297 : i32
          %add3A_299 = arith.constant 2 : i32
          %add3A_300 = arith.addi %mul3A_298, %add3A_299 : i32
          %broadcast_in_dim3A_301 = arith.constant 2 : i32
          %broadcast_in_dim3A_302 = vector.broadcast %broadcast_in_dim3A_301 : i32 to vector<16x1xi32>
          %gather3A_303 = vector.shape_cast %broadcast_in_dim3A_302 : vector<16x1xi32> to vector<16xi32>
          %gather3A_304 = tpu.dynamic_gather %get3A_203[%gather3A_303] in [0] : vector<16xf32>, vector<16xi32> -> vector<16xf32>
          %get3A_305 = arith.index_cast %add3A_300 : i32 to index
          %get3A_306 = arith.constant 0 : index
          %get3A_307 = tpu.vector_load %arg12[%get3A_305, %get3A_306] {strides = array<i32>} : memref<128x64xf32, #tpu.memory_space<vmem>>, vector<1x16xf32>,
          %get3A_308 = vector.shape_cast %get3A_307 : vector<1x16xf32> to vector<16xf32>
          %mul3A_309 = arith.mulf %get3A_308, %gather3A_304 : vector<16xf32>
          %swap3A_310 = arith.index_cast %add3A_300 : i32 to index
          %swap3A_311 = arith.constant 0 : index
          %swap3A_312 = tpu.vector_load %arg12[%swap3A_310, %swap3A_311] {strides = array<i32>} : memref<128x64xf32, #tpu.memory_space<vmem>>, vector<1x16xf32>,
          %swap3A_313 = vector.shape_cast %swap3A_312 : vector<1x16xf32> to vector<16xf32>
          %swap3A_314 = vector.shape_cast %mul3A_309 : vector<16xf32> to vector<1x16xf32>
          tpu.vector_store %arg12[%swap3A_310, %swap3A_311], %swap3A_314 {strides = array<i32>} : memref<128x64xf32, #tpu.memory_space<vmem>>, vector<1x16xf32>,
          %get3A_315 = arith.index_cast %add3A_300 : i32 to index
          %get3A_316 = arith.constant 16 : index
          %get3A_317 = tpu.vector_load %arg12[%get3A_315, %get3A_316] {strides = array<i32>} : memref<128x64xf32, #tpu.memory_space<vmem>>, vector<1x16xf32>,
          %get3A_318 = vector.shape_cast %get3A_317 : vector<1x16xf32> to vector<16xf32>
          %mul3A_319 = arith.mulf %get3A_318, %gather3A_304 : vector<16xf32>
          %swap3A_320 = arith.index_cast %add3A_300 : i32 to index
          %swap3A_321 = arith.constant 16 : index
          %swap3A_322 = tpu.vector_load %arg12[%swap3A_320, %swap3A_321] {strides = array<i32>} : memref<128x64xf32, #tpu.memory_space<vmem>>, vector<1x16xf32>,
          %swap3A_323 = vector.shape_cast %swap3A_322 : vector<1x16xf32> to vector<16xf32>
          %swap3A_324 = vector.shape_cast %mul3A_319 : vector<16xf32> to vector<1x16xf32>
          tpu.vector_store %arg12[%swap3A_320, %swap3A_321], %swap3A_324 {strides = array<i32>} : memref<128x64xf32, #tpu.memory_space<vmem>>, vector<1x16xf32>,
          %get3A_325 = arith.index_cast %add3A_300 : i32 to index
          %get3A_326 = arith.constant 32 : index
          %get3A_327 = tpu.vector_load %arg12[%get3A_325, %get3A_326] {strides = array<i32>} : memref<128x64xf32, #tpu.memory_space<vmem>>, vector<1x16xf32>,
          %get3A_328 = vector.shape_cast %get3A_327 : vector<1x16xf32> to vector<16xf32>
          %mul3A_329 = arith.mulf %get3A_328, %gather3A_304 : vector<16xf32>
          %swap3A_330 = arith.index_cast %add3A_300 : i32 to index
          %swap3A_331 = arith.constant 32 : index
          %swap3A_332 = tpu.vector_load %arg12[%swap3A_330, %swap3A_331] {strides = array<i32>} : memref<128x64xf32, #tpu.memory_space<vmem>>, vector<1x16xf32>,
          %swap3A_333 = vector.shape_cast %swap3A_332 : vector<1x16xf32> to vector<16xf32>
          %swap3A_334 = vector.shape_cast %mul3A_329 : vector<16xf32> to vector<1x16xf32>
          tpu.vector_store %arg12[%swap3A_330, %swap3A_331], %swap3A_334 {strides = array<i32>} : memref<128x64xf32, #tpu.memory_space<vmem>>, vector<1x16xf32>,
          %get3A_335 = arith.index_cast %add3A_300 : i32 to index
          %get3A_336 = arith.constant 48 : index
          %get3A_337 = tpu.vector_load %arg12[%get3A_335, %get3A_336] {strides = array<i32>} : memref<128x64xf32, #tpu.memory_space<vmem>>, vector<1x16xf32>,
          %get3A_338 = vector.shape_cast %get3A_337 : vector<1x16xf32> to vector<16xf32>
          %mul3A_339 = arith.mulf %get3A_338, %gather3A_304 : vector<16xf32>
          %swap3A_340 = arith.index_cast %add3A_300 : i32 to index
          %swap3A_341 = arith.constant 48 : index
          %swap3A_342 = tpu.vector_load %arg12[%swap3A_340, %swap3A_341] {strides = array<i32>} : memref<128x64xf32, #tpu.memory_space<vmem>>, vector<1x16xf32>,
          %swap3A_343 = vector.shape_cast %swap3A_342 : vector<1x16xf32> to vector<16xf32>
          %swap3A_344 = vector.shape_cast %mul3A_339 : vector<16xf32> to vector<1x16xf32>
          tpu.vector_store %arg12[%swap3A_340, %swap3A_341], %swap3A_344 {strides = array<i32>} : memref<128x64xf32, #tpu.memory_space<vmem>>, vector<1x16xf32>,
          %mul3A_345 = arith.constant 16 : i32
          %mul3A_346 = arith.muli %scan3A_197, %mul3A_345 : i32
          %add3A_347 = arith.constant 3 : i32
          %add3A_348 = arith.addi %mul3A_346, %add3A_347 : i32
          %broadcast_in_dim3A_349 = arith.constant 3 : i32
          %broadcast_in_dim3A_350 = vector.broadcast %broadcast_in_dim3A_349 : i32 to vector<16x1xi32>
          %gather3A_351 = vector.shape_cast %broadcast_in_dim3A_350 : vector<16x1xi32> to vector<16xi32>
          %gather3A_352 = tpu.dynamic_gather %get3A_203[%gather3A_351] in [0] : vector<16xf32>, vector<16xi32> -> vector<16xf32>
          %get3A_353 = arith.index_cast %add3A_348 : i32 to index
          %get3A_354 = arith.constant 0 : index
          %get3A_355 = tpu.vector_load %arg12[%get3A_353, %get3A_354] {strides = array<i32>} : memref<128x64xf32, #tpu.memory_space<vmem>>, vector<1x16xf32>,
          %get3A_356 = vector.shape_cast %get3A_355 : vector<1x16xf32> to vector<16xf32>
          %mul3A_357 = arith.mulf %get3A_356, %gather3A_352 : vector<16xf32>
          %swap3A_358 = arith.index_cast %add3A_348 : i32 to index
          %swap3A_359 = arith.constant 0 : index
          %swap3A_360 = tpu.vector_load %arg12[%swap3A_358, %swap3A_359] {strides = array<i32>} : memref<128x64xf32, #tpu.memory_space<vmem>>, vector<1x16xf32>,
          %swap3A_361 = vector.shape_cast %swap3A_360 : vector<1x16xf32> to vector<16xf32>
          %swap3A_362 = vector.shape_cast %mul3A_357 : vector<16xf32> to vector<1x16xf32>
          tpu.vector_store %arg12[%swap3A_358, %swap3A_359], %swap3A_362 {strides = array<i32>} : memref<128x64xf32, #tpu.memory_space<vmem>>, vector<1x16xf32>,
          %get3A_363 = arith.index_cast %add3A_348 : i32 to index
          %get3A_364 = arith.constant 16 : index
          %get3A_365 = tpu.vector_load %arg12[%get3A_363, %get3A_364] {strides = array<i32>} : memref<128x64xf32, #tpu.memory_space<vmem>>, vector<1x16xf32>,
          %get3A_366 = vector.shape_cast %get3A_365 : vector<1x16xf32> to vector<16xf32>
          %mul3A_367 = arith.mulf %get3A_366, %gather3A_352 : vector<16xf32>
          %swap3A_368 = arith.index_cast %add3A_348 : i32 to index
          %swap3A_369 = arith.constant 16 : index
          %swap3A_370 = tpu.vector_load %arg12[%swap3A_368, %swap3A_369] {strides = array<i32>} : memref<128x64xf32, #tpu.memory_space<vmem>>, vector<1x16xf32>,
          %swap3A_371 = vector.shape_cast %swap3A_370 : vector<1x16xf32> to vector<16xf32>
          %swap3A_372 = vector.shape_cast %mul3A_367 : vector<16xf32> to vector<1x16xf32>
          tpu.vector_store %arg12[%swap3A_368, %swap3A_369], %swap3A_372 {strides = array<i32>} : memref<128x64xf32, #tpu.memory_space<vmem>>, vector<1x16xf32>,
          %get3A_373 = arith.index_cast %add3A_348 : i32 to index
          %get3A_374 = arith.constant 32 : index
          %get3A_375 = tpu.vector_load %arg12[%get3A_373, %get3A_374] {strides = array<i32>} : memref<128x64xf32, #tpu.memory_space<vmem>>, vector<1x16xf32>,
          %get3A_376 = vector.shape_cast %get3A_375 : vector<1x16xf32> to vector<16xf32>
          %mul3A_377 = arith.mulf %get3A_376, %gather3A_352 : vector<16xf32>
          %swap3A_378 = arith.index_cast %add3A_348 : i32 to index
          %swap3A_379 = arith.constant 32 : index
          %swap3A_380 = tpu.vector_load %arg12[%swap3A_378, %swap3A_379] {strides = array<i32>} : memref<128x64xf32, #tpu.memory_space<vmem>>, vector<1x16xf32>,
          %swap3A_381 = vector.shape_cast %swap3A_380 : vector<1x16xf32> to vector<16xf32>
          %swap3A_382 = vector.shape_cast %mul3A_377 : vector<16xf32> to vector<1x16xf32>
          tpu.vector_store %arg12[%swap3A_378, %swap3A_379], %swap3A_382 {strides = array<i32>} : memref<128x64xf32, #tpu.memory_space<vmem>>, vector<1x16xf32>,
          %get3A_383 = arith.index_cast %add3A_348 : i32 to index
          %get3A_384 = arith.constant 48 : index
          %get3A_385 = tpu.vector_load %arg12[%get3A_383, %get3A_384] {strides = array<i32>} : memref<128x64xf32, #tpu.memory_space<vmem>>, vector<1x16xf32>,
          %get3A_386 = vector.shape_cast %get3A_385 : vector<1x16xf32> to vector<16xf32>
          %mul3A_387 = arith.mulf %get3A_386, %gather3A_352 : vector<16xf32>
          %swap3A_388 = arith.index_cast %add3A_348 : i32 to index
          %swap3A_389 = arith.constant 48 : index
          %swap3A_390 = tpu.vector_load %arg12[%swap3A_388, %swap3A_389] {strides = array<i32>} : memref<128x64xf32, #tpu.memory_space<vmem>>, vector<1x16xf32>,
          %swap3A_391 = vector.shape_cast %swap3A_390 : vector<1x16xf32> to vector<16xf32>
          %swap3A_392 = vector.shape_cast %mul3A_387 : vector<16xf32> to vector<1x16xf32>
          tpu.vector_store %arg12[%swap3A_388, %swap3A_389], %swap3A_392 {strides = array<i32>} : memref<128x64xf32, #tpu.memory_space<vmem>>, vector<1x16xf32>,
          %mul3A_393 = arith.constant 16 : i32
          %mul3A_394 = arith.muli %scan3A_197, %mul3A_393 : i32
          %add3A_395 = arith.constant 4 : i32
          %add3A_396 = arith.addi %mul3A_394, %add3A_395 : i32
          %broadcast_in_dim3A_397 = arith.constant 4 : i32
          %broadcast_in_dim3A_398 = vector.broadcast %broadcast_in_dim3A_397 : i32 to vector<16x1xi32>
          %gather3A_399 = vector.shape_cast %broadcast_in_dim3A_398 : vector<16x1xi32> to vector<16xi32>
          %gather3A_400 = tpu.dynamic_gather %get3A_203[%gather3A_399] in [0] : vector<16xf32>, vector<16xi32> -> vector<16xf32>
          %get3A_401 = arith.index_cast %add3A_396 : i32 to index
          %get3A_402 = arith.constant 0 : index
          %get3A_403 = tpu.vector_load %arg12[%get3A_401, %get3A_402] {strides = array<i32>} : memref<128x64xf32, #tpu.memory_space<vmem>>, vector<1x16xf32>,
          %get3A_404 = vector.shape_cast %get3A_403 : vector<1x16xf32> to vector<16xf32>
          %mul3A_405 = arith.mulf %get3A_404, %gather3A_400 : vector<16xf32>
          %swap3A_406 = arith.index_cast %add3A_396 : i32 to index
          %swap3A_407 = arith.constant 0 : index
          %swap3A_408 = tpu.vector_load %arg12[%swap3A_406, %swap3A_407] {strides = array<i32>} : memref<128x64xf32, #tpu.memory_space<vmem>>, vector<1x16xf32>,
          %swap3A_409 = vector.shape_cast %swap3A_408 : vector<1x16xf32> to vector<16xf32>
          %swap3A_410 = vector.shape_cast %mul3A_405 : vector<16xf32> to vector<1x16xf32>
          tpu.vector_store %arg12[%swap3A_406, %swap3A_407], %swap3A_410 {strides = array<i32>} : memref<128x64xf32, #tpu.memory_space<vmem>>, vector<1x16xf32>,
          %get3A_411 = arith.index_cast %add3A_396 : i32 to index
          %get3A_412 = arith.constant 16 : index
          %get3A_413 = tpu.vector_load %arg12[%get3A_411, %get3A_412] {strides = array<i32>} : memref<128x64xf32, #tpu.memory_space<vmem>>, vector<1x16xf32>,
          %get3A_414 = vector.shape_cast %get3A_413 : vector<1x16xf32> to vector<16xf32>
          %mul3A_415 = arith.mulf %get3A_414, %gather3A_400 : vector<16xf32>
          %swap3A_416 = arith.index_cast %add3A_396 : i32 to index
          %swap3A_417 = arith.constant 16 : index
          %swap3A_418 = tpu.vector_load %arg12[%swap3A_416, %swap3A_417] {strides = array<i32>} : memref<128x64xf32, #tpu.memory_space<vmem>>, vector<1x16xf32>,
          %swap3A_419 = vector.shape_cast %swap3A_418 : vector<1x16xf32> to vector<16xf32>
          %swap3A_420 = vector.shape_cast %mul3A_415 : vector<16xf32> to vector<1x16xf32>
          tpu.vector_store %arg12[%swap3A_416, %swap3A_417], %swap3A_420 {strides = array<i32>} : memref<128x64xf32, #tpu.memory_space<vmem>>, vector<1x16xf32>,
          %get3A_421 = arith.index_cast %add3A_396 : i32 to index
          %get3A_422 = arith.constant 32 : index
          %get3A_423 = tpu.vector_load %arg12[%get3A_421, %get3A_422] {strides = array<i32>} : memref<128x64xf32, #tpu.memory_space<vmem>>, vector<1x16xf32>,
          %get3A_424 = vector.shape_cast %get3A_423 : vector<1x16xf32> to vector<16xf32>
          %mul3A_425 = arith.mulf %get3A_424, %gather3A_400 : vector<16xf32>
          %swap3A_426 = arith.index_cast %add3A_396 : i32 to index
          %swap3A_427 = arith.constant 32 : index
          %swap3A_428 = tpu.vector_load %arg12[%swap3A_426, %swap3A_427] {strides = array<i32>} : memref<128x64xf32, #tpu.memory_space<vmem>>, vector<1x16xf32>,
          %swap3A_429 = vector.shape_cast %swap3A_428 : vector<1x16xf32> to vector<16xf32>
          %swap3A_430 = vector.shape_cast %mul3A_425 : vector<16xf32> to vector<1x16xf32>
          tpu.vector_store %arg12[%swap3A_426, %swap3A_427], %swap3A_430 {strides = array<i32>} : memref<128x64xf32, #tpu.memory_space<vmem>>, vector<1x16xf32>,
          %get3A_431 = arith.index_cast %add3A_396 : i32 to index
          %get3A_432 = arith.constant 48 : index
          %get3A_433 = tpu.vector_load %arg12[%get3A_431, %get3A_432] {strides = array<i32>} : memref<128x64xf32, #tpu.memory_space<vmem>>, vector<1x16xf32>,
          %get3A_434 = vector.shape_cast %get3A_433 : vector<1x16xf32> to vector<16xf32>
          %mul3A_435 = arith.mulf %get3A_434, %gather3A_400 : vector<16xf32>
          %swap3A_436 = arith.index_cast %add3A_396 : i32 to index
          %swap3A_437 = arith.constant 48 : index
          %swap3A_438 = tpu.vector_load %arg12[%swap3A_436, %swap3A_437] {strides = array<i32>} : memref<128x64xf32, #tpu.memory_space<vmem>>, vector<1x16xf32>,
          %swap3A_439 = vector.shape_cast %swap3A_438 : vector<1x16xf32> to vector<16xf32>
          %swap3A_440 = vector.shape_cast %mul3A_435 : vector<16xf32> to vector<1x16xf32>
          tpu.vector_store %arg12[%swap3A_436, %swap3A_437], %swap3A_440 {strides = array<i32>} : memref<128x64xf32, #tpu.memory_space<vmem>>, vector<1x16xf32>,
          %mul3A_441 = arith.constant 16 : i32
          %mul3A_442 = arith.muli %scan3A_197, %mul3A_441 : i32
          %add3A_443 = arith.constant 5 : i32
          %add3A_444 = arith.addi %mul3A_442, %add3A_443 : i32
          %broadcast_in_dim3A_445 = arith.constant 5 : i32
          %broadcast_in_dim3A_446 = vector.broadcast %broadcast_in_dim3A_445 : i32 to vector<16x1xi32>
          %gather3A_447 = vector.shape_cast %broadcast_in_dim3A_446 : vector<16x1xi32> to vector<16xi32>
          %gather3A_448 = tpu.dynamic_gather %get3A_203[%gather3A_447] in [0] : vector<16xf32>, vector<16xi32> -> vector<16xf32>
          %get3A_449 = arith.index_cast %add3A_444 : i32 to index
          %get3A_450 = arith.constant 0 : index
          %get3A_451 = tpu.vector_load %arg12[%get3A_449, %get3A_450] {strides = array<i32>} : memref<128x64xf32, #tpu.memory_space<vmem>>, vector<1x16xf32>,
          %get3A_452 = vector.shape_cast %get3A_451 : vector<1x16xf32> to vector<16xf32>
          %mul3A_453 = arith.mulf %get3A_452, %gather3A_448 : vector<16xf32>
          %swap3A_454 = arith.index_cast %add3A_444 : i32 to index
          %swap3A_455 = arith.constant 0 : index
          %swap3A_456 = tpu.vector_load %arg12[%swap3A_454, %swap3A_455] {strides = array<i32>} : memref<128x64xf32, #tpu.memory_space<vmem>>, vector<1x16xf32>,
          %swap3A_457 = vector.shape_cast %swap3A_456 : vector<1x16xf32> to vector<16xf32>
          %swap3A_458 = vector.shape_cast %mul3A_453 : vector<16xf32> to vector<1x16xf32>
          tpu.vector_store %arg12[%swap3A_454, %swap3A_455], %swap3A_458 {strides = array<i32>} : memref<128x64xf32, #tpu.memory_space<vmem>>, vector<1x16xf32>,
          %get3A_459 = arith.index_cast %add3A_444 : i32 to index
          %get3A_460 = arith.constant 16 : index
          %get3A_461 = tpu.vector_load %arg12[%get3A_459, %get3A_460] {strides = array<i32>} : memref<128x64xf32, #tpu.memory_space<vmem>>, vector<1x16xf32>,
          %get3A_462 = vector.shape_cast %get3A_461 : vector<1x16xf32> to vector<16xf32>
          %mul3A_463 = arith.mulf %get3A_462, %gather3A_448 : vector<16xf32>
          %swap3A_464 = arith.index_cast %add3A_444 : i32 to index
          %swap3A_465 = arith.constant 16 : index
          %swap3A_466 = tpu.vector_load %arg12[%swap3A_464, %swap3A_465] {strides = array<i32>} : memref<128x64xf32, #tpu.memory_space<vmem>>, vector<1x16xf32>,
          %swap3A_467 = vector.shape_cast %swap3A_466 : vector<1x16xf32> to vector<16xf32>
          %swap3A_468 = vector.shape_cast %mul3A_463 : vector<16xf32> to vector<1x16xf32>
          tpu.vector_store %arg12[%swap3A_464, %swap3A_465], %swap3A_468 {strides = array<i32>} : memref<128x64xf32, #tpu.memory_space<vmem>>, vector<1x16xf32>,
          %get3A_469 = arith.index_cast %add3A_444 : i32 to index
          %get3A_470 = arith.constant 32 : index
          %get3A_471 = tpu.vector_load %arg12[%get3A_469, %get3A_470] {strides = array<i32>} : memref<128x64xf32, #tpu.memory_space<vmem>>, vector<1x16xf32>,
          %get3A_472 = vector.shape_cast %get3A_471 : vector<1x16xf32> to vector<16xf32>
          %mul3A_473 = arith.mulf %get3A_472, %gather3A_448 : vector<16xf32>
          %swap3A_474 = arith.index_cast %add3A_444 : i32 to index
          %swap3A_475 = arith.constant 32 : index
          %swap3A_476 = tpu.vector_load %arg12[%swap3A_474, %swap3A_475] {strides = array<i32>} : memref<128x64xf32, #tpu.memory_space<vmem>>, vector<1x16xf32>,
          %swap3A_477 = vector.shape_cast %swap3A_476 : vector<1x16xf32> to vector<16xf32>
          %swap3A_478 = vector.shape_cast %mul3A_473 : vector<16xf32> to vector<1x16xf32>
          tpu.vector_store %arg12[%swap3A_474, %swap3A_475], %swap3A_478 {strides = array<i32>} : memref<128x64xf32, #tpu.memory_space<vmem>>, vector<1x16xf32>,
          %get3A_479 = arith.index_cast %add3A_444 : i32 to index
          %get3A_480 = arith.constant 48 : index
          %get3A_481 = tpu.vector_load %arg12[%get3A_479, %get3A_480] {strides = array<i32>} : memref<128x64xf32, #tpu.memory_space<vmem>>, vector<1x16xf32>,
          %get3A_482 = vector.shape_cast %get3A_481 : vector<1x16xf32> to vector<16xf32>
          %mul3A_483 = arith.mulf %get3A_482, %gather3A_448 : vector<16xf32>
          %swap3A_484 = arith.index_cast %add3A_444 : i32 to index
          %swap3A_485 = arith.constant 48 : index
          %swap3A_486 = tpu.vector_load %arg12[%swap3A_484, %swap3A_485] {strides = array<i32>} : memref<128x64xf32, #tpu.memory_space<vmem>>, vector<1x16xf32>,
          %swap3A_487 = vector.shape_cast %swap3A_486 : vector<1x16xf32> to vector<16xf32>
          %swap3A_488 = vector.shape_cast %mul3A_483 : vector<16xf32> to vector<1x16xf32>
          tpu.vector_store %arg12[%swap3A_484, %swap3A_485], %swap3A_488 {strides = array<i32>} : memref<128x64xf32, #tpu.memory_space<vmem>>, vector<1x16xf32>,
          %mul3A_489 = arith.constant 16 : i32
          %mul3A_490 = arith.muli %scan3A_197, %mul3A_489 : i32
          %add3A_491 = arith.constant 6 : i32
          %add3A_492 = arith.addi %mul3A_490, %add3A_491 : i32
          %broadcast_in_dim3A_493 = arith.constant 6 : i32
          %broadcast_in_dim3A_494 = vector.broadcast %broadcast_in_dim3A_493 : i32 to vector<16x1xi32>
          %gather3A_495 = vector.shape_cast %broadcast_in_dim3A_494 : vector<16x1xi32> to vector<16xi32>
          %gather3A_496 = tpu.dynamic_gather %get3A_203[%gather3A_495] in [0] : vector<16xf32>, vector<16xi32> -> vector<16xf32>
          %get3A_497 = arith.index_cast %add3A_492 : i32 to index
          %get3A_498 = arith.constant 0 : index
          %get3A_499 = tpu.vector_load %arg12[%get3A_497, %get3A_498] {strides = array<i32>} : memref<128x64xf32, #tpu.memory_space<vmem>>, vector<1x16xf32>,
          %get3A_500 = vector.shape_cast %get3A_499 : vector<1x16xf32> to vector<16xf32>
          %mul3A_501 = arith.mulf %get3A_500, %gather3A_496 : vector<16xf32>
          %swap3A_502 = arith.index_cast %add3A_492 : i32 to index
          %swap3A_503 = arith.constant 0 : index
          %swap3A_504 = tpu.vector_load %arg12[%swap3A_502, %swap3A_503] {strides = array<i32>} : memref<128x64xf32, #tpu.memory_space<vmem>>, vector<1x16xf32>,
          %swap3A_505 = vector.shape_cast %swap3A_504 : vector<1x16xf32> to vector<16xf32>
          %swap3A_506 = vector.shape_cast %mul3A_501 : vector<16xf32> to vector<1x16xf32>
          tpu.vector_store %arg12[%swap3A_502, %swap3A_503], %swap3A_506 {strides = array<i32>} : memref<128x64xf32, #tpu.memory_space<vmem>>, vector<1x16xf32>,
          %get3A_507 = arith.index_cast %add3A_492 : i32 to index
          %get3A_508 = arith.constant 16 : index
          %get3A_509 = tpu.vector_load %arg12[%get3A_507, %get3A_508] {strides = array<i32>} : memref<128x64xf32, #tpu.memory_space<vmem>>, vector<1x16xf32>,
          %get3A_510 = vector.shape_cast %get3A_509 : vector<1x16xf32> to vector<16xf32>
          %mul3A_511 = arith.mulf %get3A_510, %gather3A_496 : vector<16xf32>
          %swap3A_512 = arith.index_cast %add3A_492 : i32 to index
          %swap3A_513 = arith.constant 16 : index
          %swap3A_514 = tpu.vector_load %arg12[%swap3A_512, %swap3A_513] {strides = array<i32>} : memref<128x64xf32, #tpu.memory_space<vmem>>, vector<1x16xf32>,
          %swap3A_515 = vector.shape_cast %swap3A_514 : vector<1x16xf32> to vector<16xf32>
          %swap3A_516 = vector.shape_cast %mul3A_511 : vector<16xf32> to vector<1x16xf32>
          tpu.vector_store %arg12[%swap3A_512, %swap3A_513], %swap3A_516 {strides = array<i32>} : memref<128x64xf32, #tpu.memory_space<vmem>>, vector<1x16xf32>,
          %get3A_517 = arith.index_cast %add3A_492 : i32 to index
          %get3A_518 = arith.constant 32 : index
          %get3A_519 = tpu.vector_load %arg12[%get3A_517, %get3A_518] {strides = array<i32>} : memref<128x64xf32, #tpu.memory_space<vmem>>, vector<1x16xf32>,
          %get3A_520 = vector.shape_cast %get3A_519 : vector<1x16xf32> to vector<16xf32>
          %mul3A_521 = arith.mulf %get3A_520, %gather3A_496 : vector<16xf32>
          %swap3A_522 = arith.index_cast %add3A_492 : i32 to index
          %swap3A_523 = arith.constant 32 : index
          %swap3A_524 = tpu.vector_load %arg12[%swap3A_522, %swap3A_523] {strides = array<i32>} : memref<128x64xf32, #tpu.memory_space<vmem>>, vector<1x16xf32>,
          %swap3A_525 = vector.shape_cast %swap3A_524 : vector<1x16xf32> to vector<16xf32>
          %swap3A_526 = vector.shape_cast %mul3A_521 : vector<16xf32> to vector<1x16xf32>
          tpu.vector_store %arg12[%swap3A_522, %swap3A_523], %swap3A_526 {strides = array<i32>} : memref<128x64xf32, #tpu.memory_space<vmem>>, vector<1x16xf32>,
          %get3A_527 = arith.index_cast %add3A_492 : i32 to index
          %get3A_528 = arith.constant 48 : index
          %get3A_529 = tpu.vector_load %arg12[%get3A_527, %get3A_528] {strides = array<i32>} : memref<128x64xf32, #tpu.memory_space<vmem>>, vector<1x16xf32>,
          %get3A_530 = vector.shape_cast %get3A_529 : vector<1x16xf32> to vector<16xf32>
          %mul3A_531 = arith.mulf %get3A_530, %gather3A_496 : vector<16xf32>
          %swap3A_532 = arith.index_cast %add3A_492 : i32 to index
          %swap3A_533 = arith.constant 48 : index
          %swap3A_534 = tpu.vector_load %arg12[%swap3A_532, %swap3A_533] {strides = array<i32>} : memref<128x64xf32, #tpu.memory_space<vmem>>, vector<1x16xf32>,
          %swap3A_535 = vector.shape_cast %swap3A_534 : vector<1x16xf32> to vector<16xf32>
          %swap3A_536 = vector.shape_cast %mul3A_531 : vector<16xf32> to vector<1x16xf32>
          tpu.vector_store %arg12[%swap3A_532, %swap3A_533], %swap3A_536 {strides = array<i32>} : memref<128x64xf32, #tpu.memory_space<vmem>>, vector<1x16xf32>,
          %mul3A_537 = arith.constant 16 : i32
          %mul3A_538 = arith.muli %scan3A_197, %mul3A_537 : i32
          %add3A_539 = arith.constant 7 : i32
          %add3A_540 = arith.addi %mul3A_538, %add3A_539 : i32
          %broadcast_in_dim3A_541 = arith.constant 7 : i32
          %broadcast_in_dim3A_542 = vector.broadcast %broadcast_in_dim3A_541 : i32 to vector<16x1xi32>
          %gather3A_543 = vector.shape_cast %broadcast_in_dim3A_542 : vector<16x1xi32> to vector<16xi32>
          %gather3A_544 = tpu.dynamic_gather %get3A_203[%gather3A_543] in [0] : vector<16xf32>, vector<16xi32> -> vector<16xf32>
          %get3A_545 = arith.index_cast %add3A_540 : i32 to index
          %get3A_546 = arith.constant 0 : index
          %get3A_547 = tpu.vector_load %arg12[%get3A_545, %get3A_546] {strides = array<i32>} : memref<128x64xf32, #tpu.memory_space<vmem>>, vector<1x16xf32>,
          %get3A_548 = vector.shape_cast %get3A_547 : vector<1x16xf32> to vector<16xf32>
          %mul3A_549 = arith.mulf %get3A_548, %gather3A_544 : vector<16xf32>
          %swap3A_550 = arith.index_cast %add3A_540 : i32 to index
          %swap3A_551 = arith.constant 0 : index
          %swap3A_552 = tpu.vector_load %arg12[%swap3A_550, %swap3A_551] {strides = array<i32>} : memref<128x64xf32, #tpu.memory_space<vmem>>, vector<1x16xf32>,
          %swap3A_553 = vector.shape_cast %swap3A_552 : vector<1x16xf32> to vector<16xf32>
          %swap3A_554 = vector.shape_cast %mul3A_549 : vector<16xf32> to vector<1x16xf32>
          tpu.vector_store %arg12[%swap3A_550, %swap3A_551], %swap3A_554 {strides = array<i32>} : memref<128x64xf32, #tpu.memory_space<vmem>>, vector<1x16xf32>,
          %get3A_555 = arith.index_cast %add3A_540 : i32 to index
          %get3A_556 = arith.constant 16 : index
          %get3A_557 = tpu.vector_load %arg12[%get3A_555, %get3A_556] {strides = array<i32>} : memref<128x64xf32, #tpu.memory_space<vmem>>, vector<1x16xf32>,
          %get3A_558 = vector.shape_cast %get3A_557 : vector<1x16xf32> to vector<16xf32>
          %mul3A_559 = arith.mulf %get3A_558, %gather3A_544 : vector<16xf32>
          %swap3A_560 = arith.index_cast %add3A_540 : i32 to index
          %swap3A_561 = arith.constant 16 : index
          %swap3A_562 = tpu.vector_load %arg12[%swap3A_560, %swap3A_561] {strides = array<i32>} : memref<128x64xf32, #tpu.memory_space<vmem>>, vector<1x16xf32>,
          %swap3A_563 = vector.shape_cast %swap3A_562 : vector<1x16xf32> to vector<16xf32>
          %swap3A_564 = vector.shape_cast %mul3A_559 : vector<16xf32> to vector<1x16xf32>
          tpu.vector_store %arg12[%swap3A_560, %swap3A_561], %swap3A_564 {strides = array<i32>} : memref<128x64xf32, #tpu.memory_space<vmem>>, vector<1x16xf32>,
          %get3A_565 = arith.index_cast %add3A_540 : i32 to index
          %get3A_566 = arith.constant 32 : index
          %get3A_567 = tpu.vector_load %arg12[%get3A_565, %get3A_566] {strides = array<i32>} : memref<128x64xf32, #tpu.memory_space<vmem>>, vector<1x16xf32>,
          %get3A_568 = vector.shape_cast %get3A_567 : vector<1x16xf32> to vector<16xf32>
          %mul3A_569 = arith.mulf %get3A_568, %gather3A_544 : vector<16xf32>
          %swap3A_570 = arith.index_cast %add3A_540 : i32 to index
          %swap3A_571 = arith.constant 32 : index
          %swap3A_572 = tpu.vector_load %arg12[%swap3A_570, %swap3A_571] {strides = array<i32>} : memref<128x64xf32, #tpu.memory_space<vmem>>, vector<1x16xf32>,
          %swap3A_573 = vector.shape_cast %swap3A_572 : vector<1x16xf32> to vector<16xf32>
          %swap3A_574 = vector.shape_cast %mul3A_569 : vector<16xf32> to vector<1x16xf32>
          tpu.vector_store %arg12[%swap3A_570, %swap3A_571], %swap3A_574 {strides = array<i32>} : memref<128x64xf32, #tpu.memory_space<vmem>>, vector<1x16xf32>,
          %get3A_575 = arith.index_cast %add3A_540 : i32 to index
          %get3A_576 = arith.constant 48 : index
          %get3A_577 = tpu.vector_load %arg12[%get3A_575, %get3A_576] {strides = array<i32>} : memref<128x64xf32, #tpu.memory_space<vmem>>, vector<1x16xf32>,
          %get3A_578 = vector.shape_cast %get3A_577 : vector<1x16xf32> to vector<16xf32>
          %mul3A_579 = arith.mulf %get3A_578, %gather3A_544 : vector<16xf32>
          %swap3A_580 = arith.index_cast %add3A_540 : i32 to index
          %swap3A_581 = arith.constant 48 : index
          %swap3A_582 = tpu.vector_load %arg12[%swap3A_580, %swap3A_581] {strides = array<i32>} : memref<128x64xf32, #tpu.memory_space<vmem>>, vector<1x16xf32>,
          %swap3A_583 = vector.shape_cast %swap3A_582 : vector<1x16xf32> to vector<16xf32>
          %swap3A_584 = vector.shape_cast %mul3A_579 : vector<16xf32> to vector<1x16xf32>
          tpu.vector_store %arg12[%swap3A_580, %swap3A_581], %swap3A_584 {strides = array<i32>} : memref<128x64xf32, #tpu.memory_space<vmem>>, vector<1x16xf32>,
          %mul3A_585 = arith.constant 16 : i32
          %mul3A_586 = arith.muli %scan3A_197, %mul3A_585 : i32
          %add3A_587 = arith.constant 8 : i32
          %add3A_588 = arith.addi %mul3A_586, %add3A_587 : i32
          %broadcast_in_dim3A_589 = arith.constant 8 : i32
          %broadcast_in_dim3A_590 = vector.broadcast %broadcast_in_dim3A_589 : i32 to vector<16x1xi32>
          %gather3A_591 = vector.shape_cast %broadcast_in_dim3A_590 : vector<16x1xi32> to vector<16xi32>
          %gather3A_592 = tpu.dynamic_gather %get3A_203[%gather3A_591] in [0] : vector<16xf32>, vector<16xi32> -> vector<16xf32>
          %get3A_593 = arith.index_cast %add3A_588 : i32 to index
          %get3A_594 = arith.constant 0 : index
          %get3A_595 = tpu.vector_load %arg12[%get3A_593, %get3A_594] {strides = array<i32>} : memref<128x64xf32, #tpu.memory_space<vmem>>, vector<1x16xf32>,
          %get3A_596 = vector.shape_cast %get3A_595 : vector<1x16xf32> to vector<16xf32>
          %mul3A_597 = arith.mulf %get3A_596, %gather3A_592 : vector<16xf32>
          %swap3A_598 = arith.index_cast %add3A_588 : i32 to index
          %swap3A_599 = arith.constant 0 : index
          %swap3A_600 = tpu.vector_load %arg12[%swap3A_598, %swap3A_599] {strides = array<i32>} : memref<128x64xf32, #tpu.memory_space<vmem>>, vector<1x16xf32>,
          %swap3A_601 = vector.shape_cast %swap3A_600 : vector<1x16xf32> to vector<16xf32>
          %swap3A_602 = vector.shape_cast %mul3A_597 : vector<16xf32> to vector<1x16xf32>
          tpu.vector_store %arg12[%swap3A_598, %swap3A_599], %swap3A_602 {strides = array<i32>} : memref<128x64xf32, #tpu.memory_space<vmem>>, vector<1x16xf32>,
          %get3A_603 = arith.index_cast %add3A_588 : i32 to index
          %get3A_604 = arith.constant 16 : index
          %get3A_605 = tpu.vector_load %arg12[%get3A_603, %get3A_604] {strides = array<i32>} : memref<128x64xf32, #tpu.memory_space<vmem>>, vector<1x16xf32>,
          %get3A_606 = vector.shape_cast %get3A_605 : vector<1x16xf32> to vector<16xf32>
          %mul3A_607 = arith.mulf %get3A_606, %gather3A_592 : vector<16xf32>
          %swap3A_608 = arith.index_cast %add3A_588 : i32 to index
          %swap3A_609 = arith.constant 16 : index
          %swap3A_610 = tpu.vector_load %arg12[%swap3A_608, %swap3A_609] {strides = array<i32>} : memref<128x64xf32, #tpu.memory_space<vmem>>, vector<1x16xf32>,
          %swap3A_611 = vector.shape_cast %swap3A_610 : vector<1x16xf32> to vector<16xf32>
          %swap3A_612 = vector.shape_cast %mul3A_607 : vector<16xf32> to vector<1x16xf32>
          tpu.vector_store %arg12[%swap3A_608, %swap3A_609], %swap3A_612 {strides = array<i32>} : memref<128x64xf32, #tpu.memory_space<vmem>>, vector<1x16xf32>,
          %get3A_613 = arith.index_cast %add3A_588 : i32 to index
          %get3A_614 = arith.constant 32 : index
          %get3A_615 = tpu.vector_load %arg12[%get3A_613, %get3A_614] {strides = array<i32>} : memref<128x64xf32, #tpu.memory_space<vmem>>, vector<1x16xf32>,
          %get3A_616 = vector.shape_cast %get3A_615 : vector<1x16xf32> to vector<16xf32>
          %mul3A_617 = arith.mulf %get3A_616, %gather3A_592 : vector<16xf32>
          %swap3A_618 = arith.index_cast %add3A_588 : i32 to index
          %swap3A_619 = arith.constant 32 : index
          %swap3A_620 = tpu.vector_load %arg12[%swap3A_618, %swap3A_619] {strides = array<i32>} : memref<128x64xf32, #tpu.memory_space<vmem>>, vector<1x16xf32>,
          %swap3A_621 = vector.shape_cast %swap3A_620 : vector<1x16xf32> to vector<16xf32>
          %swap3A_622 = vector.shape_cast %mul3A_617 : vector<16xf32> to vector<1x16xf32>
          tpu.vector_store %arg12[%swap3A_618, %swap3A_619], %swap3A_622 {strides = array<i32>} : memref<128x64xf32, #tpu.memory_space<vmem>>, vector<1x16xf32>,
          %get3A_623 = arith.index_cast %add3A_588 : i32 to index
          %get3A_624 = arith.constant 48 : index
          %get3A_625 = tpu.vector_load %arg12[%get3A_623, %get3A_624] {strides = array<i32>} : memref<128x64xf32, #tpu.memory_space<vmem>>, vector<1x16xf32>,
          %get3A_626 = vector.shape_cast %get3A_625 : vector<1x16xf32> to vector<16xf32>
          %mul3A_627 = arith.mulf %get3A_626, %gather3A_592 : vector<16xf32>
          %swap3A_628 = arith.index_cast %add3A_588 : i32 to index
          %swap3A_629 = arith.constant 48 : index
          %swap3A_630 = tpu.vector_load %arg12[%swap3A_628, %swap3A_629] {strides = array<i32>} : memref<128x64xf32, #tpu.memory_space<vmem>>, vector<1x16xf32>,
          %swap3A_631 = vector.shape_cast %swap3A_630 : vector<1x16xf32> to vector<16xf32>
          %swap3A_632 = vector.shape_cast %mul3A_627 : vector<16xf32> to vector<1x16xf32>
          tpu.vector_store %arg12[%swap3A_628, %swap3A_629], %swap3A_632 {strides = array<i32>} : memref<128x64xf32, #tpu.memory_space<vmem>>, vector<1x16xf32>,
          %mul3A_633 = arith.constant 16 : i32
          %mul3A_634 = arith.muli %scan3A_197, %mul3A_633 : i32
          %add3A_635 = arith.constant 9 : i32
          %add3A_636 = arith.addi %mul3A_634, %add3A_635 : i32
          %broadcast_in_dim3A_637 = arith.constant 9 : i32
          %broadcast_in_dim3A_638 = vector.broadcast %broadcast_in_dim3A_637 : i32 to vector<16x1xi32>
          %gather3A_639 = vector.shape_cast %broadcast_in_dim3A_638 : vector<16x1xi32> to vector<16xi32>
          %gather3A_640 = tpu.dynamic_gather %get3A_203[%gather3A_639] in [0] : vector<16xf32>, vector<16xi32> -> vector<16xf32>
          %get3A_641 = arith.index_cast %add3A_636 : i32 to index
          %get3A_642 = arith.constant 0 : index
          %get3A_643 = tpu.vector_load %arg12[%get3A_641, %get3A_642] {strides = array<i32>} : memref<128x64xf32, #tpu.memory_space<vmem>>, vector<1x16xf32>,
          %get3A_644 = vector.shape_cast %get3A_643 : vector<1x16xf32> to vector<16xf32>
          %mul3A_645 = arith.mulf %get3A_644, %gather3A_640 : vector<16xf32>
          %swap3A_646 = arith.index_cast %add3A_636 : i32 to index
          %swap3A_647 = arith.constant 0 : index
          %swap3A_648 = tpu.vector_load %arg12[%swap3A_646, %swap3A_647] {strides = array<i32>} : memref<128x64xf32, #tpu.memory_space<vmem>>, vector<1x16xf32>,
          %swap3A_649 = vector.shape_cast %swap3A_648 : vector<1x16xf32> to vector<16xf32>
          %swap3A_650 = vector.shape_cast %mul3A_645 : vector<16xf32> to vector<1x16xf32>
          tpu.vector_store %arg12[%swap3A_646, %swap3A_647], %swap3A_650 {strides = array<i32>} : memref<128x64xf32, #tpu.memory_space<vmem>>, vector<1x16xf32>,
          %get3A_651 = arith.index_cast %add3A_636 : i32 to index
          %get3A_652 = arith.constant 16 : index
          %get3A_653 = tpu.vector_load %arg12[%get3A_651, %get3A_652] {strides = array<i32>} : memref<128x64xf32, #tpu.memory_space<vmem>>, vector<1x16xf32>,
          %get3A_654 = vector.shape_cast %get3A_653 : vector<1x16xf32> to vector<16xf32>
          %mul3A_655 = arith.mulf %get3A_654, %gather3A_640 : vector<16xf32>
          %swap3A_656 = arith.index_cast %add3A_636 : i32 to index
          %swap3A_657 = arith.constant 16 : index
          %swap3A_658 = tpu.vector_load %arg12[%swap3A_656, %swap3A_657] {strides = array<i32>} : memref<128x64xf32, #tpu.memory_space<vmem>>, vector<1x16xf32>,
          %swap3A_659 = vector.shape_cast %swap3A_658 : vector<1x16xf32> to vector<16xf32>
          %swap3A_660 = vector.shape_cast %mul3A_655 : vector<16xf32> to vector<1x16xf32>
          tpu.vector_store %arg12[%swap3A_656, %swap3A_657], %swap3A_660 {strides = array<i32>} : memref<128x64xf32, #tpu.memory_space<vmem>>, vector<1x16xf32>,
          %get3A_661 = arith.index_cast %add3A_636 : i32 to index
          %get3A_662 = arith.constant 32 : index
          %get3A_663 = tpu.vector_load %arg12[%get3A_661, %get3A_662] {strides = array<i32>} : memref<128x64xf32, #tpu.memory_space<vmem>>, vector<1x16xf32>,
          %get3A_664 = vector.shape_cast %get3A_663 : vector<1x16xf32> to vector<16xf32>
          %mul3A_665 = arith.mulf %get3A_664, %gather3A_640 : vector<16xf32>
          %swap3A_666 = arith.index_cast %add3A_636 : i32 to index
          %swap3A_667 = arith.constant 32 : index
          %swap3A_668 = tpu.vector_load %arg12[%swap3A_666, %swap3A_667] {strides = array<i32>} : memref<128x64xf32, #tpu.memory_space<vmem>>, vector<1x16xf32>,
          %swap3A_669 = vector.shape_cast %swap3A_668 : vector<1x16xf32> to vector<16xf32>
          %swap3A_670 = vector.shape_cast %mul3A_665 : vector<16xf32> to vector<1x16xf32>
          tpu.vector_store %arg12[%swap3A_666, %swap3A_667], %swap3A_670 {strides = array<i32>} : memref<128x64xf32, #tpu.memory_space<vmem>>, vector<1x16xf32>,
          %get3A_671 = arith.index_cast %add3A_636 : i32 to index
          %get3A_672 = arith.constant 48 : index
          %get3A_673 = tpu.vector_load %arg12[%get3A_671, %get3A_672] {strides = array<i32>} : memref<128x64xf32, #tpu.memory_space<vmem>>, vector<1x16xf32>,
          %get3A_674 = vector.shape_cast %get3A_673 : vector<1x16xf32> to vector<16xf32>
          %mul3A_675 = arith.mulf %get3A_674, %gather3A_640 : vector<16xf32>
          %swap3A_676 = arith.index_cast %add3A_636 : i32 to index
          %swap3A_677 = arith.constant 48 : index
          %swap3A_678 = tpu.vector_load %arg12[%swap3A_676, %swap3A_677] {strides = array<i32>} : memref<128x64xf32, #tpu.memory_space<vmem>>, vector<1x16xf32>,
          %swap3A_679 = vector.shape_cast %swap3A_678 : vector<1x16xf32> to vector<16xf32>
          %swap3A_680 = vector.shape_cast %mul3A_675 : vector<16xf32> to vector<1x16xf32>
          tpu.vector_store %arg12[%swap3A_676, %swap3A_677], %swap3A_680 {strides = array<i32>} : memref<128x64xf32, #tpu.memory_space<vmem>>, vector<1x16xf32>,
          %mul3A_681 = arith.constant 16 : i32
          %mul3A_682 = arith.muli %scan3A_197, %mul3A_681 : i32
          %add3A_683 = arith.constant 10 : i32
          %add3A_684 = arith.addi %mul3A_682, %add3A_683 : i32
          %broadcast_in_dim3A_685 = arith.constant 10 : i32
          %broadcast_in_dim3A_686 = vector.broadcast %broadcast_in_dim3A_685 : i32 to vector<16x1xi32>
          %gather3A_687 = vector.shape_cast %broadcast_in_dim3A_686 : vector<16x1xi32> to vector<16xi32>
          %gather3A_688 = tpu.dynamic_gather %get3A_203[%gather3A_687] in [0] : vector<16xf32>, vector<16xi32> -> vector<16xf32>
          %get3A_689 = arith.index_cast %add3A_684 : i32 to index
          %get3A_690 = arith.constant 0 : index
          %get3A_691 = tpu.vector_load %arg12[%get3A_689, %get3A_690] {strides = array<i32>} : memref<128x64xf32, #tpu.memory_space<vmem>>, vector<1x16xf32>,
          %get3A_692 = vector.shape_cast %get3A_691 : vector<1x16xf32> to vector<16xf32>
          %mul3A_693 = arith.mulf %get3A_692, %gather3A_688 : vector<16xf32>
          %swap3A_694 = arith.index_cast %add3A_684 : i32 to index
          %swap3A_695 = arith.constant 0 : index
          %swap3A_696 = tpu.vector_load %arg12[%swap3A_694, %swap3A_695] {strides = array<i32>} : memref<128x64xf32, #tpu.memory_space<vmem>>, vector<1x16xf32>,
          %swap3A_697 = vector.shape_cast %swap3A_696 : vector<1x16xf32> to vector<16xf32>
          %swap3A_698 = vector.shape_cast %mul3A_693 : vector<16xf32> to vector<1x16xf32>
          tpu.vector_store %arg12[%swap3A_694, %swap3A_695], %swap3A_698 {strides = array<i32>} : memref<128x64xf32, #tpu.memory_space<vmem>>, vector<1x16xf32>,
          %get3A_699 = arith.index_cast %add3A_684 : i32 to index
          %get3A_700 = arith.constant 16 : index
          %get3A_701 = tpu.vector_load %arg12[%get3A_699, %get3A_700] {strides = array<i32>} : memref<128x64xf32, #tpu.memory_space<vmem>>, vector<1x16xf32>,
          %get3A_702 = vector.shape_cast %get3A_701 : vector<1x16xf32> to vector<16xf32>
          %mul3A_703 = arith.mulf %get3A_702, %gather3A_688 : vector<16xf32>
          %swap3A_704 = arith.index_cast %add3A_684 : i32 to index
          %swap3A_705 = arith.constant 16 : index
          %swap3A_706 = tpu.vector_load %arg12[%swap3A_704, %swap3A_705] {strides = array<i32>} : memref<128x64xf32, #tpu.memory_space<vmem>>, vector<1x16xf32>,
          %swap3A_707 = vector.shape_cast %swap3A_706 : vector<1x16xf32> to vector<16xf32>
          %swap3A_708 = vector.shape_cast %mul3A_703 : vector<16xf32> to vector<1x16xf32>
          tpu.vector_store %arg12[%swap3A_704, %swap3A_705], %swap3A_708 {strides = array<i32>} : memref<128x64xf32, #tpu.memory_space<vmem>>, vector<1x16xf32>,
          %get3A_709 = arith.index_cast %add3A_684 : i32 to index
          %get3A_710 = arith.constant 32 : index
          %get3A_711 = tpu.vector_load %arg12[%get3A_709, %get3A_710] {strides = array<i32>} : memref<128x64xf32, #tpu.memory_space<vmem>>, vector<1x16xf32>,
          %get3A_712 = vector.shape_cast %get3A_711 : vector<1x16xf32> to vector<16xf32>
          %mul3A_713 = arith.mulf %get3A_712, %gather3A_688 : vector<16xf32>
          %swap3A_714 = arith.index_cast %add3A_684 : i32 to index
          %swap3A_715 = arith.constant 32 : index
          %swap3A_716 = tpu.vector_load %arg12[%swap3A_714, %swap3A_715] {strides = array<i32>} : memref<128x64xf32, #tpu.memory_space<vmem>>, vector<1x16xf32>,
          %swap3A_717 = vector.shape_cast %swap3A_716 : vector<1x16xf32> to vector<16xf32>
          %swap3A_718 = vector.shape_cast %mul3A_713 : vector<16xf32> to vector<1x16xf32>
          tpu.vector_store %arg12[%swap3A_714, %swap3A_715], %swap3A_718 {strides = array<i32>} : memref<128x64xf32, #tpu.memory_space<vmem>>, vector<1x16xf32>,
          %get3A_719 = arith.index_cast %add3A_684 : i32 to index
          %get3A_720 = arith.constant 48 : index
          %get3A_721 = tpu.vector_load %arg12[%get3A_719, %get3A_720] {strides = array<i32>} : memref<128x64xf32, #tpu.memory_space<vmem>>, vector<1x16xf32>,
          %get3A_722 = vector.shape_cast %get3A_721 : vector<1x16xf32> to vector<16xf32>
          %mul3A_723 = arith.mulf %get3A_722, %gather3A_688 : vector<16xf32>
          %swap3A_724 = arith.index_cast %add3A_684 : i32 to index
          %swap3A_725 = arith.constant 48 : index
          %swap3A_726 = tpu.vector_load %arg12[%swap3A_724, %swap3A_725] {strides = array<i32>} : memref<128x64xf32, #tpu.memory_space<vmem>>, vector<1x16xf32>,
          %swap3A_727 = vector.shape_cast %swap3A_726 : vector<1x16xf32> to vector<16xf32>
          %swap3A_728 = vector.shape_cast %mul3A_723 : vector<16xf32> to vector<1x16xf32>
          tpu.vector_store %arg12[%swap3A_724, %swap3A_725], %swap3A_728 {strides = array<i32>} : memref<128x64xf32, #tpu.memory_space<vmem>>, vector<1x16xf32>,
          %mul3A_729 = arith.constant 16 : i32
          %mul3A_730 = arith.muli %scan3A_197, %mul3A_729 : i32
          %add3A_731 = arith.constant 11 : i32
          %add3A_732 = arith.addi %mul3A_730, %add3A_731 : i32
          %broadcast_in_dim3A_733 = arith.constant 11 : i32
          %broadcast_in_dim3A_734 = vector.broadcast %broadcast_in_dim3A_733 : i32 to vector<16x1xi32>
          %gather3A_735 = vector.shape_cast %broadcast_in_dim3A_734 : vector<16x1xi32> to vector<16xi32>
          %gather3A_736 = tpu.dynamic_gather %get3A_203[%gather3A_735] in [0] : vector<16xf32>, vector<16xi32> -> vector<16xf32>
          %get3A_737 = arith.index_cast %add3A_732 : i32 to index
          %get3A_738 = arith.constant 0 : index
          %get3A_739 = tpu.vector_load %arg12[%get3A_737, %get3A_738] {strides = array<i32>} : memref<128x64xf32, #tpu.memory_space<vmem>>, vector<1x16xf32>,
          %get3A_740 = vector.shape_cast %get3A_739 : vector<1x16xf32> to vector<16xf32>
          %mul3A_741 = arith.mulf %get3A_740, %gather3A_736 : vector<16xf32>
          %swap3A_742 = arith.index_cast %add3A_732 : i32 to index
          %swap3A_743 = arith.constant 0 : index
          %swap3A_744 = tpu.vector_load %arg12[%swap3A_742, %swap3A_743] {strides = array<i32>} : memref<128x64xf32, #tpu.memory_space<vmem>>, vector<1x16xf32>,
          %swap3A_745 = vector.shape_cast %swap3A_744 : vector<1x16xf32> to vector<16xf32>
          %swap3A_746 = vector.shape_cast %mul3A_741 : vector<16xf32> to vector<1x16xf32>
          tpu.vector_store %arg12[%swap3A_742, %swap3A_743], %swap3A_746 {strides = array<i32>} : memref<128x64xf32, #tpu.memory_space<vmem>>, vector<1x16xf32>,
          %get3A_747 = arith.index_cast %add3A_732 : i32 to index
          %get3A_748 = arith.constant 16 : index
          %get3A_749 = tpu.vector_load %arg12[%get3A_747, %get3A_748] {strides = array<i32>} : memref<128x64xf32, #tpu.memory_space<vmem>>, vector<1x16xf32>,
          %get3A_750 = vector.shape_cast %get3A_749 : vector<1x16xf32> to vector<16xf32>
          %mul3A_751 = arith.mulf %get3A_750, %gather3A_736 : vector<16xf32>
          %swap3A_752 = arith.index_cast %add3A_732 : i32 to index
          %swap3A_753 = arith.constant 16 : index
          %swap3A_754 = tpu.vector_load %arg12[%swap3A_752, %swap3A_753] {strides = array<i32>} : memref<128x64xf32, #tpu.memory_space<vmem>>, vector<1x16xf32>,
          %swap3A_755 = vector.shape_cast %swap3A_754 : vector<1x16xf32> to vector<16xf32>
          %swap3A_756 = vector.shape_cast %mul3A_751 : vector<16xf32> to vector<1x16xf32>
          tpu.vector_store %arg12[%swap3A_752, %swap3A_753], %swap3A_756 {strides = array<i32>} : memref<128x64xf32, #tpu.memory_space<vmem>>, vector<1x16xf32>,
          %get3A_757 = arith.index_cast %add3A_732 : i32 to index
          %get3A_758 = arith.constant 32 : index
          %get3A_759 = tpu.vector_load %arg12[%get3A_757, %get3A_758] {strides = array<i32>} : memref<128x64xf32, #tpu.memory_space<vmem>>, vector<1x16xf32>,
          %get3A_760 = vector.shape_cast %get3A_759 : vector<1x16xf32> to vector<16xf32>
          %mul3A_761 = arith.mulf %get3A_760, %gather3A_736 : vector<16xf32>
          %swap3A_762 = arith.index_cast %add3A_732 : i32 to index
          %swap3A_763 = arith.constant 32 : index
          %swap3A_764 = tpu.vector_load %arg12[%swap3A_762, %swap3A_763] {strides = array<i32>} : memref<128x64xf32, #tpu.memory_space<vmem>>, vector<1x16xf32>,
          %swap3A_765 = vector.shape_cast %swap3A_764 : vector<1x16xf32> to vector<16xf32>
          %swap3A_766 = vector.shape_cast %mul3A_761 : vector<16xf32> to vector<1x16xf32>
          tpu.vector_store %arg12[%swap3A_762, %swap3A_763], %swap3A_766 {strides = array<i32>} : memref<128x64xf32, #tpu.memory_space<vmem>>, vector<1x16xf32>,
          %get3A_767 = arith.index_cast %add3A_732 : i32 to index
          %get3A_768 = arith.constant 48 : index
          %get3A_769 = tpu.vector_load %arg12[%get3A_767, %get3A_768] {strides = array<i32>} : memref<128x64xf32, #tpu.memory_space<vmem>>, vector<1x16xf32>,
          %get3A_770 = vector.shape_cast %get3A_769 : vector<1x16xf32> to vector<16xf32>
          %mul3A_771 = arith.mulf %get3A_770, %gather3A_736 : vector<16xf32>
          %swap3A_772 = arith.index_cast %add3A_732 : i32 to index
          %swap3A_773 = arith.constant 48 : index
          %swap3A_774 = tpu.vector_load %arg12[%swap3A_772, %swap3A_773] {strides = array<i32>} : memref<128x64xf32, #tpu.memory_space<vmem>>, vector<1x16xf32>,
          %swap3A_775 = vector.shape_cast %swap3A_774 : vector<1x16xf32> to vector<16xf32>
          %swap3A_776 = vector.shape_cast %mul3A_771 : vector<16xf32> to vector<1x16xf32>
          tpu.vector_store %arg12[%swap3A_772, %swap3A_773], %swap3A_776 {strides = array<i32>} : memref<128x64xf32, #tpu.memory_space<vmem>>, vector<1x16xf32>,
          %mul3A_777 = arith.constant 16 : i32
          %mul3A_778 = arith.muli %scan3A_197, %mul3A_777 : i32
          %add3A_779 = arith.constant 12 : i32
          %add3A_780 = arith.addi %mul3A_778, %add3A_779 : i32
          %broadcast_in_dim3A_781 = arith.constant 12 : i32
          %broadcast_in_dim3A_782 = vector.broadcast %broadcast_in_dim3A_781 : i32 to vector<16x1xi32>
          %gather3A_783 = vector.shape_cast %broadcast_in_dim3A_782 : vector<16x1xi32> to vector<16xi32>
          %gather3A_784 = tpu.dynamic_gather %get3A_203[%gather3A_783] in [0] : vector<16xf32>, vector<16xi32> -> vector<16xf32>
          %get3A_785 = arith.index_cast %add3A_780 : i32 to index
          %get3A_786 = arith.constant 0 : index
          %get3A_787 = tpu.vector_load %arg12[%get3A_785, %get3A_786] {strides = array<i32>} : memref<128x64xf32, #tpu.memory_space<vmem>>, vector<1x16xf32>,
          %get3A_788 = vector.shape_cast %get3A_787 : vector<1x16xf32> to vector<16xf32>
          %mul3A_789 = arith.mulf %get3A_788, %gather3A_784 : vector<16xf32>
          %swap3A_790 = arith.index_cast %add3A_780 : i32 to index
          %swap3A_791 = arith.constant 0 : index
          %swap3A_792 = tpu.vector_load %arg12[%swap3A_790, %swap3A_791] {strides = array<i32>} : memref<128x64xf32, #tpu.memory_space<vmem>>, vector<1x16xf32>,
          %swap3A_793 = vector.shape_cast %swap3A_792 : vector<1x16xf32> to vector<16xf32>
          %swap3A_794 = vector.shape_cast %mul3A_789 : vector<16xf32> to vector<1x16xf32>
          tpu.vector_store %arg12[%swap3A_790, %swap3A_791], %swap3A_794 {strides = array<i32>} : memref<128x64xf32, #tpu.memory_space<vmem>>, vector<1x16xf32>,
          %get3A_795 = arith.index_cast %add3A_780 : i32 to index
          %get3A_796 = arith.constant 16 : index
          %get3A_797 = tpu.vector_load %arg12[%get3A_795, %get3A_796] {strides = array<i32>} : memref<128x64xf32, #tpu.memory_space<vmem>>, vector<1x16xf32>,
          %get3A_798 = vector.shape_cast %get3A_797 : vector<1x16xf32> to vector<16xf32>
          %mul3A_799 = arith.mulf %get3A_798, %gather3A_784 : vector<16xf32>
          %swap3A_800 = arith.index_cast %add3A_780 : i32 to index
          %swap3A_801 = arith.constant 16 : index
          %swap3A_802 = tpu.vector_load %arg12[%swap3A_800, %swap3A_801] {strides = array<i32>} : memref<128x64xf32, #tpu.memory_space<vmem>>, vector<1x16xf32>,
          %swap3A_803 = vector.shape_cast %swap3A_802 : vector<1x16xf32> to vector<16xf32>
          %swap3A_804 = vector.shape_cast %mul3A_799 : vector<16xf32> to vector<1x16xf32>
          tpu.vector_store %arg12[%swap3A_800, %swap3A_801], %swap3A_804 {strides = array<i32>} : memref<128x64xf32, #tpu.memory_space<vmem>>, vector<1x16xf32>,
          %get3A_805 = arith.index_cast %add3A_780 : i32 to index
          %get3A_806 = arith.constant 32 : index
          %get3A_807 = tpu.vector_load %arg12[%get3A_805, %get3A_806] {strides = array<i32>} : memref<128x64xf32, #tpu.memory_space<vmem>>, vector<1x16xf32>,
          %get3A_808 = vector.shape_cast %get3A_807 : vector<1x16xf32> to vector<16xf32>
          %mul3A_809 = arith.mulf %get3A_808, %gather3A_784 : vector<16xf32>
          %swap3A_810 = arith.index_cast %add3A_780 : i32 to index
          %swap3A_811 = arith.constant 32 : index
          %swap3A_812 = tpu.vector_load %arg12[%swap3A_810, %swap3A_811] {strides = array<i32>} : memref<128x64xf32, #tpu.memory_space<vmem>>, vector<1x16xf32>,
          %swap3A_813 = vector.shape_cast %swap3A_812 : vector<1x16xf32> to vector<16xf32>
          %swap3A_814 = vector.shape_cast %mul3A_809 : vector<16xf32> to vector<1x16xf32>
          tpu.vector_store %arg12[%swap3A_810, %swap3A_811], %swap3A_814 {strides = array<i32>} : memref<128x64xf32, #tpu.memory_space<vmem>>, vector<1x16xf32>,
          %get3A_815 = arith.index_cast %add3A_780 : i32 to index
          %get3A_816 = arith.constant 48 : index
          %get3A_817 = tpu.vector_load %arg12[%get3A_815, %get3A_816] {strides = array<i32>} : memref<128x64xf32, #tpu.memory_space<vmem>>, vector<1x16xf32>,
          %get3A_818 = vector.shape_cast %get3A_817 : vector<1x16xf32> to vector<16xf32>
          %mul3A_819 = arith.mulf %get3A_818, %gather3A_784 : vector<16xf32>
          %swap3A_820 = arith.index_cast %add3A_780 : i32 to index
          %swap3A_821 = arith.constant 48 : index
          %swap3A_822 = tpu.vector_load %arg12[%swap3A_820, %swap3A_821] {strides = array<i32>} : memref<128x64xf32, #tpu.memory_space<vmem>>, vector<1x16xf32>,
          %swap3A_823 = vector.shape_cast %swap3A_822 : vector<1x16xf32> to vector<16xf32>
          %swap3A_824 = vector.shape_cast %mul3A_819 : vector<16xf32> to vector<1x16xf32>
          tpu.vector_store %arg12[%swap3A_820, %swap3A_821], %swap3A_824 {strides = array<i32>} : memref<128x64xf32, #tpu.memory_space<vmem>>, vector<1x16xf32>,
          %mul3A_825 = arith.constant 16 : i32
          %mul3A_826 = arith.muli %scan3A_197, %mul3A_825 : i32
          %add3A_827 = arith.constant 13 : i32
          %add3A_828 = arith.addi %mul3A_826, %add3A_827 : i32
          %broadcast_in_dim3A_829 = arith.constant 13 : i32
          %broadcast_in_dim3A_830 = vector.broadcast %broadcast_in_dim3A_829 : i32 to vector<16x1xi32>
          %gather3A_831 = vector.shape_cast %broadcast_in_dim3A_830 : vector<16x1xi32> to vector<16xi32>
          %gather3A_832 = tpu.dynamic_gather %get3A_203[%gather3A_831] in [0] : vector<16xf32>, vector<16xi32> -> vector<16xf32>
          %get3A_833 = arith.index_cast %add3A_828 : i32 to index
          %get3A_834 = arith.constant 0 : index
          %get3A_835 = tpu.vector_load %arg12[%get3A_833, %get3A_834] {strides = array<i32>} : memref<128x64xf32, #tpu.memory_space<vmem>>, vector<1x16xf32>,
          %get3A_836 = vector.shape_cast %get3A_835 : vector<1x16xf32> to vector<16xf32>
          %mul3A_837 = arith.mulf %get3A_836, %gather3A_832 : vector<16xf32>
          %swap3A_838 = arith.index_cast %add3A_828 : i32 to index
          %swap3A_839 = arith.constant 0 : index
          %swap3A_840 = tpu.vector_load %arg12[%swap3A_838, %swap3A_839] {strides = array<i32>} : memref<128x64xf32, #tpu.memory_space<vmem>>, vector<1x16xf32>,
          %swap3A_841 = vector.shape_cast %swap3A_840 : vector<1x16xf32> to vector<16xf32>
          %swap3A_842 = vector.shape_cast %mul3A_837 : vector<16xf32> to vector<1x16xf32>
          tpu.vector_store %arg12[%swap3A_838, %swap3A_839], %swap3A_842 {strides = array<i32>} : memref<128x64xf32, #tpu.memory_space<vmem>>, vector<1x16xf32>,
          %get3A_843 = arith.index_cast %add3A_828 : i32 to index
          %get3A_844 = arith.constant 16 : index
          %get3A_845 = tpu.vector_load %arg12[%get3A_843, %get3A_844] {strides = array<i32>} : memref<128x64xf32, #tpu.memory_space<vmem>>, vector<1x16xf32>,
          %get3A_846 = vector.shape_cast %get3A_845 : vector<1x16xf32> to vector<16xf32>
          %mul3A_847 = arith.mulf %get3A_846, %gather3A_832 : vector<16xf32>
          %swap3A_848 = arith.index_cast %add3A_828 : i32 to index
          %swap3A_849 = arith.constant 16 : index
          %swap3A_850 = tpu.vector_load %arg12[%swap3A_848, %swap3A_849] {strides = array<i32>} : memref<128x64xf32, #tpu.memory_space<vmem>>, vector<1x16xf32>,
          %swap3A_851 = vector.shape_cast %swap3A_850 : vector<1x16xf32> to vector<16xf32>
          %swap3A_852 = vector.shape_cast %mul3A_847 : vector<16xf32> to vector<1x16xf32>
          tpu.vector_store %arg12[%swap3A_848, %swap3A_849], %swap3A_852 {strides = array<i32>} : memref<128x64xf32, #tpu.memory_space<vmem>>, vector<1x16xf32>,
          %get3A_853 = arith.index_cast %add3A_828 : i32 to index
          %get3A_854 = arith.constant 32 : index
          %get3A_855 = tpu.vector_load %arg12[%get3A_853, %get3A_854] {strides = array<i32>} : memref<128x64xf32, #tpu.memory_space<vmem>>, vector<1x16xf32>,
          %get3A_856 = vector.shape_cast %get3A_855 : vector<1x16xf32> to vector<16xf32>
          %mul3A_857 = arith.mulf %get3A_856, %gather3A_832 : vector<16xf32>
          %swap3A_858 = arith.index_cast %add3A_828 : i32 to index
          %swap3A_859 = arith.constant 32 : index
          %swap3A_860 = tpu.vector_load %arg12[%swap3A_858, %swap3A_859] {strides = array<i32>} : memref<128x64xf32, #tpu.memory_space<vmem>>, vector<1x16xf32>,
          %swap3A_861 = vector.shape_cast %swap3A_860 : vector<1x16xf32> to vector<16xf32>
          %swap3A_862 = vector.shape_cast %mul3A_857 : vector<16xf32> to vector<1x16xf32>
          tpu.vector_store %arg12[%swap3A_858, %swap3A_859], %swap3A_862 {strides = array<i32>} : memref<128x64xf32, #tpu.memory_space<vmem>>, vector<1x16xf32>,
          %get3A_863 = arith.index_cast %add3A_828 : i32 to index
          %get3A_864 = arith.constant 48 : index
          %get3A_865 = tpu.vector_load %arg12[%get3A_863, %get3A_864] {strides = array<i32>} : memref<128x64xf32, #tpu.memory_space<vmem>>, vector<1x16xf32>,
          %get3A_866 = vector.shape_cast %get3A_865 : vector<1x16xf32> to vector<16xf32>
          %mul3A_867 = arith.mulf %get3A_866, %gather3A_832 : vector<16xf32>
          %swap3A_868 = arith.index_cast %add3A_828 : i32 to index
          %swap3A_869 = arith.constant 48 : index
          %swap3A_870 = tpu.vector_load %arg12[%swap3A_868, %swap3A_869] {strides = array<i32>} : memref<128x64xf32, #tpu.memory_space<vmem>>, vector<1x16xf32>,
          %swap3A_871 = vector.shape_cast %swap3A_870 : vector<1x16xf32> to vector<16xf32>
          %swap3A_872 = vector.shape_cast %mul3A_867 : vector<16xf32> to vector<1x16xf32>
          tpu.vector_store %arg12[%swap3A_868, %swap3A_869], %swap3A_872 {strides = array<i32>} : memref<128x64xf32, #tpu.memory_space<vmem>>, vector<1x16xf32>,
          %mul3A_873 = arith.constant 16 : i32
          %mul3A_874 = arith.muli %scan3A_197, %mul3A_873 : i32
          %add3A_875 = arith.constant 14 : i32
          %add3A_876 = arith.addi %mul3A_874, %add3A_875 : i32
          %broadcast_in_dim3A_877 = arith.constant 14 : i32
          %broadcast_in_dim3A_878 = vector.broadcast %broadcast_in_dim3A_877 : i32 to vector<16x1xi32>
          %gather3A_879 = vector.shape_cast %broadcast_in_dim3A_878 : vector<16x1xi32> to vector<16xi32>
          %gather3A_880 = tpu.dynamic_gather %get3A_203[%gather3A_879] in [0] : vector<16xf32>, vector<16xi32> -> vector<16xf32>
          %get3A_881 = arith.index_cast %add3A_876 : i32 to index
          %get3A_882 = arith.constant 0 : index
          %get3A_883 = tpu.vector_load %arg12[%get3A_881, %get3A_882] {strides = array<i32>} : memref<128x64xf32, #tpu.memory_space<vmem>>, vector<1x16xf32>,
          %get3A_884 = vector.shape_cast %get3A_883 : vector<1x16xf32> to vector<16xf32>
          %mul3A_885 = arith.mulf %get3A_884, %gather3A_880 : vector<16xf32>
          %swap3A_886 = arith.index_cast %add3A_876 : i32 to index
          %swap3A_887 = arith.constant 0 : index
          %swap3A_888 = tpu.vector_load %arg12[%swap3A_886, %swap3A_887] {strides = array<i32>} : memref<128x64xf32, #tpu.memory_space<vmem>>, vector<1x16xf32>,
          %swap3A_889 = vector.shape_cast %swap3A_888 : vector<1x16xf32> to vector<16xf32>
          %swap3A_890 = vector.shape_cast %mul3A_885 : vector<16xf32> to vector<1x16xf32>
          tpu.vector_store %arg12[%swap3A_886, %swap3A_887], %swap3A_890 {strides = array<i32>} : memref<128x64xf32, #tpu.memory_space<vmem>>, vector<1x16xf32>,
          %get3A_891 = arith.index_cast %add3A_876 : i32 to index
          %get3A_892 = arith.constant 16 : index
          %get3A_893 = tpu.vector_load %arg12[%get3A_891, %get3A_892] {strides = array<i32>} : memref<128x64xf32, #tpu.memory_space<vmem>>, vector<1x16xf32>,
          %get3A_894 = vector.shape_cast %get3A_893 : vector<1x16xf32> to vector<16xf32>
          %mul3A_895 = arith.mulf %get3A_894, %gather3A_880 : vector<16xf32>
          %swap3A_896 = arith.index_cast %add3A_876 : i32 to index
          %swap3A_897 = arith.constant 16 : index
          %swap3A_898 = tpu.vector_load %arg12[%swap3A_896, %swap3A_897] {strides = array<i32>} : memref<128x64xf32, #tpu.memory_space<vmem>>, vector<1x16xf32>,
          %swap3A_899 = vector.shape_cast %swap3A_898 : vector<1x16xf32> to vector<16xf32>
          %swap3A_900 = vector.shape_cast %mul3A_895 : vector<16xf32> to vector<1x16xf32>
          tpu.vector_store %arg12[%swap3A_896, %swap3A_897], %swap3A_900 {strides = array<i32>} : memref<128x64xf32, #tpu.memory_space<vmem>>, vector<1x16xf32>,
          %get3A_901 = arith.index_cast %add3A_876 : i32 to index
          %get3A_902 = arith.constant 32 : index
          %get3A_903 = tpu.vector_load %arg12[%get3A_901, %get3A_902] {strides = array<i32>} : memref<128x64xf32, #tpu.memory_space<vmem>>, vector<1x16xf32>,
          %get3A_904 = vector.shape_cast %get3A_903 : vector<1x16xf32> to vector<16xf32>
          %mul3A_905 = arith.mulf %get3A_904, %gather3A_880 : vector<16xf32>
          %swap3A_906 = arith.index_cast %add3A_876 : i32 to index
          %swap3A_907 = arith.constant 32 : index
          %swap3A_908 = tpu.vector_load %arg12[%swap3A_906, %swap3A_907] {strides = array<i32>} : memref<128x64xf32, #tpu.memory_space<vmem>>, vector<1x16xf32>,
          %swap3A_909 = vector.shape_cast %swap3A_908 : vector<1x16xf32> to vector<16xf32>
          %swap3A_910 = vector.shape_cast %mul3A_905 : vector<16xf32> to vector<1x16xf32>
          tpu.vector_store %arg12[%swap3A_906, %swap3A_907], %swap3A_910 {strides = array<i32>} : memref<128x64xf32, #tpu.memory_space<vmem>>, vector<1x16xf32>,
          %get3A_911 = arith.index_cast %add3A_876 : i32 to index
          %get3A_912 = arith.constant 48 : index
          %get3A_913 = tpu.vector_load %arg12[%get3A_911, %get3A_912] {strides = array<i32>} : memref<128x64xf32, #tpu.memory_space<vmem>>, vector<1x16xf32>,
          %get3A_914 = vector.shape_cast %get3A_913 : vector<1x16xf32> to vector<16xf32>
          %mul3A_915 = arith.mulf %get3A_914, %gather3A_880 : vector<16xf32>
          %swap3A_916 = arith.index_cast %add3A_876 : i32 to index
          %swap3A_917 = arith.constant 48 : index
          %swap3A_918 = tpu.vector_load %arg12[%swap3A_916, %swap3A_917] {strides = array<i32>} : memref<128x64xf32, #tpu.memory_space<vmem>>, vector<1x16xf32>,
          %swap3A_919 = vector.shape_cast %swap3A_918 : vector<1x16xf32> to vector<16xf32>
          %swap3A_920 = vector.shape_cast %mul3A_915 : vector<16xf32> to vector<1x16xf32>
          tpu.vector_store %arg12[%swap3A_916, %swap3A_917], %swap3A_920 {strides = array<i32>} : memref<128x64xf32, #tpu.memory_space<vmem>>, vector<1x16xf32>,
          %mul3A_921 = arith.constant 16 : i32
          %mul3A_922 = arith.muli %scan3A_197, %mul3A_921 : i32
          %add3A_923 = arith.constant 15 : i32
          %add3A_924 = arith.addi %mul3A_922, %add3A_923 : i32
          %broadcast_in_dim3A_925 = arith.constant 15 : i32
          %broadcast_in_dim3A_926 = vector.broadcast %broadcast_in_dim3A_925 : i32 to vector<16x1xi32>
          %gather3A_927 = vector.shape_cast %broadcast_in_dim3A_926 : vector<16x1xi32> to vector<16xi32>
          %gather3A_928 = tpu.dynamic_gather %get3A_203[%gather3A_927] in [0] : vector<16xf32>, vector<16xi32> -> vector<16xf32>
          %get3A_929 = arith.index_cast %add3A_924 : i32 to index
          %get3A_930 = arith.constant 0 : index
          %get3A_931 = tpu.vector_load %arg12[%get3A_929, %get3A_930] {strides = array<i32>} : memref<128x64xf32, #tpu.memory_space<vmem>>, vector<1x16xf32>,
          %get3A_932 = vector.shape_cast %get3A_931 : vector<1x16xf32> to vector<16xf32>
          %mul3A_933 = arith.mulf %get3A_932, %gather3A_928 : vector<16xf32>
          %swap3A_934 = arith.index_cast %add3A_924 : i32 to index
          %swap3A_935 = arith.constant 0 : index
          %swap3A_936 = tpu.vector_load %arg12[%swap3A_934, %swap3A_935] {strides = array<i32>} : memref<128x64xf32, #tpu.memory_space<vmem>>, vector<1x16xf32>,
          %swap3A_937 = vector.shape_cast %swap3A_936 : vector<1x16xf32> to vector<16xf32>
          %swap3A_938 = vector.shape_cast %mul3A_933 : vector<16xf32> to vector<1x16xf32>
          tpu.vector_store %arg12[%swap3A_934, %swap3A_935], %swap3A_938 {strides = array<i32>} : memref<128x64xf32, #tpu.memory_space<vmem>>, vector<1x16xf32>,
          %get3A_939 = arith.index_cast %add3A_924 : i32 to index
          %get3A_940 = arith.constant 16 : index
          %get3A_941 = tpu.vector_load %arg12[%get3A_939, %get3A_940] {strides = array<i32>} : memref<128x64xf32, #tpu.memory_space<vmem>>, vector<1x16xf32>,
          %get3A_942 = vector.shape_cast %get3A_941 : vector<1x16xf32> to vector<16xf32>
          %mul3A_943 = arith.mulf %get3A_942, %gather3A_928 : vector<16xf32>
          %swap3A_944 = arith.index_cast %add3A_924 : i32 to index
          %swap3A_945 = arith.constant 16 : index
          %swap3A_946 = tpu.vector_load %arg12[%swap3A_944, %swap3A_945] {strides = array<i32>} : memref<128x64xf32, #tpu.memory_space<vmem>>, vector<1x16xf32>,
          %swap3A_947 = vector.shape_cast %swap3A_946 : vector<1x16xf32> to vector<16xf32>
          %swap3A_948 = vector.shape_cast %mul3A_943 : vector<16xf32> to vector<1x16xf32>
          tpu.vector_store %arg12[%swap3A_944, %swap3A_945], %swap3A_948 {strides = array<i32>} : memref<128x64xf32, #tpu.memory_space<vmem>>, vector<1x16xf32>,
          %get3A_949 = arith.index_cast %add3A_924 : i32 to index
          %get3A_950 = arith.constant 32 : index
          %get3A_951 = tpu.vector_load %arg12[%get3A_949, %get3A_950] {strides = array<i32>} : memref<128x64xf32, #tpu.memory_space<vmem>>, vector<1x16xf32>,
          %get3A_952 = vector.shape_cast %get3A_951 : vector<1x16xf32> to vector<16xf32>
          %mul3A_953 = arith.mulf %get3A_952, %gather3A_928 : vector<16xf32>
          %swap3A_954 = arith.index_cast %add3A_924 : i32 to index
          %swap3A_955 = arith.constant 32 : index
          %swap3A_956 = tpu.vector_load %arg12[%swap3A_954, %swap3A_955] {strides = array<i32>} : memref<128x64xf32, #tpu.memory_space<vmem>>, vector<1x16xf32>,
          %swap3A_957 = vector.shape_cast %swap3A_956 : vector<1x16xf32> to vector<16xf32>
          %swap3A_958 = vector.shape_cast %mul3A_953 : vector<16xf32> to vector<1x16xf32>
          tpu.vector_store %arg12[%swap3A_954, %swap3A_955], %swap3A_958 {strides = array<i32>} : memref<128x64xf32, #tpu.memory_space<vmem>>, vector<1x16xf32>,
          %get3A_959 = arith.index_cast %add3A_924 : i32 to index
          %get3A_960 = arith.constant 48 : index
          %get3A_961 = tpu.vector_load %arg12[%get3A_959, %get3A_960] {strides = array<i32>} : memref<128x64xf32, #tpu.memory_space<vmem>>, vector<1x16xf32>,
          %get3A_962 = vector.shape_cast %get3A_961 : vector<1x16xf32> to vector<16xf32>
          %mul3A_963 = arith.mulf %get3A_962, %gather3A_928 : vector<16xf32>
          %swap3A_964 = arith.index_cast %add3A_924 : i32 to index
          %swap3A_965 = arith.constant 48 : index
          %swap3A_966 = tpu.vector_load %arg12[%swap3A_964, %swap3A_965] {strides = array<i32>} : memref<128x64xf32, #tpu.memory_space<vmem>>, vector<1x16xf32>,
          %swap3A_967 = vector.shape_cast %swap3A_966 : vector<1x16xf32> to vector<16xf32>
          %swap3A_968 = vector.shape_cast %mul3A_963 : vector<16xf32> to vector<1x16xf32>
          tpu.vector_store %arg12[%swap3A_964, %swap3A_965], %swap3A_968 {strides = array<i32>} : memref<128x64xf32, #tpu.memory_space<vmem>>, vector<1x16xf32>,
          %scan3A_969 = arith.constant 0 : i32
          scf.yield %scan3A_969 : i32
        }
        %scan3A_196 = arith.constant 8 : i32
        "tpu.region"() ({
          %run_scoped3A = tpu.sem_alloc : memref<!tpu.dma_semaphore, #tpu.memory_space<semaphore_mem>>
          %dma_start3A_197 = arith.constant 0 : i32
          %dma_start3A_198 = arith.constant 0 : i32
          %dma_start3A_199 = tpu.memref_slice %arg17[%dma_start3A_197, %dma_start3A_198] : memref<10240x64xf32, #tpu.memory_space<vmem_shared>> -> memref<10240x64xf32, #tpu.memory_space<vmem_shared>>
          tpu.enqueue_indirect_dma source(%arg12 : memref<128x64xf32, #tpu.memory_space<vmem>>) target(%dma_start3A_199 : memref<10240x64xf32, #tpu.memory_space<vmem_shared>>) offsets(%arg10 : memref<128xi32, #tpu.memory_space<vmem>>) semaphore(%run_scoped3A : memref<!tpu.dma_semaphore, #tpu.memory_space<semaphore_mem>>) {add = true}
          %dma_wait3A_200 = arith.constant 0 : i32
          %dma_wait3A_201 = arith.constant 0 : i32
          %dma_wait3A_202 = tpu.memref_slice %arg17[%dma_wait3A_200, %dma_wait3A_201] : memref<10240x64xf32, #tpu.memory_space<vmem_shared>> -> memref<10240x64xf32, #tpu.memory_space<vmem_shared>>
          tpu.wait_indirect_dma semaphore(%run_scoped3A : memref<!tpu.dma_semaphore, #tpu.memory_space<semaphore_mem>>) src(%arg12 : memref<128x64xf32, #tpu.memory_space<vmem>>) dst(%dma_wait3A_202 : memref<10240x64xf32, #tpu.memory_space<vmem_shared>>)
          tpu.yield
        }) : () -> ()
      } else {
      }
      %barrier3A_122 = arith.constant 0 : index
      tpu.barrier barrier_id(%barrier3A_122)
      %add3A_123 = arith.constant 0 : i32
      %add3A_124 = arith.addi %multiple_of3A, %add3A_123 : i32
      "tpu.region"() ({
        %run_scoped3A = tpu.sem_alloc : memref<!tpu.dma_semaphore, #tpu.memory_space<semaphore_mem>>
        %dma_start3A = arith.constant 0 : i32
        %dma_start3A_180 = tpu.memref_slice %arg17[%add3A_124, %dma_start3A] : memref<10240x64xf32, #tpu.memory_space<vmem_shared>> -> memref<128x64xf32, #tpu.memory_space<vmem_shared>>
        %dma_start3A_181 = arith.constant 0 : i32
        %dma_start3A_182 = tpu.memref_slice %arg17[%add3A_124, %dma_start3A_181] : memref<10240x64xf32, #tpu.memory_space<vmem_shared>> -> memref<128x64xf32, #tpu.memory_space<vmem_shared>>
        tpu.enqueue_dma source(%dma_start3A_182 : memref<128x64xf32, #tpu.memory_space<vmem_shared>>) target(%arg13 : memref<128x64xf32, #tpu.memory_space<vmem>>) target_semaphore(%run_scoped3A : memref<!tpu.dma_semaphore, #tpu.memory_space<semaphore_mem>>)
        %dma_wait3A = arith.constant 0 : i32
        %dma_wait3A_183 = tpu.memref_slice %arg17[%add3A_124, %dma_wait3A] : memref<10240x64xf32, #tpu.memory_space<vmem_shared>> -> memref<128x64xf32, #tpu.memory_space<vmem_shared>>
        %dma_wait3A_184 = arith.constant 0 : i32
        %dma_wait3A_185 = tpu.memref_slice %arg17[%add3A_124, %dma_wait3A_184] : memref<10240x64xf32, #tpu.memory_space<vmem_shared>> -> memref<128x64xf32, #tpu.memory_space<vmem_shared>>
        tpu.wait_dma2 semaphore(%run_scoped3A : memref<!tpu.dma_semaphore, #tpu.memory_space<semaphore_mem>>) src(%dma_wait3A_185 : memref<128x64xf32, #tpu.memory_space<vmem_shared>>) dst(%arg13 : memref<128x64xf32, #tpu.memory_space<vmem>>)
        tpu.yield
      }) : () -> ()
      %add3A_125 = arith.addi %multiple_of3A_3, %add3A_124 : i32
      "tpu.region"() ({
        %run_scoped3A = tpu.sem_alloc : memref<!tpu.dma_semaphore, #tpu.memory_space<semaphore_mem>>
        %dma_start3A = arith.constant 0 : i32
        %dma_start3A_180 = tpu.memref_slice %arg2[%add3A_125, %dma_start3A] : memref<20480x64xf32, #tpu.memory_space<hbm>> -> memref<128x64xf32, #tpu.memory_space<hbm>>
        %dma_start3A_181 = arith.constant 0 : i32
        %dma_start3A_182 = tpu.memref_slice %arg2[%add3A_125, %dma_start3A_181] : memref<20480x64xf32, #tpu.memory_space<hbm>> -> memref<128x64xf32, #tpu.memory_space<hbm>>
        tpu.enqueue_dma source(%dma_start3A_182 : memref<128x64xf32, #tpu.memory_space<hbm>>) target(%arg14 : memref<128x64xf32, #tpu.memory_space<vmem>>) target_semaphore(%run_scoped3A : memref<!tpu.dma_semaphore, #tpu.memory_space<semaphore_mem>>)
        %dma_wait3A = arith.constant 0 : i32
        %dma_wait3A_183 = tpu.memref_slice %arg2[%add3A_125, %dma_wait3A] : memref<20480x64xf32, #tpu.memory_space<hbm>> -> memref<128x64xf32, #tpu.memory_space<hbm>>
        %dma_wait3A_184 = arith.constant 0 : i32
        %dma_wait3A_185 = tpu.memref_slice %arg2[%add3A_125, %dma_wait3A_184] : memref<20480x64xf32, #tpu.memory_space<hbm>> -> memref<128x64xf32, #tpu.memory_space<hbm>>
        tpu.wait_dma2 semaphore(%run_scoped3A : memref<!tpu.dma_semaphore, #tpu.memory_space<semaphore_mem>>) src(%dma_wait3A_185 : memref<128x64xf32, #tpu.memory_space<hbm>>) dst(%arg14 : memref<128x64xf32, #tpu.memory_space<vmem>>)
        tpu.yield
      }) : () -> ()
      "tpu.region"() ({
        %run_scoped3A = tpu.sem_alloc : memref<!tpu.dma_semaphore, #tpu.memory_space<semaphore_mem>>
        %dma_start3A = arith.constant 0 : i32
        %dma_start3A_180 = tpu.memref_slice %arg17[%add3A_124, %dma_start3A] : memref<10240x64xf32, #tpu.memory_space<vmem_shared>> -> memref<128x64xf32, #tpu.memory_space<vmem_shared>>
        %dma_start3A_181 = arith.constant 0 : i32
        %dma_start3A_182 = tpu.memref_slice %arg17[%add3A_124, %dma_start3A_181] : memref<10240x64xf32, #tpu.memory_space<vmem_shared>> -> memref<128x64xf32, #tpu.memory_space<vmem_shared>>
        tpu.enqueue_dma source(%arg15 : memref<128x64xf32, #tpu.memory_space<vmem>>) target(%dma_start3A_182 : memref<128x64xf32, #tpu.memory_space<vmem_shared>>) target_semaphore(%run_scoped3A : memref<!tpu.dma_semaphore, #tpu.memory_space<semaphore_mem>>)
        %dma_wait3A = arith.constant 0 : i32
        %dma_wait3A_183 = tpu.memref_slice %arg17[%add3A_124, %dma_wait3A] : memref<10240x64xf32, #tpu.memory_space<vmem_shared>> -> memref<128x64xf32, #tpu.memory_space<vmem_shared>>
        %dma_wait3A_184 = arith.constant 0 : i32
        %dma_wait3A_185 = tpu.memref_slice %arg17[%add3A_124, %dma_wait3A_184] : memref<10240x64xf32, #tpu.memory_space<vmem_shared>> -> memref<128x64xf32, #tpu.memory_space<vmem_shared>>
        tpu.wait_dma2 semaphore(%run_scoped3A : memref<!tpu.dma_semaphore, #tpu.memory_space<semaphore_mem>>) src(%arg15 : memref<128x64xf32, #tpu.memory_space<vmem>>) dst(%dma_wait3A_185 : memref<128x64xf32, #tpu.memory_space<vmem_shared>>)
        tpu.yield
      }) : () -> ()
      %scan3A_126 = arith.constant 0 : i32
      %scan3A_127 = arith.constant 0 : i32
      %scan3A_128 = arith.constant 128 : i32
      %scan3A_129 = arith.addi %scan3A_127, %scan3A_128 : i32
      %scan3A_130 = arith.constant 1 : i32
      %scan3A_131 = scf.for %scan3A_180 = %scan3A_127 to %scan3A_129 step %scan3A_130 iter_args(%scan3A_181 = %scan3A_126) -> (i32)  : i32 {
        %get3A_182 = arith.index_cast %scan3A_180 : i32 to index
        %get3A_183 = arith.constant 0 : index
        %get3A_184 = tpu.vector_load %arg13[%get3A_182, %get3A_183] {strides = array<i32>} : memref<128x64xf32, #tpu.memory_space<vmem>>, vector<1x16xf32>,
        %get3A_185 = vector.shape_cast %get3A_184 : vector<1x16xf32> to vector<16xf32>
        %mul3A_186 = arith.constant 0.899999976 : f32
        %mul3A_187 = vector.broadcast %mul3A_186 : f32 to vector<16xf32>
        %mul3A_188 = arith.mulf %mul3A_187, %get3A_185 : vector<16xf32>
        %get3A_189 = arith.index_cast %scan3A_180 : i32 to index
        %get3A_190 = arith.constant 0 : index
        %get3A_191 = tpu.vector_load %arg14[%get3A_189, %get3A_190] {strides = array<i32>} : memref<128x64xf32, #tpu.memory_space<vmem>>, vector<1x16xf32>,
        %get3A_192 = vector.shape_cast %get3A_191 : vector<1x16xf32> to vector<16xf32>
        %mul3A_193 = arith.constant 1.000000e-01 : f32
        %mul3A_194 = vector.broadcast %mul3A_193 : f32 to vector<16xf32>
        %mul3A_195 = arith.mulf %mul3A_194, %get3A_192 : vector<16xf32>
        %add3A_196 = arith.addf %mul3A_188, %mul3A_195 : vector<16xf32>
        %swap3A = arith.index_cast %scan3A_180 : i32 to index
        %swap3A_197 = arith.constant 0 : index
        %swap3A_198 = tpu.vector_load %arg13[%swap3A, %swap3A_197] {strides = array<i32>} : memref<128x64xf32, #tpu.memory_space<vmem>>, vector<1x16xf32>,
        %swap3A_199 = vector.shape_cast %swap3A_198 : vector<1x16xf32> to vector<16xf32>
        %swap3A_200 = vector.shape_cast %add3A_196 : vector<16xf32> to vector<1x16xf32>
        tpu.vector_store %arg13[%swap3A, %swap3A_197], %swap3A_200 {strides = array<i32>} : memref<128x64xf32, #tpu.memory_space<vmem>>, vector<1x16xf32>,
        %get3A_201 = arith.index_cast %scan3A_180 : i32 to index
        %get3A_202 = arith.constant 16 : index
        %get3A_203 = tpu.vector_load %arg13[%get3A_201, %get3A_202] {strides = array<i32>} : memref<128x64xf32, #tpu.memory_space<vmem>>, vector<1x16xf32>,
        %get3A_204 = vector.shape_cast %get3A_203 : vector<1x16xf32> to vector<16xf32>
        %mul3A_205 = arith.constant 0.899999976 : f32
        %mul3A_206 = vector.broadcast %mul3A_205 : f32 to vector<16xf32>
        %mul3A_207 = arith.mulf %mul3A_206, %get3A_204 : vector<16xf32>
        %get3A_208 = arith.index_cast %scan3A_180 : i32 to index
        %get3A_209 = arith.constant 16 : index
        %get3A_210 = tpu.vector_load %arg14[%get3A_208, %get3A_209] {strides = array<i32>} : memref<128x64xf32, #tpu.memory_space<vmem>>, vector<1x16xf32>,
        %get3A_211 = vector.shape_cast %get3A_210 : vector<1x16xf32> to vector<16xf32>
        %mul3A_212 = arith.constant 1.000000e-01 : f32
        %mul3A_213 = vector.broadcast %mul3A_212 : f32 to vector<16xf32>
        %mul3A_214 = arith.mulf %mul3A_213, %get3A_211 : vector<16xf32>
        %add3A_215 = arith.addf %mul3A_207, %mul3A_214 : vector<16xf32>
        %swap3A_216 = arith.index_cast %scan3A_180 : i32 to index
        %swap3A_217 = arith.constant 16 : index
        %swap3A_218 = tpu.vector_load %arg13[%swap3A_216, %swap3A_217] {strides = array<i32>} : memref<128x64xf32, #tpu.memory_space<vmem>>, vector<1x16xf32>,
        %swap3A_219 = vector.shape_cast %swap3A_218 : vector<1x16xf32> to vector<16xf32>
        %swap3A_220 = vector.shape_cast %add3A_215 : vector<16xf32> to vector<1x16xf32>
        tpu.vector_store %arg13[%swap3A_216, %swap3A_217], %swap3A_220 {strides = array<i32>} : memref<128x64xf32, #tpu.memory_space<vmem>>, vector<1x16xf32>,
        %get3A_221 = arith.index_cast %scan3A_180 : i32 to index
        %get3A_222 = arith.constant 32 : index
        %get3A_223 = tpu.vector_load %arg13[%get3A_221, %get3A_222] {strides = array<i32>} : memref<128x64xf32, #tpu.memory_space<vmem>>, vector<1x16xf32>,
        %get3A_224 = vector.shape_cast %get3A_223 : vector<1x16xf32> to vector<16xf32>
        %mul3A_225 = arith.constant 0.899999976 : f32
        %mul3A_226 = vector.broadcast %mul3A_225 : f32 to vector<16xf32>
        %mul3A_227 = arith.mulf %mul3A_226, %get3A_224 : vector<16xf32>
        %get3A_228 = arith.index_cast %scan3A_180 : i32 to index
        %get3A_229 = arith.constant 32 : index
        %get3A_230 = tpu.vector_load %arg14[%get3A_228, %get3A_229] {strides = array<i32>} : memref<128x64xf32, #tpu.memory_space<vmem>>, vector<1x16xf32>,
        %get3A_231 = vector.shape_cast %get3A_230 : vector<1x16xf32> to vector<16xf32>
        %mul3A_232 = arith.constant 1.000000e-01 : f32
        %mul3A_233 = vector.broadcast %mul3A_232 : f32 to vector<16xf32>
        %mul3A_234 = arith.mulf %mul3A_233, %get3A_231 : vector<16xf32>
        %add3A_235 = arith.addf %mul3A_227, %mul3A_234 : vector<16xf32>
        %swap3A_236 = arith.index_cast %scan3A_180 : i32 to index
        %swap3A_237 = arith.constant 32 : index
        %swap3A_238 = tpu.vector_load %arg13[%swap3A_236, %swap3A_237] {strides = array<i32>} : memref<128x64xf32, #tpu.memory_space<vmem>>, vector<1x16xf32>,
        %swap3A_239 = vector.shape_cast %swap3A_238 : vector<1x16xf32> to vector<16xf32>
        %swap3A_240 = vector.shape_cast %add3A_235 : vector<16xf32> to vector<1x16xf32>
        tpu.vector_store %arg13[%swap3A_236, %swap3A_237], %swap3A_240 {strides = array<i32>} : memref<128x64xf32, #tpu.memory_space<vmem>>, vector<1x16xf32>,
        %get3A_241 = arith.index_cast %scan3A_180 : i32 to index
        %get3A_242 = arith.constant 48 : index
        %get3A_243 = tpu.vector_load %arg13[%get3A_241, %get3A_242] {strides = array<i32>} : memref<128x64xf32, #tpu.memory_space<vmem>>, vector<1x16xf32>,
        %get3A_244 = vector.shape_cast %get3A_243 : vector<1x16xf32> to vector<16xf32>
        %mul3A_245 = arith.constant 0.899999976 : f32
        %mul3A_246 = vector.broadcast %mul3A_245 : f32 to vector<16xf32>
        %mul3A_247 = arith.mulf %mul3A_246, %get3A_244 : vector<16xf32>
        %get3A_248 = arith.index_cast %scan3A_180 : i32 to index
        %get3A_249 = arith.constant 48 : index
        %get3A_250 = tpu.vector_load %arg14[%get3A_248, %get3A_249] {strides = array<i32>} : memref<128x64xf32, #tpu.memory_space<vmem>>, vector<1x16xf32>,
        %get3A_251 = vector.shape_cast %get3A_250 : vector<1x16xf32> to vector<16xf32>
        %mul3A_252 = arith.constant 1.000000e-01 : f32
        %mul3A_253 = vector.broadcast %mul3A_252 : f32 to vector<16xf32>
        %mul3A_254 = arith.mulf %mul3A_253, %get3A_251 : vector<16xf32>
        %add3A_255 = arith.addf %mul3A_247, %mul3A_254 : vector<16xf32>
        %swap3A_256 = arith.index_cast %scan3A_180 : i32 to index
        %swap3A_257 = arith.constant 48 : index
        %swap3A_258 = tpu.vector_load %arg13[%swap3A_256, %swap3A_257] {strides = array<i32>} : memref<128x64xf32, #tpu.memory_space<vmem>>, vector<1x16xf32>,
        %swap3A_259 = vector.shape_cast %swap3A_258 : vector<1x16xf32> to vector<16xf32>
        %swap3A_260 = vector.shape_cast %add3A_255 : vector<16xf32> to vector<1x16xf32>
        tpu.vector_store %arg13[%swap3A_256, %swap3A_257], %swap3A_260 {strides = array<i32>} : memref<128x64xf32, #tpu.memory_space<vmem>>, vector<1x16xf32>,
        %scan3A_261 = arith.constant 0 : i32
        scf.yield %scan3A_261 : i32
      }
      %scan3A_132 = arith.constant 128 : i32
      %add3A_133 = arith.addi %multiple_of3A_3, %add3A_124 : i32
      "tpu.region"() ({
        %run_scoped3A = tpu.sem_alloc : memref<!tpu.dma_semaphore, #tpu.memory_space<semaphore_mem>>
        %dma_start3A = arith.constant 0 : i32
        %dma_start3A_180 = tpu.memref_slice %arg8[%add3A_133, %dma_start3A] : memref<20480x64xf32, #tpu.memory_space<hbm>> -> memref<128x64xf32, #tpu.memory_space<hbm>>
        %dma_start3A_181 = arith.constant 0 : i32
        %dma_start3A_182 = tpu.memref_slice %arg8[%add3A_133, %dma_start3A_181] : memref<20480x64xf32, #tpu.memory_space<hbm>> -> memref<128x64xf32, #tpu.memory_space<hbm>>
        tpu.enqueue_dma source(%arg13 : memref<128x64xf32, #tpu.memory_space<vmem>>) target(%dma_start3A_182 : memref<128x64xf32, #tpu.memory_space<hbm>>) target_semaphore(%run_scoped3A : memref<!tpu.dma_semaphore, #tpu.memory_space<semaphore_mem>>)
        %dma_wait3A = arith.constant 0 : i32
        %dma_wait3A_183 = tpu.memref_slice %arg8[%add3A_133, %dma_wait3A] : memref<20480x64xf32, #tpu.memory_space<hbm>> -> memref<128x64xf32, #tpu.memory_space<hbm>>
        %dma_wait3A_184 = arith.constant 0 : i32
        %dma_wait3A_185 = tpu.memref_slice %arg8[%add3A_133, %dma_wait3A_184] : memref<20480x64xf32, #tpu.memory_space<hbm>> -> memref<128x64xf32, #tpu.memory_space<hbm>>
        tpu.wait_dma2 semaphore(%run_scoped3A : memref<!tpu.dma_semaphore, #tpu.memory_space<semaphore_mem>>) src(%arg13 : memref<128x64xf32, #tpu.memory_space<vmem>>) dst(%dma_wait3A_185 : memref<128x64xf32, #tpu.memory_space<hbm>>)
        tpu.yield
      }) : () -> ()
      %add3A_134 = arith.constant 128 : i32
      %add3A_135 = arith.addi %multiple_of3A, %add3A_134 : i32
      "tpu.region"() ({
        %run_scoped3A = tpu.sem_alloc : memref<!tpu.dma_semaphore, #tpu.memory_space<semaphore_mem>>
        %dma_start3A = arith.constant 0 : i32
        %dma_start3A_180 = tpu.memref_slice %arg17[%add3A_135, %dma_start3A] : memref<10240x64xf32, #tpu.memory_space<vmem_shared>> -> memref<128x64xf32, #tpu.memory_space<vmem_shared>>
        %dma_start3A_181 = arith.constant 0 : i32
        %dma_start3A_182 = tpu.memref_slice %arg17[%add3A_135, %dma_start3A_181] : memref<10240x64xf32, #tpu.memory_space<vmem_shared>> -> memref<128x64xf32, #tpu.memory_space<vmem_shared>>
        tpu.enqueue_dma source(%dma_start3A_182 : memref<128x64xf32, #tpu.memory_space<vmem_shared>>) target(%arg13 : memref<128x64xf32, #tpu.memory_space<vmem>>) target_semaphore(%run_scoped3A : memref<!tpu.dma_semaphore, #tpu.memory_space<semaphore_mem>>)
        %dma_wait3A = arith.constant 0 : i32
        %dma_wait3A_183 = tpu.memref_slice %arg17[%add3A_135, %dma_wait3A] : memref<10240x64xf32, #tpu.memory_space<vmem_shared>> -> memref<128x64xf32, #tpu.memory_space<vmem_shared>>
        %dma_wait3A_184 = arith.constant 0 : i32
        %dma_wait3A_185 = tpu.memref_slice %arg17[%add3A_135, %dma_wait3A_184] : memref<10240x64xf32, #tpu.memory_space<vmem_shared>> -> memref<128x64xf32, #tpu.memory_space<vmem_shared>>
        tpu.wait_dma2 semaphore(%run_scoped3A : memref<!tpu.dma_semaphore, #tpu.memory_space<semaphore_mem>>) src(%dma_wait3A_185 : memref<128x64xf32, #tpu.memory_space<vmem_shared>>) dst(%arg13 : memref<128x64xf32, #tpu.memory_space<vmem>>)
        tpu.yield
      }) : () -> ()
      %add3A_136 = arith.addi %multiple_of3A_3, %add3A_135 : i32
      "tpu.region"() ({
        %run_scoped3A = tpu.sem_alloc : memref<!tpu.dma_semaphore, #tpu.memory_space<semaphore_mem>>
        %dma_start3A = arith.constant 0 : i32
        %dma_start3A_180 = tpu.memref_slice %arg2[%add3A_136, %dma_start3A] : memref<20480x64xf32, #tpu.memory_space<hbm>> -> memref<128x64xf32, #tpu.memory_space<hbm>>
        %dma_start3A_181 = arith.constant 0 : i32
        %dma_start3A_182 = tpu.memref_slice %arg2[%add3A_136, %dma_start3A_181] : memref<20480x64xf32, #tpu.memory_space<hbm>> -> memref<128x64xf32, #tpu.memory_space<hbm>>
        tpu.enqueue_dma source(%dma_start3A_182 : memref<128x64xf32, #tpu.memory_space<hbm>>) target(%arg14 : memref<128x64xf32, #tpu.memory_space<vmem>>) target_semaphore(%run_scoped3A : memref<!tpu.dma_semaphore, #tpu.memory_space<semaphore_mem>>)
        %dma_wait3A = arith.constant 0 : i32
        %dma_wait3A_183 = tpu.memref_slice %arg2[%add3A_136, %dma_wait3A] : memref<20480x64xf32, #tpu.memory_space<hbm>> -> memref<128x64xf32, #tpu.memory_space<hbm>>
        %dma_wait3A_184 = arith.constant 0 : i32
        %dma_wait3A_185 = tpu.memref_slice %arg2[%add3A_136, %dma_wait3A_184] : memref<20480x64xf32, #tpu.memory_space<hbm>> -> memref<128x64xf32, #tpu.memory_space<hbm>>
        tpu.wait_dma2 semaphore(%run_scoped3A : memref<!tpu.dma_semaphore, #tpu.memory_space<semaphore_mem>>) src(%dma_wait3A_185 : memref<128x64xf32, #tpu.memory_space<hbm>>) dst(%arg14 : memref<128x64xf32, #tpu.memory_space<vmem>>)
        tpu.yield
      }) : () -> ()
      "tpu.region"() ({
        %run_scoped3A = tpu.sem_alloc : memref<!tpu.dma_semaphore, #tpu.memory_space<semaphore_mem>>
        %dma_start3A = arith.constant 0 : i32
        %dma_start3A_180 = tpu.memref_slice %arg17[%add3A_135, %dma_start3A] : memref<10240x64xf32, #tpu.memory_space<vmem_shared>> -> memref<128x64xf32, #tpu.memory_space<vmem_shared>>
        %dma_start3A_181 = arith.constant 0 : i32
        %dma_start3A_182 = tpu.memref_slice %arg17[%add3A_135, %dma_start3A_181] : memref<10240x64xf32, #tpu.memory_space<vmem_shared>> -> memref<128x64xf32, #tpu.memory_space<vmem_shared>>
        tpu.enqueue_dma source(%arg15 : memref<128x64xf32, #tpu.memory_space<vmem>>) target(%dma_start3A_182 : memref<128x64xf32, #tpu.memory_space<vmem_shared>>) target_semaphore(%run_scoped3A : memref<!tpu.dma_semaphore, #tpu.memory_space<semaphore_mem>>)
        %dma_wait3A = arith.constant 0 : i32
        %dma_wait3A_183 = tpu.memref_slice %arg17[%add3A_135, %dma_wait3A] : memref<10240x64xf32, #tpu.memory_space<vmem_shared>> -> memref<128x64xf32, #tpu.memory_space<vmem_shared>>
        %dma_wait3A_184 = arith.constant 0 : i32
        %dma_wait3A_185 = tpu.memref_slice %arg17[%add3A_135, %dma_wait3A_184] : memref<10240x64xf32, #tpu.memory_space<vmem_shared>> -> memref<128x64xf32, #tpu.memory_space<vmem_shared>>
        tpu.wait_dma2 semaphore(%run_scoped3A : memref<!tpu.dma_semaphore, #tpu.memory_space<semaphore_mem>>) src(%arg15 : memref<128x64xf32, #tpu.memory_space<vmem>>) dst(%dma_wait3A_185 : memref<128x64xf32, #tpu.memory_space<vmem_shared>>)
        tpu.yield
      }) : () -> ()
      %scan3A_137 = arith.constant 0 : i32
      %scan3A_138 = arith.constant 0 : i32
      %scan3A_139 = arith.constant 128 : i32
      %scan3A_140 = arith.addi %scan3A_138, %scan3A_139 : i32
      %scan3A_141 = arith.constant 1 : i32
      %scan3A_142 = scf.for %scan3A_180 = %scan3A_138 to %scan3A_140 step %scan3A_141 iter_args(%scan3A_181 = %scan3A_137) -> (i32)  : i32 {
        %get3A_182 = arith.index_cast %scan3A_180 : i32 to index
        %get3A_183 = arith.constant 0 : index
        %get3A_184 = tpu.vector_load %arg13[%get3A_182, %get3A_183] {strides = array<i32>} : memref<128x64xf32, #tpu.memory_space<vmem>>, vector<1x16xf32>,
        %get3A_185 = vector.shape_cast %get3A_184 : vector<1x16xf32> to vector<16xf32>
        %mul3A_186 = arith.constant 0.899999976 : f32
        %mul3A_187 = vector.broadcast %mul3A_186 : f32 to vector<16xf32>
        %mul3A_188 = arith.mulf %mul3A_187, %get3A_185 : vector<16xf32>
        %get3A_189 = arith.index_cast %scan3A_180 : i32 to index
        %get3A_190 = arith.constant 0 : index
        %get3A_191 = tpu.vector_load %arg14[%get3A_189, %get3A_190] {strides = array<i32>} : memref<128x64xf32, #tpu.memory_space<vmem>>, vector<1x16xf32>,
        %get3A_192 = vector.shape_cast %get3A_191 : vector<1x16xf32> to vector<16xf32>
        %mul3A_193 = arith.constant 1.000000e-01 : f32
        %mul3A_194 = vector.broadcast %mul3A_193 : f32 to vector<16xf32>
        %mul3A_195 = arith.mulf %mul3A_194, %get3A_192 : vector<16xf32>
        %add3A_196 = arith.addf %mul3A_188, %mul3A_195 : vector<16xf32>
        %swap3A = arith.index_cast %scan3A_180 : i32 to index
        %swap3A_197 = arith.constant 0 : index
        %swap3A_198 = tpu.vector_load %arg13[%swap3A, %swap3A_197] {strides = array<i32>} : memref<128x64xf32, #tpu.memory_space<vmem>>, vector<1x16xf32>,
        %swap3A_199 = vector.shape_cast %swap3A_198 : vector<1x16xf32> to vector<16xf32>
        %swap3A_200 = vector.shape_cast %add3A_196 : vector<16xf32> to vector<1x16xf32>
        tpu.vector_store %arg13[%swap3A, %swap3A_197], %swap3A_200 {strides = array<i32>} : memref<128x64xf32, #tpu.memory_space<vmem>>, vector<1x16xf32>,
        %get3A_201 = arith.index_cast %scan3A_180 : i32 to index
        %get3A_202 = arith.constant 16 : index
        %get3A_203 = tpu.vector_load %arg13[%get3A_201, %get3A_202] {strides = array<i32>} : memref<128x64xf32, #tpu.memory_space<vmem>>, vector<1x16xf32>,
        %get3A_204 = vector.shape_cast %get3A_203 : vector<1x16xf32> to vector<16xf32>
        %mul3A_205 = arith.constant 0.899999976 : f32
        %mul3A_206 = vector.broadcast %mul3A_205 : f32 to vector<16xf32>
        %mul3A_207 = arith.mulf %mul3A_206, %get3A_204 : vector<16xf32>
        %get3A_208 = arith.index_cast %scan3A_180 : i32 to index
        %get3A_209 = arith.constant 16 : index
        %get3A_210 = tpu.vector_load %arg14[%get3A_208, %get3A_209] {strides = array<i32>} : memref<128x64xf32, #tpu.memory_space<vmem>>, vector<1x16xf32>,
        %get3A_211 = vector.shape_cast %get3A_210 : vector<1x16xf32> to vector<16xf32>
        %mul3A_212 = arith.constant 1.000000e-01 : f32
        %mul3A_213 = vector.broadcast %mul3A_212 : f32 to vector<16xf32>
        %mul3A_214 = arith.mulf %mul3A_213, %get3A_211 : vector<16xf32>
        %add3A_215 = arith.addf %mul3A_207, %mul3A_214 : vector<16xf32>
        %swap3A_216 = arith.index_cast %scan3A_180 : i32 to index
        %swap3A_217 = arith.constant 16 : index
        %swap3A_218 = tpu.vector_load %arg13[%swap3A_216, %swap3A_217] {strides = array<i32>} : memref<128x64xf32, #tpu.memory_space<vmem>>, vector<1x16xf32>,
        %swap3A_219 = vector.shape_cast %swap3A_218 : vector<1x16xf32> to vector<16xf32>
        %swap3A_220 = vector.shape_cast %add3A_215 : vector<16xf32> to vector<1x16xf32>
        tpu.vector_store %arg13[%swap3A_216, %swap3A_217], %swap3A_220 {strides = array<i32>} : memref<128x64xf32, #tpu.memory_space<vmem>>, vector<1x16xf32>,
        %get3A_221 = arith.index_cast %scan3A_180 : i32 to index
        %get3A_222 = arith.constant 32 : index
        %get3A_223 = tpu.vector_load %arg13[%get3A_221, %get3A_222] {strides = array<i32>} : memref<128x64xf32, #tpu.memory_space<vmem>>, vector<1x16xf32>,
        %get3A_224 = vector.shape_cast %get3A_223 : vector<1x16xf32> to vector<16xf32>
        %mul3A_225 = arith.constant 0.899999976 : f32
        %mul3A_226 = vector.broadcast %mul3A_225 : f32 to vector<16xf32>
        %mul3A_227 = arith.mulf %mul3A_226, %get3A_224 : vector<16xf32>
        %get3A_228 = arith.index_cast %scan3A_180 : i32 to index
        %get3A_229 = arith.constant 32 : index
        %get3A_230 = tpu.vector_load %arg14[%get3A_228, %get3A_229] {strides = array<i32>} : memref<128x64xf32, #tpu.memory_space<vmem>>, vector<1x16xf32>,
        %get3A_231 = vector.shape_cast %get3A_230 : vector<1x16xf32> to vector<16xf32>
        %mul3A_232 = arith.constant 1.000000e-01 : f32
        %mul3A_233 = vector.broadcast %mul3A_232 : f32 to vector<16xf32>
        %mul3A_234 = arith.mulf %mul3A_233, %get3A_231 : vector<16xf32>
        %add3A_235 = arith.addf %mul3A_227, %mul3A_234 : vector<16xf32>
        %swap3A_236 = arith.index_cast %scan3A_180 : i32 to index
        %swap3A_237 = arith.constant 32 : index
        %swap3A_238 = tpu.vector_load %arg13[%swap3A_236, %swap3A_237] {strides = array<i32>} : memref<128x64xf32, #tpu.memory_space<vmem>>, vector<1x16xf32>,
        %swap3A_239 = vector.shape_cast %swap3A_238 : vector<1x16xf32> to vector<16xf32>
        %swap3A_240 = vector.shape_cast %add3A_235 : vector<16xf32> to vector<1x16xf32>
        tpu.vector_store %arg13[%swap3A_236, %swap3A_237], %swap3A_240 {strides = array<i32>} : memref<128x64xf32, #tpu.memory_space<vmem>>, vector<1x16xf32>,
        %get3A_241 = arith.index_cast %scan3A_180 : i32 to index
        %get3A_242 = arith.constant 48 : index
        %get3A_243 = tpu.vector_load %arg13[%get3A_241, %get3A_242] {strides = array<i32>} : memref<128x64xf32, #tpu.memory_space<vmem>>, vector<1x16xf32>,
        %get3A_244 = vector.shape_cast %get3A_243 : vector<1x16xf32> to vector<16xf32>
        %mul3A_245 = arith.constant 0.899999976 : f32
        %mul3A_246 = vector.broadcast %mul3A_245 : f32 to vector<16xf32>
        %mul3A_247 = arith.mulf %mul3A_246, %get3A_244 : vector<16xf32>
        %get3A_248 = arith.index_cast %scan3A_180 : i32 to index
        %get3A_249 = arith.constant 48 : index
        %get3A_250 = tpu.vector_load %arg14[%get3A_248, %get3A_249] {strides = array<i32>} : memref<128x64xf32, #tpu.memory_space<vmem>>, vector<1x16xf32>,
        %get3A_251 = vector.shape_cast %get3A_250 : vector<1x16xf32> to vector<16xf32>
        %mul3A_252 = arith.constant 1.000000e-01 : f32
        %mul3A_253 = vector.broadcast %mul3A_252 : f32 to vector<16xf32>
        %mul3A_254 = arith.mulf %mul3A_253, %get3A_251 : vector<16xf32>
        %add3A_255 = arith.addf %mul3A_247, %mul3A_254 : vector<16xf32>
        %swap3A_256 = arith.index_cast %scan3A_180 : i32 to index
        %swap3A_257 = arith.constant 48 : index
        %swap3A_258 = tpu.vector_load %arg13[%swap3A_256, %swap3A_257] {strides = array<i32>} : memref<128x64xf32, #tpu.memory_space<vmem>>, vector<1x16xf32>,
        %swap3A_259 = vector.shape_cast %swap3A_258 : vector<1x16xf32> to vector<16xf32>
        %swap3A_260 = vector.shape_cast %add3A_255 : vector<16xf32> to vector<1x16xf32>
        tpu.vector_store %arg13[%swap3A_256, %swap3A_257], %swap3A_260 {strides = array<i32>} : memref<128x64xf32, #tpu.memory_space<vmem>>, vector<1x16xf32>,
        %scan3A_261 = arith.constant 0 : i32
        scf.yield %scan3A_261 : i32
      }
      %scan3A_143 = arith.constant 128 : i32
      %add3A_144 = arith.addi %multiple_of3A_3, %add3A_135 : i32
      "tpu.region"() ({
        %run_scoped3A = tpu.sem_alloc : memref<!tpu.dma_semaphore, #tpu.memory_space<semaphore_mem>>
        %dma_start3A = arith.constant 0 : i32
        %dma_start3A_180 = tpu.memref_slice %arg8[%add3A_144, %dma_start3A] : memref<20480x64xf32, #tpu.memory_space<hbm>> -> memref<128x64xf32, #tpu.memory_space<hbm>>
        %dma_start3A_181 = arith.constant 0 : i32
        %dma_start3A_182 = tpu.memref_slice %arg8[%add3A_144, %dma_start3A_181] : memref<20480x64xf32, #tpu.memory_space<hbm>> -> memref<128x64xf32, #tpu.memory_space<hbm>>
        tpu.enqueue_dma source(%arg13 : memref<128x64xf32, #tpu.memory_space<vmem>>) target(%dma_start3A_182 : memref<128x64xf32, #tpu.memory_space<hbm>>) target_semaphore(%run_scoped3A : memref<!tpu.dma_semaphore, #tpu.memory_space<semaphore_mem>>)
        %dma_wait3A = arith.constant 0 : i32
        %dma_wait3A_183 = tpu.memref_slice %arg8[%add3A_144, %dma_wait3A] : memref<20480x64xf32, #tpu.memory_space<hbm>> -> memref<128x64xf32, #tpu.memory_space<hbm>>
        %dma_wait3A_184 = arith.constant 0 : i32
        %dma_wait3A_185 = tpu.memref_slice %arg8[%add3A_144, %dma_wait3A_184] : memref<20480x64xf32, #tpu.memory_space<hbm>> -> memref<128x64xf32, #tpu.memory_space<hbm>>
        tpu.wait_dma2 semaphore(%run_scoped3A : memref<!tpu.dma_semaphore, #tpu.memory_space<semaphore_mem>>) src(%arg13 : memref<128x64xf32, #tpu.memory_space<vmem>>) dst(%dma_wait3A_185 : memref<128x64xf32, #tpu.memory_space<hbm>>)
        tpu.yield
      }) : () -> ()
      %add3A_145 = arith.constant 256 : i32
      %add3A_146 = arith.addi %multiple_of3A, %add3A_145 : i32
      "tpu.region"() ({
        %run_scoped3A = tpu.sem_alloc : memref<!tpu.dma_semaphore, #tpu.memory_space<semaphore_mem>>
        %dma_start3A = arith.constant 0 : i32
        %dma_start3A_180 = tpu.memref_slice %arg17[%add3A_146, %dma_start3A] : memref<10240x64xf32, #tpu.memory_space<vmem_shared>> -> memref<128x64xf32, #tpu.memory_space<vmem_shared>>
        %dma_start3A_181 = arith.constant 0 : i32
        %dma_start3A_182 = tpu.memref_slice %arg17[%add3A_146, %dma_start3A_181] : memref<10240x64xf32, #tpu.memory_space<vmem_shared>> -> memref<128x64xf32, #tpu.memory_space<vmem_shared>>
        tpu.enqueue_dma source(%dma_start3A_182 : memref<128x64xf32, #tpu.memory_space<vmem_shared>>) target(%arg13 : memref<128x64xf32, #tpu.memory_space<vmem>>) target_semaphore(%run_scoped3A : memref<!tpu.dma_semaphore, #tpu.memory_space<semaphore_mem>>)
        %dma_wait3A = arith.constant 0 : i32
        %dma_wait3A_183 = tpu.memref_slice %arg17[%add3A_146, %dma_wait3A] : memref<10240x64xf32, #tpu.memory_space<vmem_shared>> -> memref<128x64xf32, #tpu.memory_space<vmem_shared>>
        %dma_wait3A_184 = arith.constant 0 : i32
        %dma_wait3A_185 = tpu.memref_slice %arg17[%add3A_146, %dma_wait3A_184] : memref<10240x64xf32, #tpu.memory_space<vmem_shared>> -> memref<128x64xf32, #tpu.memory_space<vmem_shared>>
        tpu.wait_dma2 semaphore(%run_scoped3A : memref<!tpu.dma_semaphore, #tpu.memory_space<semaphore_mem>>) src(%dma_wait3A_185 : memref<128x64xf32, #tpu.memory_space<vmem_shared>>) dst(%arg13 : memref<128x64xf32, #tpu.memory_space<vmem>>)
        tpu.yield
      }) : () -> ()
      %add3A_147 = arith.addi %multiple_of3A_3, %add3A_146 : i32
      "tpu.region"() ({
        %run_scoped3A = tpu.sem_alloc : memref<!tpu.dma_semaphore, #tpu.memory_space<semaphore_mem>>
        %dma_start3A = arith.constant 0 : i32
        %dma_start3A_180 = tpu.memref_slice %arg2[%add3A_147, %dma_start3A] : memref<20480x64xf32, #tpu.memory_space<hbm>> -> memref<128x64xf32, #tpu.memory_space<hbm>>
        %dma_start3A_181 = arith.constant 0 : i32
        %dma_start3A_182 = tpu.memref_slice %arg2[%add3A_147, %dma_start3A_181] : memref<20480x64xf32, #tpu.memory_space<hbm>> -> memref<128x64xf32, #tpu.memory_space<hbm>>
        tpu.enqueue_dma source(%dma_start3A_182 : memref<128x64xf32, #tpu.memory_space<hbm>>) target(%arg14 : memref<128x64xf32, #tpu.memory_space<vmem>>) target_semaphore(%run_scoped3A : memref<!tpu.dma_semaphore, #tpu.memory_space<semaphore_mem>>)
        %dma_wait3A = arith.constant 0 : i32
        %dma_wait3A_183 = tpu.memref_slice %arg2[%add3A_147, %dma_wait3A] : memref<20480x64xf32, #tpu.memory_space<hbm>> -> memref<128x64xf32, #tpu.memory_space<hbm>>
        %dma_wait3A_184 = arith.constant 0 : i32
        %dma_wait3A_185 = tpu.memref_slice %arg2[%add3A_147, %dma_wait3A_184] : memref<20480x64xf32, #tpu.memory_space<hbm>> -> memref<128x64xf32, #tpu.memory_space<hbm>>
        tpu.wait_dma2 semaphore(%run_scoped3A : memref<!tpu.dma_semaphore, #tpu.memory_space<semaphore_mem>>) src(%dma_wait3A_185 : memref<128x64xf32, #tpu.memory_space<hbm>>) dst(%arg14 : memref<128x64xf32, #tpu.memory_space<vmem>>)
        tpu.yield
      }) : () -> ()
      "tpu.region"() ({
        %run_scoped3A = tpu.sem_alloc : memref<!tpu.dma_semaphore, #tpu.memory_space<semaphore_mem>>
        %dma_start3A = arith.constant 0 : i32
        %dma_start3A_180 = tpu.memref_slice %arg17[%add3A_146, %dma_start3A] : memref<10240x64xf32, #tpu.memory_space<vmem_shared>> -> memref<128x64xf32, #tpu.memory_space<vmem_shared>>
        %dma_start3A_181 = arith.constant 0 : i32
        %dma_start3A_182 = tpu.memref_slice %arg17[%add3A_146, %dma_start3A_181] : memref<10240x64xf32, #tpu.memory_space<vmem_shared>> -> memref<128x64xf32, #tpu.memory_space<vmem_shared>>
        tpu.enqueue_dma source(%arg15 : memref<128x64xf32, #tpu.memory_space<vmem>>) target(%dma_start3A_182 : memref<128x64xf32, #tpu.memory_space<vmem_shared>>) target_semaphore(%run_scoped3A : memref<!tpu.dma_semaphore, #tpu.memory_space<semaphore_mem>>)
        %dma_wait3A = arith.constant 0 : i32
        %dma_wait3A_183 = tpu.memref_slice %arg17[%add3A_146, %dma_wait3A] : memref<10240x64xf32, #tpu.memory_space<vmem_shared>> -> memref<128x64xf32, #tpu.memory_space<vmem_shared>>
        %dma_wait3A_184 = arith.constant 0 : i32
        %dma_wait3A_185 = tpu.memref_slice %arg17[%add3A_146, %dma_wait3A_184] : memref<10240x64xf32, #tpu.memory_space<vmem_shared>> -> memref<128x64xf32, #tpu.memory_space<vmem_shared>>
        tpu.wait_dma2 semaphore(%run_scoped3A : memref<!tpu.dma_semaphore, #tpu.memory_space<semaphore_mem>>) src(%arg15 : memref<128x64xf32, #tpu.memory_space<vmem>>) dst(%dma_wait3A_185 : memref<128x64xf32, #tpu.memory_space<vmem_shared>>)
        tpu.yield
      }) : () -> ()
      %scan3A_148 = arith.constant 0 : i32
      %scan3A_149 = arith.constant 0 : i32
      %scan3A_150 = arith.constant 128 : i32
      %scan3A_151 = arith.addi %scan3A_149, %scan3A_150 : i32
      %scan3A_152 = arith.constant 1 : i32
      %scan3A_153 = scf.for %scan3A_180 = %scan3A_149 to %scan3A_151 step %scan3A_152 iter_args(%scan3A_181 = %scan3A_148) -> (i32)  : i32 {
        %get3A_182 = arith.index_cast %scan3A_180 : i32 to index
        %get3A_183 = arith.constant 0 : index
        %get3A_184 = tpu.vector_load %arg13[%get3A_182, %get3A_183] {strides = array<i32>} : memref<128x64xf32, #tpu.memory_space<vmem>>, vector<1x16xf32>,
        %get3A_185 = vector.shape_cast %get3A_184 : vector<1x16xf32> to vector<16xf32>
        %mul3A_186 = arith.constant 0.899999976 : f32
        %mul3A_187 = vector.broadcast %mul3A_186 : f32 to vector<16xf32>
        %mul3A_188 = arith.mulf %mul3A_187, %get3A_185 : vector<16xf32>
        %get3A_189 = arith.index_cast %scan3A_180 : i32 to index
        %get3A_190 = arith.constant 0 : index
        %get3A_191 = tpu.vector_load %arg14[%get3A_189, %get3A_190] {strides = array<i32>} : memref<128x64xf32, #tpu.memory_space<vmem>>, vector<1x16xf32>,
        %get3A_192 = vector.shape_cast %get3A_191 : vector<1x16xf32> to vector<16xf32>
        %mul3A_193 = arith.constant 1.000000e-01 : f32
        %mul3A_194 = vector.broadcast %mul3A_193 : f32 to vector<16xf32>
        %mul3A_195 = arith.mulf %mul3A_194, %get3A_192 : vector<16xf32>
        %add3A_196 = arith.addf %mul3A_188, %mul3A_195 : vector<16xf32>
        %swap3A = arith.index_cast %scan3A_180 : i32 to index
        %swap3A_197 = arith.constant 0 : index
        %swap3A_198 = tpu.vector_load %arg13[%swap3A, %swap3A_197] {strides = array<i32>} : memref<128x64xf32, #tpu.memory_space<vmem>>, vector<1x16xf32>,
        %swap3A_199 = vector.shape_cast %swap3A_198 : vector<1x16xf32> to vector<16xf32>
        %swap3A_200 = vector.shape_cast %add3A_196 : vector<16xf32> to vector<1x16xf32>
        tpu.vector_store %arg13[%swap3A, %swap3A_197], %swap3A_200 {strides = array<i32>} : memref<128x64xf32, #tpu.memory_space<vmem>>, vector<1x16xf32>,
        %get3A_201 = arith.index_cast %scan3A_180 : i32 to index
        %get3A_202 = arith.constant 16 : index
        %get3A_203 = tpu.vector_load %arg13[%get3A_201, %get3A_202] {strides = array<i32>} : memref<128x64xf32, #tpu.memory_space<vmem>>, vector<1x16xf32>,
        %get3A_204 = vector.shape_cast %get3A_203 : vector<1x16xf32> to vector<16xf32>
        %mul3A_205 = arith.constant 0.899999976 : f32
        %mul3A_206 = vector.broadcast %mul3A_205 : f32 to vector<16xf32>
        %mul3A_207 = arith.mulf %mul3A_206, %get3A_204 : vector<16xf32>
        %get3A_208 = arith.index_cast %scan3A_180 : i32 to index
        %get3A_209 = arith.constant 16 : index
        %get3A_210 = tpu.vector_load %arg14[%get3A_208, %get3A_209] {strides = array<i32>} : memref<128x64xf32, #tpu.memory_space<vmem>>, vector<1x16xf32>,
        %get3A_211 = vector.shape_cast %get3A_210 : vector<1x16xf32> to vector<16xf32>
        %mul3A_212 = arith.constant 1.000000e-01 : f32
        %mul3A_213 = vector.broadcast %mul3A_212 : f32 to vector<16xf32>
        %mul3A_214 = arith.mulf %mul3A_213, %get3A_211 : vector<16xf32>
        %add3A_215 = arith.addf %mul3A_207, %mul3A_214 : vector<16xf32>
        %swap3A_216 = arith.index_cast %scan3A_180 : i32 to index
        %swap3A_217 = arith.constant 16 : index
        %swap3A_218 = tpu.vector_load %arg13[%swap3A_216, %swap3A_217] {strides = array<i32>} : memref<128x64xf32, #tpu.memory_space<vmem>>, vector<1x16xf32>,
        %swap3A_219 = vector.shape_cast %swap3A_218 : vector<1x16xf32> to vector<16xf32>
        %swap3A_220 = vector.shape_cast %add3A_215 : vector<16xf32> to vector<1x16xf32>
        tpu.vector_store %arg13[%swap3A_216, %swap3A_217], %swap3A_220 {strides = array<i32>} : memref<128x64xf32, #tpu.memory_space<vmem>>, vector<1x16xf32>,
        %get3A_221 = arith.index_cast %scan3A_180 : i32 to index
        %get3A_222 = arith.constant 32 : index
        %get3A_223 = tpu.vector_load %arg13[%get3A_221, %get3A_222] {strides = array<i32>} : memref<128x64xf32, #tpu.memory_space<vmem>>, vector<1x16xf32>,
        %get3A_224 = vector.shape_cast %get3A_223 : vector<1x16xf32> to vector<16xf32>
        %mul3A_225 = arith.constant 0.899999976 : f32
        %mul3A_226 = vector.broadcast %mul3A_225 : f32 to vector<16xf32>
        %mul3A_227 = arith.mulf %mul3A_226, %get3A_224 : vector<16xf32>
        %get3A_228 = arith.index_cast %scan3A_180 : i32 to index
        %get3A_229 = arith.constant 32 : index
        %get3A_230 = tpu.vector_load %arg14[%get3A_228, %get3A_229] {strides = array<i32>} : memref<128x64xf32, #tpu.memory_space<vmem>>, vector<1x16xf32>,
        %get3A_231 = vector.shape_cast %get3A_230 : vector<1x16xf32> to vector<16xf32>
        %mul3A_232 = arith.constant 1.000000e-01 : f32
        %mul3A_233 = vector.broadcast %mul3A_232 : f32 to vector<16xf32>
        %mul3A_234 = arith.mulf %mul3A_233, %get3A_231 : vector<16xf32>
        %add3A_235 = arith.addf %mul3A_227, %mul3A_234 : vector<16xf32>
        %swap3A_236 = arith.index_cast %scan3A_180 : i32 to index
        %swap3A_237 = arith.constant 32 : index
        %swap3A_238 = tpu.vector_load %arg13[%swap3A_236, %swap3A_237] {strides = array<i32>} : memref<128x64xf32, #tpu.memory_space<vmem>>, vector<1x16xf32>,
        %swap3A_239 = vector.shape_cast %swap3A_238 : vector<1x16xf32> to vector<16xf32>
        %swap3A_240 = vector.shape_cast %add3A_235 : vector<16xf32> to vector<1x16xf32>
        tpu.vector_store %arg13[%swap3A_236, %swap3A_237], %swap3A_240 {strides = array<i32>} : memref<128x64xf32, #tpu.memory_space<vmem>>, vector<1x16xf32>,
        %get3A_241 = arith.index_cast %scan3A_180 : i32 to index
        %get3A_242 = arith.constant 48 : index
        %get3A_243 = tpu.vector_load %arg13[%get3A_241, %get3A_242] {strides = array<i32>} : memref<128x64xf32, #tpu.memory_space<vmem>>, vector<1x16xf32>,
        %get3A_244 = vector.shape_cast %get3A_243 : vector<1x16xf32> to vector<16xf32>
        %mul3A_245 = arith.constant 0.899999976 : f32
        %mul3A_246 = vector.broadcast %mul3A_245 : f32 to vector<16xf32>
        %mul3A_247 = arith.mulf %mul3A_246, %get3A_244 : vector<16xf32>
        %get3A_248 = arith.index_cast %scan3A_180 : i32 to index
        %get3A_249 = arith.constant 48 : index
        %get3A_250 = tpu.vector_load %arg14[%get3A_248, %get3A_249] {strides = array<i32>} : memref<128x64xf32, #tpu.memory_space<vmem>>, vector<1x16xf32>,
        %get3A_251 = vector.shape_cast %get3A_250 : vector<1x16xf32> to vector<16xf32>
        %mul3A_252 = arith.constant 1.000000e-01 : f32
        %mul3A_253 = vector.broadcast %mul3A_252 : f32 to vector<16xf32>
        %mul3A_254 = arith.mulf %mul3A_253, %get3A_251 : vector<16xf32>
        %add3A_255 = arith.addf %mul3A_247, %mul3A_254 : vector<16xf32>
        %swap3A_256 = arith.index_cast %scan3A_180 : i32 to index
        %swap3A_257 = arith.constant 48 : index
        %swap3A_258 = tpu.vector_load %arg13[%swap3A_256, %swap3A_257] {strides = array<i32>} : memref<128x64xf32, #tpu.memory_space<vmem>>, vector<1x16xf32>,
        %swap3A_259 = vector.shape_cast %swap3A_258 : vector<1x16xf32> to vector<16xf32>
        %swap3A_260 = vector.shape_cast %add3A_255 : vector<16xf32> to vector<1x16xf32>
        tpu.vector_store %arg13[%swap3A_256, %swap3A_257], %swap3A_260 {strides = array<i32>} : memref<128x64xf32, #tpu.memory_space<vmem>>, vector<1x16xf32>,
        %scan3A_261 = arith.constant 0 : i32
        scf.yield %scan3A_261 : i32
      }
      %scan3A_154 = arith.constant 128 : i32
      %add3A_155 = arith.addi %multiple_of3A_3, %add3A_146 : i32
      "tpu.region"() ({
        %run_scoped3A = tpu.sem_alloc : memref<!tpu.dma_semaphore, #tpu.memory_space<semaphore_mem>>
        %dma_start3A = arith.constant 0 : i32
        %dma_start3A_180 = tpu.memref_slice %arg8[%add3A_155, %dma_start3A] : memref<20480x64xf32, #tpu.memory_space<hbm>> -> memref<128x64xf32, #tpu.memory_space<hbm>>
        %dma_start3A_181 = arith.constant 0 : i32
        %dma_start3A_182 = tpu.memref_slice %arg8[%add3A_155, %dma_start3A_181] : memref<20480x64xf32, #tpu.memory_space<hbm>> -> memref<128x64xf32, #tpu.memory_space<hbm>>
        tpu.enqueue_dma source(%arg13 : memref<128x64xf32, #tpu.memory_space<vmem>>) target(%dma_start3A_182 : memref<128x64xf32, #tpu.memory_space<hbm>>) target_semaphore(%run_scoped3A : memref<!tpu.dma_semaphore, #tpu.memory_space<semaphore_mem>>)
        %dma_wait3A = arith.constant 0 : i32
        %dma_wait3A_183 = tpu.memref_slice %arg8[%add3A_155, %dma_wait3A] : memref<20480x64xf32, #tpu.memory_space<hbm>> -> memref<128x64xf32, #tpu.memory_space<hbm>>
        %dma_wait3A_184 = arith.constant 0 : i32
        %dma_wait3A_185 = tpu.memref_slice %arg8[%add3A_155, %dma_wait3A_184] : memref<20480x64xf32, #tpu.memory_space<hbm>> -> memref<128x64xf32, #tpu.memory_space<hbm>>
        tpu.wait_dma2 semaphore(%run_scoped3A : memref<!tpu.dma_semaphore, #tpu.memory_space<semaphore_mem>>) src(%arg13 : memref<128x64xf32, #tpu.memory_space<vmem>>) dst(%dma_wait3A_185 : memref<128x64xf32, #tpu.memory_space<hbm>>)
        tpu.yield
      }) : () -> ()
      %add3A_156 = arith.constant 384 : i32
      %add3A_157 = arith.addi %multiple_of3A, %add3A_156 : i32
      "tpu.region"() ({
        %run_scoped3A = tpu.sem_alloc : memref<!tpu.dma_semaphore, #tpu.memory_space<semaphore_mem>>
        %dma_start3A = arith.constant 0 : i32
        %dma_start3A_180 = tpu.memref_slice %arg17[%add3A_157, %dma_start3A] : memref<10240x64xf32, #tpu.memory_space<vmem_shared>> -> memref<128x64xf32, #tpu.memory_space<vmem_shared>>
        %dma_start3A_181 = arith.constant 0 : i32
        %dma_start3A_182 = tpu.memref_slice %arg17[%add3A_157, %dma_start3A_181] : memref<10240x64xf32, #tpu.memory_space<vmem_shared>> -> memref<128x64xf32, #tpu.memory_space<vmem_shared>>
        tpu.enqueue_dma source(%dma_start3A_182 : memref<128x64xf32, #tpu.memory_space<vmem_shared>>) target(%arg13 : memref<128x64xf32, #tpu.memory_space<vmem>>) target_semaphore(%run_scoped3A : memref<!tpu.dma_semaphore, #tpu.memory_space<semaphore_mem>>)
        %dma_wait3A = arith.constant 0 : i32
        %dma_wait3A_183 = tpu.memref_slice %arg17[%add3A_157, %dma_wait3A] : memref<10240x64xf32, #tpu.memory_space<vmem_shared>> -> memref<128x64xf32, #tpu.memory_space<vmem_shared>>
        %dma_wait3A_184 = arith.constant 0 : i32
        %dma_wait3A_185 = tpu.memref_slice %arg17[%add3A_157, %dma_wait3A_184] : memref<10240x64xf32, #tpu.memory_space<vmem_shared>> -> memref<128x64xf32, #tpu.memory_space<vmem_shared>>
        tpu.wait_dma2 semaphore(%run_scoped3A : memref<!tpu.dma_semaphore, #tpu.memory_space<semaphore_mem>>) src(%dma_wait3A_185 : memref<128x64xf32, #tpu.memory_space<vmem_shared>>) dst(%arg13 : memref<128x64xf32, #tpu.memory_space<vmem>>)
        tpu.yield
      }) : () -> ()
      %add3A_158 = arith.addi %multiple_of3A_3, %add3A_157 : i32
      "tpu.region"() ({
        %run_scoped3A = tpu.sem_alloc : memref<!tpu.dma_semaphore, #tpu.memory_space<semaphore_mem>>
        %dma_start3A = arith.constant 0 : i32
        %dma_start3A_180 = tpu.memref_slice %arg2[%add3A_158, %dma_start3A] : memref<20480x64xf32, #tpu.memory_space<hbm>> -> memref<128x64xf32, #tpu.memory_space<hbm>>
        %dma_start3A_181 = arith.constant 0 : i32
        %dma_start3A_182 = tpu.memref_slice %arg2[%add3A_158, %dma_start3A_181] : memref<20480x64xf32, #tpu.memory_space<hbm>> -> memref<128x64xf32, #tpu.memory_space<hbm>>
        tpu.enqueue_dma source(%dma_start3A_182 : memref<128x64xf32, #tpu.memory_space<hbm>>) target(%arg14 : memref<128x64xf32, #tpu.memory_space<vmem>>) target_semaphore(%run_scoped3A : memref<!tpu.dma_semaphore, #tpu.memory_space<semaphore_mem>>)
        %dma_wait3A = arith.constant 0 : i32
        %dma_wait3A_183 = tpu.memref_slice %arg2[%add3A_158, %dma_wait3A] : memref<20480x64xf32, #tpu.memory_space<hbm>> -> memref<128x64xf32, #tpu.memory_space<hbm>>
        %dma_wait3A_184 = arith.constant 0 : i32
        %dma_wait3A_185 = tpu.memref_slice %arg2[%add3A_158, %dma_wait3A_184] : memref<20480x64xf32, #tpu.memory_space<hbm>> -> memref<128x64xf32, #tpu.memory_space<hbm>>
        tpu.wait_dma2 semaphore(%run_scoped3A : memref<!tpu.dma_semaphore, #tpu.memory_space<semaphore_mem>>) src(%dma_wait3A_185 : memref<128x64xf32, #tpu.memory_space<hbm>>) dst(%arg14 : memref<128x64xf32, #tpu.memory_space<vmem>>)
        tpu.yield
      }) : () -> ()
      "tpu.region"() ({
        %run_scoped3A = tpu.sem_alloc : memref<!tpu.dma_semaphore, #tpu.memory_space<semaphore_mem>>
        %dma_start3A = arith.constant 0 : i32
        %dma_start3A_180 = tpu.memref_slice %arg17[%add3A_157, %dma_start3A] : memref<10240x64xf32, #tpu.memory_space<vmem_shared>> -> memref<128x64xf32, #tpu.memory_space<vmem_shared>>
        %dma_start3A_181 = arith.constant 0 : i32
        %dma_start3A_182 = tpu.memref_slice %arg17[%add3A_157, %dma_start3A_181] : memref<10240x64xf32, #tpu.memory_space<vmem_shared>> -> memref<128x64xf32, #tpu.memory_space<vmem_shared>>
        tpu.enqueue_dma source(%arg15 : memref<128x64xf32, #tpu.memory_space<vmem>>) target(%dma_start3A_182 : memref<128x64xf32, #tpu.memory_space<vmem_shared>>) target_semaphore(%run_scoped3A : memref<!tpu.dma_semaphore, #tpu.memory_space<semaphore_mem>>)
        %dma_wait3A = arith.constant 0 : i32
        %dma_wait3A_183 = tpu.memref_slice %arg17[%add3A_157, %dma_wait3A] : memref<10240x64xf32, #tpu.memory_space<vmem_shared>> -> memref<128x64xf32, #tpu.memory_space<vmem_shared>>
        %dma_wait3A_184 = arith.constant 0 : i32
        %dma_wait3A_185 = tpu.memref_slice %arg17[%add3A_157, %dma_wait3A_184] : memref<10240x64xf32, #tpu.memory_space<vmem_shared>> -> memref<128x64xf32, #tpu.memory_space<vmem_shared>>
        tpu.wait_dma2 semaphore(%run_scoped3A : memref<!tpu.dma_semaphore, #tpu.memory_space<semaphore_mem>>) src(%arg15 : memref<128x64xf32, #tpu.memory_space<vmem>>) dst(%dma_wait3A_185 : memref<128x64xf32, #tpu.memory_space<vmem_shared>>)
        tpu.yield
      }) : () -> ()
      %scan3A_159 = arith.constant 0 : i32
      %scan3A_160 = arith.constant 0 : i32
      %scan3A_161 = arith.constant 128 : i32
      %scan3A_162 = arith.addi %scan3A_160, %scan3A_161 : i32
      %scan3A_163 = arith.constant 1 : i32
      %scan3A_164 = scf.for %scan3A_180 = %scan3A_160 to %scan3A_162 step %scan3A_163 iter_args(%scan3A_181 = %scan3A_159) -> (i32)  : i32 {
        %get3A_182 = arith.index_cast %scan3A_180 : i32 to index
        %get3A_183 = arith.constant 0 : index
        %get3A_184 = tpu.vector_load %arg13[%get3A_182, %get3A_183] {strides = array<i32>} : memref<128x64xf32, #tpu.memory_space<vmem>>, vector<1x16xf32>,
        %get3A_185 = vector.shape_cast %get3A_184 : vector<1x16xf32> to vector<16xf32>
        %mul3A_186 = arith.constant 0.899999976 : f32
        %mul3A_187 = vector.broadcast %mul3A_186 : f32 to vector<16xf32>
        %mul3A_188 = arith.mulf %mul3A_187, %get3A_185 : vector<16xf32>
        %get3A_189 = arith.index_cast %scan3A_180 : i32 to index
        %get3A_190 = arith.constant 0 : index
        %get3A_191 = tpu.vector_load %arg14[%get3A_189, %get3A_190] {strides = array<i32>} : memref<128x64xf32, #tpu.memory_space<vmem>>, vector<1x16xf32>,
        %get3A_192 = vector.shape_cast %get3A_191 : vector<1x16xf32> to vector<16xf32>
        %mul3A_193 = arith.constant 1.000000e-01 : f32
        %mul3A_194 = vector.broadcast %mul3A_193 : f32 to vector<16xf32>
        %mul3A_195 = arith.mulf %mul3A_194, %get3A_192 : vector<16xf32>
        %add3A_196 = arith.addf %mul3A_188, %mul3A_195 : vector<16xf32>
        %swap3A = arith.index_cast %scan3A_180 : i32 to index
        %swap3A_197 = arith.constant 0 : index
        %swap3A_198 = tpu.vector_load %arg13[%swap3A, %swap3A_197] {strides = array<i32>} : memref<128x64xf32, #tpu.memory_space<vmem>>, vector<1x16xf32>,
        %swap3A_199 = vector.shape_cast %swap3A_198 : vector<1x16xf32> to vector<16xf32>
        %swap3A_200 = vector.shape_cast %add3A_196 : vector<16xf32> to vector<1x16xf32>
        tpu.vector_store %arg13[%swap3A, %swap3A_197], %swap3A_200 {strides = array<i32>} : memref<128x64xf32, #tpu.memory_space<vmem>>, vector<1x16xf32>,
        %get3A_201 = arith.index_cast %scan3A_180 : i32 to index
        %get3A_202 = arith.constant 16 : index
        %get3A_203 = tpu.vector_load %arg13[%get3A_201, %get3A_202] {strides = array<i32>} : memref<128x64xf32, #tpu.memory_space<vmem>>, vector<1x16xf32>,
        %get3A_204 = vector.shape_cast %get3A_203 : vector<1x16xf32> to vector<16xf32>
        %mul3A_205 = arith.constant 0.899999976 : f32
        %mul3A_206 = vector.broadcast %mul3A_205 : f32 to vector<16xf32>
        %mul3A_207 = arith.mulf %mul3A_206, %get3A_204 : vector<16xf32>
        %get3A_208 = arith.index_cast %scan3A_180 : i32 to index
        %get3A_209 = arith.constant 16 : index
        %get3A_210 = tpu.vector_load %arg14[%get3A_208, %get3A_209] {strides = array<i32>} : memref<128x64xf32, #tpu.memory_space<vmem>>, vector<1x16xf32>,
        %get3A_211 = vector.shape_cast %get3A_210 : vector<1x16xf32> to vector<16xf32>
        %mul3A_212 = arith.constant 1.000000e-01 : f32
        %mul3A_213 = vector.broadcast %mul3A_212 : f32 to vector<16xf32>
        %mul3A_214 = arith.mulf %mul3A_213, %get3A_211 : vector<16xf32>
        %add3A_215 = arith.addf %mul3A_207, %mul3A_214 : vector<16xf32>
        %swap3A_216 = arith.index_cast %scan3A_180 : i32 to index
        %swap3A_217 = arith.constant 16 : index
        %swap3A_218 = tpu.vector_load %arg13[%swap3A_216, %swap3A_217] {strides = array<i32>} : memref<128x64xf32, #tpu.memory_space<vmem>>, vector<1x16xf32>,
        %swap3A_219 = vector.shape_cast %swap3A_218 : vector<1x16xf32> to vector<16xf32>
        %swap3A_220 = vector.shape_cast %add3A_215 : vector<16xf32> to vector<1x16xf32>
        tpu.vector_store %arg13[%swap3A_216, %swap3A_217], %swap3A_220 {strides = array<i32>} : memref<128x64xf32, #tpu.memory_space<vmem>>, vector<1x16xf32>,
        %get3A_221 = arith.index_cast %scan3A_180 : i32 to index
        %get3A_222 = arith.constant 32 : index
        %get3A_223 = tpu.vector_load %arg13[%get3A_221, %get3A_222] {strides = array<i32>} : memref<128x64xf32, #tpu.memory_space<vmem>>, vector<1x16xf32>,
        %get3A_224 = vector.shape_cast %get3A_223 : vector<1x16xf32> to vector<16xf32>
        %mul3A_225 = arith.constant 0.899999976 : f32
        %mul3A_226 = vector.broadcast %mul3A_225 : f32 to vector<16xf32>
        %mul3A_227 = arith.mulf %mul3A_226, %get3A_224 : vector<16xf32>
        %get3A_228 = arith.index_cast %scan3A_180 : i32 to index
        %get3A_229 = arith.constant 32 : index
        %get3A_230 = tpu.vector_load %arg14[%get3A_228, %get3A_229] {strides = array<i32>} : memref<128x64xf32, #tpu.memory_space<vmem>>, vector<1x16xf32>,
        %get3A_231 = vector.shape_cast %get3A_230 : vector<1x16xf32> to vector<16xf32>
        %mul3A_232 = arith.constant 1.000000e-01 : f32
        %mul3A_233 = vector.broadcast %mul3A_232 : f32 to vector<16xf32>
        %mul3A_234 = arith.mulf %mul3A_233, %get3A_231 : vector<16xf32>
        %add3A_235 = arith.addf %mul3A_227, %mul3A_234 : vector<16xf32>
        %swap3A_236 = arith.index_cast %scan3A_180 : i32 to index
        %swap3A_237 = arith.constant 32 : index
        %swap3A_238 = tpu.vector_load %arg13[%swap3A_236, %swap3A_237] {strides = array<i32>} : memref<128x64xf32, #tpu.memory_space<vmem>>, vector<1x16xf32>,
        %swap3A_239 = vector.shape_cast %swap3A_238 : vector<1x16xf32> to vector<16xf32>
        %swap3A_240 = vector.shape_cast %add3A_235 : vector<16xf32> to vector<1x16xf32>
        tpu.vector_store %arg13[%swap3A_236, %swap3A_237], %swap3A_240 {strides = array<i32>} : memref<128x64xf32, #tpu.memory_space<vmem>>, vector<1x16xf32>,
        %get3A_241 = arith.index_cast %scan3A_180 : i32 to index
        %get3A_242 = arith.constant 48 : index
        %get3A_243 = tpu.vector_load %arg13[%get3A_241, %get3A_242] {strides = array<i32>} : memref<128x64xf32, #tpu.memory_space<vmem>>, vector<1x16xf32>,
        %get3A_244 = vector.shape_cast %get3A_243 : vector<1x16xf32> to vector<16xf32>
        %mul3A_245 = arith.constant 0.899999976 : f32
        %mul3A_246 = vector.broadcast %mul3A_245 : f32 to vector<16xf32>
        %mul3A_247 = arith.mulf %mul3A_246, %get3A_244 : vector<16xf32>
        %get3A_248 = arith.index_cast %scan3A_180 : i32 to index
        %get3A_249 = arith.constant 48 : index
        %get3A_250 = tpu.vector_load %arg14[%get3A_248, %get3A_249] {strides = array<i32>} : memref<128x64xf32, #tpu.memory_space<vmem>>, vector<1x16xf32>,
        %get3A_251 = vector.shape_cast %get3A_250 : vector<1x16xf32> to vector<16xf32>
        %mul3A_252 = arith.constant 1.000000e-01 : f32
        %mul3A_253 = vector.broadcast %mul3A_252 : f32 to vector<16xf32>
        %mul3A_254 = arith.mulf %mul3A_253, %get3A_251 : vector<16xf32>
        %add3A_255 = arith.addf %mul3A_247, %mul3A_254 : vector<16xf32>
        %swap3A_256 = arith.index_cast %scan3A_180 : i32 to index
        %swap3A_257 = arith.constant 48 : index
        %swap3A_258 = tpu.vector_load %arg13[%swap3A_256, %swap3A_257] {strides = array<i32>} : memref<128x64xf32, #tpu.memory_space<vmem>>, vector<1x16xf32>,
        %swap3A_259 = vector.shape_cast %swap3A_258 : vector<1x16xf32> to vector<16xf32>
        %swap3A_260 = vector.shape_cast %add3A_255 : vector<16xf32> to vector<1x16xf32>
        tpu.vector_store %arg13[%swap3A_256, %swap3A_257], %swap3A_260 {strides = array<i32>} : memref<128x64xf32, #tpu.memory_space<vmem>>, vector<1x16xf32>,
        %scan3A_261 = arith.constant 0 : i32
        scf.yield %scan3A_261 : i32
      }
      %scan3A_165 = arith.constant 128 : i32
      %add3A_166 = arith.addi %multiple_of3A_3, %add3A_157 : i32
      "tpu.region"() ({
        %run_scoped3A = tpu.sem_alloc : memref<!tpu.dma_semaphore, #tpu.memory_space<semaphore_mem>>
        %dma_start3A = arith.constant 0 : i32
        %dma_start3A_180 = tpu.memref_slice %arg8[%add3A_166, %dma_start3A] : memref<20480x64xf32, #tpu.memory_space<hbm>> -> memref<128x64xf32, #tpu.memory_space<hbm>>
        %dma_start3A_181 = arith.constant 0 : i32
        %dma_start3A_182 = tpu.memref_slice %arg8[%add3A_166, %dma_start3A_181] : memref<20480x64xf32, #tpu.memory_space<hbm>> -> memref<128x64xf32, #tpu.memory_space<hbm>>
        tpu.enqueue_dma source(%arg13 : memref<128x64xf32, #tpu.memory_space<vmem>>) target(%dma_start3A_182 : memref<128x64xf32, #tpu.memory_space<hbm>>) target_semaphore(%run_scoped3A : memref<!tpu.dma_semaphore, #tpu.memory_space<semaphore_mem>>)
        %dma_wait3A = arith.constant 0 : i32
        %dma_wait3A_183 = tpu.memref_slice %arg8[%add3A_166, %dma_wait3A] : memref<20480x64xf32, #tpu.memory_space<hbm>> -> memref<128x64xf32, #tpu.memory_space<hbm>>
        %dma_wait3A_184 = arith.constant 0 : i32
        %dma_wait3A_185 = tpu.memref_slice %arg8[%add3A_166, %dma_wait3A_184] : memref<20480x64xf32, #tpu.memory_space<hbm>> -> memref<128x64xf32, #tpu.memory_space<hbm>>
        tpu.wait_dma2 semaphore(%run_scoped3A : memref<!tpu.dma_semaphore, #tpu.memory_space<semaphore_mem>>) src(%arg13 : memref<128x64xf32, #tpu.memory_space<vmem>>) dst(%dma_wait3A_185 : memref<128x64xf32, #tpu.memory_space<hbm>>)
        tpu.yield
      }) : () -> ()
      %add3A_167 = arith.constant 512 : i32
      %add3A_168 = arith.addi %multiple_of3A, %add3A_167 : i32
      "tpu.region"() ({
        %run_scoped3A = tpu.sem_alloc : memref<!tpu.dma_semaphore, #tpu.memory_space<semaphore_mem>>
        %dma_start3A = arith.constant 0 : i32
        %dma_start3A_180 = tpu.memref_slice %arg17[%add3A_168, %dma_start3A] : memref<10240x64xf32, #tpu.memory_space<vmem_shared>> -> memref<128x64xf32, #tpu.memory_space<vmem_shared>>
        %dma_start3A_181 = arith.constant 0 : i32
        %dma_start3A_182 = tpu.memref_slice %arg17[%add3A_168, %dma_start3A_181] : memref<10240x64xf32, #tpu.memory_space<vmem_shared>> -> memref<128x64xf32, #tpu.memory_space<vmem_shared>>
        tpu.enqueue_dma source(%dma_start3A_182 : memref<128x64xf32, #tpu.memory_space<vmem_shared>>) target(%arg13 : memref<128x64xf32, #tpu.memory_space<vmem>>) target_semaphore(%run_scoped3A : memref<!tpu.dma_semaphore, #tpu.memory_space<semaphore_mem>>)
        %dma_wait3A = arith.constant 0 : i32
        %dma_wait3A_183 = tpu.memref_slice %arg17[%add3A_168, %dma_wait3A] : memref<10240x64xf32, #tpu.memory_space<vmem_shared>> -> memref<128x64xf32, #tpu.memory_space<vmem_shared>>
        %dma_wait3A_184 = arith.constant 0 : i32
        %dma_wait3A_185 = tpu.memref_slice %arg17[%add3A_168, %dma_wait3A_184] : memref<10240x64xf32, #tpu.memory_space<vmem_shared>> -> memref<128x64xf32, #tpu.memory_space<vmem_shared>>
        tpu.wait_dma2 semaphore(%run_scoped3A : memref<!tpu.dma_semaphore, #tpu.memory_space<semaphore_mem>>) src(%dma_wait3A_185 : memref<128x64xf32, #tpu.memory_space<vmem_shared>>) dst(%arg13 : memref<128x64xf32, #tpu.memory_space<vmem>>)
        tpu.yield
      }) : () -> ()
      %add3A_169 = arith.addi %multiple_of3A_3, %add3A_168 : i32
      "tpu.region"() ({
        %run_scoped3A = tpu.sem_alloc : memref<!tpu.dma_semaphore, #tpu.memory_space<semaphore_mem>>
        %dma_start3A = arith.constant 0 : i32
        %dma_start3A_180 = tpu.memref_slice %arg2[%add3A_169, %dma_start3A] : memref<20480x64xf32, #tpu.memory_space<hbm>> -> memref<128x64xf32, #tpu.memory_space<hbm>>
        %dma_start3A_181 = arith.constant 0 : i32
        %dma_start3A_182 = tpu.memref_slice %arg2[%add3A_169, %dma_start3A_181] : memref<20480x64xf32, #tpu.memory_space<hbm>> -> memref<128x64xf32, #tpu.memory_space<hbm>>
        tpu.enqueue_dma source(%dma_start3A_182 : memref<128x64xf32, #tpu.memory_space<hbm>>) target(%arg14 : memref<128x64xf32, #tpu.memory_space<vmem>>) target_semaphore(%run_scoped3A : memref<!tpu.dma_semaphore, #tpu.memory_space<semaphore_mem>>)
        %dma_wait3A = arith.constant 0 : i32
        %dma_wait3A_183 = tpu.memref_slice %arg2[%add3A_169, %dma_wait3A] : memref<20480x64xf32, #tpu.memory_space<hbm>> -> memref<128x64xf32, #tpu.memory_space<hbm>>
        %dma_wait3A_184 = arith.constant 0 : i32
        %dma_wait3A_185 = tpu.memref_slice %arg2[%add3A_169, %dma_wait3A_184] : memref<20480x64xf32, #tpu.memory_space<hbm>> -> memref<128x64xf32, #tpu.memory_space<hbm>>
        tpu.wait_dma2 semaphore(%run_scoped3A : memref<!tpu.dma_semaphore, #tpu.memory_space<semaphore_mem>>) src(%dma_wait3A_185 : memref<128x64xf32, #tpu.memory_space<hbm>>) dst(%arg14 : memref<128x64xf32, #tpu.memory_space<vmem>>)
        tpu.yield
      }) : () -> ()
      "tpu.region"() ({
        %run_scoped3A = tpu.sem_alloc : memref<!tpu.dma_semaphore, #tpu.memory_space<semaphore_mem>>
        %dma_start3A = arith.constant 0 : i32
        %dma_start3A_180 = tpu.memref_slice %arg17[%add3A_168, %dma_start3A] : memref<10240x64xf32, #tpu.memory_space<vmem_shared>> -> memref<128x64xf32, #tpu.memory_space<vmem_shared>>
        %dma_start3A_181 = arith.constant 0 : i32
        %dma_start3A_182 = tpu.memref_slice %arg17[%add3A_168, %dma_start3A_181] : memref<10240x64xf32, #tpu.memory_space<vmem_shared>> -> memref<128x64xf32, #tpu.memory_space<vmem_shared>>
        tpu.enqueue_dma source(%arg15 : memref<128x64xf32, #tpu.memory_space<vmem>>) target(%dma_start3A_182 : memref<128x64xf32, #tpu.memory_space<vmem_shared>>) target_semaphore(%run_scoped3A : memref<!tpu.dma_semaphore, #tpu.memory_space<semaphore_mem>>)
        %dma_wait3A = arith.constant 0 : i32
        %dma_wait3A_183 = tpu.memref_slice %arg17[%add3A_168, %dma_wait3A] : memref<10240x64xf32, #tpu.memory_space<vmem_shared>> -> memref<128x64xf32, #tpu.memory_space<vmem_shared>>
        %dma_wait3A_184 = arith.constant 0 : i32
        %dma_wait3A_185 = tpu.memref_slice %arg17[%add3A_168, %dma_wait3A_184] : memref<10240x64xf32, #tpu.memory_space<vmem_shared>> -> memref<128x64xf32, #tpu.memory_space<vmem_shared>>
        tpu.wait_dma2 semaphore(%run_scoped3A : memref<!tpu.dma_semaphore, #tpu.memory_space<semaphore_mem>>) src(%arg15 : memref<128x64xf32, #tpu.memory_space<vmem>>) dst(%dma_wait3A_185 : memref<128x64xf32, #tpu.memory_space<vmem_shared>>)
        tpu.yield
      }) : () -> ()
      %scan3A_170 = arith.constant 0 : i32
      %scan3A_171 = arith.constant 0 : i32
      %scan3A_172 = arith.constant 128 : i32
      %scan3A_173 = arith.addi %scan3A_171, %scan3A_172 : i32
      %scan3A_174 = arith.constant 1 : i32
      %scan3A_175 = scf.for %scan3A_180 = %scan3A_171 to %scan3A_173 step %scan3A_174 iter_args(%scan3A_181 = %scan3A_170) -> (i32)  : i32 {
        %get3A_182 = arith.index_cast %scan3A_180 : i32 to index
        %get3A_183 = arith.constant 0 : index
        %get3A_184 = tpu.vector_load %arg13[%get3A_182, %get3A_183] {strides = array<i32>} : memref<128x64xf32, #tpu.memory_space<vmem>>, vector<1x16xf32>,
        %get3A_185 = vector.shape_cast %get3A_184 : vector<1x16xf32> to vector<16xf32>
        %mul3A_186 = arith.constant 0.899999976 : f32
        %mul3A_187 = vector.broadcast %mul3A_186 : f32 to vector<16xf32>
        %mul3A_188 = arith.mulf %mul3A_187, %get3A_185 : vector<16xf32>
        %get3A_189 = arith.index_cast %scan3A_180 : i32 to index
        %get3A_190 = arith.constant 0 : index
        %get3A_191 = tpu.vector_load %arg14[%get3A_189, %get3A_190] {strides = array<i32>} : memref<128x64xf32, #tpu.memory_space<vmem>>, vector<1x16xf32>,
        %get3A_192 = vector.shape_cast %get3A_191 : vector<1x16xf32> to vector<16xf32>
        %mul3A_193 = arith.constant 1.000000e-01 : f32
        %mul3A_194 = vector.broadcast %mul3A_193 : f32 to vector<16xf32>
        %mul3A_195 = arith.mulf %mul3A_194, %get3A_192 : vector<16xf32>
        %add3A_196 = arith.addf %mul3A_188, %mul3A_195 : vector<16xf32>
        %swap3A = arith.index_cast %scan3A_180 : i32 to index
        %swap3A_197 = arith.constant 0 : index
        %swap3A_198 = tpu.vector_load %arg13[%swap3A, %swap3A_197] {strides = array<i32>} : memref<128x64xf32, #tpu.memory_space<vmem>>, vector<1x16xf32>,
        %swap3A_199 = vector.shape_cast %swap3A_198 : vector<1x16xf32> to vector<16xf32>
        %swap3A_200 = vector.shape_cast %add3A_196 : vector<16xf32> to vector<1x16xf32>
        tpu.vector_store %arg13[%swap3A, %swap3A_197], %swap3A_200 {strides = array<i32>} : memref<128x64xf32, #tpu.memory_space<vmem>>, vector<1x16xf32>,
        %get3A_201 = arith.index_cast %scan3A_180 : i32 to index
        %get3A_202 = arith.constant 16 : index
        %get3A_203 = tpu.vector_load %arg13[%get3A_201, %get3A_202] {strides = array<i32>} : memref<128x64xf32, #tpu.memory_space<vmem>>, vector<1x16xf32>,
        %get3A_204 = vector.shape_cast %get3A_203 : vector<1x16xf32> to vector<16xf32>
        %mul3A_205 = arith.constant 0.899999976 : f32
        %mul3A_206 = vector.broadcast %mul3A_205 : f32 to vector<16xf32>
        %mul3A_207 = arith.mulf %mul3A_206, %get3A_204 : vector<16xf32>
        %get3A_208 = arith.index_cast %scan3A_180 : i32 to index
        %get3A_209 = arith.constant 16 : index
        %get3A_210 = tpu.vector_load %arg14[%get3A_208, %get3A_209] {strides = array<i32>} : memref<128x64xf32, #tpu.memory_space<vmem>>, vector<1x16xf32>,
        %get3A_211 = vector.shape_cast %get3A_210 : vector<1x16xf32> to vector<16xf32>
        %mul3A_212 = arith.constant 1.000000e-01 : f32
        %mul3A_213 = vector.broadcast %mul3A_212 : f32 to vector<16xf32>
        %mul3A_214 = arith.mulf %mul3A_213, %get3A_211 : vector<16xf32>
        %add3A_215 = arith.addf %mul3A_207, %mul3A_214 : vector<16xf32>
        %swap3A_216 = arith.index_cast %scan3A_180 : i32 to index
        %swap3A_217 = arith.constant 16 : index
        %swap3A_218 = tpu.vector_load %arg13[%swap3A_216, %swap3A_217] {strides = array<i32>} : memref<128x64xf32, #tpu.memory_space<vmem>>, vector<1x16xf32>,
        %swap3A_219 = vector.shape_cast %swap3A_218 : vector<1x16xf32> to vector<16xf32>
        %swap3A_220 = vector.shape_cast %add3A_215 : vector<16xf32> to vector<1x16xf32>
        tpu.vector_store %arg13[%swap3A_216, %swap3A_217], %swap3A_220 {strides = array<i32>} : memref<128x64xf32, #tpu.memory_space<vmem>>, vector<1x16xf32>,
        %get3A_221 = arith.index_cast %scan3A_180 : i32 to index
        %get3A_222 = arith.constant 32 : index
        %get3A_223 = tpu.vector_load %arg13[%get3A_221, %get3A_222] {strides = array<i32>} : memref<128x64xf32, #tpu.memory_space<vmem>>, vector<1x16xf32>,
        %get3A_224 = vector.shape_cast %get3A_223 : vector<1x16xf32> to vector<16xf32>
        %mul3A_225 = arith.constant 0.899999976 : f32
        %mul3A_226 = vector.broadcast %mul3A_225 : f32 to vector<16xf32>
        %mul3A_227 = arith.mulf %mul3A_226, %get3A_224 : vector<16xf32>
        %get3A_228 = arith.index_cast %scan3A_180 : i32 to index
        %get3A_229 = arith.constant 32 : index
        %get3A_230 = tpu.vector_load %arg14[%get3A_228, %get3A_229] {strides = array<i32>} : memref<128x64xf32, #tpu.memory_space<vmem>>, vector<1x16xf32>,
        %get3A_231 = vector.shape_cast %get3A_230 : vector<1x16xf32> to vector<16xf32>
        %mul3A_232 = arith.constant 1.000000e-01 : f32
        %mul3A_233 = vector.broadcast %mul3A_232 : f32 to vector<16xf32>
        %mul3A_234 = arith.mulf %mul3A_233, %get3A_231 : vector<16xf32>
        %add3A_235 = arith.addf %mul3A_227, %mul3A_234 : vector<16xf32>
        %swap3A_236 = arith.index_cast %scan3A_180 : i32 to index
        %swap3A_237 = arith.constant 32 : index
        %swap3A_238 = tpu.vector_load %arg13[%swap3A_236, %swap3A_237] {strides = array<i32>} : memref<128x64xf32, #tpu.memory_space<vmem>>, vector<1x16xf32>,
        %swap3A_239 = vector.shape_cast %swap3A_238 : vector<1x16xf32> to vector<16xf32>
        %swap3A_240 = vector.shape_cast %add3A_235 : vector<16xf32> to vector<1x16xf32>
        tpu.vector_store %arg13[%swap3A_236, %swap3A_237], %swap3A_240 {strides = array<i32>} : memref<128x64xf32, #tpu.memory_space<vmem>>, vector<1x16xf32>,
        %get3A_241 = arith.index_cast %scan3A_180 : i32 to index
        %get3A_242 = arith.constant 48 : index
        %get3A_243 = tpu.vector_load %arg13[%get3A_241, %get3A_242] {strides = array<i32>} : memref<128x64xf32, #tpu.memory_space<vmem>>, vector<1x16xf32>,
        %get3A_244 = vector.shape_cast %get3A_243 : vector<1x16xf32> to vector<16xf32>
        %mul3A_245 = arith.constant 0.899999976 : f32
        %mul3A_246 = vector.broadcast %mul3A_245 : f32 to vector<16xf32>
        %mul3A_247 = arith.mulf %mul3A_246, %get3A_244 : vector<16xf32>
        %get3A_248 = arith.index_cast %scan3A_180 : i32 to index
        %get3A_249 = arith.constant 48 : index
        %get3A_250 = tpu.vector_load %arg14[%get3A_248, %get3A_249] {strides = array<i32>} : memref<128x64xf32, #tpu.memory_space<vmem>>, vector<1x16xf32>,
        %get3A_251 = vector.shape_cast %get3A_250 : vector<1x16xf32> to vector<16xf32>
        %mul3A_252 = arith.constant 1.000000e-01 : f32
        %mul3A_253 = vector.broadcast %mul3A_252 : f32 to vector<16xf32>
        %mul3A_254 = arith.mulf %mul3A_253, %get3A_251 : vector<16xf32>
        %add3A_255 = arith.addf %mul3A_247, %mul3A_254 : vector<16xf32>
        %swap3A_256 = arith.index_cast %scan3A_180 : i32 to index
        %swap3A_257 = arith.constant 48 : index
        %swap3A_258 = tpu.vector_load %arg13[%swap3A_256, %swap3A_257] {strides = array<i32>} : memref<128x64xf32, #tpu.memory_space<vmem>>, vector<1x16xf32>,
        %swap3A_259 = vector.shape_cast %swap3A_258 : vector<1x16xf32> to vector<16xf32>
        %swap3A_260 = vector.shape_cast %add3A_255 : vector<16xf32> to vector<1x16xf32>
        tpu.vector_store %arg13[%swap3A_256, %swap3A_257], %swap3A_260 {strides = array<i32>} : memref<128x64xf32, #tpu.memory_space<vmem>>, vector<1x16xf32>,
        %scan3A_261 = arith.constant 0 : i32
        scf.yield %scan3A_261 : i32
      }
      %scan3A_176 = arith.constant 128 : i32
      %add3A_177 = arith.addi %multiple_of3A_3, %add3A_168 : i32
      "tpu.region"() ({
        %run_scoped3A = tpu.sem_alloc : memref<!tpu.dma_semaphore, #tpu.memory_space<semaphore_mem>>
        %dma_start3A = arith.constant 0 : i32
        %dma_start3A_180 = tpu.memref_slice %arg8[%add3A_177, %dma_start3A] : memref<20480x64xf32, #tpu.memory_space<hbm>> -> memref<128x64xf32, #tpu.memory_space<hbm>>
        %dma_start3A_181 = arith.constant 0 : i32
        %dma_start3A_182 = tpu.memref_slice %arg8[%add3A_177, %dma_start3A_181] : memref<20480x64xf32, #tpu.memory_space<hbm>> -> memref<128x64xf32, #tpu.memory_space<hbm>>
        tpu.enqueue_dma source(%arg13 : memref<128x64xf32, #tpu.memory_space<vmem>>) target(%dma_start3A_182 : memref<128x64xf32, #tpu.memory_space<hbm>>) target_semaphore(%run_scoped3A : memref<!tpu.dma_semaphore, #tpu.memory_space<semaphore_mem>>)
        %dma_wait3A = arith.constant 0 : i32
        %dma_wait3A_183 = tpu.memref_slice %arg8[%add3A_177, %dma_wait3A] : memref<20480x64xf32, #tpu.memory_space<hbm>> -> memref<128x64xf32, #tpu.memory_space<hbm>>
        %dma_wait3A_184 = arith.constant 0 : i32
        %dma_wait3A_185 = tpu.memref_slice %arg8[%add3A_177, %dma_wait3A_184] : memref<20480x64xf32, #tpu.memory_space<hbm>> -> memref<128x64xf32, #tpu.memory_space<hbm>>
        tpu.wait_dma2 semaphore(%run_scoped3A : memref<!tpu.dma_semaphore, #tpu.memory_space<semaphore_mem>>) src(%arg13 : memref<128x64xf32, #tpu.memory_space<vmem>>) dst(%dma_wait3A_185 : memref<128x64xf32, #tpu.memory_space<hbm>>)
        tpu.yield
      }) : () -> ()
      %barrier3A_178 = arith.constant 0 : index
      tpu.barrier barrier_id(%barrier3A_178)
      %scan3A_179 = arith.constant 0 : i32
      scf.yield %scan3A_179 : i32
    }
    %scan3A_50 = arith.constant 5 : i32
    %add3A_51 = arith.constant 0 : i32
    %add3A_52 = arith.addi %multiple_of3A, %add3A_51 : i32
    %add3A_53 = arith.addi %multiple_of3A_3, %add3A_52 : i32
    "tpu.region"() ({
      %run_scoped3A = tpu.sem_alloc : memref<!tpu.dma_semaphore, #tpu.memory_space<semaphore_mem>>
      %dma_start3A = arith.constant 0 : i32
      %dma_start3A_111 = tpu.memref_slice %arg8[%add3A_53, %dma_start3A] : memref<20480x64xf32, #tpu.memory_space<hbm>> -> memref<128x64xf32, #tpu.memory_space<hbm>>
      %dma_start3A_112 = arith.constant 0 : i32
      %dma_start3A_113 = tpu.memref_slice %arg8[%add3A_53, %dma_start3A_112] : memref<20480x64xf32, #tpu.memory_space<hbm>> -> memref<128x64xf32, #tpu.memory_space<hbm>>
      tpu.enqueue_dma source(%dma_start3A_113 : memref<128x64xf32, #tpu.memory_space<hbm>>) target(%arg13 : memref<128x64xf32, #tpu.memory_space<vmem>>) target_semaphore(%run_scoped3A : memref<!tpu.dma_semaphore, #tpu.memory_space<semaphore_mem>>)
      %dma_wait3A = arith.constant 0 : i32
      %dma_wait3A_114 = tpu.memref_slice %arg8[%add3A_53, %dma_wait3A] : memref<20480x64xf32, #tpu.memory_space<hbm>> -> memref<128x64xf32, #tpu.memory_space<hbm>>
      %dma_wait3A_115 = arith.constant 0 : i32
      %dma_wait3A_116 = tpu.memref_slice %arg8[%add3A_53, %dma_wait3A_115] : memref<20480x64xf32, #tpu.memory_space<hbm>> -> memref<128x64xf32, #tpu.memory_space<hbm>>
      tpu.wait_dma2 semaphore(%run_scoped3A : memref<!tpu.dma_semaphore, #tpu.memory_space<semaphore_mem>>) src(%dma_wait3A_116 : memref<128x64xf32, #tpu.memory_space<hbm>>) dst(%arg13 : memref<128x64xf32, #tpu.memory_space<vmem>>)
      tpu.yield
    }) : () -> ()
    %add3A_54 = arith.addi %multiple_of3A_3, %add3A_52 : i32
    "tpu.region"() ({
      %run_scoped3A = tpu.sem_alloc : memref<!tpu.dma_semaphore, #tpu.memory_space<semaphore_mem>>
      %dma_start3A = arith.constant 0 : i32
      %dma_start3A_111 = tpu.memref_slice %arg2[%add3A_54, %dma_start3A] : memref<20480x64xf32, #tpu.memory_space<hbm>> -> memref<128x64xf32, #tpu.memory_space<hbm>>
      %dma_start3A_112 = arith.constant 0 : i32
      %dma_start3A_113 = tpu.memref_slice %arg2[%add3A_54, %dma_start3A_112] : memref<20480x64xf32, #tpu.memory_space<hbm>> -> memref<128x64xf32, #tpu.memory_space<hbm>>
      tpu.enqueue_dma source(%dma_start3A_113 : memref<128x64xf32, #tpu.memory_space<hbm>>) target(%arg14 : memref<128x64xf32, #tpu.memory_space<vmem>>) target_semaphore(%run_scoped3A : memref<!tpu.dma_semaphore, #tpu.memory_space<semaphore_mem>>)
      %dma_wait3A = arith.constant 0 : i32
      %dma_wait3A_114 = tpu.memref_slice %arg2[%add3A_54, %dma_wait3A] : memref<20480x64xf32, #tpu.memory_space<hbm>> -> memref<128x64xf32, #tpu.memory_space<hbm>>
      %dma_wait3A_115 = arith.constant 0 : i32
      %dma_wait3A_116 = tpu.memref_slice %arg2[%add3A_54, %dma_wait3A_115] : memref<20480x64xf32, #tpu.memory_space<hbm>> -> memref<128x64xf32, #tpu.memory_space<hbm>>
      tpu.wait_dma2 semaphore(%run_scoped3A : memref<!tpu.dma_semaphore, #tpu.memory_space<semaphore_mem>>) src(%dma_wait3A_116 : memref<128x64xf32, #tpu.memory_space<hbm>>) dst(%arg14 : memref<128x64xf32, #tpu.memory_space<vmem>>)
      tpu.yield
    }) : () -> ()
    %scan3A_55 = arith.constant 0 : i32
    %scan3A_56 = arith.constant 0 : i32
    %scan3A_57 = arith.constant 128 : i32
    %scan3A_58 = arith.addi %scan3A_56, %scan3A_57 : i32
    %scan3A_59 = arith.constant 1 : i32
    %scan3A_60 = scf.for %scan3A_111 = %scan3A_56 to %scan3A_58 step %scan3A_59 iter_args(%scan3A_112 = %scan3A_55) -> (i32)  : i32 {
      %get3A_113 = arith.index_cast %scan3A_111 : i32 to index
      %get3A_114 = arith.constant 0 : index
      %get3A_115 = tpu.vector_load %arg14[%get3A_113, %get3A_114] {strides = array<i32>} : memref<128x64xf32, #tpu.memory_space<vmem>>, vector<1x16xf32>,
      %get3A_116 = vector.shape_cast %get3A_115 : vector<1x16xf32> to vector<16xf32>
      %get3A_117 = arith.index_cast %scan3A_111 : i32 to index
      %get3A_118 = arith.constant 0 : index
      %get3A_119 = tpu.vector_load %arg13[%get3A_117, %get3A_118] {strides = array<i32>} : memref<128x64xf32, #tpu.memory_space<vmem>>, vector<1x16xf32>,
      %get3A_120 = vector.shape_cast %get3A_119 : vector<1x16xf32> to vector<16xf32>
      %mul3A_121 = arith.mulf %sub3A_43, %get3A_120 : vector<16xf32>
      %add3A_122 = arith.addf %get3A_116, %mul3A_121 : vector<16xf32>
      %swap3A = arith.index_cast %scan3A_111 : i32 to index
      %swap3A_123 = arith.constant 0 : index
      %swap3A_124 = tpu.vector_load %arg13[%swap3A, %swap3A_123] {strides = array<i32>} : memref<128x64xf32, #tpu.memory_space<vmem>>, vector<1x16xf32>,
      %swap3A_125 = vector.shape_cast %swap3A_124 : vector<1x16xf32> to vector<16xf32>
      %swap3A_126 = vector.shape_cast %add3A_122 : vector<16xf32> to vector<1x16xf32>
      tpu.vector_store %arg13[%swap3A, %swap3A_123], %swap3A_126 {strides = array<i32>} : memref<128x64xf32, #tpu.memory_space<vmem>>, vector<1x16xf32>,
      %get3A_127 = arith.index_cast %scan3A_111 : i32 to index
      %get3A_128 = arith.constant 16 : index
      %get3A_129 = tpu.vector_load %arg14[%get3A_127, %get3A_128] {strides = array<i32>} : memref<128x64xf32, #tpu.memory_space<vmem>>, vector<1x16xf32>,
      %get3A_130 = vector.shape_cast %get3A_129 : vector<1x16xf32> to vector<16xf32>
      %get3A_131 = arith.index_cast %scan3A_111 : i32 to index
      %get3A_132 = arith.constant 16 : index
      %get3A_133 = tpu.vector_load %arg13[%get3A_131, %get3A_132] {strides = array<i32>} : memref<128x64xf32, #tpu.memory_space<vmem>>, vector<1x16xf32>,
      %get3A_134 = vector.shape_cast %get3A_133 : vector<1x16xf32> to vector<16xf32>
      %mul3A_135 = arith.mulf %sub3A_43, %get3A_134 : vector<16xf32>
      %add3A_136 = arith.addf %get3A_130, %mul3A_135 : vector<16xf32>
      %swap3A_137 = arith.index_cast %scan3A_111 : i32 to index
      %swap3A_138 = arith.constant 16 : index
      %swap3A_139 = tpu.vector_load %arg13[%swap3A_137, %swap3A_138] {strides = array<i32>} : memref<128x64xf32, #tpu.memory_space<vmem>>, vector<1x16xf32>,
      %swap3A_140 = vector.shape_cast %swap3A_139 : vector<1x16xf32> to vector<16xf32>
      %swap3A_141 = vector.shape_cast %add3A_136 : vector<16xf32> to vector<1x16xf32>
      tpu.vector_store %arg13[%swap3A_137, %swap3A_138], %swap3A_141 {strides = array<i32>} : memref<128x64xf32, #tpu.memory_space<vmem>>, vector<1x16xf32>,
      %get3A_142 = arith.index_cast %scan3A_111 : i32 to index
      %get3A_143 = arith.constant 32 : index
      %get3A_144 = tpu.vector_load %arg14[%get3A_142, %get3A_143] {strides = array<i32>} : memref<128x64xf32, #tpu.memory_space<vmem>>, vector<1x16xf32>,
      %get3A_145 = vector.shape_cast %get3A_144 : vector<1x16xf32> to vector<16xf32>
      %get3A_146 = arith.index_cast %scan3A_111 : i32 to index
      %get3A_147 = arith.constant 32 : index
      %get3A_148 = tpu.vector_load %arg13[%get3A_146, %get3A_147] {strides = array<i32>} : memref<128x64xf32, #tpu.memory_space<vmem>>, vector<1x16xf32>,
      %get3A_149 = vector.shape_cast %get3A_148 : vector<1x16xf32> to vector<16xf32>
      %mul3A_150 = arith.mulf %sub3A_43, %get3A_149 : vector<16xf32>
      %add3A_151 = arith.addf %get3A_145, %mul3A_150 : vector<16xf32>
      %swap3A_152 = arith.index_cast %scan3A_111 : i32 to index
      %swap3A_153 = arith.constant 32 : index
      %swap3A_154 = tpu.vector_load %arg13[%swap3A_152, %swap3A_153] {strides = array<i32>} : memref<128x64xf32, #tpu.memory_space<vmem>>, vector<1x16xf32>,
      %swap3A_155 = vector.shape_cast %swap3A_154 : vector<1x16xf32> to vector<16xf32>
      %swap3A_156 = vector.shape_cast %add3A_151 : vector<16xf32> to vector<1x16xf32>
      tpu.vector_store %arg13[%swap3A_152, %swap3A_153], %swap3A_156 {strides = array<i32>} : memref<128x64xf32, #tpu.memory_space<vmem>>, vector<1x16xf32>,
      %get3A_157 = arith.index_cast %scan3A_111 : i32 to index
      %get3A_158 = arith.constant 48 : index
      %get3A_159 = tpu.vector_load %arg14[%get3A_157, %get3A_158] {strides = array<i32>} : memref<128x64xf32, #tpu.memory_space<vmem>>, vector<1x16xf32>,
      %get3A_160 = vector.shape_cast %get3A_159 : vector<1x16xf32> to vector<16xf32>
      %get3A_161 = arith.index_cast %scan3A_111 : i32 to index
      %get3A_162 = arith.constant 48 : index
      %get3A_163 = tpu.vector_load %arg13[%get3A_161, %get3A_162] {strides = array<i32>} : memref<128x64xf32, #tpu.memory_space<vmem>>, vector<1x16xf32>,
      %get3A_164 = vector.shape_cast %get3A_163 : vector<1x16xf32> to vector<16xf32>
      %mul3A_165 = arith.mulf %sub3A_43, %get3A_164 : vector<16xf32>
      %add3A_166 = arith.addf %get3A_160, %mul3A_165 : vector<16xf32>
      %swap3A_167 = arith.index_cast %scan3A_111 : i32 to index
      %swap3A_168 = arith.constant 48 : index
      %swap3A_169 = tpu.vector_load %arg13[%swap3A_167, %swap3A_168] {strides = array<i32>} : memref<128x64xf32, #tpu.memory_space<vmem>>, vector<1x16xf32>,
      %swap3A_170 = vector.shape_cast %swap3A_169 : vector<1x16xf32> to vector<16xf32>
      %swap3A_171 = vector.shape_cast %add3A_166 : vector<16xf32> to vector<1x16xf32>
      tpu.vector_store %arg13[%swap3A_167, %swap3A_168], %swap3A_171 {strides = array<i32>} : memref<128x64xf32, #tpu.memory_space<vmem>>, vector<1x16xf32>,
      %scan3A_172 = arith.constant 0 : i32
      scf.yield %scan3A_172 : i32
    }
    %scan3A_61 = arith.constant 128 : i32
    %add3A_62 = arith.addi %multiple_of3A_3, %add3A_52 : i32
    "tpu.region"() ({
      %run_scoped3A = tpu.sem_alloc : memref<!tpu.dma_semaphore, #tpu.memory_space<semaphore_mem>>
      %dma_start3A = arith.constant 0 : i32
      %dma_start3A_111 = tpu.memref_slice %arg7[%add3A_62, %dma_start3A] : memref<20480x64xf32, #tpu.memory_space<hbm>> -> memref<128x64xf32, #tpu.memory_space<hbm>>
      %dma_start3A_112 = arith.constant 0 : i32
      %dma_start3A_113 = tpu.memref_slice %arg7[%add3A_62, %dma_start3A_112] : memref<20480x64xf32, #tpu.memory_space<hbm>> -> memref<128x64xf32, #tpu.memory_space<hbm>>
      tpu.enqueue_dma source(%arg13 : memref<128x64xf32, #tpu.memory_space<vmem>>) target(%dma_start3A_113 : memref<128x64xf32, #tpu.memory_space<hbm>>) target_semaphore(%run_scoped3A : memref<!tpu.dma_semaphore, #tpu.memory_space<semaphore_mem>>)
      %dma_wait3A = arith.constant 0 : i32
      %dma_wait3A_114 = tpu.memref_slice %arg7[%add3A_62, %dma_wait3A] : memref<20480x64xf32, #tpu.memory_space<hbm>> -> memref<128x64xf32, #tpu.memory_space<hbm>>
      %dma_wait3A_115 = arith.constant 0 : i32
      %dma_wait3A_116 = tpu.memref_slice %arg7[%add3A_62, %dma_wait3A_115] : memref<20480x64xf32, #tpu.memory_space<hbm>> -> memref<128x64xf32, #tpu.memory_space<hbm>>
      tpu.wait_dma2 semaphore(%run_scoped3A : memref<!tpu.dma_semaphore, #tpu.memory_space<semaphore_mem>>) src(%arg13 : memref<128x64xf32, #tpu.memory_space<vmem>>) dst(%dma_wait3A_116 : memref<128x64xf32, #tpu.memory_space<hbm>>)
      tpu.yield
    }) : () -> ()
    %add3A_63 = arith.constant 128 : i32
    %add3A_64 = arith.addi %multiple_of3A, %add3A_63 : i32
    %add3A_65 = arith.addi %multiple_of3A_3, %add3A_64 : i32
    "tpu.region"() ({
      %run_scoped3A = tpu.sem_alloc : memref<!tpu.dma_semaphore, #tpu.memory_space<semaphore_mem>>
      %dma_start3A = arith.constant 0 : i32
      %dma_start3A_111 = tpu.memref_slice %arg8[%add3A_65, %dma_start3A] : memref<20480x64xf32, #tpu.memory_space<hbm>> -> memref<128x64xf32, #tpu.memory_space<hbm>>
      %dma_start3A_112 = arith.constant 0 : i32
      %dma_start3A_113 = tpu.memref_slice %arg8[%add3A_65, %dma_start3A_112] : memref<20480x64xf32, #tpu.memory_space<hbm>> -> memref<128x64xf32, #tpu.memory_space<hbm>>
      tpu.enqueue_dma source(%dma_start3A_113 : memref<128x64xf32, #tpu.memory_space<hbm>>) target(%arg13 : memref<128x64xf32, #tpu.memory_space<vmem>>) target_semaphore(%run_scoped3A : memref<!tpu.dma_semaphore, #tpu.memory_space<semaphore_mem>>)
      %dma_wait3A = arith.constant 0 : i32
      %dma_wait3A_114 = tpu.memref_slice %arg8[%add3A_65, %dma_wait3A] : memref<20480x64xf32, #tpu.memory_space<hbm>> -> memref<128x64xf32, #tpu.memory_space<hbm>>
      %dma_wait3A_115 = arith.constant 0 : i32
      %dma_wait3A_116 = tpu.memref_slice %arg8[%add3A_65, %dma_wait3A_115] : memref<20480x64xf32, #tpu.memory_space<hbm>> -> memref<128x64xf32, #tpu.memory_space<hbm>>
      tpu.wait_dma2 semaphore(%run_scoped3A : memref<!tpu.dma_semaphore, #tpu.memory_space<semaphore_mem>>) src(%dma_wait3A_116 : memref<128x64xf32, #tpu.memory_space<hbm>>) dst(%arg13 : memref<128x64xf32, #tpu.memory_space<vmem>>)
      tpu.yield
    }) : () -> ()
    %add3A_66 = arith.addi %multiple_of3A_3, %add3A_64 : i32
    "tpu.region"() ({
      %run_scoped3A = tpu.sem_alloc : memref<!tpu.dma_semaphore, #tpu.memory_space<semaphore_mem>>
      %dma_start3A = arith.constant 0 : i32
      %dma_start3A_111 = tpu.memref_slice %arg2[%add3A_66, %dma_start3A] : memref<20480x64xf32, #tpu.memory_space<hbm>> -> memref<128x64xf32, #tpu.memory_space<hbm>>
      %dma_start3A_112 = arith.constant 0 : i32
      %dma_start3A_113 = tpu.memref_slice %arg2[%add3A_66, %dma_start3A_112] : memref<20480x64xf32, #tpu.memory_space<hbm>> -> memref<128x64xf32, #tpu.memory_space<hbm>>
      tpu.enqueue_dma source(%dma_start3A_113 : memref<128x64xf32, #tpu.memory_space<hbm>>) target(%arg14 : memref<128x64xf32, #tpu.memory_space<vmem>>) target_semaphore(%run_scoped3A : memref<!tpu.dma_semaphore, #tpu.memory_space<semaphore_mem>>)
      %dma_wait3A = arith.constant 0 : i32
      %dma_wait3A_114 = tpu.memref_slice %arg2[%add3A_66, %dma_wait3A] : memref<20480x64xf32, #tpu.memory_space<hbm>> -> memref<128x64xf32, #tpu.memory_space<hbm>>
      %dma_wait3A_115 = arith.constant 0 : i32
      %dma_wait3A_116 = tpu.memref_slice %arg2[%add3A_66, %dma_wait3A_115] : memref<20480x64xf32, #tpu.memory_space<hbm>> -> memref<128x64xf32, #tpu.memory_space<hbm>>
      tpu.wait_dma2 semaphore(%run_scoped3A : memref<!tpu.dma_semaphore, #tpu.memory_space<semaphore_mem>>) src(%dma_wait3A_116 : memref<128x64xf32, #tpu.memory_space<hbm>>) dst(%arg14 : memref<128x64xf32, #tpu.memory_space<vmem>>)
      tpu.yield
    }) : () -> ()
    %scan3A_67 = arith.constant 0 : i32
    %scan3A_68 = arith.constant 0 : i32
    %scan3A_69 = arith.constant 128 : i32
    %scan3A_70 = arith.addi %scan3A_68, %scan3A_69 : i32
    %scan3A_71 = arith.constant 1 : i32
    %scan3A_72 = scf.for %scan3A_111 = %scan3A_68 to %scan3A_70 step %scan3A_71 iter_args(%scan3A_112 = %scan3A_67) -> (i32)  : i32 {
      %get3A_113 = arith.index_cast %scan3A_111 : i32 to index
      %get3A_114 = arith.constant 0 : index
      %get3A_115 = tpu.vector_load %arg14[%get3A_113, %get3A_114] {strides = array<i32>} : memref<128x64xf32, #tpu.memory_space<vmem>>, vector<1x16xf32>,
      %get3A_116 = vector.shape_cast %get3A_115 : vector<1x16xf32> to vector<16xf32>
      %get3A_117 = arith.index_cast %scan3A_111 : i32 to index
      %get3A_118 = arith.constant 0 : index
      %get3A_119 = tpu.vector_load %arg13[%get3A_117, %get3A_118] {strides = array<i32>} : memref<128x64xf32, #tpu.memory_space<vmem>>, vector<1x16xf32>,
      %get3A_120 = vector.shape_cast %get3A_119 : vector<1x16xf32> to vector<16xf32>
      %mul3A_121 = arith.mulf %sub3A_43, %get3A_120 : vector<16xf32>
      %add3A_122 = arith.addf %get3A_116, %mul3A_121 : vector<16xf32>
      %swap3A = arith.index_cast %scan3A_111 : i32 to index
      %swap3A_123 = arith.constant 0 : index
      %swap3A_124 = tpu.vector_load %arg13[%swap3A, %swap3A_123] {strides = array<i32>} : memref<128x64xf32, #tpu.memory_space<vmem>>, vector<1x16xf32>,
      %swap3A_125 = vector.shape_cast %swap3A_124 : vector<1x16xf32> to vector<16xf32>
      %swap3A_126 = vector.shape_cast %add3A_122 : vector<16xf32> to vector<1x16xf32>
      tpu.vector_store %arg13[%swap3A, %swap3A_123], %swap3A_126 {strides = array<i32>} : memref<128x64xf32, #tpu.memory_space<vmem>>, vector<1x16xf32>,
      %get3A_127 = arith.index_cast %scan3A_111 : i32 to index
      %get3A_128 = arith.constant 16 : index
      %get3A_129 = tpu.vector_load %arg14[%get3A_127, %get3A_128] {strides = array<i32>} : memref<128x64xf32, #tpu.memory_space<vmem>>, vector<1x16xf32>,
      %get3A_130 = vector.shape_cast %get3A_129 : vector<1x16xf32> to vector<16xf32>
      %get3A_131 = arith.index_cast %scan3A_111 : i32 to index
      %get3A_132 = arith.constant 16 : index
      %get3A_133 = tpu.vector_load %arg13[%get3A_131, %get3A_132] {strides = array<i32>} : memref<128x64xf32, #tpu.memory_space<vmem>>, vector<1x16xf32>,
      %get3A_134 = vector.shape_cast %get3A_133 : vector<1x16xf32> to vector<16xf32>
      %mul3A_135 = arith.mulf %sub3A_43, %get3A_134 : vector<16xf32>
      %add3A_136 = arith.addf %get3A_130, %mul3A_135 : vector<16xf32>
      %swap3A_137 = arith.index_cast %scan3A_111 : i32 to index
      %swap3A_138 = arith.constant 16 : index
      %swap3A_139 = tpu.vector_load %arg13[%swap3A_137, %swap3A_138] {strides = array<i32>} : memref<128x64xf32, #tpu.memory_space<vmem>>, vector<1x16xf32>,
      %swap3A_140 = vector.shape_cast %swap3A_139 : vector<1x16xf32> to vector<16xf32>
      %swap3A_141 = vector.shape_cast %add3A_136 : vector<16xf32> to vector<1x16xf32>
      tpu.vector_store %arg13[%swap3A_137, %swap3A_138], %swap3A_141 {strides = array<i32>} : memref<128x64xf32, #tpu.memory_space<vmem>>, vector<1x16xf32>,
      %get3A_142 = arith.index_cast %scan3A_111 : i32 to index
      %get3A_143 = arith.constant 32 : index
      %get3A_144 = tpu.vector_load %arg14[%get3A_142, %get3A_143] {strides = array<i32>} : memref<128x64xf32, #tpu.memory_space<vmem>>, vector<1x16xf32>,
      %get3A_145 = vector.shape_cast %get3A_144 : vector<1x16xf32> to vector<16xf32>
      %get3A_146 = arith.index_cast %scan3A_111 : i32 to index
      %get3A_147 = arith.constant 32 : index
      %get3A_148 = tpu.vector_load %arg13[%get3A_146, %get3A_147] {strides = array<i32>} : memref<128x64xf32, #tpu.memory_space<vmem>>, vector<1x16xf32>,
      %get3A_149 = vector.shape_cast %get3A_148 : vector<1x16xf32> to vector<16xf32>
      %mul3A_150 = arith.mulf %sub3A_43, %get3A_149 : vector<16xf32>
      %add3A_151 = arith.addf %get3A_145, %mul3A_150 : vector<16xf32>
      %swap3A_152 = arith.index_cast %scan3A_111 : i32 to index
      %swap3A_153 = arith.constant 32 : index
      %swap3A_154 = tpu.vector_load %arg13[%swap3A_152, %swap3A_153] {strides = array<i32>} : memref<128x64xf32, #tpu.memory_space<vmem>>, vector<1x16xf32>,
      %swap3A_155 = vector.shape_cast %swap3A_154 : vector<1x16xf32> to vector<16xf32>
      %swap3A_156 = vector.shape_cast %add3A_151 : vector<16xf32> to vector<1x16xf32>
      tpu.vector_store %arg13[%swap3A_152, %swap3A_153], %swap3A_156 {strides = array<i32>} : memref<128x64xf32, #tpu.memory_space<vmem>>, vector<1x16xf32>,
      %get3A_157 = arith.index_cast %scan3A_111 : i32 to index
      %get3A_158 = arith.constant 48 : index
      %get3A_159 = tpu.vector_load %arg14[%get3A_157, %get3A_158] {strides = array<i32>} : memref<128x64xf32, #tpu.memory_space<vmem>>, vector<1x16xf32>,
      %get3A_160 = vector.shape_cast %get3A_159 : vector<1x16xf32> to vector<16xf32>
      %get3A_161 = arith.index_cast %scan3A_111 : i32 to index
      %get3A_162 = arith.constant 48 : index
      %get3A_163 = tpu.vector_load %arg13[%get3A_161, %get3A_162] {strides = array<i32>} : memref<128x64xf32, #tpu.memory_space<vmem>>, vector<1x16xf32>,
      %get3A_164 = vector.shape_cast %get3A_163 : vector<1x16xf32> to vector<16xf32>
      %mul3A_165 = arith.mulf %sub3A_43, %get3A_164 : vector<16xf32>
      %add3A_166 = arith.addf %get3A_160, %mul3A_165 : vector<16xf32>
      %swap3A_167 = arith.index_cast %scan3A_111 : i32 to index
      %swap3A_168 = arith.constant 48 : index
      %swap3A_169 = tpu.vector_load %arg13[%swap3A_167, %swap3A_168] {strides = array<i32>} : memref<128x64xf32, #tpu.memory_space<vmem>>, vector<1x16xf32>,
      %swap3A_170 = vector.shape_cast %swap3A_169 : vector<1x16xf32> to vector<16xf32>
      %swap3A_171 = vector.shape_cast %add3A_166 : vector<16xf32> to vector<1x16xf32>
      tpu.vector_store %arg13[%swap3A_167, %swap3A_168], %swap3A_171 {strides = array<i32>} : memref<128x64xf32, #tpu.memory_space<vmem>>, vector<1x16xf32>,
      %scan3A_172 = arith.constant 0 : i32
      scf.yield %scan3A_172 : i32
    }
    %scan3A_73 = arith.constant 128 : i32
    %add3A_74 = arith.addi %multiple_of3A_3, %add3A_64 : i32
    "tpu.region"() ({
      %run_scoped3A = tpu.sem_alloc : memref<!tpu.dma_semaphore, #tpu.memory_space<semaphore_mem>>
      %dma_start3A = arith.constant 0 : i32
      %dma_start3A_111 = tpu.memref_slice %arg7[%add3A_74, %dma_start3A] : memref<20480x64xf32, #tpu.memory_space<hbm>> -> memref<128x64xf32, #tpu.memory_space<hbm>>
      %dma_start3A_112 = arith.constant 0 : i32
      %dma_start3A_113 = tpu.memref_slice %arg7[%add3A_74, %dma_start3A_112] : memref<20480x64xf32, #tpu.memory_space<hbm>> -> memref<128x64xf32, #tpu.memory_space<hbm>>
      tpu.enqueue_dma source(%arg13 : memref<128x64xf32, #tpu.memory_space<vmem>>) target(%dma_start3A_113 : memref<128x64xf32, #tpu.memory_space<hbm>>) target_semaphore(%run_scoped3A : memref<!tpu.dma_semaphore, #tpu.memory_space<semaphore_mem>>)
      %dma_wait3A = arith.constant 0 : i32
      %dma_wait3A_114 = tpu.memref_slice %arg7[%add3A_74, %dma_wait3A] : memref<20480x64xf32, #tpu.memory_space<hbm>> -> memref<128x64xf32, #tpu.memory_space<hbm>>
      %dma_wait3A_115 = arith.constant 0 : i32
      %dma_wait3A_116 = tpu.memref_slice %arg7[%add3A_74, %dma_wait3A_115] : memref<20480x64xf32, #tpu.memory_space<hbm>> -> memref<128x64xf32, #tpu.memory_space<hbm>>
      tpu.wait_dma2 semaphore(%run_scoped3A : memref<!tpu.dma_semaphore, #tpu.memory_space<semaphore_mem>>) src(%arg13 : memref<128x64xf32, #tpu.memory_space<vmem>>) dst(%dma_wait3A_116 : memref<128x64xf32, #tpu.memory_space<hbm>>)
      tpu.yield
    }) : () -> ()
    %add3A_75 = arith.constant 256 : i32
    %add3A_76 = arith.addi %multiple_of3A, %add3A_75 : i32
    %add3A_77 = arith.addi %multiple_of3A_3, %add3A_76 : i32
    "tpu.region"() ({
      %run_scoped3A = tpu.sem_alloc : memref<!tpu.dma_semaphore, #tpu.memory_space<semaphore_mem>>
      %dma_start3A = arith.constant 0 : i32
      %dma_start3A_111 = tpu.memref_slice %arg8[%add3A_77, %dma_start3A] : memref<20480x64xf32, #tpu.memory_space<hbm>> -> memref<128x64xf32, #tpu.memory_space<hbm>>
      %dma_start3A_112 = arith.constant 0 : i32
      %dma_start3A_113 = tpu.memref_slice %arg8[%add3A_77, %dma_start3A_112] : memref<20480x64xf32, #tpu.memory_space<hbm>> -> memref<128x64xf32, #tpu.memory_space<hbm>>
      tpu.enqueue_dma source(%dma_start3A_113 : memref<128x64xf32, #tpu.memory_space<hbm>>) target(%arg13 : memref<128x64xf32, #tpu.memory_space<vmem>>) target_semaphore(%run_scoped3A : memref<!tpu.dma_semaphore, #tpu.memory_space<semaphore_mem>>)
      %dma_wait3A = arith.constant 0 : i32
      %dma_wait3A_114 = tpu.memref_slice %arg8[%add3A_77, %dma_wait3A] : memref<20480x64xf32, #tpu.memory_space<hbm>> -> memref<128x64xf32, #tpu.memory_space<hbm>>
      %dma_wait3A_115 = arith.constant 0 : i32
      %dma_wait3A_116 = tpu.memref_slice %arg8[%add3A_77, %dma_wait3A_115] : memref<20480x64xf32, #tpu.memory_space<hbm>> -> memref<128x64xf32, #tpu.memory_space<hbm>>
      tpu.wait_dma2 semaphore(%run_scoped3A : memref<!tpu.dma_semaphore, #tpu.memory_space<semaphore_mem>>) src(%dma_wait3A_116 : memref<128x64xf32, #tpu.memory_space<hbm>>) dst(%arg13 : memref<128x64xf32, #tpu.memory_space<vmem>>)
      tpu.yield
    }) : () -> ()
    %add3A_78 = arith.addi %multiple_of3A_3, %add3A_76 : i32
    "tpu.region"() ({
      %run_scoped3A = tpu.sem_alloc : memref<!tpu.dma_semaphore, #tpu.memory_space<semaphore_mem>>
      %dma_start3A = arith.constant 0 : i32
      %dma_start3A_111 = tpu.memref_slice %arg2[%add3A_78, %dma_start3A] : memref<20480x64xf32, #tpu.memory_space<hbm>> -> memref<128x64xf32, #tpu.memory_space<hbm>>
      %dma_start3A_112 = arith.constant 0 : i32
      %dma_start3A_113 = tpu.memref_slice %arg2[%add3A_78, %dma_start3A_112] : memref<20480x64xf32, #tpu.memory_space<hbm>> -> memref<128x64xf32, #tpu.memory_space<hbm>>
      tpu.enqueue_dma source(%dma_start3A_113 : memref<128x64xf32, #tpu.memory_space<hbm>>) target(%arg14 : memref<128x64xf32, #tpu.memory_space<vmem>>) target_semaphore(%run_scoped3A : memref<!tpu.dma_semaphore, #tpu.memory_space<semaphore_mem>>)
      %dma_wait3A = arith.constant 0 : i32
      %dma_wait3A_114 = tpu.memref_slice %arg2[%add3A_78, %dma_wait3A] : memref<20480x64xf32, #tpu.memory_space<hbm>> -> memref<128x64xf32, #tpu.memory_space<hbm>>
      %dma_wait3A_115 = arith.constant 0 : i32
      %dma_wait3A_116 = tpu.memref_slice %arg2[%add3A_78, %dma_wait3A_115] : memref<20480x64xf32, #tpu.memory_space<hbm>> -> memref<128x64xf32, #tpu.memory_space<hbm>>
      tpu.wait_dma2 semaphore(%run_scoped3A : memref<!tpu.dma_semaphore, #tpu.memory_space<semaphore_mem>>) src(%dma_wait3A_116 : memref<128x64xf32, #tpu.memory_space<hbm>>) dst(%arg14 : memref<128x64xf32, #tpu.memory_space<vmem>>)
      tpu.yield
    }) : () -> ()
    %scan3A_79 = arith.constant 0 : i32
    %scan3A_80 = arith.constant 0 : i32
    %scan3A_81 = arith.constant 128 : i32
    %scan3A_82 = arith.addi %scan3A_80, %scan3A_81 : i32
    %scan3A_83 = arith.constant 1 : i32
    %scan3A_84 = scf.for %scan3A_111 = %scan3A_80 to %scan3A_82 step %scan3A_83 iter_args(%scan3A_112 = %scan3A_79) -> (i32)  : i32 {
      %get3A_113 = arith.index_cast %scan3A_111 : i32 to index
      %get3A_114 = arith.constant 0 : index
      %get3A_115 = tpu.vector_load %arg14[%get3A_113, %get3A_114] {strides = array<i32>} : memref<128x64xf32, #tpu.memory_space<vmem>>, vector<1x16xf32>,
      %get3A_116 = vector.shape_cast %get3A_115 : vector<1x16xf32> to vector<16xf32>
      %get3A_117 = arith.index_cast %scan3A_111 : i32 to index
      %get3A_118 = arith.constant 0 : index
      %get3A_119 = tpu.vector_load %arg13[%get3A_117, %get3A_118] {strides = array<i32>} : memref<128x64xf32, #tpu.memory_space<vmem>>, vector<1x16xf32>,
      %get3A_120 = vector.shape_cast %get3A_119 : vector<1x16xf32> to vector<16xf32>
      %mul3A_121 = arith.mulf %sub3A_43, %get3A_120 : vector<16xf32>
      %add3A_122 = arith.addf %get3A_116, %mul3A_121 : vector<16xf32>
      %swap3A = arith.index_cast %scan3A_111 : i32 to index
      %swap3A_123 = arith.constant 0 : index
      %swap3A_124 = tpu.vector_load %arg13[%swap3A, %swap3A_123] {strides = array<i32>} : memref<128x64xf32, #tpu.memory_space<vmem>>, vector<1x16xf32>,
      %swap3A_125 = vector.shape_cast %swap3A_124 : vector<1x16xf32> to vector<16xf32>
      %swap3A_126 = vector.shape_cast %add3A_122 : vector<16xf32> to vector<1x16xf32>
      tpu.vector_store %arg13[%swap3A, %swap3A_123], %swap3A_126 {strides = array<i32>} : memref<128x64xf32, #tpu.memory_space<vmem>>, vector<1x16xf32>,
      %get3A_127 = arith.index_cast %scan3A_111 : i32 to index
      %get3A_128 = arith.constant 16 : index
      %get3A_129 = tpu.vector_load %arg14[%get3A_127, %get3A_128] {strides = array<i32>} : memref<128x64xf32, #tpu.memory_space<vmem>>, vector<1x16xf32>,
      %get3A_130 = vector.shape_cast %get3A_129 : vector<1x16xf32> to vector<16xf32>
      %get3A_131 = arith.index_cast %scan3A_111 : i32 to index
      %get3A_132 = arith.constant 16 : index
      %get3A_133 = tpu.vector_load %arg13[%get3A_131, %get3A_132] {strides = array<i32>} : memref<128x64xf32, #tpu.memory_space<vmem>>, vector<1x16xf32>,
      %get3A_134 = vector.shape_cast %get3A_133 : vector<1x16xf32> to vector<16xf32>
      %mul3A_135 = arith.mulf %sub3A_43, %get3A_134 : vector<16xf32>
      %add3A_136 = arith.addf %get3A_130, %mul3A_135 : vector<16xf32>
      %swap3A_137 = arith.index_cast %scan3A_111 : i32 to index
      %swap3A_138 = arith.constant 16 : index
      %swap3A_139 = tpu.vector_load %arg13[%swap3A_137, %swap3A_138] {strides = array<i32>} : memref<128x64xf32, #tpu.memory_space<vmem>>, vector<1x16xf32>,
      %swap3A_140 = vector.shape_cast %swap3A_139 : vector<1x16xf32> to vector<16xf32>
      %swap3A_141 = vector.shape_cast %add3A_136 : vector<16xf32> to vector<1x16xf32>
      tpu.vector_store %arg13[%swap3A_137, %swap3A_138], %swap3A_141 {strides = array<i32>} : memref<128x64xf32, #tpu.memory_space<vmem>>, vector<1x16xf32>,
      %get3A_142 = arith.index_cast %scan3A_111 : i32 to index
      %get3A_143 = arith.constant 32 : index
      %get3A_144 = tpu.vector_load %arg14[%get3A_142, %get3A_143] {strides = array<i32>} : memref<128x64xf32, #tpu.memory_space<vmem>>, vector<1x16xf32>,
      %get3A_145 = vector.shape_cast %get3A_144 : vector<1x16xf32> to vector<16xf32>
      %get3A_146 = arith.index_cast %scan3A_111 : i32 to index
      %get3A_147 = arith.constant 32 : index
      %get3A_148 = tpu.vector_load %arg13[%get3A_146, %get3A_147] {strides = array<i32>} : memref<128x64xf32, #tpu.memory_space<vmem>>, vector<1x16xf32>,
      %get3A_149 = vector.shape_cast %get3A_148 : vector<1x16xf32> to vector<16xf32>
      %mul3A_150 = arith.mulf %sub3A_43, %get3A_149 : vector<16xf32>
      %add3A_151 = arith.addf %get3A_145, %mul3A_150 : vector<16xf32>
      %swap3A_152 = arith.index_cast %scan3A_111 : i32 to index
      %swap3A_153 = arith.constant 32 : index
      %swap3A_154 = tpu.vector_load %arg13[%swap3A_152, %swap3A_153] {strides = array<i32>} : memref<128x64xf32, #tpu.memory_space<vmem>>, vector<1x16xf32>,
      %swap3A_155 = vector.shape_cast %swap3A_154 : vector<1x16xf32> to vector<16xf32>
      %swap3A_156 = vector.shape_cast %add3A_151 : vector<16xf32> to vector<1x16xf32>
      tpu.vector_store %arg13[%swap3A_152, %swap3A_153], %swap3A_156 {strides = array<i32>} : memref<128x64xf32, #tpu.memory_space<vmem>>, vector<1x16xf32>,
      %get3A_157 = arith.index_cast %scan3A_111 : i32 to index
      %get3A_158 = arith.constant 48 : index
      %get3A_159 = tpu.vector_load %arg14[%get3A_157, %get3A_158] {strides = array<i32>} : memref<128x64xf32, #tpu.memory_space<vmem>>, vector<1x16xf32>,
      %get3A_160 = vector.shape_cast %get3A_159 : vector<1x16xf32> to vector<16xf32>
      %get3A_161 = arith.index_cast %scan3A_111 : i32 to index
      %get3A_162 = arith.constant 48 : index
      %get3A_163 = tpu.vector_load %arg13[%get3A_161, %get3A_162] {strides = array<i32>} : memref<128x64xf32, #tpu.memory_space<vmem>>, vector<1x16xf32>,
      %get3A_164 = vector.shape_cast %get3A_163 : vector<1x16xf32> to vector<16xf32>
      %mul3A_165 = arith.mulf %sub3A_43, %get3A_164 : vector<16xf32>
      %add3A_166 = arith.addf %get3A_160, %mul3A_165 : vector<16xf32>
      %swap3A_167 = arith.index_cast %scan3A_111 : i32 to index
      %swap3A_168 = arith.constant 48 : index
      %swap3A_169 = tpu.vector_load %arg13[%swap3A_167, %swap3A_168] {strides = array<i32>} : memref<128x64xf32, #tpu.memory_space<vmem>>, vector<1x16xf32>,
      %swap3A_170 = vector.shape_cast %swap3A_169 : vector<1x16xf32> to vector<16xf32>
      %swap3A_171 = vector.shape_cast %add3A_166 : vector<16xf32> to vector<1x16xf32>
      tpu.vector_store %arg13[%swap3A_167, %swap3A_168], %swap3A_171 {strides = array<i32>} : memref<128x64xf32, #tpu.memory_space<vmem>>, vector<1x16xf32>,
      %scan3A_172 = arith.constant 0 : i32
      scf.yield %scan3A_172 : i32
    }
    %scan3A_85 = arith.constant 128 : i32
    %add3A_86 = arith.addi %multiple_of3A_3, %add3A_76 : i32
    "tpu.region"() ({
      %run_scoped3A = tpu.sem_alloc : memref<!tpu.dma_semaphore, #tpu.memory_space<semaphore_mem>>
      %dma_start3A = arith.constant 0 : i32
      %dma_start3A_111 = tpu.memref_slice %arg7[%add3A_86, %dma_start3A] : memref<20480x64xf32, #tpu.memory_space<hbm>> -> memref<128x64xf32, #tpu.memory_space<hbm>>
      %dma_start3A_112 = arith.constant 0 : i32
      %dma_start3A_113 = tpu.memref_slice %arg7[%add3A_86, %dma_start3A_112] : memref<20480x64xf32, #tpu.memory_space<hbm>> -> memref<128x64xf32, #tpu.memory_space<hbm>>
      tpu.enqueue_dma source(%arg13 : memref<128x64xf32, #tpu.memory_space<vmem>>) target(%dma_start3A_113 : memref<128x64xf32, #tpu.memory_space<hbm>>) target_semaphore(%run_scoped3A : memref<!tpu.dma_semaphore, #tpu.memory_space<semaphore_mem>>)
      %dma_wait3A = arith.constant 0 : i32
      %dma_wait3A_114 = tpu.memref_slice %arg7[%add3A_86, %dma_wait3A] : memref<20480x64xf32, #tpu.memory_space<hbm>> -> memref<128x64xf32, #tpu.memory_space<hbm>>
      %dma_wait3A_115 = arith.constant 0 : i32
      %dma_wait3A_116 = tpu.memref_slice %arg7[%add3A_86, %dma_wait3A_115] : memref<20480x64xf32, #tpu.memory_space<hbm>> -> memref<128x64xf32, #tpu.memory_space<hbm>>
      tpu.wait_dma2 semaphore(%run_scoped3A : memref<!tpu.dma_semaphore, #tpu.memory_space<semaphore_mem>>) src(%arg13 : memref<128x64xf32, #tpu.memory_space<vmem>>) dst(%dma_wait3A_116 : memref<128x64xf32, #tpu.memory_space<hbm>>)
      tpu.yield
    }) : () -> ()
    %add3A_87 = arith.constant 384 : i32
    %add3A_88 = arith.addi %multiple_of3A, %add3A_87 : i32
    %add3A_89 = arith.addi %multiple_of3A_3, %add3A_88 : i32
    "tpu.region"() ({
      %run_scoped3A = tpu.sem_alloc : memref<!tpu.dma_semaphore, #tpu.memory_space<semaphore_mem>>
      %dma_start3A = arith.constant 0 : i32
      %dma_start3A_111 = tpu.memref_slice %arg8[%add3A_89, %dma_start3A] : memref<20480x64xf32, #tpu.memory_space<hbm>> -> memref<128x64xf32, #tpu.memory_space<hbm>>
      %dma_start3A_112 = arith.constant 0 : i32
      %dma_start3A_113 = tpu.memref_slice %arg8[%add3A_89, %dma_start3A_112] : memref<20480x64xf32, #tpu.memory_space<hbm>> -> memref<128x64xf32, #tpu.memory_space<hbm>>
      tpu.enqueue_dma source(%dma_start3A_113 : memref<128x64xf32, #tpu.memory_space<hbm>>) target(%arg13 : memref<128x64xf32, #tpu.memory_space<vmem>>) target_semaphore(%run_scoped3A : memref<!tpu.dma_semaphore, #tpu.memory_space<semaphore_mem>>)
      %dma_wait3A = arith.constant 0 : i32
      %dma_wait3A_114 = tpu.memref_slice %arg8[%add3A_89, %dma_wait3A] : memref<20480x64xf32, #tpu.memory_space<hbm>> -> memref<128x64xf32, #tpu.memory_space<hbm>>
      %dma_wait3A_115 = arith.constant 0 : i32
      %dma_wait3A_116 = tpu.memref_slice %arg8[%add3A_89, %dma_wait3A_115] : memref<20480x64xf32, #tpu.memory_space<hbm>> -> memref<128x64xf32, #tpu.memory_space<hbm>>
      tpu.wait_dma2 semaphore(%run_scoped3A : memref<!tpu.dma_semaphore, #tpu.memory_space<semaphore_mem>>) src(%dma_wait3A_116 : memref<128x64xf32, #tpu.memory_space<hbm>>) dst(%arg13 : memref<128x64xf32, #tpu.memory_space<vmem>>)
      tpu.yield
    }) : () -> ()
    %add3A_90 = arith.addi %multiple_of3A_3, %add3A_88 : i32
    "tpu.region"() ({
      %run_scoped3A = tpu.sem_alloc : memref<!tpu.dma_semaphore, #tpu.memory_space<semaphore_mem>>
      %dma_start3A = arith.constant 0 : i32
      %dma_start3A_111 = tpu.memref_slice %arg2[%add3A_90, %dma_start3A] : memref<20480x64xf32, #tpu.memory_space<hbm>> -> memref<128x64xf32, #tpu.memory_space<hbm>>
      %dma_start3A_112 = arith.constant 0 : i32
      %dma_start3A_113 = tpu.memref_slice %arg2[%add3A_90, %dma_start3A_112] : memref<20480x64xf32, #tpu.memory_space<hbm>> -> memref<128x64xf32, #tpu.memory_space<hbm>>
      tpu.enqueue_dma source(%dma_start3A_113 : memref<128x64xf32, #tpu.memory_space<hbm>>) target(%arg14 : memref<128x64xf32, #tpu.memory_space<vmem>>) target_semaphore(%run_scoped3A : memref<!tpu.dma_semaphore, #tpu.memory_space<semaphore_mem>>)
      %dma_wait3A = arith.constant 0 : i32
      %dma_wait3A_114 = tpu.memref_slice %arg2[%add3A_90, %dma_wait3A] : memref<20480x64xf32, #tpu.memory_space<hbm>> -> memref<128x64xf32, #tpu.memory_space<hbm>>
      %dma_wait3A_115 = arith.constant 0 : i32
      %dma_wait3A_116 = tpu.memref_slice %arg2[%add3A_90, %dma_wait3A_115] : memref<20480x64xf32, #tpu.memory_space<hbm>> -> memref<128x64xf32, #tpu.memory_space<hbm>>
      tpu.wait_dma2 semaphore(%run_scoped3A : memref<!tpu.dma_semaphore, #tpu.memory_space<semaphore_mem>>) src(%dma_wait3A_116 : memref<128x64xf32, #tpu.memory_space<hbm>>) dst(%arg14 : memref<128x64xf32, #tpu.memory_space<vmem>>)
      tpu.yield
    }) : () -> ()
    %scan3A_91 = arith.constant 0 : i32
    %scan3A_92 = arith.constant 0 : i32
    %scan3A_93 = arith.constant 128 : i32
    %scan3A_94 = arith.addi %scan3A_92, %scan3A_93 : i32
    %scan3A_95 = arith.constant 1 : i32
    %scan3A_96 = scf.for %scan3A_111 = %scan3A_92 to %scan3A_94 step %scan3A_95 iter_args(%scan3A_112 = %scan3A_91) -> (i32)  : i32 {
      %get3A_113 = arith.index_cast %scan3A_111 : i32 to index
      %get3A_114 = arith.constant 0 : index
      %get3A_115 = tpu.vector_load %arg14[%get3A_113, %get3A_114] {strides = array<i32>} : memref<128x64xf32, #tpu.memory_space<vmem>>, vector<1x16xf32>,
      %get3A_116 = vector.shape_cast %get3A_115 : vector<1x16xf32> to vector<16xf32>
      %get3A_117 = arith.index_cast %scan3A_111 : i32 to index
      %get3A_118 = arith.constant 0 : index
      %get3A_119 = tpu.vector_load %arg13[%get3A_117, %get3A_118] {strides = array<i32>} : memref<128x64xf32, #tpu.memory_space<vmem>>, vector<1x16xf32>,
      %get3A_120 = vector.shape_cast %get3A_119 : vector<1x16xf32> to vector<16xf32>
      %mul3A_121 = arith.mulf %sub3A_43, %get3A_120 : vector<16xf32>
      %add3A_122 = arith.addf %get3A_116, %mul3A_121 : vector<16xf32>
      %swap3A = arith.index_cast %scan3A_111 : i32 to index
      %swap3A_123 = arith.constant 0 : index
      %swap3A_124 = tpu.vector_load %arg13[%swap3A, %swap3A_123] {strides = array<i32>} : memref<128x64xf32, #tpu.memory_space<vmem>>, vector<1x16xf32>,
      %swap3A_125 = vector.shape_cast %swap3A_124 : vector<1x16xf32> to vector<16xf32>
      %swap3A_126 = vector.shape_cast %add3A_122 : vector<16xf32> to vector<1x16xf32>
      tpu.vector_store %arg13[%swap3A, %swap3A_123], %swap3A_126 {strides = array<i32>} : memref<128x64xf32, #tpu.memory_space<vmem>>, vector<1x16xf32>,
      %get3A_127 = arith.index_cast %scan3A_111 : i32 to index
      %get3A_128 = arith.constant 16 : index
      %get3A_129 = tpu.vector_load %arg14[%get3A_127, %get3A_128] {strides = array<i32>} : memref<128x64xf32, #tpu.memory_space<vmem>>, vector<1x16xf32>,
      %get3A_130 = vector.shape_cast %get3A_129 : vector<1x16xf32> to vector<16xf32>
      %get3A_131 = arith.index_cast %scan3A_111 : i32 to index
      %get3A_132 = arith.constant 16 : index
      %get3A_133 = tpu.vector_load %arg13[%get3A_131, %get3A_132] {strides = array<i32>} : memref<128x64xf32, #tpu.memory_space<vmem>>, vector<1x16xf32>,
      %get3A_134 = vector.shape_cast %get3A_133 : vector<1x16xf32> to vector<16xf32>
      %mul3A_135 = arith.mulf %sub3A_43, %get3A_134 : vector<16xf32>
      %add3A_136 = arith.addf %get3A_130, %mul3A_135 : vector<16xf32>
      %swap3A_137 = arith.index_cast %scan3A_111 : i32 to index
      %swap3A_138 = arith.constant 16 : index
      %swap3A_139 = tpu.vector_load %arg13[%swap3A_137, %swap3A_138] {strides = array<i32>} : memref<128x64xf32, #tpu.memory_space<vmem>>, vector<1x16xf32>,
      %swap3A_140 = vector.shape_cast %swap3A_139 : vector<1x16xf32> to vector<16xf32>
      %swap3A_141 = vector.shape_cast %add3A_136 : vector<16xf32> to vector<1x16xf32>
      tpu.vector_store %arg13[%swap3A_137, %swap3A_138], %swap3A_141 {strides = array<i32>} : memref<128x64xf32, #tpu.memory_space<vmem>>, vector<1x16xf32>,
      %get3A_142 = arith.index_cast %scan3A_111 : i32 to index
      %get3A_143 = arith.constant 32 : index
      %get3A_144 = tpu.vector_load %arg14[%get3A_142, %get3A_143] {strides = array<i32>} : memref<128x64xf32, #tpu.memory_space<vmem>>, vector<1x16xf32>,
      %get3A_145 = vector.shape_cast %get3A_144 : vector<1x16xf32> to vector<16xf32>
      %get3A_146 = arith.index_cast %scan3A_111 : i32 to index
      %get3A_147 = arith.constant 32 : index
      %get3A_148 = tpu.vector_load %arg13[%get3A_146, %get3A_147] {strides = array<i32>} : memref<128x64xf32, #tpu.memory_space<vmem>>, vector<1x16xf32>,
      %get3A_149 = vector.shape_cast %get3A_148 : vector<1x16xf32> to vector<16xf32>
      %mul3A_150 = arith.mulf %sub3A_43, %get3A_149 : vector<16xf32>
      %add3A_151 = arith.addf %get3A_145, %mul3A_150 : vector<16xf32>
      %swap3A_152 = arith.index_cast %scan3A_111 : i32 to index
      %swap3A_153 = arith.constant 32 : index
      %swap3A_154 = tpu.vector_load %arg13[%swap3A_152, %swap3A_153] {strides = array<i32>} : memref<128x64xf32, #tpu.memory_space<vmem>>, vector<1x16xf32>,
      %swap3A_155 = vector.shape_cast %swap3A_154 : vector<1x16xf32> to vector<16xf32>
      %swap3A_156 = vector.shape_cast %add3A_151 : vector<16xf32> to vector<1x16xf32>
      tpu.vector_store %arg13[%swap3A_152, %swap3A_153], %swap3A_156 {strides = array<i32>} : memref<128x64xf32, #tpu.memory_space<vmem>>, vector<1x16xf32>,
      %get3A_157 = arith.index_cast %scan3A_111 : i32 to index
      %get3A_158 = arith.constant 48 : index
      %get3A_159 = tpu.vector_load %arg14[%get3A_157, %get3A_158] {strides = array<i32>} : memref<128x64xf32, #tpu.memory_space<vmem>>, vector<1x16xf32>,
      %get3A_160 = vector.shape_cast %get3A_159 : vector<1x16xf32> to vector<16xf32>
      %get3A_161 = arith.index_cast %scan3A_111 : i32 to index
      %get3A_162 = arith.constant 48 : index
      %get3A_163 = tpu.vector_load %arg13[%get3A_161, %get3A_162] {strides = array<i32>} : memref<128x64xf32, #tpu.memory_space<vmem>>, vector<1x16xf32>,
      %get3A_164 = vector.shape_cast %get3A_163 : vector<1x16xf32> to vector<16xf32>
      %mul3A_165 = arith.mulf %sub3A_43, %get3A_164 : vector<16xf32>
      %add3A_166 = arith.addf %get3A_160, %mul3A_165 : vector<16xf32>
      %swap3A_167 = arith.index_cast %scan3A_111 : i32 to index
      %swap3A_168 = arith.constant 48 : index
      %swap3A_169 = tpu.vector_load %arg13[%swap3A_167, %swap3A_168] {strides = array<i32>} : memref<128x64xf32, #tpu.memory_space<vmem>>, vector<1x16xf32>,
      %swap3A_170 = vector.shape_cast %swap3A_169 : vector<1x16xf32> to vector<16xf32>
      %swap3A_171 = vector.shape_cast %add3A_166 : vector<16xf32> to vector<1x16xf32>
      tpu.vector_store %arg13[%swap3A_167, %swap3A_168], %swap3A_171 {strides = array<i32>} : memref<128x64xf32, #tpu.memory_space<vmem>>, vector<1x16xf32>,
      %scan3A_172 = arith.constant 0 : i32
      scf.yield %scan3A_172 : i32
    }
    %scan3A_97 = arith.constant 128 : i32
    %add3A_98 = arith.addi %multiple_of3A_3, %add3A_88 : i32
    "tpu.region"() ({
      %run_scoped3A = tpu.sem_alloc : memref<!tpu.dma_semaphore, #tpu.memory_space<semaphore_mem>>
      %dma_start3A = arith.constant 0 : i32
      %dma_start3A_111 = tpu.memref_slice %arg7[%add3A_98, %dma_start3A] : memref<20480x64xf32, #tpu.memory_space<hbm>> -> memref<128x64xf32, #tpu.memory_space<hbm>>
      %dma_start3A_112 = arith.constant 0 : i32
      %dma_start3A_113 = tpu.memref_slice %arg7[%add3A_98, %dma_start3A_112] : memref<20480x64xf32, #tpu.memory_space<hbm>> -> memref<128x64xf32, #tpu.memory_space<hbm>>
      tpu.enqueue_dma source(%arg13 : memref<128x64xf32, #tpu.memory_space<vmem>>) target(%dma_start3A_113 : memref<128x64xf32, #tpu.memory_space<hbm>>) target_semaphore(%run_scoped3A : memref<!tpu.dma_semaphore, #tpu.memory_space<semaphore_mem>>)
      %dma_wait3A = arith.constant 0 : i32
      %dma_wait3A_114 = tpu.memref_slice %arg7[%add3A_98, %dma_wait3A] : memref<20480x64xf32, #tpu.memory_space<hbm>> -> memref<128x64xf32, #tpu.memory_space<hbm>>
      %dma_wait3A_115 = arith.constant 0 : i32
      %dma_wait3A_116 = tpu.memref_slice %arg7[%add3A_98, %dma_wait3A_115] : memref<20480x64xf32, #tpu.memory_space<hbm>> -> memref<128x64xf32, #tpu.memory_space<hbm>>
      tpu.wait_dma2 semaphore(%run_scoped3A : memref<!tpu.dma_semaphore, #tpu.memory_space<semaphore_mem>>) src(%arg13 : memref<128x64xf32, #tpu.memory_space<vmem>>) dst(%dma_wait3A_116 : memref<128x64xf32, #tpu.memory_space<hbm>>)
      tpu.yield
    }) : () -> ()
    %add3A_99 = arith.constant 512 : i32
    %add3A_100 = arith.addi %multiple_of3A, %add3A_99 : i32
    %add3A_101 = arith.addi %multiple_of3A_3, %add3A_100 : i32
    "tpu.region"() ({
      %run_scoped3A = tpu.sem_alloc : memref<!tpu.dma_semaphore, #tpu.memory_space<semaphore_mem>>
      %dma_start3A = arith.constant 0 : i32
      %dma_start3A_111 = tpu.memref_slice %arg8[%add3A_101, %dma_start3A] : memref<20480x64xf32, #tpu.memory_space<hbm>> -> memref<128x64xf32, #tpu.memory_space<hbm>>
      %dma_start3A_112 = arith.constant 0 : i32
      %dma_start3A_113 = tpu.memref_slice %arg8[%add3A_101, %dma_start3A_112] : memref<20480x64xf32, #tpu.memory_space<hbm>> -> memref<128x64xf32, #tpu.memory_space<hbm>>
      tpu.enqueue_dma source(%dma_start3A_113 : memref<128x64xf32, #tpu.memory_space<hbm>>) target(%arg13 : memref<128x64xf32, #tpu.memory_space<vmem>>) target_semaphore(%run_scoped3A : memref<!tpu.dma_semaphore, #tpu.memory_space<semaphore_mem>>)
      %dma_wait3A = arith.constant 0 : i32
      %dma_wait3A_114 = tpu.memref_slice %arg8[%add3A_101, %dma_wait3A] : memref<20480x64xf32, #tpu.memory_space<hbm>> -> memref<128x64xf32, #tpu.memory_space<hbm>>
      %dma_wait3A_115 = arith.constant 0 : i32
      %dma_wait3A_116 = tpu.memref_slice %arg8[%add3A_101, %dma_wait3A_115] : memref<20480x64xf32, #tpu.memory_space<hbm>> -> memref<128x64xf32, #tpu.memory_space<hbm>>
      tpu.wait_dma2 semaphore(%run_scoped3A : memref<!tpu.dma_semaphore, #tpu.memory_space<semaphore_mem>>) src(%dma_wait3A_116 : memref<128x64xf32, #tpu.memory_space<hbm>>) dst(%arg13 : memref<128x64xf32, #tpu.memory_space<vmem>>)
      tpu.yield
    }) : () -> ()
    %add3A_102 = arith.addi %multiple_of3A_3, %add3A_100 : i32
    "tpu.region"() ({
      %run_scoped3A = tpu.sem_alloc : memref<!tpu.dma_semaphore, #tpu.memory_space<semaphore_mem>>
      %dma_start3A = arith.constant 0 : i32
      %dma_start3A_111 = tpu.memref_slice %arg2[%add3A_102, %dma_start3A] : memref<20480x64xf32, #tpu.memory_space<hbm>> -> memref<128x64xf32, #tpu.memory_space<hbm>>
      %dma_start3A_112 = arith.constant 0 : i32
      %dma_start3A_113 = tpu.memref_slice %arg2[%add3A_102, %dma_start3A_112] : memref<20480x64xf32, #tpu.memory_space<hbm>> -> memref<128x64xf32, #tpu.memory_space<hbm>>
      tpu.enqueue_dma source(%dma_start3A_113 : memref<128x64xf32, #tpu.memory_space<hbm>>) target(%arg14 : memref<128x64xf32, #tpu.memory_space<vmem>>) target_semaphore(%run_scoped3A : memref<!tpu.dma_semaphore, #tpu.memory_space<semaphore_mem>>)
      %dma_wait3A = arith.constant 0 : i32
      %dma_wait3A_114 = tpu.memref_slice %arg2[%add3A_102, %dma_wait3A] : memref<20480x64xf32, #tpu.memory_space<hbm>> -> memref<128x64xf32, #tpu.memory_space<hbm>>
      %dma_wait3A_115 = arith.constant 0 : i32
      %dma_wait3A_116 = tpu.memref_slice %arg2[%add3A_102, %dma_wait3A_115] : memref<20480x64xf32, #tpu.memory_space<hbm>> -> memref<128x64xf32, #tpu.memory_space<hbm>>
      tpu.wait_dma2 semaphore(%run_scoped3A : memref<!tpu.dma_semaphore, #tpu.memory_space<semaphore_mem>>) src(%dma_wait3A_116 : memref<128x64xf32, #tpu.memory_space<hbm>>) dst(%arg14 : memref<128x64xf32, #tpu.memory_space<vmem>>)
      tpu.yield
    }) : () -> ()
    %scan3A_103 = arith.constant 0 : i32
    %scan3A_104 = arith.constant 0 : i32
    %scan3A_105 = arith.constant 128 : i32
    %scan3A_106 = arith.addi %scan3A_104, %scan3A_105 : i32
    %scan3A_107 = arith.constant 1 : i32
    %scan3A_108 = scf.for %scan3A_111 = %scan3A_104 to %scan3A_106 step %scan3A_107 iter_args(%scan3A_112 = %scan3A_103) -> (i32)  : i32 {
      %get3A_113 = arith.index_cast %scan3A_111 : i32 to index
      %get3A_114 = arith.constant 0 : index
      %get3A_115 = tpu.vector_load %arg14[%get3A_113, %get3A_114] {strides = array<i32>} : memref<128x64xf32, #tpu.memory_space<vmem>>, vector<1x16xf32>,
      %get3A_116 = vector.shape_cast %get3A_115 : vector<1x16xf32> to vector<16xf32>
      %get3A_117 = arith.index_cast %scan3A_111 : i32 to index
      %get3A_118 = arith.constant 0 : index
      %get3A_119 = tpu.vector_load %arg13[%get3A_117, %get3A_118] {strides = array<i32>} : memref<128x64xf32, #tpu.memory_space<vmem>>, vector<1x16xf32>,
      %get3A_120 = vector.shape_cast %get3A_119 : vector<1x16xf32> to vector<16xf32>
      %mul3A_121 = arith.mulf %sub3A_43, %get3A_120 : vector<16xf32>
      %add3A_122 = arith.addf %get3A_116, %mul3A_121 : vector<16xf32>
      %swap3A = arith.index_cast %scan3A_111 : i32 to index
      %swap3A_123 = arith.constant 0 : index
      %swap3A_124 = tpu.vector_load %arg13[%swap3A, %swap3A_123] {strides = array<i32>} : memref<128x64xf32, #tpu.memory_space<vmem>>, vector<1x16xf32>,
      %swap3A_125 = vector.shape_cast %swap3A_124 : vector<1x16xf32> to vector<16xf32>
      %swap3A_126 = vector.shape_cast %add3A_122 : vector<16xf32> to vector<1x16xf32>
      tpu.vector_store %arg13[%swap3A, %swap3A_123], %swap3A_126 {strides = array<i32>} : memref<128x64xf32, #tpu.memory_space<vmem>>, vector<1x16xf32>,
      %get3A_127 = arith.index_cast %scan3A_111 : i32 to index
      %get3A_128 = arith.constant 16 : index
      %get3A_129 = tpu.vector_load %arg14[%get3A_127, %get3A_128] {strides = array<i32>} : memref<128x64xf32, #tpu.memory_space<vmem>>, vector<1x16xf32>,
      %get3A_130 = vector.shape_cast %get3A_129 : vector<1x16xf32> to vector<16xf32>
      %get3A_131 = arith.index_cast %scan3A_111 : i32 to index
      %get3A_132 = arith.constant 16 : index
      %get3A_133 = tpu.vector_load %arg13[%get3A_131, %get3A_132] {strides = array<i32>} : memref<128x64xf32, #tpu.memory_space<vmem>>, vector<1x16xf32>,
      %get3A_134 = vector.shape_cast %get3A_133 : vector<1x16xf32> to vector<16xf32>
      %mul3A_135 = arith.mulf %sub3A_43, %get3A_134 : vector<16xf32>
      %add3A_136 = arith.addf %get3A_130, %mul3A_135 : vector<16xf32>
      %swap3A_137 = arith.index_cast %scan3A_111 : i32 to index
      %swap3A_138 = arith.constant 16 : index
      %swap3A_139 = tpu.vector_load %arg13[%swap3A_137, %swap3A_138] {strides = array<i32>} : memref<128x64xf32, #tpu.memory_space<vmem>>, vector<1x16xf32>,
      %swap3A_140 = vector.shape_cast %swap3A_139 : vector<1x16xf32> to vector<16xf32>
      %swap3A_141 = vector.shape_cast %add3A_136 : vector<16xf32> to vector<1x16xf32>
      tpu.vector_store %arg13[%swap3A_137, %swap3A_138], %swap3A_141 {strides = array<i32>} : memref<128x64xf32, #tpu.memory_space<vmem>>, vector<1x16xf32>,
      %get3A_142 = arith.index_cast %scan3A_111 : i32 to index
      %get3A_143 = arith.constant 32 : index
      %get3A_144 = tpu.vector_load %arg14[%get3A_142, %get3A_143] {strides = array<i32>} : memref<128x64xf32, #tpu.memory_space<vmem>>, vector<1x16xf32>,
      %get3A_145 = vector.shape_cast %get3A_144 : vector<1x16xf32> to vector<16xf32>
      %get3A_146 = arith.index_cast %scan3A_111 : i32 to index
      %get3A_147 = arith.constant 32 : index
      %get3A_148 = tpu.vector_load %arg13[%get3A_146, %get3A_147] {strides = array<i32>} : memref<128x64xf32, #tpu.memory_space<vmem>>, vector<1x16xf32>,
      %get3A_149 = vector.shape_cast %get3A_148 : vector<1x16xf32> to vector<16xf32>
      %mul3A_150 = arith.mulf %sub3A_43, %get3A_149 : vector<16xf32>
      %add3A_151 = arith.addf %get3A_145, %mul3A_150 : vector<16xf32>
      %swap3A_152 = arith.index_cast %scan3A_111 : i32 to index
      %swap3A_153 = arith.constant 32 : index
      %swap3A_154 = tpu.vector_load %arg13[%swap3A_152, %swap3A_153] {strides = array<i32>} : memref<128x64xf32, #tpu.memory_space<vmem>>, vector<1x16xf32>,
      %swap3A_155 = vector.shape_cast %swap3A_154 : vector<1x16xf32> to vector<16xf32>
      %swap3A_156 = vector.shape_cast %add3A_151 : vector<16xf32> to vector<1x16xf32>
      tpu.vector_store %arg13[%swap3A_152, %swap3A_153], %swap3A_156 {strides = array<i32>} : memref<128x64xf32, #tpu.memory_space<vmem>>, vector<1x16xf32>,
      %get3A_157 = arith.index_cast %scan3A_111 : i32 to index
      %get3A_158 = arith.constant 48 : index
      %get3A_159 = tpu.vector_load %arg14[%get3A_157, %get3A_158] {strides = array<i32>} : memref<128x64xf32, #tpu.memory_space<vmem>>, vector<1x16xf32>,
      %get3A_160 = vector.shape_cast %get3A_159 : vector<1x16xf32> to vector<16xf32>
      %get3A_161 = arith.index_cast %scan3A_111 : i32 to index
      %get3A_162 = arith.constant 48 : index
      %get3A_163 = tpu.vector_load %arg13[%get3A_161, %get3A_162] {strides = array<i32>} : memref<128x64xf32, #tpu.memory_space<vmem>>, vector<1x16xf32>,
      %get3A_164 = vector.shape_cast %get3A_163 : vector<1x16xf32> to vector<16xf32>
      %mul3A_165 = arith.mulf %sub3A_43, %get3A_164 : vector<16xf32>
      %add3A_166 = arith.addf %get3A_160, %mul3A_165 : vector<16xf32>
      %swap3A_167 = arith.index_cast %scan3A_111 : i32 to index
      %swap3A_168 = arith.constant 48 : index
      %swap3A_169 = tpu.vector_load %arg13[%swap3A_167, %swap3A_168] {strides = array<i32>} : memref<128x64xf32, #tpu.memory_space<vmem>>, vector<1x16xf32>,
      %swap3A_170 = vector.shape_cast %swap3A_169 : vector<1x16xf32> to vector<16xf32>
      %swap3A_171 = vector.shape_cast %add3A_166 : vector<16xf32> to vector<1x16xf32>
      tpu.vector_store %arg13[%swap3A_167, %swap3A_168], %swap3A_171 {strides = array<i32>} : memref<128x64xf32, #tpu.memory_space<vmem>>, vector<1x16xf32>,
      %scan3A_172 = arith.constant 0 : i32
      scf.yield %scan3A_172 : i32
    }
    %scan3A_109 = arith.constant 128 : i32
    %add3A_110 = arith.addi %multiple_of3A_3, %add3A_100 : i32
    "tpu.region"() ({
      %run_scoped3A = tpu.sem_alloc : memref<!tpu.dma_semaphore, #tpu.memory_space<semaphore_mem>>
      %dma_start3A = arith.constant 0 : i32
      %dma_start3A_111 = tpu.memref_slice %arg7[%add3A_110, %dma_start3A] : memref<20480x64xf32, #tpu.memory_space<hbm>> -> memref<128x64xf32, #tpu.memory_space<hbm>>
      %dma_start3A_112 = arith.constant 0 : i32
      %dma_start3A_113 = tpu.memref_slice %arg7[%add3A_110, %dma_start3A_112] : memref<20480x64xf32, #tpu.memory_space<hbm>> -> memref<128x64xf32, #tpu.memory_space<hbm>>
      tpu.enqueue_dma source(%arg13 : memref<128x64xf32, #tpu.memory_space<vmem>>) target(%dma_start3A_113 : memref<128x64xf32, #tpu.memory_space<hbm>>) target_semaphore(%run_scoped3A : memref<!tpu.dma_semaphore, #tpu.memory_space<semaphore_mem>>)
      %dma_wait3A = arith.constant 0 : i32
      %dma_wait3A_114 = tpu.memref_slice %arg7[%add3A_110, %dma_wait3A] : memref<20480x64xf32, #tpu.memory_space<hbm>> -> memref<128x64xf32, #tpu.memory_space<hbm>>
      %dma_wait3A_115 = arith.constant 0 : i32
      %dma_wait3A_116 = tpu.memref_slice %arg7[%add3A_110, %dma_wait3A_115] : memref<20480x64xf32, #tpu.memory_space<hbm>> -> memref<128x64xf32, #tpu.memory_space<hbm>>
      tpu.wait_dma2 semaphore(%run_scoped3A : memref<!tpu.dma_semaphore, #tpu.memory_space<semaphore_mem>>) src(%arg13 : memref<128x64xf32, #tpu.memory_space<vmem>>) dst(%dma_wait3A_116 : memref<128x64xf32, #tpu.memory_space<hbm>>)
      tpu.yield
    }) : () -> ()
    return
  }
}

</mosaic_0001>

<sc_bundles>
// kernel: _run.3.cloned.1.call-start
scs
__scs_entry_jumppad:
0x0: {  	(pc) =	sbr.rel $0x88, $3  }
0x1: {  	(tag) =	ssettag $0x0;
	lr =	simm.s32 $0x1  }
0x2: {  	[smem:$0x3F9C] =	sst lr;
	_ =	strace $0xD0000000  }
0x3: {  	_ = 	snop  }
0x4: {  	_ = 	snop  }
0x5: {  	_ = 	snop  }
0x6: {  	_ = 	snop  }
0x7: {  	_ = 	snop  }
__scs_overlays_trampoline_lowered:
0x8: {  	[smem:$0x3FAB] =	sst s0  }
0x9: {  	[smem:$0x3FAC] =	sst s1  }
0xa: {  	[smem:$0x3FAD] =	sst s2  }
0xb: {  	[smem:$0x3FAE] =	sst s3  }
0xc: {  	[smem:$0x3FAF] =	sst s4  }
0xd: {  	[smem:$0x3FB0] =	sst s5  }
0xe: {  	[smem:$0x3FB1] =	sst s6  }
0xf: {  	[smem:$0x3FB2] =	sst s7  }
0x10: {  	[smem:$0x3FB3] =	sst s8  }
0x11: {  	[smem:$0x3FB4] =	sst s9;
	s0 =	simm.s32 @!p0 $0x0  }
0x12: {  	s1 =	sld [smem:$0x3F9A];
	s0 =	simm.s32 @p0 $0x1  }
0x13: {  	[smem:$0x3FB5] =	sst s0;
	s0 =	simm.s32 @!p1 $0x0  }
0x14: {  	s2 =	sld [smem:$0x3F99];
	s0 =	simm.s32 @p1 $0x1  }
0x15: {  	[smem:$0x3FB6] =	sst s0;
	s0 =	simm.s32 @!p2 $0x0  }
0x16: {  	s3 =	sld [smem:$0x3FDB];
	s0 =	simm.s32 @p2 $0x1  }
0x17: {  	s4 =	simm.s32 $0x1BF5;
	[smem:$0x3FB8] =	sst s0  }
0x18: {  	s0 =	sld [smem:$0x3F9B];
	_ =	swait.ge [sflag:s4], $0x0  }
0x19: {  	s7 =	sld [smem:$0x3F9C]  }
0x1a: {  	s8 =	sadd.s32 $0xFFFFE003, lr  }
0x1b: {  	s9 =	sadd.s32 $0xFFFFFEF7, lr;
	s5 =	simm.s32 $0xFFFFFFFF;
	p2 =	slt.u32 s8, $0xFFFFF086  }
0x1c: {  	p1 =	slt.u32 s9, $0xF7A;
	s5 =	simm.s32 @!p2 $0x0  }
0x1d: {  	s5 =	simm.s32 @p1 $0x1;
	p0 =	seq.s32 s7, s2  }
0x1e: {  	s7 =	smul.u32 @!p0 $0xF7A, s2;
	p2 =	seq.s32 @!p0 s5, $0x0  }
0x1f: {  	s9 =	smul.u32 $0xF7A, s1;
	s8 =	simm.s32 @!p0 $0x1BF5;
	p2 =	por !p2, p0  }
0x20: {  	[sflag:s8] =	ssyncset.s32 @!p0 $0xFFFFF086;
	s6 =	sadd.s32 @!p0 s3, s7;
	s7 =	simm.s32 @!p0 $0x108  }
0x21: {  	s3 =	sadd.s32 s3, s9;
	s6 =	sadd.s32 @!p0 $0x88, s6;
	s7 =	simm.s32 @p2 $0x1082  }
0x22: {  	[simem:s7], [sflag:s8] =	dma.local @!p0 [hbm:s6], $0xF7A  }
0x23: {  	s9 =	sor.u32 $0xD0000000, s2;
	s6 =	simm.s32 $0x108;
	_ =	swait.ge @!p0 [sflag:s8], $0x0  }
0x24: {  	s3 =	sadd.s32 $0x88, s3;
	s6 =	simm.s32 @!p1 $0x1082;
	[sflag:s4] =	ssyncset.s32 $0xFFFFF086  }
0x25: {  	[simem:s6], [sflag:s4] =	dma.local [hbm:s3], $0xF7A  }
0x26: {  	[smem:$0x3F9C] =	sst s1;
	(tag) =	ssettag s2;
	_ =	strace s9  }
0x27: {  	s1 =	sld [smem:$0x3FAC]  }
0x28: {  	s2 =	sld [smem:$0x3FAD]  }
0x29: {  	s4 =	sld [smem:$0x3FAF]  }
0x2a: {  	p0 =	seq.s32 s5, $0x0;
	s5 =	sld [smem:$0x3FB0]  }
0x2b: {  	s6 =	sld [smem:$0x3FB1]  }
0x2c: {  	s7 =	sld [smem:$0x3FB2]  }
0x2d: {  	s3 =	simm.s32 $0x108;
	s8 =	sld [smem:$0x3FB3]  }
0x2e: {  	s3 =	simm.s32 @!p0 $0x1082;
	s9 =	sld [smem:$0x3FB4]  }
0x2f: {  	lr =	sadd.s32 s0, s3;
	s0 =	sld [smem:$0x3FAB]  }
0x30: {  	s3 =	sld [smem:$0x3FAE]  }
0x31: {  	[smem:$0x3FB7] =	sst s10  }
0x32: {  	s10 =	sld [smem:$0x3FB5];
	_ =	sdelay $0x3  }
0x33: {  	p0 =	seq.s32 s10, $0x1;
	s10 =	sld [smem:$0x3FB7];
	_ =	sdelay $0x3  }
0x34: {  	[smem:$0x3FB7] =	sst s10  }
0x35: {  	s10 =	sld [smem:$0x3FB6];
	_ =	sdelay $0x3  }
0x36: {  	p1 =	seq.s32 s10, $0x1;
	s10 =	sld [smem:$0x3FB7];
	_ =	sdelay $0x3  }
0x37: {  	[smem:$0x3FB7] =	sst s10  }
0x38: {  	s10 =	sld [smem:$0x3FB8]  }
0x39: {  	_ = 	snop;
	(pc) =	sbr.ind lr, $3  }
0x3a: {  	_ = 	snop  }
0x3b: {  	_ = 	snop  }
0x3c: {  	p2 =	seq.s32 s10, $0x1;
	s10 =	sld [smem:$0x3FB7]  }
0x3d: {  	_ =	shalt  }
0x3e: {  	_ =	shalt  }
0x3f: {  	_ =	shalt  }
0x40: {  	_ =	shalt  }
0x41: {  	_ =	shalt  }
0x42: {  	_ =	shalt  }
0x43: {  	_ =	shalt  }
0x44: {  	_ =	shalt  }
0x45: {  	_ =	shalt  }
0x46: {  	_ =	shalt  }
0x47: {  	_ =	shalt  }
0x48: {  	_ =	shalt  }
0x49: {  	_ =	shalt  }
0x4a: {  	_ =	shalt  }
0x4b: {  	_ =	shalt  }
0x4c: {  	_ =	shalt  }
0x4d: {  	_ =	shalt  }
0x4e: {  	_ =	shalt  }
0x4f: {  	_ =	shalt  }
0x50: {  	_ =	shalt  }
0x51: {  	_ =	shalt  }
0x52: {  	_ =	shalt  }
0x53: {  	_ =	shalt  }
0x54: {  	_ =	shalt  }
0x55: {  	_ =	shalt  }
0x56: {  	_ =	shalt  }
0x57: {  	_ =	shalt  }
0x58: {  	_ =	shalt  }
0x59: {  	_ =	shalt  }
0x5a: {  	_ =	shalt  }
0x5b: {  	_ =	shalt  }
0x5c: {  	_ =	shalt  }
0x5d: {  	_ =	shalt  }
0x5e: {  	_ =	shalt  }
0x5f: {  	_ =	shalt  }
0x60: {  	_ =	shalt  }
0x61: {  	_ =	shalt  }
0x62: {  	_ =	shalt  }
0x63: {  	_ =	shalt  }
0x64: {  	_ =	shalt  }
0x65: {  	_ =	shalt  }
0x66: {  	_ =	shalt  }
0x67: {  	_ =	shalt  }
0x68: {  	_ =	shalt  }
0x69: {  	_ =	shalt  }
0x6a: {  	_ =	shalt  }
0x6b: {  	_ =	shalt  }
0x6c: {  	_ =	shalt  }
0x6d: {  	_ =	shalt  }
0x6e: {  	_ =	shalt  }
0x6f: {  	_ =	shalt  }
0x70: {  	_ =	shalt  }
0x71: {  	_ =	shalt  }
0x72: {  	_ =	shalt  }
0x73: {  	_ =	shalt  }
0x74: {  	_ =	shalt  }
0x75: {  	_ =	shalt  }
0x76: {  	_ =	shalt  }
0x77: {  	_ =	shalt  }
0x78: {  	_ =	shalt  }
0x79: {  	_ =	shalt  }
0x7a: {  	_ =	shalt  }
0x7b: {  	_ =	shalt  }
0x7c: {  	_ =	shalt  }
0x7d: {  	_ =	shalt  }
0x7e: {  	_ =	shalt  }
0x7f: {  	_ =	shalt  }
0x80: {  	_ =	shalt  }
0x81: {  	_ =	shalt  }
0x82: {  	_ =	shalt  }
0x83: {  	_ =	shalt  }
0x84: {  	_ =	shalt  }
0x85: {  	_ =	shalt  }
0x86: {  	_ =	shalt  }
0x87: {  	_ =	shalt  }
.Lfunc_end0:
.L_simem_size_0:
called_computation_lowered:
.L_overlay_start_0:
0x88: {  	s2 =	sld [smem:$0x3FD9]  }
0x89: {  	s3 =	sld [smem:$0x3FFE];
	_ =	sdelay $0x1  }
0x8a: {  	s1 =	srdreg.scid  }
0x8b: {  	s0 =	sand.u32 $0x1, s1  }
0x8c: {  	s14 =	sshll.u32 s0, $0xA;
	s2 =	sadd.s32 s3, s2  }
0x8d: {  	s2 =	sadd.s32 s2, s14  }
0x8e: {  	[smem:$0x3FC3] =	sst s2  }
0x8f: {  	_ = 	snop  }
0x90: {  	s2 =	sld [smem:$0x3FC8]  }
0x91: {  	s15 =	sld [smem:$0x3FD0]  }
0x92: {  	s4 =	sld [smem:$0x3FC7]  }
0x93: {  	s5 =	sld [smem:$0x3FC6]  }
0x94: {  	s7 =	simm.s32 $0xA;
	s8 =	simm.s32 $0x10;
	s6 =	sld [smem:$0x3FC5]  }
0x95: {  	[smem:s8], [sflag:s7] =	dma.local [hbm:s15], $0x1  }
0x96: {  	_ =	swait.eq [sflag:s7], $0x1  }
0x97: {  	[sflag:s7] =	ssyncset.done $0x0  }
0x98: {  	s16 =	sld [smem:$0x10];
	[sflag:s7] =	ssyncadd.s32 $0xFFFFFFFF  }
0x99: {  	s17 =	sld [smem:$0x11];
	(tm) =	ssettm $0x1  }
0x9a: {  	s18 =	sld [smem:$0x3FFB];
	_ =	sdelay $0x3  }
0x9b: {  	_ =	strace s18  }
0x9c: {  	s8 =	sld [smem:$0x3FFC];
	_ =	sdelay $0x3  }
0x9d: {  	_ =	strace s8  }
0x9e: {  	s8 =	sld [smem:$0x3FFD];
	_ =	sdelay $0x3  }
0x9f: {  	_ =	strace s8  }
0xa0: {  	_ =	strace $0x8FFFFFFF  }
0xa1: {  	s19 =	sld [smem:$0x3FDB];
	_ =	sdelay $0x1  }
0xa2: {  	s9 =	simm.s32 $_scs_section_size  }
0xa3: {  	s10 =	simm.s32 $_size__tile_overlayer_lowered;
	s11 =	simm.s32 $_tile_overlayer_lowered  }
0xa4: {  	s22 =	simm.s32 $0x1BFF;
	s21 =	sshll.u32 s11, $0x1;
	s8 =	sadd.s32 s9, s19  }
0xa5: {  	s12 =	simm.s32 $0x0;
	s20 =	sshll.u32 s10, $0x1;
	s10 =	sadd.s32 s21, s8  }
0xa6: {  	[timem:s12], [sflag:s22] =	dma.local [hbm:s10], s20  }
0xa7: {  	_ =	swait.ge [sflag:s22], s20  }
0xa8: {  	s9 =	ssub.s32 $0x0, s20;
	[sflag:s22] =	ssyncset.done $0x0  }
0xa9: {  	[sflag:s22] =	ssyncadd.s32 s9;
	_ =	sdelay $0x1  }
0xaa: {  	s23 =	simm.s32 $0x1B8B  }
0xab: {  	_ =	swait.ge [sflag:s23], $0x1  }
0xac: {  	[sflag:s23] =	ssyncset.done $0x0  }
0xad: {  	s25 =	simm.s32 $0x1B8E;
	s24 =	sld [smem:$0x3FFE];
	[sflag:s23] =	ssyncadd.s32 $0xFFFFFFFF  }
0xae: {  	s26 =	simm.s32 $execute0_lowered;
	[smem:$0x3FD2] =	sst s25  }
0xaf: {  	s10 =	sshll.u32 s26, $0x1;
	_ =	strace $0x80000046;
	[dreg:$0x1] =	wrdreg $0xFFFFFFFF  }
0xb0: {  	s28 =	simm.s32 $_size_execute0_lowered;
	s8 =	sadd.s32 s8, s10;
	[dreg:$0x0] =	wrdreg $0x0  }
0xb1: {  	s10 =	sshll.u32 s28, $0x1;
	[dreg:$0x2] =	wrdreg s8  }
0xb2: {  	[dreg:$0x3] =	wrdreg s10  }
0xb3: {  	[dreg:$0x4] =	wrdreg $0xC0  }
0xb4: {  	_ =	task [dreg:s12], $0x5FFFF  }
0xb5: {  	[dreg:$0x1] =	wrdreg $0xFFFFFFFF  }
0xb6: {  	[dreg:$0x0] =	wrdreg $0x60  }
0xb7: {  	[dreg:$0x2] =	wrdreg s17  }
0xb8: {  	[dreg:$0x3] =	wrdreg s2  }
0xb9: {  	[dreg:$0x4] =	wrdreg s4  }
0xba: {  	[dreg:$0x5] =	wrdreg s5  }
0xbb: {  	[dreg:$0x6] =	wrdreg s6  }
0xbc: {  	[dreg:$0x7] =	wrdreg s16  }
0xbd: {  	[dreg:$0x8] =	wrdreg s24  }
0xbe: {  	[dreg:$0x9] =	wrdreg $0x81900  }
0xbf: {  	[dreg:$0xa] =	wrdreg $0x9  }
0xc0: {  	_ =	task.clear_ibuf [dreg:s12], $0xBFFFF;
	_ =	strace $0x90000046  }
0xc1: {  	s29 =	simm.s32 $0x9;
	_ =	strace $0x80000048  }
0xc2: {  	_ =	swait.ge [sflag:s29], $0x1  }
0xc3: {  	[sflag:s29] =	ssyncadd.s32 $0xFFFFFFFF  }
0xc4: {  	_ =	strace $0x90000048  }
0xc5: {  	_ =	sfence  }
0xc6: {  	s30 =	sld [smem:$0x0];
	_ =	sdelay $0x2  }
0xc7: {  	s31 =	sshll.u32 s1, $0xD;
	s1 =	sshrl.u32 s1, $0x2  }
0xc8: {  	s3 =	sand.u32 $0x4000, s31;
	s1 =	sadd.s32 s1, s30  }
0xc9: {  	s0 =	sor.u32 s3, s0;
	s1 =	sshll.u32 s1, $0x11  }
0xca: {  	s0 =	sor.u32 s1, s0  }
0xcb: {  	s0 =	sadd.s32 $0x8F2B, s0  }
0xcc: {  	[sflag:s0] =	ssyncadd.remote.s32 $0x1  }
0xcd: {  	_ =	sfence.sel $0xFFFF  }
0xce: {  	[dreg:$0x0] =	wrdreg $0xFFFFFFFF;
	(pc) =	sbr.abs _section_cstart, $3  }
0xcf: {  	[dreg:$0x1] =	wrdreg $0xFFFFFFFF  }
0xd0: {  	_ =	task.clear_ibuf [dreg:s12], $0x2FFFF;
	_ =	strace $0x9FFFFFFF  }
0xd1: {  	(tm) =	ssettm $0x7FFFFFFF  }
tec
execute0_lowered:
.L_overlay_start_1:
0x0: {  	(tag) =	ssettag $0x1  }
0x1: {  	s1 =	rddreg [dreg:$0x0]  }
0x2: {  	s0 =	rddreg [dreg:$0x1]  }
0x3: {  	s2 =	rddreg [dreg:$0x2]  }
0x4: {  	s3 =	rddreg [dreg:$0x3]  }
0x5: {  	s4 =	rddreg [dreg:$0x5]  }
0x6: {  	s5 =	rddreg [dreg:$0x6]  }
0x7: {  	s6 =	rddreg [dreg:$0x7]  }
0x8: {  	s7 =	srdreg.scid;
	s25 =	stileid.u32  }
0x9: {  	s8 =	simm.s32 $0x0;
	s28 =	simm.s32 $0x4180;
	s29 =	simm.s32 $0x80  }
0xa: {  	s31 =	simm.s32 $0x1;
	s7 =	sand.u32 $0x1, s7;
	s11 =	smul.u32 $0x280, s25  }
0xb: {  	[smem:$0x7FF] =	sst s8;
	s12 =	smul.u32 $0x28000, s25;
	s8 =	sadd.s32 $0xA00, s5  }
0xc: {  	p0 =	sgt.u32 s25, $0x3;
	s9 =	ssub.s32 $0x2, s7;
	s13 =	smul.u32 $0x2800, s7  }
0xd: {  	_ =	strace $0x80000047;
	s10 =	sshrl.u32 s9, $0x1;
	s20 =	sshrl.u32 s12, $0x2  }
0xe: {  	s14 =	sadd.s32 $0x80, s11;
	s24 =	sadd.s32 $0x100, s11;
	s18 =	sadd.s32 $0x180, s11  }
0xf: {  	s5 =	ssub.s32 s9, s10;
	s9 =	smul.u32 $0x4E200, s7;
	s21 =	sadd.s32 s11, s13  }
0x10: {  	s10 =	sadd.s32 s20, s6;
	s22 =	sadd.s32 s13, s14;
	s14 =	sshll.u32 s14, $0x6  }
0x11: {  	s26 =	sshll.u32 s24, $0x6;
	s16 =	sadd.s32 s13, s24;
	s19 =	sadd.s32 s13, s18  }
0x12: {  	s11 =	sadd.s32 $0x200, s11;
	s7 =	sshll.u32 s21, $0x3;
	s17 =	sshll.u32 s22, $0x3  }
0x13: {  	s12 =	sadd.s32 s14, s6;
	s14 =	sadd.s32 s26, s6;
	s21 =	sshll.u32 s16, $0x3  }
0x14: {  	s16 =	sshll.u32 s18, $0x6;
	s20 =	sshll.u32 s11, $0x6;
	s11 =	sadd.s32 s13, s11  }
0x15: {  	s22 =	sshll.u32 s25, $0x7;
	s15 =	sadd.s32 s1, s7;
	s23 =	sadd.s32 s1, s17  }
0x16: {  	s13 =	sor.u32 $0x4E000, s22;
	s11 =	sshll.u32 s11, $0x3;
	[dreg:$0x9] =	wrdreg s15  }
0x17: {  	s24 =	sadd.s32 s1, s21;
	s22 =	sadd.s32 s8, s17;
	[dreg:$0xa] =	wrdreg s23  }
0x18: {  	s15 =	sadd.s32 s16, s6;
	s23 =	sshll.u32 s19, $0x3;
	s16 =	sadd.s32 s20, s6  }
0x19: {  	[dreg:$0xb] =	wrdreg s24;
	s20 =	sadd.s32 s9, s13;
	s24 =	sadd.s32 s4, s17  }
0x1a: {  	s26 =	sadd.s32 s1, s23;
	s18 =	sshrl.u32 s20, $0x3;
	[dreg:$0xe] =	wrdreg s24  }
0x1b: {  	s20 =	sadd.s32 s8, s7;
	s7 =	sadd.s32 s4, s7;
	[dreg:$0xc] =	wrdreg s26  }
0x1c: {  	s19 =	sadd.s32 s1, s11;
	s17 =	sadd.s32 s4, s23;
	[dreg:$0xd] =	wrdreg s7  }
0x1d: {  	s30 =	sadd.s32 s8, s11;
	s26 =	sadd.s32 s4, s21;
	[dreg:$0x10] =	wrdreg s17  }
0x1e: {  	s24 =	sadd.s32 s8, s21;
	s4 =	sadd.s32 s4, s11;
	[dreg:$0xf] =	wrdreg s26  }
0x1f: {  	v0 =	vimm.f32 $0.0e+00;
	v1 =	vimm.s32 $0x0;
	s1 =	sadd.s32 s0, s18;
	s18 =	sshrl.u32 s13, $0x3;
	[dreg:$0x11] =	wrdreg s4  }
0x20: {  	v2 =	vimm.s32 $0x1;
	v3 =	vimm.s32 $0x2;
	v4 =	vimm.s32 $0x3;
	s7 =	simm.s32 $0x180;
	[dreg:$0x12] =	wrdreg s1;
	s21 =	sadd.s32 s2, s18  }
0x21: {  	v5 =	vimm.s32 $0x4;
	v6 =	vimm.s32 $0x5;
	v7 =	vimm.s32 $0x6;
	s11 =	simm.s32 $0x0;
	s1 =	sadd.s32 s3, s18;
	[dreg:$0x13] =	wrdreg s21  }
0x22: {  	v8 =	vimm.s32 $0x7;
	v9 =	vimm.s32 $0x8;
	v10 =	vimm.s32 $0x9;
	s26 =	sadd.s32 s8, s23;
	s23 =	smax.u32 s5, $0x1;
	[dreg:$0x14] =	wrdreg s1  }
0x23: {  	v11 =	vimm.s32 $0xA;
	v12 =	vimm.s32 $0xB;
	v13 =	vimm.s32 $0xC;
	s4 =	simm.s32 $0x100;
	[dreg:$0x15] =	wrdreg s23;
	s21 =	smul.u32 $0x9C, s25  }
0x24: {  	v14 =	vimm.s32 $0xD;
	v15 =	vimm.s32 $0xE;
	v16 =	vimm.s32 $0xF;
	s23 =	simm.s32 $0x6180;
	s25 =	simm.s32 $0x2;
	s1 =	simm.s32 $0x2180  }
.LBB2_1:
0x25: {  	[dreg:$0x16] =	wrdreg s11;
	s11 =	simm.s32 $0x100;
	s5 =	simm.s32 $0x0  }
.LBB2_2:
0x26: {  	p1 =	sne.s32 s11, $0x7F00;
	[tilespmem:s5+$0x61B0] =	vst v0;
	s13 =	smov.u32 s11;
	s11 =	sadd.s32 $0x100, s11  }
.Ltmp0:
0x27: {  	[tilespmem:s5+$0x61A0] =	vst v0;
	(pc) =	sbr.rel @p1 .LBB2_2-.Ltmp0, $3  }
0x28: {  	[tilespmem:s5+$0x6180] =	vst v0  }
0x29: {  	[tilespmem:s5+$0x6190] =	vst v0;
	_ =	sdelay $0x1  }
0x2a: {  	s5 =	sshra.s32 s13, $0x2  }
0x2b: {  	[tilespmem:s5+$0x61B0] =	vst v0  }
0x2c: {  	[tilespmem:s5+$0x61A0] =	vst v0  }
0x2d: {  	[tilespmem:s5+$0x6180] =	vst v0  }
0x2e: {  	[tilespmem:s5+$0x6190] =	vst v0  }
0x2f: {  	[spmem:s10] =	stream.linear.scatter [tilespmem:s23], [sflag:$0x2], $0x2000, $0x38;
	[tilespmem:$0x12190] =	vst v63  }
0x30: {  	_ =	swait.ge [sflag:s25], $0x2000  }
0x31: {  	[sflag:s25] =	ssyncset.done $0x0  }
0x32: {  	s5 =	simm.s32 $0x0;
	s11 =	rddreg [dreg:$0x9];
	[sflag:s25] =	ssyncadd.s32 $0xFFFFE000  }
0x33: {  	[tilespmem:s28], [sflag:$0x2] =	stream.linear.gather [hbm4b:s11+s5], $0x2000, $0x38;
	[tilespmem:$0x12190] =	vst v63  }
0x34: {  	_ =	swait.ge [sflag:s25], $0x2000  }
0x35: {  	[sflag:s25] =	ssyncset.done $0x0  }
0x36: {  	[sflag:s25] =	ssyncadd.s32 $0xFFFFE000  }
0x37: {  	[hbm4b:s20+s5] =	stream.linear.scatter [tilespmem:s28], [sflag:$0x2], $0x2000, $0x38;
	[tilespmem:$0x12190] =	vst v63  }
0x38: {  	_ =	swait.ge [sflag:s25], $0x2000  }
0x39: {  	[sflag:s25] =	ssyncset.done $0x0  }
0x3a: {  	[sflag:s25] =	ssyncadd.s32 $0xFFFFE000  }
0x3b: {  	[spmem:s12] =	stream.linear.scatter [tilespmem:s23], [sflag:$0x2], $0x2000, $0x38;
	[tilespmem:$0x12190] =	vst v63  }
0x3c: {  	_ =	swait.ge [sflag:s25], $0x2000  }
0x3d: {  	[sflag:s25] =	ssyncset.done $0x0  }
0x3e: {  	s18 =	rddreg [dreg:$0xa];
	[sflag:s25] =	ssyncadd.s32 $0xFFFFE000  }
0x3f: {  	[tilespmem:s28], [sflag:$0x2] =	stream.linear.gather [hbm4b:s18+s5], $0x2000, $0x38;
	[tilespmem:$0x12190] =	vst v63  }
0x40: {  	_ =	swait.ge [sflag:s25], $0x2000  }
0x41: {  	[sflag:s25] =	ssyncset.done $0x0  }
0x42: {  	[sflag:s25] =	ssyncadd.s32 $0xFFFFE000  }
0x43: {  	[hbm4b:s22+s5] =	stream.linear.scatter [tilespmem:s28], [sflag:$0x2], $0x2000, $0x38;
	[tilespmem:$0x12190] =	vst v63  }
0x44: {  	_ =	swait.ge [sflag:s25], $0x2000  }
0x45: {  	[sflag:s25] =	ssyncset.done $0x0  }
0x46: {  	[sflag:s25] =	ssyncadd.s32 $0xFFFFE000  }
0x47: {  	[spmem:s14] =	stream.linear.scatter [tilespmem:s23], [sflag:$0x2], $0x2000, $0x38;
	[tilespmem:$0x12190] =	vst v63  }
0x48: {  	_ =	swait.ge [sflag:s25], $0x2000  }
0x49: {  	[sflag:s25] =	ssyncset.done $0x0  }
0x4a: {  	s13 =	rddreg [dreg:$0xb];
	[sflag:s25] =	ssyncadd.s32 $0xFFFFE000  }
0x4b: {  	[tilespmem:s28], [sflag:$0x2] =	stream.linear.gather [hbm4b:s13+s5], $0x2000, $0x38;
	[tilespmem:$0x12190] =	vst v63  }
0x4c: {  	_ =	swait.ge [sflag:s25], $0x2000  }
0x4d: {  	[sflag:s25] =	ssyncset.done $0x0  }
0x4e: {  	[sflag:s25] =	ssyncadd.s32 $0xFFFFE000  }
0x4f: {  	[hbm4b:s24+s5] =	stream.linear.scatter [tilespmem:s28], [sflag:$0x2], $0x2000, $0x38;
	[tilespmem:$0x12190] =	vst v63  }
0x50: {  	_ =	swait.ge [sflag:s25], $0x2000  }
0x51: {  	[sflag:s25] =	ssyncset.done $0x0  }
0x52: {  	[sflag:s25] =	ssyncadd.s32 $0xFFFFE000  }
0x53: {  	[spmem:s15] =	stream.linear.scatter [tilespmem:s23], [sflag:$0x2], $0x2000, $0x38;
	[tilespmem:$0x12190] =	vst v63  }
0x54: {  	_ =	swait.ge [sflag:s25], $0x2000  }
0x55: {  	[sflag:s25] =	ssyncset.done $0x0  }
0x56: {  	s17 =	rddreg [dreg:$0xc];
	[sflag:s25] =	ssyncadd.s32 $0xFFFFE000  }
0x57: {  	[tilespmem:s28], [sflag:$0x2] =	stream.linear.gather [hbm4b:s17+s5], $0x2000, $0x38;
	[tilespmem:$0x12190] =	vst v63  }
0x58: {  	_ =	swait.ge [sflag:s25], $0x2000  }
0x59: {  	[sflag:s25] =	ssyncset.done $0x0  }
0x5a: {  	[sflag:s25] =	ssyncadd.s32 $0xFFFFE000  }
0x5b: {  	[hbm4b:s26+s5] =	stream.linear.scatter [tilespmem:s28], [sflag:$0x2], $0x2000, $0x38;
	[tilespmem:$0x12190] =	vst v63  }
0x5c: {  	_ =	swait.ge [sflag:s25], $0x2000  }
0x5d: {  	[sflag:s25] =	ssyncset.done $0x0  }
0x5e: {  	[sflag:s25] =	ssyncadd.s32 $0xFFFFE000  }
0x5f: {  	[spmem:s16] =	stream.linear.scatter [tilespmem:s23], [sflag:$0x2], $0x2000, $0x38;
	[tilespmem:$0x12190] =	vst v63  }
0x60: {  	_ =	swait.ge [sflag:s25], $0x2000  }
0x61: {  	[sflag:s25] =	ssyncset.done $0x0  }
0x62: {  	[sflag:s25] =	ssyncadd.s32 $0xFFFFE000  }
0x63: {  	[tilespmem:s28], [sflag:$0x2] =	stream.linear.gather [hbm4b:s19+s5], $0x2000, $0x38;
	[tilespmem:$0x12190] =	vst v63  }
0x64: {  	_ =	swait.ge [sflag:s25], $0x2000  }
0x65: {  	[sflag:s25] =	ssyncset.done $0x0  }
0x66: {  	[sflag:s25] =	ssyncadd.s32 $0xFFFFE000  }
0x67: {  	[hbm4b:s30+s5] =	stream.linear.scatter [tilespmem:s28], [sflag:$0x2], $0x2000, $0x38;
	[tilespmem:$0x12190] =	vst v63  }
0x68: {  	_ =	swait.ge [sflag:s25], $0x2000  }
0x69: {  	[sflag:s25] =	ssyncset.done $0x0  }
0x6a: {  	[sflag:s25] =	ssyncadd.s32 $0xFFFFE000  }
0x6b: {  	s13 =	simm.s32 $0x8180;
	s18 =	rddreg [dreg:$0x4]  }
0x6c: {  	[tilespmem:s13], [sflag:$0x2] =	stream.linear.gather [hbm4b:s18+s5], $0x10, $0x38;
	[tilespmem:$0x12190] =	vst v63  }
0x6d: {  	_ =	swait.ge [sflag:s25], $0x10  }
0x6e: {  	[sflag:s25] =	ssyncset.done $0x0  }
0x6f: {  	[sflag:s25] =	ssyncadd.s32 $0xFFFFFFF0  }
0x70: {  	v17 =	vld [tilespmem:$0x8180];
	[bflag:$0x0] =	sbarrier.arrive $0xFFFF  }
.LBB2_4:
0x71: {  	s11 =	simm.s32 $0x0  }
.LBB2_5:
0x72: {  	s17 =	sadd.s32 s21, s11  }
0x73: {  	s13 =	sshll.u32 s17, $0x7  }
0x74: {  	s13 =	sadd.s32 s9, s13  }
0x75: {  	s13 =	sshrl.u32 s13, $0x3  }
0x76: {  	s18 =	sadd.s32 s0, s13;
	s13 =	simm.s32 $0x0  }
0x77: {  	[tilespmem:s13], [sflag:$0x2] =	stream.linear.gather [hbm4b:s18+s13], $0x80, $0x38;
	[tilespmem:$0x12190] =	vst v63  }
0x78: {  	_ =	swait.ge [sflag:s25], $0x80  }
0x79: {  	s17 =	sshll.u32 s17, $0x4;
	[sflag:s25] =	ssyncset.done $0x0  }
0x7a: {  	s18 =	sadd.s32 s2, s17;
	[sflag:s25] =	ssyncadd.s32 $0xFFFFFF80  }
0x7b: {  	[tilespmem:s29], [sflag:$0x2] =	stream.linear.gather [hbm4b:s18+s13], $0x80, $0x38;
	[tilespmem:$0x12190] =	vst v63  }
0x7c: {  	_ =	swait.ge [sflag:s25], $0x80  }
0x7d: {  	[sflag:s25] =	ssyncset.done $0x0  }
0x7e: {  	s17 =	sadd.s32 s3, s17;
	[sflag:s25] =	ssyncadd.s32 $0xFFFFFF80  }
0x7f: {  	[tilespmem:s4], [sflag:$0x2] =	stream.linear.gather [hbm4b:s17+s13], $0x80, $0x38;
	[tilespmem:$0x12190] =	vst v63  }
0x80: {  	_ =	swait.ge [sflag:s25], $0x80  }
0x81: {  	[sflag:s25] =	ssyncset.done $0x0  }
0x82: {  	[sflag:s25] =	ssyncadd.s32 $0xFFFFFF80  }
0x83: {  	[tilespmem:s7], [sflag:$0x1] =	stream.indirect.gather [hbm4b:s8+s29], $0x40, s13, s29, $0xb8;
	[tilespmem:$0x12190] =	vst v63  }
0x84: {  	_ =	swait.ge [sflag:s31], $0x2000  }
0x85: {  	[sflag:s31] =	ssyncset.done $0x0  }
0x86: {  	s17 =	simm.s32 $0x380;
	[sflag:s31] =	ssyncadd.s32 $0xFFFFE000  }
.LBB2_6:
0x87: {  	s18 =	sshra.s32 s13, $0x2  }
0x88: {  	v18 =	vld [tilespmem:s18+$0x100];
	_ =	sdelay $0x1  }
0x89: {  	v19 =	vld [tilespmem:s17+$0xFFFFFE00];
	_ =	sdelay $0x2  }
0x8a: {  	v20 =	vperm.xlane v18, v1;
	_ =	sdelay $0x1  }
0x8b: {  	v19 =	vmul.f32 v19, v20;
	_ =	sdelay $0x1  }
0x8c: {  	[tilespmem:s17+$0xFFFFFE00] =	vst v19;
	v19 =	vld [tilespmem:s17+$0xFFFFFE10];
	_ =	sdelay $0x4  }
0x8d: {  	v19 =	vmul.f32 v19, v20;
	_ =	sdelay $0x1  }
0x8e: {  	[tilespmem:s17+$0xFFFFFE10] =	vst v19;
	v19 =	vld [tilespmem:s17+$0xFFFFFE20];
	_ =	sdelay $0x4  }
0x8f: {  	v19 =	vmul.f32 v19, v20;
	_ =	sdelay $0x1  }
0x90: {  	[tilespmem:s17+$0xFFFFFE20] =	vst v19;
	v19 =	vld [tilespmem:s17+$0xFFFFFE30];
	_ =	sdelay $0x4  }
0x91: {  	v19 =	vmul.f32 v19, v20;
	_ =	sdelay $0x1  }
0x92: {  	[tilespmem:s17+$0xFFFFFE30] =	vst v19;
	v19 =	vld [tilespmem:s17+$0xFFFFFE40];
	_ =	sdelay $0x2  }
0x93: {  	v50 =	vperm.xlane v18, v2;
	_ =	sdelay $0x1  }
0x94: {  	v19 =	vmul.f32 v19, v50;
	_ =	sdelay $0x1  }
0x95: {  	[tilespmem:s17+$0xFFFFFE40] =	vst v19;
	v19 =	vld [tilespmem:s17+$0xFFFFFE50];
	_ =	sdelay $0x4  }
0x96: {  	v19 =	vmul.f32 v19, v50;
	_ =	sdelay $0x1  }
0x97: {  	[tilespmem:s17+$0xFFFFFE50] =	vst v19;
	v19 =	vld [tilespmem:s17+$0xFFFFFE60];
	_ =	sdelay $0x4  }
0x98: {  	v19 =	vmul.f32 v19, v50;
	_ =	sdelay $0x1  }
0x99: {  	[tilespmem:s17+$0xFFFFFE60] =	vst v19;
	v19 =	vld [tilespmem:s17+$0xFFFFFE70];
	_ =	sdelay $0x4  }
0x9a: {  	v19 =	vmul.f32 v19, v50;
	_ =	sdelay $0x1  }
0x9b: {  	[tilespmem:s17+$0xFFFFFE70] =	vst v19;
	v19 =	vld [tilespmem:s17+$0xFFFFFE80];
	_ =	sdelay $0x2  }
0x9c: {  	v51 =	vperm.xlane v18, v3;
	_ =	sdelay $0x1  }
0x9d: {  	v19 =	vmul.f32 v19, v51;
	_ =	sdelay $0x1  }
0x9e: {  	[tilespmem:s17+$0xFFFFFE80] =	vst v19;
	v19 =	vld [tilespmem:s17+$0xFFFFFE90];
	_ =	sdelay $0x4  }
0x9f: {  	v19 =	vmul.f32 v19, v51;
	_ =	sdelay $0x1  }
0xa0: {  	[tilespmem:s17+$0xFFFFFE90] =	vst v19;
	v19 =	vld [tilespmem:s17+$0xFFFFFEA0];
	_ =	sdelay $0x4  }
0xa1: {  	v19 =	vmul.f32 v19, v51;
	_ =	sdelay $0x1  }
0xa2: {  	[tilespmem:s17+$0xFFFFFEA0] =	vst v19;
	v19 =	vld [tilespmem:s17+$0xFFFFFEB0];
	_ =	sdelay $0x4  }
0xa3: {  	v19 =	vmul.f32 v19, v51;
	_ =	sdelay $0x1  }
0xa4: {  	[tilespmem:s17+$0xFFFFFEB0] =	vst v19;
	v19 =	vld [tilespmem:s17+$0xFFFFFEC0];
	_ =	sdelay $0x2  }
0xa5: {  	v52 =	vperm.xlane v18, v4;
	_ =	sdelay $0x1  }
0xa6: {  	v19 =	vmul.f32 v19, v52;
	_ =	sdelay $0x1  }
0xa7: {  	[tilespmem:s17+$0xFFFFFEC0] =	vst v19;
	v19 =	vld [tilespmem:s17+$0xFFFFFED0];
	_ =	sdelay $0x4  }
0xa8: {  	v19 =	vmul.f32 v19, v52;
	_ =	sdelay $0x1  }
0xa9: {  	[tilespmem:s17+$0xFFFFFED0] =	vst v19;
	v19 =	vld [tilespmem:s17+$0xFFFFFEE0];
	_ =	sdelay $0x4  }
0xaa: {  	v19 =	vmul.f32 v19, v52;
	_ =	sdelay $0x1  }
0xab: {  	[tilespmem:s17+$0xFFFFFEE0] =	vst v19;
	v19 =	vld [tilespmem:s17+$0xFFFFFEF0];
	_ =	sdelay $0x4  }
0xac: {  	v19 =	vmul.f32 v19, v52;
	_ =	sdelay $0x1  }
0xad: {  	[tilespmem:s17+$0xFFFFFEF0] =	vst v19;
	v19 =	vld [tilespmem:s17+$0xFFFFFF00];
	_ =	sdelay $0x2  }
0xae: {  	v53 =	vperm.xlane v18, v5;
	_ =	sdelay $0x1  }
0xaf: {  	v19 =	vmul.f32 v19, v53;
	_ =	sdelay $0x1  }
0xb0: {  	[tilespmem:s17+$0xFFFFFF00] =	vst v19;
	v19 =	vld [tilespmem:s17+$0xFFFFFF10];
	_ =	sdelay $0x4  }
0xb1: {  	v19 =	vmul.f32 v19, v53;
	_ =	sdelay $0x1  }
0xb2: {  	[tilespmem:s17+$0xFFFFFF10] =	vst v19;
	v19 =	vld [tilespmem:s17+$0xFFFFFF20];
	_ =	sdelay $0x4  }
0xb3: {  	v19 =	vmul.f32 v19, v53;
	_ =	sdelay $0x1  }
0xb4: {  	[tilespmem:s17+$0xFFFFFF20] =	vst v19;
	v19 =	vld [tilespmem:s17+$0xFFFFFF30];
	_ =	sdelay $0x4  }
0xb5: {  	v19 =	vmul.f32 v19, v53;
	_ =	sdelay $0x1  }
0xb6: {  	[tilespmem:s17+$0xFFFFFF30] =	vst v19;
	v19 =	vld [tilespmem:s17+$0xFFFFFF40];
	_ =	sdelay $0x2  }
0xb7: {  	v54 =	vperm.xlane v18, v6;
	_ =	sdelay $0x1  }
0xb8: {  	v19 =	vmul.f32 v19, v54;
	_ =	sdelay $0x1  }
0xb9: {  	[tilespmem:s17+$0xFFFFFF40] =	vst v19;
	v19 =	vld [tilespmem:s17+$0xFFFFFF50];
	_ =	sdelay $0x4  }
0xba: {  	v19 =	vmul.f32 v19, v54;
	_ =	sdelay $0x1  }
0xbb: {  	[tilespmem:s17+$0xFFFFFF50] =	vst v19;
	v19 =	vld [tilespmem:s17+$0xFFFFFF60];
	_ =	sdelay $0x4  }
0xbc: {  	v19 =	vmul.f32 v19, v54;
	_ =	sdelay $0x1  }
0xbd: {  	[tilespmem:s17+$0xFFFFFF60] =	vst v19;
	v19 =	vld [tilespmem:s17+$0xFFFFFF70];
	_ =	sdelay $0x4  }
0xbe: {  	v19 =	vmul.f32 v19, v54;
	_ =	sdelay $0x1  }
0xbf: {  	[tilespmem:s17+$0xFFFFFF70] =	vst v19;
	v19 =	vld [tilespmem:s17+$0xFFFFFF80];
	_ =	sdelay $0x2  }
0xc0: {  	v55 =	vperm.xlane v18, v7;
	_ =	sdelay $0x1  }
0xc1: {  	v19 =	vmul.f32 v19, v55;
	_ =	sdelay $0x1  }
0xc2: {  	[tilespmem:s17+$0xFFFFFF80] =	vst v19;
	v19 =	vld [tilespmem:s17+$0xFFFFFF90];
	_ =	sdelay $0x4  }
0xc3: {  	v19 =	vmul.f32 v19, v55;
	_ =	sdelay $0x1  }
0xc4: {  	[tilespmem:s17+$0xFFFFFF90] =	vst v19;
	v19 =	vld [tilespmem:s17+$0xFFFFFFA0];
	_ =	sdelay $0x4  }
0xc5: {  	v19 =	vmul.f32 v19, v55;
	_ =	sdelay $0x1  }
0xc6: {  	[tilespmem:s17+$0xFFFFFFA0] =	vst v19;
	v19 =	vld [tilespmem:s17+$0xFFFFFFB0];
	_ =	sdelay $0x4  }
0xc7: {  	v19 =	vmul.f32 v19, v55;
	_ =	sdelay $0x1  }
0xc8: {  	[tilespmem:s17+$0xFFFFFFB0] =	vst v19;
	v19 =	vld [tilespmem:s17+$0xFFFFFFC0];
	_ =	sdelay $0x2  }
0xc9: {  	v56 =	vperm.xlane v18, v8;
	_ =	sdelay $0x1  }
0xca: {  	v19 =	vmul.f32 v19, v56;
	_ =	sdelay $0x1  }
0xcb: {  	[tilespmem:s17+$0xFFFFFFC0] =	vst v19;
	v19 =	vld [tilespmem:s17+$0xFFFFFFD0];
	_ =	sdelay $0x4  }
0xcc: {  	v19 =	vmul.f32 v19, v56;
	_ =	sdelay $0x1  }
0xcd: {  	[tilespmem:s17+$0xFFFFFFD0] =	vst v19;
	v19 =	vld [tilespmem:s17+$0xFFFFFFE0];
	_ =	sdelay $0x4  }
0xce: {  	v19 =	vmul.f32 v19, v56;
	_ =	sdelay $0x1  }
0xcf: {  	[tilespmem:s17+$0xFFFFFFE0] =	vst v19;
	v19 =	vld [tilespmem:s17+$0xFFFFFFF0];
	_ =	sdelay $0x4  }
0xd0: {  	v19 =	vmul.f32 v19, v56;
	_ =	sdelay $0x1  }
0xd1: {  	[tilespmem:s17+$0xFFFFFFF0] =	vst v19;
	v19 =	vld [tilespmem:s17+$0x0];
	_ =	sdelay $0x2  }
0xd2: {  	v57 =	vperm.xlane v18, v9;
	_ =	sdelay $0x1  }
0xd3: {  	v19 =	vmul.f32 v19, v57;
	_ =	sdelay $0x1  }
0xd4: {  	[tilespmem:s17+$0x0] =	vst v19;
	v19 =	vld [tilespmem:s17+$0x10];
	_ =	sdelay $0x4  }
0xd5: {  	v19 =	vmul.f32 v19, v57;
	_ =	sdelay $0x1  }
0xd6: {  	[tilespmem:s17+$0x10] =	vst v19;
	v19 =	vld [tilespmem:s17+$0x20];
	_ =	sdelay $0x4  }
0xd7: {  	v19 =	vmul.f32 v19, v57;
	_ =	sdelay $0x1  }
0xd8: {  	[tilespmem:s17+$0x20] =	vst v19;
	v19 =	vld [tilespmem:s17+$0x30];
	_ =	sdelay $0x4  }
0xd9: {  	v19 =	vmul.f32 v19, v57;
	_ =	sdelay $0x1  }
0xda: {  	[tilespmem:s17+$0x30] =	vst v19;
	v19 =	vld [tilespmem:s17+$0x40];
	_ =	sdelay $0x2  }
0xdb: {  	v58 =	vperm.xlane v18, v10;
	_ =	sdelay $0x1  }
0xdc: {  	v19 =	vmul.f32 v19, v58;
	_ =	sdelay $0x1  }
0xdd: {  	[tilespmem:s17+$0x40] =	vst v19;
	v19 =	vld [tilespmem:s17+$0x50];
	_ =	sdelay $0x4  }
0xde: {  	v19 =	vmul.f32 v19, v58;
	_ =	sdelay $0x1  }
0xdf: {  	[tilespmem:s17+$0x50] =	vst v19;
	v19 =	vld [tilespmem:s17+$0x60];
	_ =	sdelay $0x4  }
0xe0: {  	v19 =	vmul.f32 v19, v58;
	_ =	sdelay $0x1  }
0xe1: {  	[tilespmem:s17+$0x60] =	vst v19;
	v19 =	vld [tilespmem:s17+$0x70];
	_ =	sdelay $0x4  }
0xe2: {  	v19 =	vmul.f32 v19, v58;
	_ =	sdelay $0x1  }
0xe3: {  	[tilespmem:s17+$0x70] =	vst v19;
	v19 =	vld [tilespmem:s17+$0x80];
	_ =	sdelay $0x2  }
0xe4: {  	v59 =	vperm.xlane v18, v11;
	_ =	sdelay $0x1  }
0xe5: {  	v19 =	vmul.f32 v19, v59;
	_ =	sdelay $0x1  }
0xe6: {  	[tilespmem:s17+$0x80] =	vst v19;
	v19 =	vld [tilespmem:s17+$0x90];
	_ =	sdelay $0x4  }
0xe7: {  	v19 =	vmul.f32 v19, v59;
	_ =	sdelay $0x1  }
0xe8: {  	[tilespmem:s17+$0x90] =	vst v19;
	v19 =	vld [tilespmem:s17+$0xA0];
	_ =	sdelay $0x4  }
0xe9: {  	v19 =	vmul.f32 v19, v59;
	_ =	sdelay $0x1  }
0xea: {  	[tilespmem:s17+$0xA0] =	vst v19;
	v19 =	vld [tilespmem:s17+$0xB0];
	_ =	sdelay $0x4  }
0xeb: {  	v19 =	vmul.f32 v19, v59;
	_ =	sdelay $0x1  }
0xec: {  	[tilespmem:s17+$0xB0] =	vst v19;
	v19 =	vld [tilespmem:s17+$0xC0];
	_ =	sdelay $0x2  }
0xed: {  	v60 =	vperm.xlane v18, v12;
	_ =	sdelay $0x1  }
0xee: {  	v19 =	vmul.f32 v19, v60;
	_ =	sdelay $0x1  }
0xef: {  	[tilespmem:s17+$0xC0] =	vst v19;
	v19 =	vld [tilespmem:s17+$0xD0];
	_ =	sdelay $0x4  }
0xf0: {  	v19 =	vmul.f32 v19, v60;
	_ =	sdelay $0x1  }
0xf1: {  	[tilespmem:s17+$0xD0] =	vst v19;
	v19 =	vld [tilespmem:s17+$0xE0];
	_ =	sdelay $0x4  }
0xf2: {  	v19 =	vmul.f32 v19, v60;
	_ =	sdelay $0x1  }
0xf3: {  	[tilespmem:s17+$0xE0] =	vst v19;
	v19 =	vld [tilespmem:s17+$0xF0];
	_ =	sdelay $0x4  }
0xf4: {  	v19 =	vmul.f32 v19, v60;
	_ =	sdelay $0x1  }
0xf5: {  	[tilespmem:s17+$0xF0] =	vst v19;
	v19 =	vld [tilespmem:s17+$0x100];
	_ =	sdelay $0x2  }
0xf6: {  	v61 =	vperm.xlane v18, v13;
	_ =	sdelay $0x1  }
0xf7: {  	v19 =	vmul.f32 v19, v61;
	_ =	sdelay $0x1  }
0xf8: {  	[tilespmem:s17+$0x100] =	vst v19;
	v19 =	vld [tilespmem:s17+$0x110];
	_ =	sdelay $0x4  }
0xf9: {  	v19 =	vmul.f32 v19, v61;
	_ =	sdelay $0x1  }
0xfa: {  	[tilespmem:s17+$0x110] =	vst v19;
	v19 =	vld [tilespmem:s17+$0x120];
	_ =	sdelay $0x4  }
0xfb: {  	v19 =	vmul.f32 v19, v61;
	_ =	sdelay $0x1  }
0xfc: {  	[tilespmem:s17+$0x120] =	vst v19;
	v19 =	vld [tilespmem:s17+$0x130];
	_ =	sdelay $0x4  }
0xfd: {  	v19 =	vmul.f32 v19, v61;
	_ =	sdelay $0x1  }
0xfe: {  	[tilespmem:s17+$0x130] =	vst v19;
	v19 =	vld [tilespmem:s17+$0x140];
	_ =	sdelay $0x2  }
0xff: {  	v62 =	vperm.xlane v18, v14;
	_ =	sdelay $0x1  }
0x100: {  	v19 =	vmul.f32 v19, v62;
	_ =	sdelay $0x1  }
0x101: {  	[tilespmem:s17+$0x140] =	vst v19;
	v19 =	vld [tilespmem:s17+$0x150];
	_ =	sdelay $0x4  }
0x102: {  	v19 =	vmul.f32 v19, v62;
	_ =	sdelay $0x1  }
0x103: {  	[tilespmem:s17+$0x150] =	vst v19;
	v19 =	vld [tilespmem:s17+$0x160];
	_ =	sdelay $0x4  }
0x104: {  	v19 =	vmul.f32 v19, v62;
	_ =	sdelay $0x1  }
0x105: {  	[tilespmem:s17+$0x160] =	vst v19;
	v19 =	vld [tilespmem:s17+$0x170];
	_ =	sdelay $0x4  }
0x106: {  	v19 =	vmul.f32 v19, v62;
	_ =	sdelay $0x1  }
0x107: {  	[tilespmem:s17+$0x170] =	vst v19;
	v19 =	vld [tilespmem:s17+$0x180];
	_ =	sdelay $0x2  }
0x108: {  	v63 =	vperm.xlane v18, v15;
	_ =	sdelay $0x1  }
0x109: {  	v19 =	vmul.f32 v19, v63;
	_ =	sdelay $0x1  }
0x10a: {  	[tilespmem:s17+$0x180] =	vst v19;
	v19 =	vld [tilespmem:s17+$0x190];
	_ =	sdelay $0x4  }
0x10b: {  	v19 =	vmul.f32 v19, v63;
	_ =	sdelay $0x1  }
0x10c: {  	[tilespmem:s17+$0x190] =	vst v19;
	v19 =	vld [tilespmem:s17+$0x1A0];
	_ =	sdelay $0x4  }
0x10d: {  	v19 =	vmul.f32 v19, v63;
	_ =	sdelay $0x1  }
0x10e: {  	[tilespmem:s17+$0x1A0] =	vst v19;
	v19 =	vld [tilespmem:s17+$0x1B0];
	_ =	sdelay $0x4  }
0x10f: {  	v19 =	vmul.f32 v19, v63;
	_ =	sdelay $0x1  }
0x110: {  	[tilespmem:s17+$0x1B0] =	vst v19;
	v19 =	vld [tilespmem:s17+$0x1C0];
	_ =	sdelay $0x2  }
0x111: {  	v18 =	vperm.xlane v18, v16;
	_ =	sdelay $0x1  }
0x112: {  	v19 =	vmul.f32 v19, v18;
	_ =	sdelay $0x1  }
0x113: {  	[tilespmem:s17+$0x1C0] =	vst v19;
	v19 =	vld [tilespmem:s17+$0x1D0];
	_ =	sdelay $0x4  }
0x114: {  	v19 =	vmul.f32 v19, v18;
	_ =	sdelay $0x1  }
0x115: {  	[tilespmem:s17+$0x1D0] =	vst v19;
	v19 =	vld [tilespmem:s17+$0x1E0];
	_ =	sdelay $0x4  }
0x116: {  	v19 =	vmul.f32 v19, v18;
	_ =	sdelay $0x1  }
0x117: {  	[tilespmem:s17+$0x1E0] =	vst v19;
	v19 =	vld [tilespmem:s17+$0x1F0];
	_ =	sdelay $0x1  }
0x118: {  	p1 =	sne.s32 s13, $0x1C0  }
.Ltmp1:
0x119: {  	_ = 	snop;
	(pc) =	sbr.rel @p1 .LBB2_6-.Ltmp1, $3  }
0x11a: {  	_ = 	snop  }
0x11b: {  	v18 =	vmul.f32 v19, v18;
	_ =	sdelay $0x1  }
0x11c: {  	s13 =	sadd.s32 $0x40, s13;
	[tilespmem:s17+$0x1F0] =	vst v18;
	s17 =	sadd.s32 $0x400, s17  }
0x11d: {  	s11 =	sadd.s32 $0x1, s11  }
0x11e: {  	p1 =	sne.s32 s11, $0x9C  }
.Ltmp2:
0x11f: {  	_ = 	snop;
	(pc) =	sbr.rel @p1 .LBB2_5-.Ltmp2, $4  }
0x120: {  	[spmem:s6] =	stream.indirect.scatter.add.f32 [tilespmem:s7], [sflag:$0x2], $0x40, s29, s29, $0xb8;
	[tilespmem:$0x12190] =	vst v63  }
0x121: {  	_ =	swait.ge [sflag:s25], $0x2000  }
0x122: {  	[sflag:s25] =	ssyncset.done $0x0  }
0x123: {  	[sflag:s25] =	ssyncadd.s32 $0xFFFFE000  }
.Ltmp3:
0x124: {  	(pc) =	sbr.rel @p0 .LBB2_12-.Ltmp3, $1  }
0x125: {  	_ =	sdelay $0x3  }
0x126: {  	s11 =	simm.s32 $0x0;
	s13 =	rddreg [dreg:$0x12]  }
0x127: {  	[tilespmem:s11], [sflag:$0x2] =	stream.linear.gather [hbm4b:s13+s11], $0x80, $0x38;
	[tilespmem:$0x12190] =	vst v63  }
0x128: {  	_ =	swait.ge [sflag:s25], $0x80  }
0x129: {  	[sflag:s25] =	ssyncset.done $0x0  }
0x12a: {  	s17 =	rddreg [dreg:$0x13];
	[sflag:s25] =	ssyncadd.s32 $0xFFFFFF80  }
0x12b: {  	[tilespmem:s29], [sflag:$0x2] =	stream.linear.gather [hbm4b:s17+s11], $0x80, $0x38;
	[tilespmem:$0x12190] =	vst v63  }
0x12c: {  	_ =	swait.ge [sflag:s25], $0x80  }
0x12d: {  	[sflag:s25] =	ssyncset.done $0x0  }
0x12e: {  	s18 =	rddreg [dreg:$0x14];
	[sflag:s25] =	ssyncadd.s32 $0xFFFFFF80  }
0x12f: {  	[tilespmem:s4], [sflag:$0x2] =	stream.linear.gather [hbm4b:s18+s11], $0x80, $0x38;
	[tilespmem:$0x12190] =	vst v63  }
0x130: {  	_ =	swait.ge [sflag:s25], $0x80  }
0x131: {  	[sflag:s25] =	ssyncset.done $0x0  }
0x132: {  	[sflag:s25] =	ssyncadd.s32 $0xFFFFFF80  }
0x133: {  	[tilespmem:s7], [sflag:$0x1] =	stream.indirect.gather [hbm4b:s8+s29], $0x40, s11, s29, $0xb8;
	[tilespmem:$0x12190] =	vst v63  }
0x134: {  	_ =	swait.ge [sflag:s31], $0x2000  }
0x135: {  	[sflag:s31] =	ssyncset.done $0x0  }
0x136: {  	s13 =	simm.s32 $0x380;
	[sflag:s31] =	ssyncadd.s32 $0xFFFFE000  }
.LBB2_10:
0x137: {  	s17 =	sshra.s32 s11, $0x2  }
0x138: {  	v18 =	vld [tilespmem:s17+$0x100];
	_ =	sdelay $0x1  }
0x139: {  	v19 =	vld [tilespmem:s13+$0xFFFFFE00];
	_ =	sdelay $0x2  }
0x13a: {  	v20 =	vperm.xlane v18, v1;
	_ =	sdelay $0x1  }
0x13b: {  	v19 =	vmul.f32 v19, v20;
	_ =	sdelay $0x1  }
0x13c: {  	[tilespmem:s13+$0xFFFFFE00] =	vst v19;
	v19 =	vld [tilespmem:s13+$0xFFFFFE10];
	_ =	sdelay $0x4  }
0x13d: {  	v19 =	vmul.f32 v19, v20;
	_ =	sdelay $0x1  }
0x13e: {  	[tilespmem:s13+$0xFFFFFE10] =	vst v19;
	v19 =	vld [tilespmem:s13+$0xFFFFFE20];
	_ =	sdelay $0x4  }
0x13f: {  	v19 =	vmul.f32 v19, v20;
	_ =	sdelay $0x1  }
0x140: {  	[tilespmem:s13+$0xFFFFFE20] =	vst v19;
	v19 =	vld [tilespmem:s13+$0xFFFFFE30];
	_ =	sdelay $0x4  }
0x141: {  	v19 =	vmul.f32 v19, v20;
	_ =	sdelay $0x1  }
0x142: {  	[tilespmem:s13+$0xFFFFFE30] =	vst v19;
	v19 =	vld [tilespmem:s13+$0xFFFFFE40];
	_ =	sdelay $0x2  }
0x143: {  	v50 =	vperm.xlane v18, v2;
	_ =	sdelay $0x1  }
0x144: {  	v19 =	vmul.f32 v19, v50;
	_ =	sdelay $0x1  }
0x145: {  	[tilespmem:s13+$0xFFFFFE40] =	vst v19;
	v19 =	vld [tilespmem:s13+$0xFFFFFE50];
	_ =	sdelay $0x4  }
0x146: {  	v19 =	vmul.f32 v19, v50;
	_ =	sdelay $0x1  }
0x147: {  	[tilespmem:s13+$0xFFFFFE50] =	vst v19;
	v19 =	vld [tilespmem:s13+$0xFFFFFE60];
	_ =	sdelay $0x4  }
0x148: {  	v19 =	vmul.f32 v19, v50;
	_ =	sdelay $0x1  }
0x149: {  	[tilespmem:s13+$0xFFFFFE60] =	vst v19;
	v19 =	vld [tilespmem:s13+$0xFFFFFE70];
	_ =	sdelay $0x4  }
0x14a: {  	v19 =	vmul.f32 v19, v50;
	_ =	sdelay $0x1  }
0x14b: {  	[tilespmem:s13+$0xFFFFFE70] =	vst v19;
	v19 =	vld [tilespmem:s13+$0xFFFFFE80];
	_ =	sdelay $0x2  }
0x14c: {  	v51 =	vperm.xlane v18, v3;
	_ =	sdelay $0x1  }
0x14d: {  	v19 =	vmul.f32 v19, v51;
	_ =	sdelay $0x1  }
0x14e: {  	[tilespmem:s13+$0xFFFFFE80] =	vst v19;
	v19 =	vld [tilespmem:s13+$0xFFFFFE90];
	_ =	sdelay $0x4  }
0x14f: {  	v19 =	vmul.f32 v19, v51;
	_ =	sdelay $0x1  }
0x150: {  	[tilespmem:s13+$0xFFFFFE90] =	vst v19;
	v19 =	vld [tilespmem:s13+$0xFFFFFEA0];
	_ =	sdelay $0x4  }
0x151: {  	v19 =	vmul.f32 v19, v51;
	_ =	sdelay $0x1  }
0x152: {  	[tilespmem:s13+$0xFFFFFEA0] =	vst v19;
	v19 =	vld [tilespmem:s13+$0xFFFFFEB0];
	_ =	sdelay $0x4  }
0x153: {  	v19 =	vmul.f32 v19, v51;
	_ =	sdelay $0x1  }
0x154: {  	[tilespmem:s13+$0xFFFFFEB0] =	vst v19;
	v19 =	vld [tilespmem:s13+$0xFFFFFEC0];
	_ =	sdelay $0x2  }
0x155: {  	v52 =	vperm.xlane v18, v4;
	_ =	sdelay $0x1  }
0x156: {  	v19 =	vmul.f32 v19, v52;
	_ =	sdelay $0x1  }
0x157: {  	[tilespmem:s13+$0xFFFFFEC0] =	vst v19;
	v19 =	vld [tilespmem:s13+$0xFFFFFED0];
	_ =	sdelay $0x4  }
0x158: {  	v19 =	vmul.f32 v19, v52;
	_ =	sdelay $0x1  }
0x159: {  	[tilespmem:s13+$0xFFFFFED0] =	vst v19;
	v19 =	vld [tilespmem:s13+$0xFFFFFEE0];
	_ =	sdelay $0x4  }
0x15a: {  	v19 =	vmul.f32 v19, v52;
	_ =	sdelay $0x1  }
0x15b: {  	[tilespmem:s13+$0xFFFFFEE0] =	vst v19;
	v19 =	vld [tilespmem:s13+$0xFFFFFEF0];
	_ =	sdelay $0x4  }
0x15c: {  	v19 =	vmul.f32 v19, v52;
	_ =	sdelay $0x1  }
0x15d: {  	[tilespmem:s13+$0xFFFFFEF0] =	vst v19;
	v19 =	vld [tilespmem:s13+$0xFFFFFF00];
	_ =	sdelay $0x2  }
0x15e: {  	v53 =	vperm.xlane v18, v5;
	_ =	sdelay $0x1  }
0x15f: {  	v19 =	vmul.f32 v19, v53;
	_ =	sdelay $0x1  }
0x160: {  	[tilespmem:s13+$0xFFFFFF00] =	vst v19;
	v19 =	vld [tilespmem:s13+$0xFFFFFF10];
	_ =	sdelay $0x4  }
0x161: {  	v19 =	vmul.f32 v19, v53;
	_ =	sdelay $0x1  }
0x162: {  	[tilespmem:s13+$0xFFFFFF10] =	vst v19;
	v19 =	vld [tilespmem:s13+$0xFFFFFF20];
	_ =	sdelay $0x4  }
0x163: {  	v19 =	vmul.f32 v19, v53;
	_ =	sdelay $0x1  }
0x164: {  	[tilespmem:s13+$0xFFFFFF20] =	vst v19;
	v19 =	vld [tilespmem:s13+$0xFFFFFF30];
	_ =	sdelay $0x4  }
0x165: {  	v19 =	vmul.f32 v19, v53;
	_ =	sdelay $0x1  }
0x166: {  	[tilespmem:s13+$0xFFFFFF30] =	vst v19;
	v19 =	vld [tilespmem:s13+$0xFFFFFF40];
	_ =	sdelay $0x2  }
0x167: {  	v54 =	vperm.xlane v18, v6;
	_ =	sdelay $0x1  }
0x168: {  	v19 =	vmul.f32 v19, v54;
	_ =	sdelay $0x1  }
0x169: {  	[tilespmem:s13+$0xFFFFFF40] =	vst v19;
	v19 =	vld [tilespmem:s13+$0xFFFFFF50];
	_ =	sdelay $0x4  }
0x16a: {  	v19 =	vmul.f32 v19, v54;
	_ =	sdelay $0x1  }
0x16b: {  	[tilespmem:s13+$0xFFFFFF50] =	vst v19;
	v19 =	vld [tilespmem:s13+$0xFFFFFF60];
	_ =	sdelay $0x4  }
0x16c: {  	v19 =	vmul.f32 v19, v54;
	_ =	sdelay $0x1  }
0x16d: {  	[tilespmem:s13+$0xFFFFFF60] =	vst v19;
	v19 =	vld [tilespmem:s13+$0xFFFFFF70];
	_ =	sdelay $0x4  }
0x16e: {  	v19 =	vmul.f32 v19, v54;
	_ =	sdelay $0x1  }
0x16f: {  	[tilespmem:s13+$0xFFFFFF70] =	vst v19;
	v19 =	vld [tilespmem:s13+$0xFFFFFF80];
	_ =	sdelay $0x2  }
0x170: {  	v55 =	vperm.xlane v18, v7;
	_ =	sdelay $0x1  }
0x171: {  	v19 =	vmul.f32 v19, v55;
	_ =	sdelay $0x1  }
0x172: {  	[tilespmem:s13+$0xFFFFFF80] =	vst v19;
	v19 =	vld [tilespmem:s13+$0xFFFFFF90];
	_ =	sdelay $0x4  }
0x173: {  	v19 =	vmul.f32 v19, v55;
	_ =	sdelay $0x1  }
0x174: {  	[tilespmem:s13+$0xFFFFFF90] =	vst v19;
	v19 =	vld [tilespmem:s13+$0xFFFFFFA0];
	_ =	sdelay $0x4  }
0x175: {  	v19 =	vmul.f32 v19, v55;
	_ =	sdelay $0x1  }
0x176: {  	[tilespmem:s13+$0xFFFFFFA0] =	vst v19;
	v19 =	vld [tilespmem:s13+$0xFFFFFFB0];
	_ =	sdelay $0x4  }
0x177: {  	v19 =	vmul.f32 v19, v55;
	_ =	sdelay $0x1  }
0x178: {  	[tilespmem:s13+$0xFFFFFFB0] =	vst v19;
	v19 =	vld [tilespmem:s13+$0xFFFFFFC0];
	_ =	sdelay $0x2  }
0x179: {  	v56 =	vperm.xlane v18, v8;
	_ =	sdelay $0x1  }
0x17a: {  	v19 =	vmul.f32 v19, v56;
	_ =	sdelay $0x1  }
0x17b: {  	[tilespmem:s13+$0xFFFFFFC0] =	vst v19;
	v19 =	vld [tilespmem:s13+$0xFFFFFFD0];
	_ =	sdelay $0x4  }
0x17c: {  	v19 =	vmul.f32 v19, v56;
	_ =	sdelay $0x1  }
0x17d: {  	[tilespmem:s13+$0xFFFFFFD0] =	vst v19;
	v19 =	vld [tilespmem:s13+$0xFFFFFFE0];
	_ =	sdelay $0x4  }
0x17e: {  	v19 =	vmul.f32 v19, v56;
	_ =	sdelay $0x1  }
0x17f: {  	[tilespmem:s13+$0xFFFFFFE0] =	vst v19;
	v19 =	vld [tilespmem:s13+$0xFFFFFFF0];
	_ =	sdelay $0x4  }
0x180: {  	v19 =	vmul.f32 v19, v56;
	_ =	sdelay $0x1  }
0x181: {  	[tilespmem:s13+$0xFFFFFFF0] =	vst v19;
	v19 =	vld [tilespmem:s13+$0x0];
	_ =	sdelay $0x2  }
0x182: {  	v57 =	vperm.xlane v18, v9;
	_ =	sdelay $0x1  }
0x183: {  	v19 =	vmul.f32 v19, v57;
	_ =	sdelay $0x1  }
0x184: {  	[tilespmem:s13+$0x0] =	vst v19;
	v19 =	vld [tilespmem:s13+$0x10];
	_ =	sdelay $0x4  }
0x185: {  	v19 =	vmul.f32 v19, v57;
	_ =	sdelay $0x1  }
0x186: {  	[tilespmem:s13+$0x10] =	vst v19;
	v19 =	vld [tilespmem:s13+$0x20];
	_ =	sdelay $0x4  }
0x187: {  	v19 =	vmul.f32 v19, v57;
	_ =	sdelay $0x1  }
0x188: {  	[tilespmem:s13+$0x20] =	vst v19;
	v19 =	vld [tilespmem:s13+$0x30];
	_ =	sdelay $0x4  }
0x189: {  	v19 =	vmul.f32 v19, v57;
	_ =	sdelay $0x1  }
0x18a: {  	[tilespmem:s13+$0x30] =	vst v19;
	v19 =	vld [tilespmem:s13+$0x40];
	_ =	sdelay $0x2  }
0x18b: {  	v58 =	vperm.xlane v18, v10;
	_ =	sdelay $0x1  }
0x18c: {  	v19 =	vmul.f32 v19, v58;
	_ =	sdelay $0x1  }
0x18d: {  	[tilespmem:s13+$0x40] =	vst v19;
	v19 =	vld [tilespmem:s13+$0x50];
	_ =	sdelay $0x4  }
0x18e: {  	v19 =	vmul.f32 v19, v58;
	_ =	sdelay $0x1  }
0x18f: {  	[tilespmem:s13+$0x50] =	vst v19;
	v19 =	vld [tilespmem:s13+$0x60];
	_ =	sdelay $0x4  }
0x190: {  	v19 =	vmul.f32 v19, v58;
	_ =	sdelay $0x1  }
0x191: {  	[tilespmem:s13+$0x60] =	vst v19;
	v19 =	vld [tilespmem:s13+$0x70];
	_ =	sdelay $0x4  }
0x192: {  	v19 =	vmul.f32 v19, v58;
	_ =	sdelay $0x1  }
0x193: {  	[tilespmem:s13+$0x70] =	vst v19;
	v19 =	vld [tilespmem:s13+$0x80];
	_ =	sdelay $0x2  }
0x194: {  	v59 =	vperm.xlane v18, v11;
	_ =	sdelay $0x1  }
0x195: {  	v19 =	vmul.f32 v19, v59;
	_ =	sdelay $0x1  }
0x196: {  	[tilespmem:s13+$0x80] =	vst v19;
	v19 =	vld [tilespmem:s13+$0x90];
	_ =	sdelay $0x4  }
0x197: {  	v19 =	vmul.f32 v19, v59;
	_ =	sdelay $0x1  }
0x198: {  	[tilespmem:s13+$0x90] =	vst v19;
	v19 =	vld [tilespmem:s13+$0xA0];
	_ =	sdelay $0x4  }
0x199: {  	v19 =	vmul.f32 v19, v59;
	_ =	sdelay $0x1  }
0x19a: {  	[tilespmem:s13+$0xA0] =	vst v19;
	v19 =	vld [tilespmem:s13+$0xB0];
	_ =	sdelay $0x4  }
0x19b: {  	v19 =	vmul.f32 v19, v59;
	_ =	sdelay $0x1  }
0x19c: {  	[tilespmem:s13+$0xB0] =	vst v19;
	v19 =	vld [tilespmem:s13+$0xC0];
	_ =	sdelay $0x2  }
0x19d: {  	v60 =	vperm.xlane v18, v12;
	_ =	sdelay $0x1  }
0x19e: {  	v19 =	vmul.f32 v19, v60;
	_ =	sdelay $0x1  }
0x19f: {  	[tilespmem:s13+$0xC0] =	vst v19;
	v19 =	vld [tilespmem:s13+$0xD0];
	_ =	sdelay $0x4  }
0x1a0: {  	v19 =	vmul.f32 v19, v60;
	_ =	sdelay $0x1  }
0x1a1: {  	[tilespmem:s13+$0xD0] =	vst v19;
	v19 =	vld [tilespmem:s13+$0xE0];
	_ =	sdelay $0x4  }
0x1a2: {  	v19 =	vmul.f32 v19, v60;
	_ =	sdelay $0x1  }
0x1a3: {  	[tilespmem:s13+$0xE0] =	vst v19;
	v19 =	vld [tilespmem:s13+$0xF0];
	_ =	sdelay $0x4  }
0x1a4: {  	v19 =	vmul.f32 v19, v60;
	_ =	sdelay $0x1  }
0x1a5: {  	[tilespmem:s13+$0xF0] =	vst v19;
	v19 =	vld [tilespmem:s13+$0x100];
	_ =	sdelay $0x2  }
0x1a6: {  	v61 =	vperm.xlane v18, v13;
	_ =	sdelay $0x1  }
0x1a7: {  	v19 =	vmul.f32 v19, v61;
	_ =	sdelay $0x1  }
0x1a8: {  	[tilespmem:s13+$0x100] =	vst v19;
	v19 =	vld [tilespmem:s13+$0x110];
	_ =	sdelay $0x4  }
0x1a9: {  	v19 =	vmul.f32 v19, v61;
	_ =	sdelay $0x1  }
0x1aa: {  	[tilespmem:s13+$0x110] =	vst v19;
	v19 =	vld [tilespmem:s13+$0x120];
	_ =	sdelay $0x4  }
0x1ab: {  	v19 =	vmul.f32 v19, v61;
	_ =	sdelay $0x1  }
0x1ac: {  	[tilespmem:s13+$0x120] =	vst v19;
	v19 =	vld [tilespmem:s13+$0x130];
	_ =	sdelay $0x4  }
0x1ad: {  	v19 =	vmul.f32 v19, v61;
	_ =	sdelay $0x1  }
0x1ae: {  	[tilespmem:s13+$0x130] =	vst v19;
	v19 =	vld [tilespmem:s13+$0x140];
	_ =	sdelay $0x2  }
0x1af: {  	v62 =	vperm.xlane v18, v14;
	_ =	sdelay $0x1  }
0x1b0: {  	v19 =	vmul.f32 v19, v62;
	_ =	sdelay $0x1  }
0x1b1: {  	[tilespmem:s13+$0x140] =	vst v19;
	v19 =	vld [tilespmem:s13+$0x150];
	_ =	sdelay $0x4  }
0x1b2: {  	v19 =	vmul.f32 v19, v62;
	_ =	sdelay $0x1  }
0x1b3: {  	[tilespmem:s13+$0x150] =	vst v19;
	v19 =	vld [tilespmem:s13+$0x160];
	_ =	sdelay $0x4  }
0x1b4: {  	v19 =	vmul.f32 v19, v62;
	_ =	sdelay $0x1  }
0x1b5: {  	[tilespmem:s13+$0x160] =	vst v19;
	v19 =	vld [tilespmem:s13+$0x170];
	_ =	sdelay $0x4  }
0x1b6: {  	v19 =	vmul.f32 v19, v62;
	_ =	sdelay $0x1  }
0x1b7: {  	[tilespmem:s13+$0x170] =	vst v19;
	v19 =	vld [tilespmem:s13+$0x180];
	_ =	sdelay $0x2  }
0x1b8: {  	v63 =	vperm.xlane v18, v15;
	_ =	sdelay $0x1  }
0x1b9: {  	v19 =	vmul.f32 v19, v63;
	_ =	sdelay $0x1  }
0x1ba: {  	[tilespmem:s13+$0x180] =	vst v19;
	v19 =	vld [tilespmem:s13+$0x190];
	_ =	sdelay $0x4  }
0x1bb: {  	v19 =	vmul.f32 v19, v63;
	_ =	sdelay $0x1  }
0x1bc: {  	[tilespmem:s13+$0x190] =	vst v19;
	v19 =	vld [tilespmem:s13+$0x1A0];
	_ =	sdelay $0x4  }
0x1bd: {  	v19 =	vmul.f32 v19, v63;
	_ =	sdelay $0x1  }
0x1be: {  	[tilespmem:s13+$0x1A0] =	vst v19;
	v19 =	vld [tilespmem:s13+$0x1B0];
	_ =	sdelay $0x4  }
0x1bf: {  	v19 =	vmul.f32 v19, v63;
	_ =	sdelay $0x1  }
0x1c0: {  	[tilespmem:s13+$0x1B0] =	vst v19;
	v19 =	vld [tilespmem:s13+$0x1C0];
	_ =	sdelay $0x2  }
0x1c1: {  	v18 =	vperm.xlane v18, v16;
	_ =	sdelay $0x1  }
0x1c2: {  	v19 =	vmul.f32 v19, v18;
	_ =	sdelay $0x1  }
0x1c3: {  	[tilespmem:s13+$0x1C0] =	vst v19;
	v19 =	vld [tilespmem:s13+$0x1D0];
	_ =	sdelay $0x4  }
0x1c4: {  	v19 =	vmul.f32 v19, v18;
	_ =	sdelay $0x1  }
0x1c5: {  	[tilespmem:s13+$0x1D0] =	vst v19;
	v19 =	vld [tilespmem:s13+$0x1E0];
	_ =	sdelay $0x4  }
0x1c6: {  	v19 =	vmul.f32 v19, v18;
	_ =	sdelay $0x1  }
0x1c7: {  	[tilespmem:s13+$0x1E0] =	vst v19;
	v19 =	vld [tilespmem:s13+$0x1F0];
	_ =	sdelay $0x1  }
0x1c8: {  	p1 =	sne.s32 s11, $0x1C0  }
.Ltmp4:
0x1c9: {  	_ = 	snop;
	(pc) =	sbr.rel @p1 .LBB2_10-.Ltmp4, $3  }
0x1ca: {  	_ = 	snop  }
0x1cb: {  	v18 =	vmul.f32 v19, v18;
	_ =	sdelay $0x1  }
0x1cc: {  	s11 =	sadd.s32 $0x40, s11;
	[tilespmem:s13+$0x1F0] =	vst v18;
	s13 =	sadd.s32 $0x400, s13  }
0x1cd: {  	[spmem:s6] =	stream.indirect.scatter.add.f32 [tilespmem:s7], [sflag:$0x2], $0x40, s29, s29, $0xb8;
	[tilespmem:$0x12190] =	vst v63  }
0x1ce: {  	_ =	swait.ge [sflag:s25], $0x2000  }
0x1cf: {  	[sflag:s25] =	ssyncset.done $0x0  }
0x1d0: {  	[sflag:s25] =	ssyncadd.s32 $0xFFFFE000  }
.LBB2_12:
0x1d1: {  	[bflag:$0x0] =	sbarrier.arrive $0xFFFF  }
0x1d2: {  	[tilespmem:s1], [sflag:$0x2] =	stream.linear.gather [spmem:s10], $0x2000, $0x38;
	[tilespmem:$0x12190] =	vst v63  }
0x1d3: {  	_ =	swait.ge [sflag:s25], $0x2000  }
0x1d4: {  	[sflag:s25] =	ssyncset.done $0x0  }
0x1d5: {  	s11 =	simm.s32 $0x0;
	s13 =	rddreg [dreg:$0x9];
	[sflag:s25] =	ssyncadd.s32 $0xFFFFE000  }
0x1d6: {  	[tilespmem:s28], [sflag:$0x2] =	stream.linear.gather [hbm4b:s13+s11], $0x2000, $0x38;
	[tilespmem:$0x12190] =	vst v63  }
0x1d7: {  	_ =	swait.ge [sflag:s25], $0x2000  }
0x1d8: {  	[sflag:s25] =	ssyncset.done $0x0  }
0x1d9: {  	[sflag:s25] =	ssyncadd.s32 $0xFFFFE000  }
0x1da: {  	[spmem:s10] =	stream.linear.scatter [tilespmem:s23], [sflag:$0x2], $0x2000, $0x38;
	[tilespmem:$0x12190] =	vst v63  }
0x1db: {  	_ =	swait.ge [sflag:s25], $0x2000  }
0x1dc: {  	[sflag:s25] =	ssyncset.done $0x0  }
0x1dd: {  	s11 =	simm.s32 $0x0;
	[sflag:s25] =	ssyncadd.s32 $0xFFFFE000  }
0x1de: {  	v21 =	vld [tilespmem:s11+$0x4180]  }
0x1df: {  	v20 =	vld [tilespmem:s11+$0x4190]  }
0x1e0: {  	v19 =	vld [tilespmem:s11+$0x41A0]  }
0x1e1: {  	v18 =	vld [tilespmem:s11+$0x41B0]  }
0x1e2: {  	v24 =	vld [tilespmem:s11+$0x2180]  }
0x1e3: {  	v23 =	vld [tilespmem:s11+$0x2190]  }
0x1e4: {  	s13 =	simm.s32 $0x100;
	v22 =	vld [tilespmem:s11+$0x21A0]  }
.LBB2_13:
0x1e5: {  	p1 =	sne.s32 s13, $0x7F00;
	v25 =	vld [tilespmem:s11+$0x21B0];
	_ =	sdelay $0x1  }
0x1e6: {  	s17 =	sshra.s32 s13, $0x2;
	v26 =	vmul.f32 $1.000000010e-01, v21;
	v24 =	vmul.f32 $8.999999760e-01, v24  }
0x1e7: {  	v27 =	vmul.f32 $1.000000010e-01, v20;
	v21 =	vld [tilespmem:s17+$0x4180];
	v23 =	vmul.f32 $8.999999760e-01, v23  }
0x1e8: {  	v20 =	vld [tilespmem:s17+$0x4190];
	v24 =	vadd.f32 v26, v24;
	v22 =	vmul.f32 $8.999999760e-01, v22;
	v26 =	vmul.f32 $1.000000010e-01, v19  }
.Ltmp5:
0x1e9: {  	v19 =	vld [tilespmem:s17+$0x41A0];
	v23 =	vadd.f32 v27, v23;
	v25 =	vmul.f32 $8.999999760e-01, v25;
	v27 =	vmul.f32 $1.000000010e-01, v18;
	(pc) =	sbr.rel @p1 .LBB2_13-.Ltmp5, $4  }
0x1ea: {  	v18 =	vld [tilespmem:s17+$0x41B0];
	[tilespmem:s11+$0x2180] =	vst v24;
	v22 =	vadd.f32 v26, v22  }
0x1eb: {  	v24 =	vld [tilespmem:s17+$0x2180];
	[tilespmem:s11+$0x2190] =	vst v23;
	v25 =	vadd.f32 v27, v25  }
0x1ec: {  	v23 =	vld [tilespmem:s17+$0x2190];
	[tilespmem:s11+$0x21A0] =	vst v22  }
0x1ed: {  	s13 =	sadd.s32 $0x100, s13;
	v22 =	vld [tilespmem:s17+$0x21A0];
	[tilespmem:s11+$0x21B0] =	vst v25;
	s11 =	smov.u32 s17  }
0x1ee: {  	v25 =	vld [tilespmem:s11+$0x21B0];
	_ =	sdelay $0x1  }
0x1ef: {  	v21 =	vmul.f32 $1.000000010e-01, v21;
	v24 =	vmul.f32 $8.999999760e-01, v24  }
0x1f0: {  	v20 =	vmul.f32 $1.000000010e-01, v20;
	v23 =	vmul.f32 $8.999999760e-01, v23  }
0x1f1: {  	v19 =	vmul.f32 $1.000000010e-01, v19;
	v21 =	vadd.f32 v21, v24;
	v22 =	vmul.f32 $8.999999760e-01, v22  }
0x1f2: {  	v18 =	vmul.f32 $1.000000010e-01, v18;
	v20 =	vadd.f32 v20, v23;
	v23 =	vmul.f32 $8.999999760e-01, v25  }
0x1f3: {  	[tilespmem:s11+$0x2180] =	vst v21;
	v19 =	vadd.f32 v19, v22  }
0x1f4: {  	[tilespmem:s11+$0x2190] =	vst v20;
	v18 =	vadd.f32 v18, v23  }
0x1f5: {  	[tilespmem:s11+$0x21A0] =	vst v19  }
0x1f6: {  	s18 =	simm.s32 $0x0;
	[tilespmem:s11+$0x21B0] =	vst v18  }
0x1f7: {  	[hbm4b:s20+s18] =	stream.linear.scatter [tilespmem:s1], [sflag:$0x2], $0x2000, $0x38;
	[tilespmem:$0x12190] =	vst v63  }
0x1f8: {  	_ =	swait.ge [sflag:s25], $0x2000  }
0x1f9: {  	[sflag:s25] =	ssyncset.done $0x0  }
0x1fa: {  	[sflag:s25] =	ssyncadd.s32 $0xFFFFE000  }
0x1fb: {  	[tilespmem:s1], [sflag:$0x2] =	stream.linear.gather [spmem:s12], $0x2000, $0x38;
	[tilespmem:$0x12190] =	vst v63  }
0x1fc: {  	_ =	swait.ge [sflag:s25], $0x2000  }
0x1fd: {  	[sflag:s25] =	ssyncset.done $0x0  }
0x1fe: {  	s13 =	rddreg [dreg:$0xa];
	[sflag:s25] =	ssyncadd.s32 $0xFFFFE000  }
0x1ff: {  	[tilespmem:s28], [sflag:$0x2] =	stream.linear.gather [hbm4b:s13+s18], $0x2000, $0x38;
	[tilespmem:$0x12190] =	vst v63  }
0x200: {  	_ =	swait.ge [sflag:s25], $0x2000  }
0x201: {  	[sflag:s25] =	ssyncset.done $0x0  }
0x202: {  	[sflag:s25] =	ssyncadd.s32 $0xFFFFE000  }
0x203: {  	[spmem:s12] =	stream.linear.scatter [tilespmem:s23], [sflag:$0x2], $0x2000, $0x38;
	[tilespmem:$0x12190] =	vst v63  }
0x204: {  	_ =	swait.ge [sflag:s25], $0x2000  }
0x205: {  	[sflag:s25] =	ssyncset.done $0x0  }
0x206: {  	s11 =	simm.s32 $0x0;
	[sflag:s25] =	ssyncadd.s32 $0xFFFFE000  }
0x207: {  	v21 =	vld [tilespmem:s11+$0x4180]  }
0x208: {  	v20 =	vld [tilespmem:s11+$0x4190]  }
0x209: {  	v19 =	vld [tilespmem:s11+$0x41A0]  }
0x20a: {  	v18 =	vld [tilespmem:s11+$0x41B0]  }
0x20b: {  	v24 =	vld [tilespmem:s11+$0x2180]  }
0x20c: {  	v23 =	vld [tilespmem:s11+$0x2190]  }
0x20d: {  	s13 =	simm.s32 $0x100;
	v22 =	vld [tilespmem:s11+$0x21A0]  }
.LBB2_15:
0x20e: {  	p1 =	sne.s32 s13, $0x7F00;
	v25 =	vld [tilespmem:s11+$0x21B0];
	_ =	sdelay $0x1  }
0x20f: {  	s17 =	sshra.s32 s13, $0x2;
	v26 =	vmul.f32 $1.000000010e-01, v21;
	v24 =	vmul.f32 $8.999999760e-01, v24  }
0x210: {  	v27 =	vmul.f32 $1.000000010e-01, v20;
	v21 =	vld [tilespmem:s17+$0x4180];
	v23 =	vmul.f32 $8.999999760e-01, v23  }
0x211: {  	v20 =	vld [tilespmem:s17+$0x4190];
	v24 =	vadd.f32 v26, v24;
	v22 =	vmul.f32 $8.999999760e-01, v22;
	v26 =	vmul.f32 $1.000000010e-01, v19  }
.Ltmp6:
0x212: {  	v19 =	vld [tilespmem:s17+$0x41A0];
	v23 =	vadd.f32 v27, v23;
	v25 =	vmul.f32 $8.999999760e-01, v25;
	v27 =	vmul.f32 $1.000000010e-01, v18;
	(pc) =	sbr.rel @p1 .LBB2_15-.Ltmp6, $4  }
0x213: {  	v18 =	vld [tilespmem:s17+$0x41B0];
	[tilespmem:s11+$0x2180] =	vst v24;
	v22 =	vadd.f32 v26, v22  }
0x214: {  	v24 =	vld [tilespmem:s17+$0x2180];
	[tilespmem:s11+$0x2190] =	vst v23;
	v25 =	vadd.f32 v27, v25  }
0x215: {  	v23 =	vld [tilespmem:s17+$0x2190];
	[tilespmem:s11+$0x21A0] =	vst v22  }
0x216: {  	s13 =	sadd.s32 $0x100, s13;
	v22 =	vld [tilespmem:s17+$0x21A0];
	[tilespmem:s11+$0x21B0] =	vst v25;
	s11 =	smov.u32 s17  }
0x217: {  	v25 =	vld [tilespmem:s11+$0x21B0];
	_ =	sdelay $0x1  }
0x218: {  	v21 =	vmul.f32 $1.000000010e-01, v21;
	v24 =	vmul.f32 $8.999999760e-01, v24  }
0x219: {  	v20 =	vmul.f32 $1.000000010e-01, v20;
	v23 =	vmul.f32 $8.999999760e-01, v23  }
0x21a: {  	v19 =	vmul.f32 $1.000000010e-01, v19;
	v21 =	vadd.f32 v21, v24;
	v22 =	vmul.f32 $8.999999760e-01, v22  }
0x21b: {  	v18 =	vmul.f32 $1.000000010e-01, v18;
	v20 =	vadd.f32 v20, v23;
	v23 =	vmul.f32 $8.999999760e-01, v25  }
0x21c: {  	[tilespmem:s11+$0x2180] =	vst v21;
	v19 =	vadd.f32 v19, v22  }
0x21d: {  	[tilespmem:s11+$0x2190] =	vst v20;
	v18 =	vadd.f32 v18, v23  }
0x21e: {  	[tilespmem:s11+$0x21A0] =	vst v19  }
0x21f: {  	s18 =	simm.s32 $0x0;
	[tilespmem:s11+$0x21B0] =	vst v18  }
0x220: {  	[hbm4b:s22+s18] =	stream.linear.scatter [tilespmem:s1], [sflag:$0x2], $0x2000, $0x38;
	[tilespmem:$0x12190] =	vst v63  }
0x221: {  	_ =	swait.ge [sflag:s25], $0x2000  }
0x222: {  	[sflag:s25] =	ssyncset.done $0x0  }
0x223: {  	[sflag:s25] =	ssyncadd.s32 $0xFFFFE000  }
0x224: {  	[tilespmem:s1], [sflag:$0x2] =	stream.linear.gather [spmem:s14], $0x2000, $0x38;
	[tilespmem:$0x12190] =	vst v63  }
0x225: {  	_ =	swait.ge [sflag:s25], $0x2000  }
0x226: {  	[sflag:s25] =	ssyncset.done $0x0  }
0x227: {  	s13 =	rddreg [dreg:$0xb];
	[sflag:s25] =	ssyncadd.s32 $0xFFFFE000  }
0x228: {  	[tilespmem:s28], [sflag:$0x2] =	stream.linear.gather [hbm4b:s13+s18], $0x2000, $0x38;
	[tilespmem:$0x12190] =	vst v63  }
0x229: {  	_ =	swait.ge [sflag:s25], $0x2000  }
0x22a: {  	[sflag:s25] =	ssyncset.done $0x0  }
0x22b: {  	[sflag:s25] =	ssyncadd.s32 $0xFFFFE000  }
0x22c: {  	[spmem:s14] =	stream.linear.scatter [tilespmem:s23], [sflag:$0x2], $0x2000, $0x38;
	[tilespmem:$0x12190] =	vst v63  }
0x22d: {  	_ =	swait.ge [sflag:s25], $0x2000  }
0x22e: {  	[sflag:s25] =	ssyncset.done $0x0  }
0x22f: {  	s11 =	simm.s32 $0x0;
	[sflag:s25] =	ssyncadd.s32 $0xFFFFE000  }
0x230: {  	v21 =	vld [tilespmem:s11+$0x4180]  }
0x231: {  	v20 =	vld [tilespmem:s11+$0x4190]  }
0x232: {  	v19 =	vld [tilespmem:s11+$0x41A0]  }
0x233: {  	v18 =	vld [tilespmem:s11+$0x41B0]  }
0x234: {  	v24 =	vld [tilespmem:s11+$0x2180]  }
0x235: {  	v23 =	vld [tilespmem:s11+$0x2190]  }
0x236: {  	s13 =	simm.s32 $0x100;
	v22 =	vld [tilespmem:s11+$0x21A0]  }
.LBB2_17:
0x237: {  	p1 =	sne.s32 s13, $0x7F00;
	v25 =	vld [tilespmem:s11+$0x21B0];
	_ =	sdelay $0x1  }
0x238: {  	s17 =	sshra.s32 s13, $0x2;
	v26 =	vmul.f32 $1.000000010e-01, v21;
	v24 =	vmul.f32 $8.999999760e-01, v24  }
0x239: {  	v27 =	vmul.f32 $1.000000010e-01, v20;
	v21 =	vld [tilespmem:s17+$0x4180];
	v23 =	vmul.f32 $8.999999760e-01, v23  }
0x23a: {  	v20 =	vld [tilespmem:s17+$0x4190];
	v24 =	vadd.f32 v26, v24;
	v22 =	vmul.f32 $8.999999760e-01, v22;
	v26 =	vmul.f32 $1.000000010e-01, v19  }
.Ltmp7:
0x23b: {  	v19 =	vld [tilespmem:s17+$0x41A0];
	v23 =	vadd.f32 v27, v23;
	v25 =	vmul.f32 $8.999999760e-01, v25;
	v27 =	vmul.f32 $1.000000010e-01, v18;
	(pc) =	sbr.rel @p1 .LBB2_17-.Ltmp7, $4  }
0x23c: {  	v18 =	vld [tilespmem:s17+$0x41B0];
	[tilespmem:s11+$0x2180] =	vst v24;
	v22 =	vadd.f32 v26, v22  }
0x23d: {  	v24 =	vld [tilespmem:s17+$0x2180];
	[tilespmem:s11+$0x2190] =	vst v23;
	v25 =	vadd.f32 v27, v25  }
0x23e: {  	v23 =	vld [tilespmem:s17+$0x2190];
	[tilespmem:s11+$0x21A0] =	vst v22  }
0x23f: {  	s13 =	sadd.s32 $0x100, s13;
	v22 =	vld [tilespmem:s17+$0x21A0];
	[tilespmem:s11+$0x21B0] =	vst v25;
	s11 =	smov.u32 s17  }
0x240: {  	v25 =	vld [tilespmem:s11+$0x21B0];
	_ =	sdelay $0x1  }
0x241: {  	v21 =	vmul.f32 $1.000000010e-01, v21;
	v24 =	vmul.f32 $8.999999760e-01, v24  }
0x242: {  	v20 =	vmul.f32 $1.000000010e-01, v20;
	v23 =	vmul.f32 $8.999999760e-01, v23  }
0x243: {  	v19 =	vmul.f32 $1.000000010e-01, v19;
	v21 =	vadd.f32 v21, v24;
	v22 =	vmul.f32 $8.999999760e-01, v22  }
0x244: {  	v18 =	vmul.f32 $1.000000010e-01, v18;
	v20 =	vadd.f32 v20, v23;
	v23 =	vmul.f32 $8.999999760e-01, v25  }
0x245: {  	[tilespmem:s11+$0x2180] =	vst v21;
	v19 =	vadd.f32 v19, v22  }
0x246: {  	[tilespmem:s11+$0x2190] =	vst v20;
	v18 =	vadd.f32 v18, v23  }
0x247: {  	[tilespmem:s11+$0x21A0] =	vst v19  }
0x248: {  	s18 =	simm.s32 $0x0;
	[tilespmem:s11+$0x21B0] =	vst v18  }
0x249: {  	[hbm4b:s24+s18] =	stream.linear.scatter [tilespmem:s1], [sflag:$0x2], $0x2000, $0x38;
	[tilespmem:$0x12190] =	vst v63  }
0x24a: {  	_ =	swait.ge [sflag:s25], $0x2000  }
0x24b: {  	[sflag:s25] =	ssyncset.done $0x0  }
0x24c: {  	[sflag:s25] =	ssyncadd.s32 $0xFFFFE000  }
0x24d: {  	[tilespmem:s1], [sflag:$0x2] =	stream.linear.gather [spmem:s15], $0x2000, $0x38;
	[tilespmem:$0x12190] =	vst v63  }
0x24e: {  	_ =	swait.ge [sflag:s25], $0x2000  }
0x24f: {  	[sflag:s25] =	ssyncset.done $0x0  }
0x250: {  	s13 =	rddreg [dreg:$0xc];
	[sflag:s25] =	ssyncadd.s32 $0xFFFFE000  }
0x251: {  	[tilespmem:s28], [sflag:$0x2] =	stream.linear.gather [hbm4b:s13+s18], $0x2000, $0x38;
	[tilespmem:$0x12190] =	vst v63  }
0x252: {  	_ =	swait.ge [sflag:s25], $0x2000  }
0x253: {  	[sflag:s25] =	ssyncset.done $0x0  }
0x254: {  	[sflag:s25] =	ssyncadd.s32 $0xFFFFE000  }
0x255: {  	[spmem:s15] =	stream.linear.scatter [tilespmem:s23], [sflag:$0x2], $0x2000, $0x38;
	[tilespmem:$0x12190] =	vst v63  }
0x256: {  	_ =	swait.ge [sflag:s25], $0x2000  }
0x257: {  	[sflag:s25] =	ssyncset.done $0x0  }
0x258: {  	s11 =	simm.s32 $0x0;
	[sflag:s25] =	ssyncadd.s32 $0xFFFFE000  }
0x259: {  	v21 =	vld [tilespmem:s11+$0x4180]  }
0x25a: {  	v20 =	vld [tilespmem:s11+$0x4190]  }
0x25b: {  	v19 =	vld [tilespmem:s11+$0x41A0]  }
0x25c: {  	v18 =	vld [tilespmem:s11+$0x41B0]  }
0x25d: {  	v24 =	vld [tilespmem:s11+$0x2180]  }
0x25e: {  	v23 =	vld [tilespmem:s11+$0x2190]  }
0x25f: {  	s13 =	simm.s32 $0x100;
	v22 =	vld [tilespmem:s11+$0x21A0]  }
.LBB2_19:
0x260: {  	p1 =	sne.s32 s13, $0x7F00;
	v25 =	vld [tilespmem:s11+$0x21B0];
	_ =	sdelay $0x1  }
0x261: {  	s17 =	sshra.s32 s13, $0x2;
	v26 =	vmul.f32 $1.000000010e-01, v21;
	v24 =	vmul.f32 $8.999999760e-01, v24  }
0x262: {  	v27 =	vmul.f32 $1.000000010e-01, v20;
	v21 =	vld [tilespmem:s17+$0x4180];
	v23 =	vmul.f32 $8.999999760e-01, v23  }
0x263: {  	v20 =	vld [tilespmem:s17+$0x4190];
	v24 =	vadd.f32 v26, v24;
	v22 =	vmul.f32 $8.999999760e-01, v22;
	v26 =	vmul.f32 $1.000000010e-01, v19  }
.Ltmp8:
0x264: {  	v19 =	vld [tilespmem:s17+$0x41A0];
	v23 =	vadd.f32 v27, v23;
	v25 =	vmul.f32 $8.999999760e-01, v25;
	v27 =	vmul.f32 $1.000000010e-01, v18;
	(pc) =	sbr.rel @p1 .LBB2_19-.Ltmp8, $4  }
0x265: {  	v18 =	vld [tilespmem:s17+$0x41B0];
	[tilespmem:s11+$0x2180] =	vst v24;
	v22 =	vadd.f32 v26, v22  }
0x266: {  	v24 =	vld [tilespmem:s17+$0x2180];
	[tilespmem:s11+$0x2190] =	vst v23;
	v25 =	vadd.f32 v27, v25  }
0x267: {  	v23 =	vld [tilespmem:s17+$0x2190];
	[tilespmem:s11+$0x21A0] =	vst v22  }
0x268: {  	s13 =	sadd.s32 $0x100, s13;
	v22 =	vld [tilespmem:s17+$0x21A0];
	[tilespmem:s11+$0x21B0] =	vst v25;
	s11 =	smov.u32 s17  }
0x269: {  	v25 =	vld [tilespmem:s11+$0x21B0];
	_ =	sdelay $0x1  }
0x26a: {  	v21 =	vmul.f32 $1.000000010e-01, v21;
	v24 =	vmul.f32 $8.999999760e-01, v24  }
0x26b: {  	v20 =	vmul.f32 $1.000000010e-01, v20;
	v23 =	vmul.f32 $8.999999760e-01, v23  }
0x26c: {  	v19 =	vmul.f32 $1.000000010e-01, v19;
	v21 =	vadd.f32 v21, v24;
	v22 =	vmul.f32 $8.999999760e-01, v22  }
0x26d: {  	v18 =	vmul.f32 $1.000000010e-01, v18;
	v20 =	vadd.f32 v20, v23;
	v23 =	vmul.f32 $8.999999760e-01, v25  }
0x26e: {  	[tilespmem:s11+$0x2180] =	vst v21;
	v19 =	vadd.f32 v19, v22  }
0x26f: {  	[tilespmem:s11+$0x2190] =	vst v20;
	v18 =	vadd.f32 v18, v23  }
0x270: {  	[tilespmem:s11+$0x21A0] =	vst v19  }
0x271: {  	s18 =	simm.s32 $0x0;
	[tilespmem:s11+$0x21B0] =	vst v18  }
0x272: {  	[hbm4b:s26+s18] =	stream.linear.scatter [tilespmem:s1], [sflag:$0x2], $0x2000, $0x38;
	[tilespmem:$0x12190] =	vst v63  }
0x273: {  	_ =	swait.ge [sflag:s25], $0x2000  }
0x274: {  	[sflag:s25] =	ssyncset.done $0x0  }
0x275: {  	[sflag:s25] =	ssyncadd.s32 $0xFFFFE000  }
0x276: {  	[tilespmem:s1], [sflag:$0x2] =	stream.linear.gather [spmem:s16], $0x2000, $0x38;
	[tilespmem:$0x12190] =	vst v63  }
0x277: {  	_ =	swait.ge [sflag:s25], $0x2000  }
0x278: {  	[sflag:s25] =	ssyncset.done $0x0  }
0x279: {  	[sflag:s25] =	ssyncadd.s32 $0xFFFFE000  }
0x27a: {  	[tilespmem:s28], [sflag:$0x2] =	stream.linear.gather [hbm4b:s19+s18], $0x2000, $0x38;
	[tilespmem:$0x12190] =	vst v63  }
0x27b: {  	_ =	swait.ge [sflag:s25], $0x2000  }
0x27c: {  	[sflag:s25] =	ssyncset.done $0x0  }
0x27d: {  	[sflag:s25] =	ssyncadd.s32 $0xFFFFE000  }
0x27e: {  	[spmem:s16] =	stream.linear.scatter [tilespmem:s23], [sflag:$0x2], $0x2000, $0x38;
	[tilespmem:$0x12190] =	vst v63  }
0x27f: {  	_ =	swait.ge [sflag:s25], $0x2000  }
0x280: {  	[sflag:s25] =	ssyncset.done $0x0  }
0x281: {  	s11 =	simm.s32 $0x0;
	[sflag:s25] =	ssyncadd.s32 $0xFFFFE000  }
0x282: {  	v21 =	vld [tilespmem:s11+$0x4180]  }
0x283: {  	v20 =	vld [tilespmem:s11+$0x4190]  }
0x284: {  	v19 =	vld [tilespmem:s11+$0x41A0]  }
0x285: {  	v18 =	vld [tilespmem:s11+$0x41B0]  }
0x286: {  	v24 =	vld [tilespmem:s11+$0x2180]  }
0x287: {  	v23 =	vld [tilespmem:s11+$0x2190]  }
0x288: {  	s13 =	simm.s32 $0x100;
	v22 =	vld [tilespmem:s11+$0x21A0]  }
.LBB2_21:
0x289: {  	p1 =	sne.s32 s13, $0x7F00;
	v25 =	vld [tilespmem:s11+$0x21B0];
	_ =	sdelay $0x1  }
0x28a: {  	s17 =	sshra.s32 s13, $0x2;
	v26 =	vmul.f32 $1.000000010e-01, v21;
	v24 =	vmul.f32 $8.999999760e-01, v24  }
0x28b: {  	v27 =	vmul.f32 $1.000000010e-01, v20;
	v21 =	vld [tilespmem:s17+$0x4180];
	v23 =	vmul.f32 $8.999999760e-01, v23  }
0x28c: {  	v20 =	vld [tilespmem:s17+$0x4190];
	v24 =	vadd.f32 v26, v24;
	v22 =	vmul.f32 $8.999999760e-01, v22;
	v26 =	vmul.f32 $1.000000010e-01, v19  }
.Ltmp9:
0x28d: {  	v19 =	vld [tilespmem:s17+$0x41A0];
	v23 =	vadd.f32 v27, v23;
	v25 =	vmul.f32 $8.999999760e-01, v25;
	v27 =	vmul.f32 $1.000000010e-01, v18;
	(pc) =	sbr.rel @p1 .LBB2_21-.Ltmp9, $4  }
0x28e: {  	v18 =	vld [tilespmem:s17+$0x41B0];
	[tilespmem:s11+$0x2180] =	vst v24;
	v22 =	vadd.f32 v26, v22  }
0x28f: {  	v24 =	vld [tilespmem:s17+$0x2180];
	[tilespmem:s11+$0x2190] =	vst v23;
	v25 =	vadd.f32 v27, v25  }
0x290: {  	v23 =	vld [tilespmem:s17+$0x2190];
	[tilespmem:s11+$0x21A0] =	vst v22  }
0x291: {  	s13 =	sadd.s32 $0x100, s13;
	v22 =	vld [tilespmem:s17+$0x21A0];
	[tilespmem:s11+$0x21B0] =	vst v25;
	s11 =	smov.u32 s17  }
0x292: {  	v25 =	vld [tilespmem:s11+$0x21B0];
	_ =	sdelay $0x1  }
0x293: {  	v21 =	vmul.f32 $1.000000010e-01, v21;
	v24 =	vmul.f32 $8.999999760e-01, v24  }
0x294: {  	v20 =	vmul.f32 $1.000000010e-01, v20;
	v23 =	vmul.f32 $8.999999760e-01, v23  }
0x295: {  	v19 =	vmul.f32 $1.000000010e-01, v19;
	v21 =	vadd.f32 v21, v24;
	v22 =	vmul.f32 $8.999999760e-01, v22  }
0x296: {  	v18 =	vmul.f32 $1.000000010e-01, v18;
	v20 =	vadd.f32 v20, v23;
	v63 =	vmul.f32 $8.999999760e-01, v25  }
0x297: {  	[tilespmem:s11+$0x2180] =	vst v21;
	v19 =	vadd.f32 v19, v22  }
0x298: {  	[tilespmem:s11+$0x2190] =	vst v20;
	v18 =	vadd.f32 v18, v63  }
0x299: {  	s5 =	sadd.s32 $0x1, s5;
	[tilespmem:s11+$0x21A0] =	vst v19  }
0x29a: {  	s18 =	simm.s32 $0x0;
	p1 =	sne.s32 s5, $0x5;
	[tilespmem:s11+$0x21B0] =	vst v18  }
0x29b: {  	[hbm4b:s30+s18] =	stream.linear.scatter [tilespmem:s1], [sflag:$0x2], $0x2000, $0x38;
	[tilespmem:$0x12190] =	vst v63  }
.Ltmp10:
0x29c: {  	_ =	swait.ge [sflag:s25], $0x2000;
	(pc) =	sbr.rel @p1 .LBB2_4-.Ltmp10, $3  }
0x29d: {  	[sflag:s25] =	ssyncset.done $0x0  }
0x29e: {  	[sflag:s25] =	ssyncadd.s32 $0xFFFFE000  }
0x29f: {  	[bflag:$0x0] =	sbarrier.arrive $0xFFFF;
	_ =	sdelay $0x1  }
0x2a0: {  	v17 =	vadd.f32 v17, v17;
	_ =	sdelay $0x1  }
0x2a1: {  	v17 =	vmul.f32 $1.442695020e+00, v17;
	_ =	sdelay $0x1  }
0x2a2: {  	(erf) = vpow2.f32 v17;
	_ =	sdelay $0x8  }
0x2a3: {  	v17 =	vpop (erf)  }
0x2a4: {  	v17 =	vadd.f32 $1.000000000e+00, v17;
	_ =	sdelay $0x1  }
0x2a5: {  	(erf) = vrcp.f32 v17;
	_ =	sdelay $0x7  }
0x2a6: {  	s5 =	simm.s32 $0x0  }
0x2a7: {  	[tilespmem:s1], [sflag:$0x2] =	stream.linear.gather [hbm4b:s20+s5], $0x2000, $0x38;
	v17 =	vpop (erf);
	[tilespmem:$0x12190] =	vst v63  }
0x2a8: {  	_ =	swait.ge [sflag:s25], $0x2000  }
0x2a9: {  	[sflag:s25] =	ssyncset.done $0x0  }
0x2aa: {  	s11 =	rddreg [dreg:$0x9];
	[sflag:s25] =	ssyncadd.s32 $0xFFFFE000  }
0x2ab: {  	[tilespmem:s28], [sflag:$0x2] =	stream.linear.gather [hbm4b:s11+s5], $0x2000, $0x38;
	[tilespmem:$0x12190] =	vst v63  }
0x2ac: {  	_ =	swait.ge [sflag:s25], $0x2000  }
0x2ad: {  	[sflag:s25] =	ssyncset.done $0x0  }
0x2ae: {  	s5 =	simm.s32 $0x0;
	[sflag:s25] =	ssyncadd.s32 $0xFFFFE000  }
0x2af: {  	v19 =	vld [tilespmem:s5+$0x4180]  }
0x2b0: {  	v18 =	vld [tilespmem:s5+$0x4190]  }
0x2b1: {  	v17 =	vadd.f32 v17, v17;
	v21 =	vld [tilespmem:s5+$0x2180]  }
0x2b2: {  	v22 =	vld [tilespmem:s5+$0x2190]  }
0x2b3: {  	v17 =	vsub.f32 $1.000000000e+00, v17;
	s11 =	simm.s32 $0x100;
	v20 =	vld [tilespmem:s5+$0x21A0]  }
.LBB2_24:
0x2b4: {  	p1 =	sne.s32 s11, $0x7F00;
	v23 =	vld [tilespmem:s5+$0x21B0]  }
0x2b5: {  	v24 =	vld [tilespmem:s5+$0x41A0]  }
0x2b6: {  	v21 =	vmul.f32 v21, v17;
	v25 =	vld [tilespmem:s5+$0x41B0]  }
0x2b7: {  	v22 =	vmul.f32 v22, v17  }
0x2b8: {  	s13 =	sshra.s32 s11, $0x2;
	v21 =	vadd.f32 v21, v19;
	v20 =	vmul.f32 v20, v17  }
.Ltmp11:
0x2b9: {  	v19 =	vld [tilespmem:s13+$0x4180];
	v22 =	vadd.f32 v22, v18;
	v23 =	vmul.f32 v23, v17;
	(pc) =	sbr.rel @p1 .LBB2_24-.Ltmp11, $4  }
0x2ba: {  	v18 =	vld [tilespmem:s13+$0x4190];
	[tilespmem:s5+$0x2180] =	vst v21;
	v20 =	vadd.f32 v20, v24  }
0x2bb: {  	v21 =	vld [tilespmem:s13+$0x2180];
	[tilespmem:s5+$0x2190] =	vst v22;
	v23 =	vadd.f32 v23, v25  }
0x2bc: {  	v22 =	vld [tilespmem:s13+$0x2190];
	[tilespmem:s5+$0x21A0] =	vst v20  }
0x2bd: {  	s11 =	sadd.s32 $0x100, s11;
	v20 =	vld [tilespmem:s13+$0x21A0];
	[tilespmem:s5+$0x21B0] =	vst v23;
	s5 =	smov.u32 s13  }
0x2be: {  	v23 =	vld [tilespmem:s5+$0x21B0]  }
0x2bf: {  	v24 =	vld [tilespmem:s5+$0x41A0]  }
0x2c0: {  	v25 =	vld [tilespmem:s5+$0x41B0];
	v21 =	vmul.f32 v21, v17  }
0x2c1: {  	v22 =	vmul.f32 v22, v17  }
0x2c2: {  	v19 =	vadd.f32 v21, v19;
	v20 =	vmul.f32 v20, v17  }
0x2c3: {  	v18 =	vadd.f32 v22, v18;
	v21 =	vmul.f32 v23, v17  }
0x2c4: {  	[tilespmem:s5+$0x2180] =	vst v19;
	v19 =	vadd.f32 v20, v24  }
0x2c5: {  	[tilespmem:s5+$0x2190] =	vst v18;
	v18 =	vadd.f32 v21, v25  }
0x2c6: {  	[tilespmem:s5+$0x21A0] =	vst v19  }
0x2c7: {  	s17 =	simm.s32 $0x0;
	s11 =	rddreg [dreg:$0xd];
	[tilespmem:s5+$0x21B0] =	vst v18  }
0x2c8: {  	[hbm4b:s11+s17] =	stream.linear.scatter [tilespmem:s1], [sflag:$0x2], $0x2000, $0x38;
	[tilespmem:$0x12190] =	vst v63  }
0x2c9: {  	_ =	swait.ge [sflag:s25], $0x2000  }
0x2ca: {  	[sflag:s25] =	ssyncset.done $0x0  }
0x2cb: {  	[sflag:s25] =	ssyncadd.s32 $0xFFFFE000  }
0x2cc: {  	[tilespmem:s1], [sflag:$0x2] =	stream.linear.gather [hbm4b:s22+s17], $0x2000, $0x38;
	[tilespmem:$0x12190] =	vst v63  }
0x2cd: {  	_ =	swait.ge [sflag:s25], $0x2000  }
0x2ce: {  	[sflag:s25] =	ssyncset.done $0x0  }
0x2cf: {  	s18 =	rddreg [dreg:$0xa];
	[sflag:s25] =	ssyncadd.s32 $0xFFFFE000  }
0x2d0: {  	[tilespmem:s28], [sflag:$0x2] =	stream.linear.gather [hbm4b:s18+s17], $0x2000, $0x38;
	[tilespmem:$0x12190] =	vst v63  }
0x2d1: {  	_ =	swait.ge [sflag:s25], $0x2000  }
0x2d2: {  	[sflag:s25] =	ssyncset.done $0x0  }
0x2d3: {  	s5 =	simm.s32 $0x0;
	[sflag:s25] =	ssyncadd.s32 $0xFFFFE000  }
0x2d4: {  	v19 =	vld [tilespmem:s5+$0x4180]  }
0x2d5: {  	v18 =	vld [tilespmem:s5+$0x4190]  }
0x2d6: {  	v21 =	vld [tilespmem:s5+$0x2180]  }
0x2d7: {  	v22 =	vld [tilespmem:s5+$0x2190]  }
0x2d8: {  	s11 =	simm.s32 $0x100;
	v20 =	vld [tilespmem:s5+$0x21A0]  }
.LBB2_26:
0x2d9: {  	p1 =	sne.s32 s11, $0x7F00;
	v23 =	vld [tilespmem:s5+$0x21B0]  }
0x2da: {  	v24 =	vld [tilespmem:s5+$0x41A0]  }
0x2db: {  	v21 =	vmul.f32 v21, v17;
	v25 =	vld [tilespmem:s5+$0x41B0]  }
0x2dc: {  	v22 =	vmul.f32 v22, v17  }
0x2dd: {  	s13 =	sshra.s32 s11, $0x2;
	v21 =	vadd.f32 v21, v19;
	v20 =	vmul.f32 v20, v17  }
.Ltmp12:
0x2de: {  	v19 =	vld [tilespmem:s13+$0x4180];
	v22 =	vadd.f32 v22, v18;
	v23 =	vmul.f32 v23, v17;
	(pc) =	sbr.rel @p1 .LBB2_26-.Ltmp12, $4  }
0x2df: {  	v18 =	vld [tilespmem:s13+$0x4190];
	[tilespmem:s5+$0x2180] =	vst v21;
	v20 =	vadd.f32 v20, v24  }
0x2e0: {  	v21 =	vld [tilespmem:s13+$0x2180];
	[tilespmem:s5+$0x2190] =	vst v22;
	v23 =	vadd.f32 v23, v25  }
0x2e1: {  	v22 =	vld [tilespmem:s13+$0x2190];
	[tilespmem:s5+$0x21A0] =	vst v20  }
0x2e2: {  	s11 =	sadd.s32 $0x100, s11;
	v20 =	vld [tilespmem:s13+$0x21A0];
	[tilespmem:s5+$0x21B0] =	vst v23;
	s5 =	smov.u32 s13  }
0x2e3: {  	v23 =	vld [tilespmem:s5+$0x21B0]  }
0x2e4: {  	v24 =	vld [tilespmem:s5+$0x41A0]  }
0x2e5: {  	v25 =	vld [tilespmem:s5+$0x41B0];
	v21 =	vmul.f32 v21, v17  }
0x2e6: {  	v22 =	vmul.f32 v22, v17  }
0x2e7: {  	v19 =	vadd.f32 v21, v19;
	v20 =	vmul.f32 v20, v17  }
0x2e8: {  	v18 =	vadd.f32 v22, v18;
	v21 =	vmul.f32 v23, v17  }
0x2e9: {  	[tilespmem:s5+$0x2180] =	vst v19;
	v19 =	vadd.f32 v20, v24  }
0x2ea: {  	[tilespmem:s5+$0x2190] =	vst v18;
	v18 =	vadd.f32 v21, v25  }
0x2eb: {  	[tilespmem:s5+$0x21A0] =	vst v19  }
0x2ec: {  	s17 =	simm.s32 $0x0;
	s11 =	rddreg [dreg:$0xe];
	[tilespmem:s5+$0x21B0] =	vst v18  }
0x2ed: {  	[hbm4b:s11+s17] =	stream.linear.scatter [tilespmem:s1], [sflag:$0x2], $0x2000, $0x38;
	[tilespmem:$0x12190] =	vst v63  }
0x2ee: {  	_ =	swait.ge [sflag:s25], $0x2000  }
0x2ef: {  	[sflag:s25] =	ssyncset.done $0x0  }
0x2f0: {  	[sflag:s25] =	ssyncadd.s32 $0xFFFFE000  }
0x2f1: {  	[tilespmem:s1], [sflag:$0x2] =	stream.linear.gather [hbm4b:s24+s17], $0x2000, $0x38;
	[tilespmem:$0x12190] =	vst v63  }
0x2f2: {  	_ =	swait.ge [sflag:s25], $0x2000  }
0x2f3: {  	[sflag:s25] =	ssyncset.done $0x0  }
0x2f4: {  	s18 =	rddreg [dreg:$0xb];
	[sflag:s25] =	ssyncadd.s32 $0xFFFFE000  }
0x2f5: {  	[tilespmem:s28], [sflag:$0x2] =	stream.linear.gather [hbm4b:s18+s17], $0x2000, $0x38;
	[tilespmem:$0x12190] =	vst v63  }
0x2f6: {  	_ =	swait.ge [sflag:s25], $0x2000  }
0x2f7: {  	[sflag:s25] =	ssyncset.done $0x0  }
0x2f8: {  	s5 =	simm.s32 $0x0;
	[sflag:s25] =	ssyncadd.s32 $0xFFFFE000  }
0x2f9: {  	v19 =	vld [tilespmem:s5+$0x4180]  }
0x2fa: {  	v18 =	vld [tilespmem:s5+$0x4190]  }
0x2fb: {  	v21 =	vld [tilespmem:s5+$0x2180]  }
0x2fc: {  	v22 =	vld [tilespmem:s5+$0x2190]  }
0x2fd: {  	s11 =	simm.s32 $0x100;
	v20 =	vld [tilespmem:s5+$0x21A0]  }
.LBB2_28:
0x2fe: {  	p1 =	sne.s32 s11, $0x7F00;
	v23 =	vld [tilespmem:s5+$0x21B0]  }
0x2ff: {  	v24 =	vld [tilespmem:s5+$0x41A0]  }
0x300: {  	v21 =	vmul.f32 v21, v17;
	v25 =	vld [tilespmem:s5+$0x41B0]  }
0x301: {  	v22 =	vmul.f32 v22, v17  }
0x302: {  	s13 =	sshra.s32 s11, $0x2;
	v21 =	vadd.f32 v21, v19;
	v20 =	vmul.f32 v20, v17  }
.Ltmp13:
0x303: {  	v19 =	vld [tilespmem:s13+$0x4180];
	v22 =	vadd.f32 v22, v18;
	v23 =	vmul.f32 v23, v17;
	(pc) =	sbr.rel @p1 .LBB2_28-.Ltmp13, $4  }
0x304: {  	v18 =	vld [tilespmem:s13+$0x4190];
	[tilespmem:s5+$0x2180] =	vst v21;
	v20 =	vadd.f32 v20, v24  }
0x305: {  	v21 =	vld [tilespmem:s13+$0x2180];
	[tilespmem:s5+$0x2190] =	vst v22;
	v23 =	vadd.f32 v23, v25  }
0x306: {  	v22 =	vld [tilespmem:s13+$0x2190];
	[tilespmem:s5+$0x21A0] =	vst v20  }
0x307: {  	s11 =	sadd.s32 $0x100, s11;
	v20 =	vld [tilespmem:s13+$0x21A0];
	[tilespmem:s5+$0x21B0] =	vst v23;
	s5 =	smov.u32 s13  }
0x308: {  	v23 =	vld [tilespmem:s5+$0x21B0]  }
0x309: {  	v24 =	vld [tilespmem:s5+$0x41A0]  }
0x30a: {  	v25 =	vld [tilespmem:s5+$0x41B0];
	v21 =	vmul.f32 v21, v17  }
0x30b: {  	v22 =	vmul.f32 v22, v17  }
0x30c: {  	v19 =	vadd.f32 v21, v19;
	v20 =	vmul.f32 v20, v17  }
0x30d: {  	v18 =	vadd.f32 v22, v18;
	v21 =	vmul.f32 v23, v17  }
0x30e: {  	[tilespmem:s5+$0x2180] =	vst v19;
	v19 =	vadd.f32 v20, v24  }
0x30f: {  	[tilespmem:s5+$0x2190] =	vst v18;
	v18 =	vadd.f32 v21, v25  }
0x310: {  	[tilespmem:s5+$0x21A0] =	vst v19  }
0x311: {  	s17 =	simm.s32 $0x0;
	s11 =	rddreg [dreg:$0xf];
	[tilespmem:s5+$0x21B0] =	vst v18  }
0x312: {  	[hbm4b:s11+s17] =	stream.linear.scatter [tilespmem:s1], [sflag:$0x2], $0x2000, $0x38;
	[tilespmem:$0x12190] =	vst v63  }
0x313: {  	_ =	swait.ge [sflag:s25], $0x2000  }
0x314: {  	[sflag:s25] =	ssyncset.done $0x0  }
0x315: {  	[sflag:s25] =	ssyncadd.s32 $0xFFFFE000  }
0x316: {  	[tilespmem:s1], [sflag:$0x2] =	stream.linear.gather [hbm4b:s26+s17], $0x2000, $0x38;
	[tilespmem:$0x12190] =	vst v63  }
0x317: {  	_ =	swait.ge [sflag:s25], $0x2000  }
0x318: {  	[sflag:s25] =	ssyncset.done $0x0  }
0x319: {  	s18 =	rddreg [dreg:$0xc];
	[sflag:s25] =	ssyncadd.s32 $0xFFFFE000  }
0x31a: {  	[tilespmem:s28], [sflag:$0x2] =	stream.linear.gather [hbm4b:s18+s17], $0x2000, $0x38;
	[tilespmem:$0x12190] =	vst v63  }
0x31b: {  	_ =	swait.ge [sflag:s25], $0x2000  }
0x31c: {  	[sflag:s25] =	ssyncset.done $0x0  }
0x31d: {  	s5 =	simm.s32 $0x0;
	[sflag:s25] =	ssyncadd.s32 $0xFFFFE000  }
0x31e: {  	v19 =	vld [tilespmem:s5+$0x4180]  }
0x31f: {  	v18 =	vld [tilespmem:s5+$0x4190]  }
0x320: {  	v21 =	vld [tilespmem:s5+$0x2180]  }
0x321: {  	v22 =	vld [tilespmem:s5+$0x2190]  }
0x322: {  	s11 =	simm.s32 $0x100;
	v20 =	vld [tilespmem:s5+$0x21A0]  }
.LBB2_30:
0x323: {  	p1 =	sne.s32 s11, $0x7F00;
	v23 =	vld [tilespmem:s5+$0x21B0]  }
0x324: {  	v24 =	vld [tilespmem:s5+$0x41A0]  }
0x325: {  	v21 =	vmul.f32 v21, v17;
	v25 =	vld [tilespmem:s5+$0x41B0]  }
0x326: {  	v22 =	vmul.f32 v22, v17  }
0x327: {  	s13 =	sshra.s32 s11, $0x2;
	v21 =	vadd.f32 v21, v19;
	v20 =	vmul.f32 v20, v17  }
.Ltmp14:
0x328: {  	v19 =	vld [tilespmem:s13+$0x4180];
	v22 =	vadd.f32 v22, v18;
	v23 =	vmul.f32 v23, v17;
	(pc) =	sbr.rel @p1 .LBB2_30-.Ltmp14, $4  }
0x329: {  	v18 =	vld [tilespmem:s13+$0x4190];
	[tilespmem:s5+$0x2180] =	vst v21;
	v20 =	vadd.f32 v20, v24  }
0x32a: {  	v21 =	vld [tilespmem:s13+$0x2180];
	[tilespmem:s5+$0x2190] =	vst v22;
	v23 =	vadd.f32 v23, v25  }
0x32b: {  	v22 =	vld [tilespmem:s13+$0x2190];
	[tilespmem:s5+$0x21A0] =	vst v20  }
0x32c: {  	s11 =	sadd.s32 $0x100, s11;
	v20 =	vld [tilespmem:s13+$0x21A0];
	[tilespmem:s5+$0x21B0] =	vst v23;
	s5 =	smov.u32 s13  }
0x32d: {  	v23 =	vld [tilespmem:s5+$0x21B0]  }
0x32e: {  	v24 =	vld [tilespmem:s5+$0x41A0]  }
0x32f: {  	v25 =	vld [tilespmem:s5+$0x41B0];
	v21 =	vmul.f32 v21, v17  }
0x330: {  	v22 =	vmul.f32 v22, v17  }
0x331: {  	v19 =	vadd.f32 v21, v19;
	v20 =	vmul.f32 v20, v17  }
0x332: {  	v18 =	vadd.f32 v22, v18;
	v21 =	vmul.f32 v23, v17  }
0x333: {  	[tilespmem:s5+$0x2180] =	vst v19;
	v19 =	vadd.f32 v20, v24  }
0x334: {  	[tilespmem:s5+$0x2190] =	vst v18;
	v18 =	vadd.f32 v21, v25  }
0x335: {  	[tilespmem:s5+$0x21A0] =	vst v19  }
0x336: {  	s18 =	simm.s32 $0x0;
	s11 =	rddreg [dreg:$0x10];
	[tilespmem:s5+$0x21B0] =	vst v18  }
0x337: {  	[hbm4b:s11+s18] =	stream.linear.scatter [tilespmem:s1], [sflag:$0x2], $0x2000, $0x38;
	[tilespmem:$0x12190] =	vst v63  }
0x338: {  	_ =	swait.ge [sflag:s25], $0x2000  }
0x339: {  	[sflag:s25] =	ssyncset.done $0x0  }
0x33a: {  	[sflag:s25] =	ssyncadd.s32 $0xFFFFE000  }
0x33b: {  	[tilespmem:s1], [sflag:$0x2] =	stream.linear.gather [hbm4b:s30+s18], $0x2000, $0x38;
	[tilespmem:$0x12190] =	vst v63  }
0x33c: {  	_ =	swait.ge [sflag:s25], $0x2000  }
0x33d: {  	[sflag:s25] =	ssyncset.done $0x0  }
0x33e: {  	[sflag:s25] =	ssyncadd.s32 $0xFFFFE000  }
0x33f: {  	[tilespmem:s28], [sflag:$0x2] =	stream.linear.gather [hbm4b:s19+s18], $0x2000, $0x38;
	[tilespmem:$0x12190] =	vst v63  }
0x340: {  	_ =	swait.ge [sflag:s25], $0x2000  }
0x341: {  	[sflag:s25] =	ssyncset.done $0x0  }
0x342: {  	s5 =	simm.s32 $0x0;
	[sflag:s25] =	ssyncadd.s32 $0xFFFFE000  }
0x343: {  	v19 =	vld [tilespmem:s5+$0x4180]  }
0x344: {  	v18 =	vld [tilespmem:s5+$0x4190]  }
0x345: {  	v21 =	vld [tilespmem:s5+$0x2180]  }
0x346: {  	v22 =	vld [tilespmem:s5+$0x2190]  }
0x347: {  	s11 =	simm.s32 $0x100;
	v20 =	vld [tilespmem:s5+$0x21A0]  }
.LBB2_32:
0x348: {  	p1 =	sne.s32 s11, $0x7F00;
	v23 =	vld [tilespmem:s5+$0x21B0]  }
0x349: {  	v24 =	vld [tilespmem:s5+$0x41A0]  }
0x34a: {  	v21 =	vmul.f32 v21, v17;
	v25 =	vld [tilespmem:s5+$0x41B0]  }
0x34b: {  	v22 =	vmul.f32 v22, v17  }
0x34c: {  	s13 =	sshra.s32 s11, $0x2;
	v21 =	vadd.f32 v21, v19;
	v20 =	vmul.f32 v20, v17  }
.Ltmp15:
0x34d: {  	v19 =	vld [tilespmem:s13+$0x4180];
	v22 =	vadd.f32 v22, v18;
	v23 =	vmul.f32 v23, v17;
	(pc) =	sbr.rel @p1 .LBB2_32-.Ltmp15, $4  }
0x34e: {  	v18 =	vld [tilespmem:s13+$0x4190];
	[tilespmem:s5+$0x2180] =	vst v21;
	v20 =	vadd.f32 v20, v24  }
0x34f: {  	v21 =	vld [tilespmem:s13+$0x2180];
	[tilespmem:s5+$0x2190] =	vst v22;
	v23 =	vadd.f32 v23, v25  }
0x350: {  	v22 =	vld [tilespmem:s13+$0x2190];
	[tilespmem:s5+$0x21A0] =	vst v20  }
0x351: {  	s11 =	sadd.s32 $0x100, s11;
	v20 =	vld [tilespmem:s13+$0x21A0];
	[tilespmem:s5+$0x21B0] =	vst v23;
	s5 =	smov.u32 s13  }
0x352: {  	v23 =	vld [tilespmem:s5+$0x21B0]  }
0x353: {  	v24 =	vld [tilespmem:s5+$0x41A0]  }
0x354: {  	v25 =	vld [tilespmem:s5+$0x41B0];
	v21 =	vmul.f32 v21, v17  }
0x355: {  	v22 =	vmul.f32 v22, v17  }
0x356: {  	v19 =	vadd.f32 v21, v19;
	v20 =	vmul.f32 v20, v17  }
0x357: {  	v18 =	vadd.f32 v22, v18;
	v17 =	vmul.f32 v23, v17  }
0x358: {  	[tilespmem:s5+$0x2180] =	vst v19;
	v19 =	vadd.f32 v20, v24  }
0x359: {  	[tilespmem:s5+$0x2190] =	vst v18;
	v17 =	vadd.f32 v17, v25  }
0x35a: {  	[tilespmem:s5+$0x21A0] =	vst v19  }
0x35b: {  	s13 =	simm.s32 $0x0;
	s11 =	rddreg [dreg:$0x11];
	[tilespmem:s5+$0x21B0] =	vst v17  }
0x35c: {  	[hbm4b:s11+s13] =	stream.linear.scatter [tilespmem:s1], [sflag:$0x2], $0x2000, $0x38;
	[tilespmem:$0x12190] =	vst v63  }
0x35d: {  	_ =	swait.ge [sflag:s25], $0x2000  }
0x35e: {  	s17 =	rddreg [dreg:$0x16]  }
0x35f: {  	s18 =	rddreg [dreg:$0x15];
	s11 =	sadd.s32 $0x1, s17  }
0x360: {  	p1 =	sne.s32 s11, s18  }
.Ltmp16:
0x361: {  	_ = 	snop;
	(pc) =	sbr.rel @p1 .LBB2_1-.Ltmp16, $3  }
0x362: {  	_ =	sdelay $0x1  }
0x363: {  	[sflag:s25] =	ssyncset.done $0x0  }
0x364: {  	[sflag:s25] =	ssyncadd.s32 $0xFFFFE000  }
0x365: {  	_ =	sfence.sel $0x180000  }
0x366: {  	[bflag:$0x0] =	sbarrier.arrive $0xFFFF  }
0x367: {  	_ =	strace $0x90000047  }
0x368: {  	s0 =	stileid.u32;
	[bflag:$0x2] =	sbarrier.arrive $0xFFFF  }
0x369: {  	p0 =	sne.s32 s0, $0x0;
	s0 =	rddreg [dreg:$0x8]  }
0x36a: {  	s0 =	sadd.s32 @!p0 $0x100000, s0  }
0x36b: {  	[sflag:s0] =	ssyncadd.tile.s32 @!p0 $0x1;
	_ =	shalt  }
.Lfunc_end2:
_tile_overlayer_lowered:
.L_overlay_start_2:
0x36c: {  	(tag) =	ssettag $0x2  }
0x36d: {  	s0 =	rddreg [dreg:$0x0];
	s2 =	stileid.u32  }
0x36e: {  	s1 =	rddreg [dreg:$0x1];
	p0 =	sne.s32 s2, $0x0  }
0x36f: {  	s3 =	rddreg [dreg:$0x2];
	[bflag:$0x3] =	sbarrier.arrive $0xFFFF;
	s2 =	simm.s32 @!p0 $0x1C02  }
0x370: {  	[timem:s3], [sflag:s2] =	dma.local @!p0 [hbm:s0], s1  }
0x371: {  	s0 =	simm.s32 @!p0 $0x2  }
0x372: {  	_ =	swait.ge @!p0 [sflag:s0], s1  }
0x373: {  	s1 =	ssub.s32 @!p0 $0x0, s1;
	[sflag:s0] =	ssyncset.done @!p0 $0x0  }
0x374: {  	[sflag:s0] =	ssyncadd.s32 @!p0 s1  }
0x375: {  	[bflag:$0x3] =	sbarrier.arrive $0xFFFF  }
0x376: {  	_ =	shalt  }

</sc_bundles>
